<compile_context>
chip_gen: v7x
topology: tpu7x:2x2x1
jax: 0.10.2.dev20260603
libtpu: 0.0.44.dev20260713+nightly
codegen_flags: <defaults>
</compile_context>

<pallas_src>
import functools

import jax
import jax.numpy as jnp
from jax import lax
from jax.experimental import pallas as pl
from jax.experimental.pallas import tpu as pltpu
from jax.experimental.pallas import tpu_sc as plsc

NC = 2
NS = 16
NW = NC * NS
L = 16
IDX_BLK = 128


def _sc_embed(table, responses, times, w, pos, *, B, S, D, CH):
  R = B * S
  rpw = R // NW
  nch = rpw // CH
  G = CH // IDX_BLK
  assert G % 8 == 0 and nch * CH == rpw
  npair = (nch + 1) // 2
  mesh = plsc.VectorSubcoreMesh(core_axis_name="c", subcore_axis_name="s",
                                num_cores=NC, num_subcores=NS)

  @functools.partial(
      pl.kernel,
      out_type=jax.ShapeDtypeStruct((R, D), jnp.float32),
      mesh=mesh,
      compiler_params=pltpu.CompilerParams(use_tc_tiling_on_sc=False),
      scratch_types=[
          pltpu.VMEM((G, IDX_BLK), jnp.int32),
          pltpu.VMEM((G, IDX_BLK), jnp.int32),
          pltpu.VMEM((CH,), jnp.float32),
          pltpu.VMEM((CH,), jnp.float32),
          pltpu.VMEM((CH, D), jnp.float32),
          pltpu.VMEM((CH, D), jnp.float32),
          pltpu.VMEM((S, D), jnp.float32),
          pltpu.VMEM((D,), jnp.float32),
          pltpu.SemaphoreType.DMA,
          pltpu.SemaphoreType.DMA,
          pltpu.SemaphoreType.DMA,
      ],
  )
  def k(table_hbm, idx_hbm, tflat_hbm, w_hbm, pos_hbm, oflat_hbm,
        idx0, idx1, t0, t1, buf0, buf1, pos_v, w_v,
        gsem0, gsem1, wsem0):
    wid = lax.axis_index("s") * NC + lax.axis_index("c")
    base = wid * rpw
    pltpu.sync_copy(pos_hbm, pos_v)
    pltpu.sync_copy(w_hbm, w_v)
    w0 = w_v[pl.ds(0, L)]
    w1 = w_v[pl.ds(L, L)]

    def stage_fire(row0, idx_v, times_v, buf, gsem):
      blk0 = pl.multiple_of(row0 // IDX_BLK, 8)
      pltpu.sync_copy(idx_hbm.at[pl.ds(blk0, G)], idx_v)
      pltpu.sync_copy(tflat_hbm.at[pl.ds(row0, CH)], times_v)
      return [
          pltpu.async_copy(table_hbm.at[idx_v.at[j]],
                           buf.at[pl.ds(j * IDX_BLK, IDX_BLK)], gsem)
          for j in range(G)
      ]

    def compute(row0, buf, times_v):
      def grp(g, _):
        r0 = g * L
        t16 = times_v[pl.ds(r0, L)]
        for i in range(L):
          r = r0 + i
          t = t16[i]
          s = lax.rem(row0 + r, S)
          buf[r, pl.ds(0, L)] = (buf[r, pl.ds(0, L)] + t * w0
                                 + pos_v[s, pl.ds(0, L)])
          buf[r, pl.ds(L, L)] = (buf[r, pl.ds(L, L)] + t * w1
                                 + pos_v[s, pl.ds(L, L)])
        return 0

      lax.fori_loop(0, CH // L, grp, 0)

    def pair(cj, _):
      row_a = base + lax.min(2 * cj, nch - 2) * CH
      row_b = row_a + CH
      da = stage_fire(row_a, idx0, t0, buf0, gsem0)
      db = stage_fire(row_b, idx1, t1, buf1, gsem1)
      for d in da:
        d.wait()
      compute(row_a, buf0, t0)
      wa = pltpu.async_copy(buf0, oflat_hbm.at[pl.ds(row_a, CH)], wsem0)
      for d in db:
        d.wait()
      compute(row_b, buf1, t1)
      wa.wait()
      pltpu.sync_copy(buf1, oflat_hbm.at[pl.ds(row_b, CH)])
      return 0

    lax.fori_loop(0, npair, pair, 0)


  out = k(table, responses.reshape(R // IDX_BLK, IDX_BLK),
          times.reshape(R), w.reshape(D), pos)
  return out.reshape(B, S, D)


def kernel(responses, solving_times, emb_response, W_time, emb_pos):
  B, S = responses.shape
  V, D = emb_response.shape
  return _sc_embed(emb_response, responses.astype(jnp.int32), solving_times,
                   W_time, emb_pos, B=B, S=S, D=D, CH=1024)

# --- scband reference (transcript-rebuilt; emitter-appended) ---
"""Pipeline reference for scband-decoder-embedding-86998857547896 (READ-ONLY COPY).

The authoritative reference and input builder live on the scoring server;
editing this copy changes nothing except your own understanding.
"""

import jax, jax.numpy as jnp
import numpy as np

N_RESPONSES = 1000000
N_DIMS = 32
SEQ_LEN = 200
BATCH = 4096


def setup_inputs(seed: int = 0) -> dict:
    key = jax.random.key(seed)
    k1, k2, k3, k4, k5 = jax.random.split(key, 5)
    responses = jax.random.randint(k1, (BATCH, SEQ_LEN), 0, N_RESPONSES, dtype=jnp.int64 if jax.config.jax_enable_x64 else jnp.int32)
    solving_times = jax.random.uniform(k2, (BATCH, SEQ_LEN, 1), dtype=jnp.float32)
    # learned parameters
    emb_response = jax.random.normal(k3, (N_RESPONSES, N_DIMS), dtype=jnp.float32) * 0.02
    # nn.Linear(1, n_dims, bias=False): weight shape [n_dims, 1]
    W_time = jax.random.normal(k4, (N_DIMS, 1), dtype=jnp.float32) * 0.02
    emb_pos = jax.random.normal(k5, (SEQ_LEN, N_DIMS), dtype=jnp.float32) * 0.02
    return {"responses": responses, "solving_times": solving_times,
            "emb_response": emb_response, "W_time": W_time, "emb_pos": emb_pos}


def reference(responses, solving_times, emb_response, W_time, emb_pos):
    # embedding lookup for responses: [B, S] -> [B, S, D]
    embed_response = jnp.take(emb_response, responses, axis=0)
    # Linear(1, n_dims, bias=False) applied to solving_times [B, S, 1] -> [B, S, D]
    embed_solving_time = solving_times @ W_time.T
    # positional embedding: arange(seq_len) lookup, broadcast over batch
    seq = jnp.arange(emb_pos.shape[0])[None, :]
    embed_pos = jnp.take(emb_pos, seq, axis=0)  # [1, S, D]
    return embed_response + embed_solving_time + embed_pos

if __name__ == "__main__":
    import jax
    _d = setup_inputs()
    print(jax.jit(kernel)(*tuple(_d.values())))

</pallas_src>

<mosaic_0001>
#map = affine_map<(d0, d1) -> (0, 0)>
#map1 = affine_map<(d0, d1) -> (0)>
module attributes {stable_mosaic.version = 14 : i64} {
  func.func @k(%arg0: i32, %arg1: i32, %arg2: memref<1000000x32xf32, #tpu.memory_space<hbm>>, %arg3: memref<6400x128xi32, #tpu.memory_space<hbm>>, %arg4: memref<819200xf32, #tpu.memory_space<hbm>>, %arg5: memref<32xf32, #tpu.memory_space<hbm>>, %arg6: memref<200x32xf32, #tpu.memory_space<hbm>>, %arg7: memref<819200x32xf32, #tpu.memory_space<hbm>>, %arg8: memref<8x128xi32, #tpu.memory_space<vmem>>, %arg9: memref<8x128xi32, #tpu.memory_space<vmem>>, %arg10: memref<1024xf32, #tpu.memory_space<vmem>>, %arg11: memref<1024xf32, #tpu.memory_space<vmem>>, %arg12: memref<1024x32xf32, #tpu.memory_space<vmem>>, %arg13: memref<1024x32xf32, #tpu.memory_space<vmem>>, %arg14: memref<200x32xf32, #tpu.memory_space<vmem>>, %arg15: memref<32xf32, #tpu.memory_space<vmem>>, %arg16: memref<!tpu.dma_semaphore, #tpu.memory_space<semaphore_mem>>, %arg17: memref<!tpu.dma_semaphore, #tpu.memory_space<semaphore_mem>>, %arg18: memref<!tpu.dma_semaphore, #tpu.memory_space<semaphore_mem>>) attributes {dimension_semantics = [#tpu.dimension_semantics<core_parallel>, #tpu.dimension_semantics<subcore_parallel>], iteration_bounds = array<i64: 2, 16>, scalar_prefetch = 0 : i64, scratch_operands = 11 : i64, tpu.core_type = #tpu.core_type<sc_vector_subcore>, window_params = [{transform_indices = #map}, {transform_indices = #map}, {transform_indices = #map1}, {transform_indices = #map1}, {transform_indices = #map}, {transform_indices = #map}]} {
    %mul3A = arith.constant 2 : i32
    %mul3A_0 = arith.muli %arg1, %mul3A : i32
    %add3A = arith.addi %mul3A_0, %arg0 : i32
    %mul3A_1 = arith.constant 25600 : i32
    %mul3A_2 = arith.muli %add3A, %mul3A_1 : i32
    "tpu.region"() ({
      %run_scoped3A = tpu.sem_alloc : memref<!tpu.dma_semaphore, #tpu.memory_space<semaphore_mem>>
      tpu.enqueue_dma source(%arg6 : memref<200x32xf32, #tpu.memory_space<hbm>>) target(%arg14 : memref<200x32xf32, #tpu.memory_space<vmem>>) target_semaphore(%run_scoped3A : memref<!tpu.dma_semaphore, #tpu.memory_space<semaphore_mem>>)
      tpu.wait_dma2 semaphore(%run_scoped3A : memref<!tpu.dma_semaphore, #tpu.memory_space<semaphore_mem>>) src(%arg6 : memref<200x32xf32, #tpu.memory_space<hbm>>) dst(%arg14 : memref<200x32xf32, #tpu.memory_space<vmem>>)
      tpu.yield
    }) : () -> ()
    "tpu.region"() ({
      %run_scoped3A = tpu.sem_alloc : memref<!tpu.dma_semaphore, #tpu.memory_space<semaphore_mem>>
      tpu.enqueue_dma source(%arg5 : memref<32xf32, #tpu.memory_space<hbm>>) target(%arg15 : memref<32xf32, #tpu.memory_space<vmem>>) target_semaphore(%run_scoped3A : memref<!tpu.dma_semaphore, #tpu.memory_space<semaphore_mem>>)
      tpu.wait_dma2 semaphore(%run_scoped3A : memref<!tpu.dma_semaphore, #tpu.memory_space<semaphore_mem>>) src(%arg5 : memref<32xf32, #tpu.memory_space<hbm>>) dst(%arg15 : memref<32xf32, #tpu.memory_space<vmem>>)
      tpu.yield
    }) : () -> ()
    %get3A = arith.constant 0 : index
    %get3A_3 = tpu.vector_load %arg15[%get3A] {strides = array<i32>} : memref<32xf32, #tpu.memory_space<vmem>>, vector<16xf32>,
    %get3A_4 = vector.shape_cast %get3A_3 : vector<16xf32> to vector<16xf32>
    %get3A_5 = arith.constant 16 : index
    %get3A_6 = tpu.vector_load %arg15[%get3A_5] {strides = array<i32>} : memref<32xf32, #tpu.memory_space<vmem>>, vector<16xf32>,
    %get3A_7 = vector.shape_cast %get3A_6 : vector<16xf32> to vector<16xf32>
    %scan3A = arith.constant 0 : i32
    %scan3A_8 = arith.constant 0 : i32
    %scan3A_9 = arith.constant 13 : i32
    %scan3A_10 = arith.addi %scan3A_8, %scan3A_9 : i32
    %scan3A_11 = arith.constant 1 : i32
    %scan3A_12 = scf.for %scan3A_14 = %scan3A_8 to %scan3A_10 step %scan3A_11 iter_args(%scan3A_15 = %scan3A) -> (i32)  : i32 {
      %mul3A_16 = arith.constant 2 : i32
      %mul3A_17 = arith.muli %mul3A_16, %scan3A_14 : i32
      %min3A = arith.constant 23 : i32
      %min3A_18 = arith.minsi %mul3A_17, %min3A : i32
      %mul3A_19 = arith.constant 1024 : i32
      %mul3A_20 = arith.muli %min3A_18, %mul3A_19 : i32
      %add3A_21 = arith.addi %mul3A_2, %mul3A_20 : i32
      %add3A_22 = arith.constant 1024 : i32
      %add3A_23 = arith.addi %add3A_21, %add3A_22 : i32
      %jit3A = arith.constant 128 : i32
      %div3A = arith.divsi %add3A_21, %jit3A : i32
      %sign3A = arith.constant 0 : i32
      %sign3A_24 = arith.cmpi sgt, %add3A_21, %sign3A : i32
      %sign3A_25 = arith.extui %sign3A_24 : i1 to i32
      %sign3A_26 = arith.constant 0 : i32
      %sign3A_27 = arith.cmpi slt, %add3A_21, %sign3A_26 : i32
      %sign3A_28 = arith.extui %sign3A_27 : i1 to i32
      %sign3A_29 = arith.subi %sign3A_25, %sign3A_28 : i32
      %sign3A_30 = arith.constant 0 : i32
      %sign3A_31 = arith.cmpi sgt, %jit3A, %sign3A_30 : i32
      %sign3A_32 = arith.extui %sign3A_31 : i1 to i32
      %sign3A_33 = arith.constant 0 : i32
      %sign3A_34 = arith.cmpi slt, %jit3A, %sign3A_33 : i32
      %sign3A_35 = arith.extui %sign3A_34 : i1 to i32
      %sign3A_36 = arith.subi %sign3A_32, %sign3A_35 : i32
      %ne3A = arith.cmpi ne, %sign3A_29, %sign3A_36 : i32
      %rem3A = arith.remsi %add3A_21, %jit3A : i32
      %ne3A_37 = arith.constant 0 : i32
      %ne3A_38 = arith.cmpi ne, %rem3A, %ne3A_37 : i32
      %and3A = arith.andi %ne3A, %ne3A_38 : i1
      %sub3A = arith.constant 1 : i32
      %sub3A_39 = arith.subi %div3A, %sub3A : i32
      %select_n3A = arith.select %and3A, %sub3A_39, %div3A : i32
      %multiple_of3A = tpu.assume_multiple %select_n3A, 8 : i32
      "tpu.region"() ({
        %run_scoped3A = tpu.sem_alloc : memref<!tpu.dma_semaphore, #tpu.memory_space<semaphore_mem>>
        %dma_start3A_406 = arith.constant 0 : i32
        %dma_start3A_407 = tpu.memref_slice %arg3[%multiple_of3A, %dma_start3A_406] : memref<6400x128xi32, #tpu.memory_space<hbm>> -> memref<8x128xi32, #tpu.memory_space<hbm>>
        %dma_start3A_408 = arith.constant 0 : i32
        %dma_start3A_409 = tpu.memref_slice %arg3[%multiple_of3A, %dma_start3A_408] : memref<6400x128xi32, #tpu.memory_space<hbm>> -> memref<8x128xi32, #tpu.memory_space<hbm>>
        tpu.enqueue_dma source(%dma_start3A_409 : memref<8x128xi32, #tpu.memory_space<hbm>>) target(%arg8 : memref<8x128xi32, #tpu.memory_space<vmem>>) target_semaphore(%run_scoped3A : memref<!tpu.dma_semaphore, #tpu.memory_space<semaphore_mem>>)
        %dma_wait3A_410 = arith.constant 0 : i32
        %dma_wait3A_411 = tpu.memref_slice %arg3[%multiple_of3A, %dma_wait3A_410] : memref<6400x128xi32, #tpu.memory_space<hbm>> -> memref<8x128xi32, #tpu.memory_space<hbm>>
        %dma_wait3A_412 = arith.constant 0 : i32
        %dma_wait3A_413 = tpu.memref_slice %arg3[%multiple_of3A, %dma_wait3A_412] : memref<6400x128xi32, #tpu.memory_space<hbm>> -> memref<8x128xi32, #tpu.memory_space<hbm>>
        tpu.wait_dma2 semaphore(%run_scoped3A : memref<!tpu.dma_semaphore, #tpu.memory_space<semaphore_mem>>) src(%dma_wait3A_413 : memref<8x128xi32, #tpu.memory_space<hbm>>) dst(%arg8 : memref<8x128xi32, #tpu.memory_space<vmem>>)
        tpu.yield
      }) : () -> ()
      "tpu.region"() ({
        %run_scoped3A = tpu.sem_alloc : memref<!tpu.dma_semaphore, #tpu.memory_space<semaphore_mem>>
        %dma_start3A_406 = tpu.memref_slice %arg4[%add3A_21] : memref<819200xf32, #tpu.memory_space<hbm>> -> memref<1024xf32, #tpu.memory_space<hbm>>
        %dma_start3A_407 = tpu.memref_slice %arg4[%add3A_21] : memref<819200xf32, #tpu.memory_space<hbm>> -> memref<1024xf32, #tpu.memory_space<hbm>>
        tpu.enqueue_dma source(%dma_start3A_407 : memref<1024xf32, #tpu.memory_space<hbm>>) target(%arg10 : memref<1024xf32, #tpu.memory_space<vmem>>) target_semaphore(%run_scoped3A : memref<!tpu.dma_semaphore, #tpu.memory_space<semaphore_mem>>)
        %dma_wait3A_408 = tpu.memref_slice %arg4[%add3A_21] : memref<819200xf32, #tpu.memory_space<hbm>> -> memref<1024xf32, #tpu.memory_space<hbm>>
        %dma_wait3A_409 = tpu.memref_slice %arg4[%add3A_21] : memref<819200xf32, #tpu.memory_space<hbm>> -> memref<1024xf32, #tpu.memory_space<hbm>>
        tpu.wait_dma2 semaphore(%run_scoped3A : memref<!tpu.dma_semaphore, #tpu.memory_space<semaphore_mem>>) src(%dma_wait3A_409 : memref<1024xf32, #tpu.memory_space<hbm>>) dst(%arg10 : memref<1024xf32, #tpu.memory_space<vmem>>)
        tpu.yield
      }) : () -> ()
      %dma_start3A = arith.constant 0 : i32
      %dma_start3A_40 = arith.constant 0 : i32
      %dma_start3A_41 = arith.constant 0 : i32
      %dma_start3A_42 = tpu.memref_slice %arg12[%dma_start3A_40, %dma_start3A_41] : memref<1024x32xf32, #tpu.memory_space<vmem>> -> memref<128x32xf32, #tpu.memory_space<vmem>>
      %dma_start3A_43 = arith.constant 0 : i32
      %dma_start3A_44 = tpu.memref_slice %arg8[%dma_start3A, %dma_start3A_43] : memref<8x128xi32, #tpu.memory_space<vmem>> -> memref<1x128xi32, #tpu.memory_space<vmem>>
      %dma_start3A_45 = tpu.memref_squeeze %dma_start3A_44 : memref<1x128xi32, #tpu.memory_space<vmem>> -> memref<128xi32, #tpu.memory_space<vmem>>
      %dma_start3A_46 = arith.constant 0 : i32
      %dma_start3A_47 = arith.constant 0 : i32
      %dma_start3A_48 = tpu.memref_slice %arg2[%dma_start3A_46, %dma_start3A_47] : memref<1000000x32xf32, #tpu.memory_space<hbm>> -> memref<1000000x32xf32, #tpu.memory_space<hbm>>
      tpu.enqueue_indirect_dma source(%dma_start3A_48 : memref<1000000x32xf32, #tpu.memory_space<hbm>>) target(%dma_start3A_42 : memref<128x32xf32, #tpu.memory_space<vmem>>) offsets(%dma_start3A_45 : memref<128xi32, #tpu.memory_space<vmem>>) semaphore(%arg16 : memref<!tpu.dma_semaphore, #tpu.memory_space<semaphore_mem>>)
      %dma_start3A_49 = arith.constant 1 : i32
      %dma_start3A_50 = arith.constant 128 : i32
      %dma_start3A_51 = arith.constant 0 : i32
      %dma_start3A_52 = tpu.memref_slice %arg12[%dma_start3A_50, %dma_start3A_51] : memref<1024x32xf32, #tpu.memory_space<vmem>> -> memref<128x32xf32, #tpu.memory_space<vmem>>
      %dma_start3A_53 = arith.constant 0 : i32
      %dma_start3A_54 = tpu.memref_slice %arg8[%dma_start3A_49, %dma_start3A_53] : memref<8x128xi32, #tpu.memory_space<vmem>> -> memref<1x128xi32, #tpu.memory_space<vmem>>
      %dma_start3A_55 = tpu.memref_squeeze %dma_start3A_54 : memref<1x128xi32, #tpu.memory_space<vmem>> -> memref<128xi32, #tpu.memory_space<vmem>>
      %dma_start3A_56 = arith.constant 0 : i32
      %dma_start3A_57 = arith.constant 0 : i32
      %dma_start3A_58 = tpu.memref_slice %arg2[%dma_start3A_56, %dma_start3A_57] : memref<1000000x32xf32, #tpu.memory_space<hbm>> -> memref<1000000x32xf32, #tpu.memory_space<hbm>>
      tpu.enqueue_indirect_dma source(%dma_start3A_58 : memref<1000000x32xf32, #tpu.memory_space<hbm>>) target(%dma_start3A_52 : memref<128x32xf32, #tpu.memory_space<vmem>>) offsets(%dma_start3A_55 : memref<128xi32, #tpu.memory_space<vmem>>) semaphore(%arg16 : memref<!tpu.dma_semaphore, #tpu.memory_space<semaphore_mem>>)
      %dma_start3A_59 = arith.constant 2 : i32
      %dma_start3A_60 = arith.constant 256 : i32
      %dma_start3A_61 = arith.constant 0 : i32
      %dma_start3A_62 = tpu.memref_slice %arg12[%dma_start3A_60, %dma_start3A_61] : memref<1024x32xf32, #tpu.memory_space<vmem>> -> memref<128x32xf32, #tpu.memory_space<vmem>>
      %dma_start3A_63 = arith.constant 0 : i32
      %dma_start3A_64 = tpu.memref_slice %arg8[%dma_start3A_59, %dma_start3A_63] : memref<8x128xi32, #tpu.memory_space<vmem>> -> memref<1x128xi32, #tpu.memory_space<vmem>>
      %dma_start3A_65 = tpu.memref_squeeze %dma_start3A_64 : memref<1x128xi32, #tpu.memory_space<vmem>> -> memref<128xi32, #tpu.memory_space<vmem>>
      %dma_start3A_66 = arith.constant 0 : i32
      %dma_start3A_67 = arith.constant 0 : i32
      %dma_start3A_68 = tpu.memref_slice %arg2[%dma_start3A_66, %dma_start3A_67] : memref<1000000x32xf32, #tpu.memory_space<hbm>> -> memref<1000000x32xf32, #tpu.memory_space<hbm>>
      tpu.enqueue_indirect_dma source(%dma_start3A_68 : memref<1000000x32xf32, #tpu.memory_space<hbm>>) target(%dma_start3A_62 : memref<128x32xf32, #tpu.memory_space<vmem>>) offsets(%dma_start3A_65 : memref<128xi32, #tpu.memory_space<vmem>>) semaphore(%arg16 : memref<!tpu.dma_semaphore, #tpu.memory_space<semaphore_mem>>)
      %dma_start3A_69 = arith.constant 3 : i32
      %dma_start3A_70 = arith.constant 384 : i32
      %dma_start3A_71 = arith.constant 0 : i32
      %dma_start3A_72 = tpu.memref_slice %arg12[%dma_start3A_70, %dma_start3A_71] : memref<1024x32xf32, #tpu.memory_space<vmem>> -> memref<128x32xf32, #tpu.memory_space<vmem>>
      %dma_start3A_73 = arith.constant 0 : i32
      %dma_start3A_74 = tpu.memref_slice %arg8[%dma_start3A_69, %dma_start3A_73] : memref<8x128xi32, #tpu.memory_space<vmem>> -> memref<1x128xi32, #tpu.memory_space<vmem>>
      %dma_start3A_75 = tpu.memref_squeeze %dma_start3A_74 : memref<1x128xi32, #tpu.memory_space<vmem>> -> memref<128xi32, #tpu.memory_space<vmem>>
      %dma_start3A_76 = arith.constant 0 : i32
      %dma_start3A_77 = arith.constant 0 : i32
      %dma_start3A_78 = tpu.memref_slice %arg2[%dma_start3A_76, %dma_start3A_77] : memref<1000000x32xf32, #tpu.memory_space<hbm>> -> memref<1000000x32xf32, #tpu.memory_space<hbm>>
      tpu.enqueue_indirect_dma source(%dma_start3A_78 : memref<1000000x32xf32, #tpu.memory_space<hbm>>) target(%dma_start3A_72 : memref<128x32xf32, #tpu.memory_space<vmem>>) offsets(%dma_start3A_75 : memref<128xi32, #tpu.memory_space<vmem>>) semaphore(%arg16 : memref<!tpu.dma_semaphore, #tpu.memory_space<semaphore_mem>>)
      %dma_start3A_79 = arith.constant 4 : i32
      %dma_start3A_80 = arith.constant 512 : i32
      %dma_start3A_81 = arith.constant 0 : i32
      %dma_start3A_82 = tpu.memref_slice %arg12[%dma_start3A_80, %dma_start3A_81] : memref<1024x32xf32, #tpu.memory_space<vmem>> -> memref<128x32xf32, #tpu.memory_space<vmem>>
      %dma_start3A_83 = arith.constant 0 : i32
      %dma_start3A_84 = tpu.memref_slice %arg8[%dma_start3A_79, %dma_start3A_83] : memref<8x128xi32, #tpu.memory_space<vmem>> -> memref<1x128xi32, #tpu.memory_space<vmem>>
      %dma_start3A_85 = tpu.memref_squeeze %dma_start3A_84 : memref<1x128xi32, #tpu.memory_space<vmem>> -> memref<128xi32, #tpu.memory_space<vmem>>
      %dma_start3A_86 = arith.constant 0 : i32
      %dma_start3A_87 = arith.constant 0 : i32
      %dma_start3A_88 = tpu.memref_slice %arg2[%dma_start3A_86, %dma_start3A_87] : memref<1000000x32xf32, #tpu.memory_space<hbm>> -> memref<1000000x32xf32, #tpu.memory_space<hbm>>
      tpu.enqueue_indirect_dma source(%dma_start3A_88 : memref<1000000x32xf32, #tpu.memory_space<hbm>>) target(%dma_start3A_82 : memref<128x32xf32, #tpu.memory_space<vmem>>) offsets(%dma_start3A_85 : memref<128xi32, #tpu.memory_space<vmem>>) semaphore(%arg16 : memref<!tpu.dma_semaphore, #tpu.memory_space<semaphore_mem>>)
      %dma_start3A_89 = arith.constant 5 : i32
      %dma_start3A_90 = arith.constant 640 : i32
      %dma_start3A_91 = arith.constant 0 : i32
      %dma_start3A_92 = tpu.memref_slice %arg12[%dma_start3A_90, %dma_start3A_91] : memref<1024x32xf32, #tpu.memory_space<vmem>> -> memref<128x32xf32, #tpu.memory_space<vmem>>
      %dma_start3A_93 = arith.constant 0 : i32
      %dma_start3A_94 = tpu.memref_slice %arg8[%dma_start3A_89, %dma_start3A_93] : memref<8x128xi32, #tpu.memory_space<vmem>> -> memref<1x128xi32, #tpu.memory_space<vmem>>
      %dma_start3A_95 = tpu.memref_squeeze %dma_start3A_94 : memref<1x128xi32, #tpu.memory_space<vmem>> -> memref<128xi32, #tpu.memory_space<vmem>>
      %dma_start3A_96 = arith.constant 0 : i32
      %dma_start3A_97 = arith.constant 0 : i32
      %dma_start3A_98 = tpu.memref_slice %arg2[%dma_start3A_96, %dma_start3A_97] : memref<1000000x32xf32, #tpu.memory_space<hbm>> -> memref<1000000x32xf32, #tpu.memory_space<hbm>>
      tpu.enqueue_indirect_dma source(%dma_start3A_98 : memref<1000000x32xf32, #tpu.memory_space<hbm>>) target(%dma_start3A_92 : memref<128x32xf32, #tpu.memory_space<vmem>>) offsets(%dma_start3A_95 : memref<128xi32, #tpu.memory_space<vmem>>) semaphore(%arg16 : memref<!tpu.dma_semaphore, #tpu.memory_space<semaphore_mem>>)
      %dma_start3A_99 = arith.constant 6 : i32
      %dma_start3A_100 = arith.constant 768 : i32
      %dma_start3A_101 = arith.constant 0 : i32
      %dma_start3A_102 = tpu.memref_slice %arg12[%dma_start3A_100, %dma_start3A_101] : memref<1024x32xf32, #tpu.memory_space<vmem>> -> memref<128x32xf32, #tpu.memory_space<vmem>>
      %dma_start3A_103 = arith.constant 0 : i32
      %dma_start3A_104 = tpu.memref_slice %arg8[%dma_start3A_99, %dma_start3A_103] : memref<8x128xi32, #tpu.memory_space<vmem>> -> memref<1x128xi32, #tpu.memory_space<vmem>>
      %dma_start3A_105 = tpu.memref_squeeze %dma_start3A_104 : memref<1x128xi32, #tpu.memory_space<vmem>> -> memref<128xi32, #tpu.memory_space<vmem>>
      %dma_start3A_106 = arith.constant 0 : i32
      %dma_start3A_107 = arith.constant 0 : i32
      %dma_start3A_108 = tpu.memref_slice %arg2[%dma_start3A_106, %dma_start3A_107] : memref<1000000x32xf32, #tpu.memory_space<hbm>> -> memref<1000000x32xf32, #tpu.memory_space<hbm>>
      tpu.enqueue_indirect_dma source(%dma_start3A_108 : memref<1000000x32xf32, #tpu.memory_space<hbm>>) target(%dma_start3A_102 : memref<128x32xf32, #tpu.memory_space<vmem>>) offsets(%dma_start3A_105 : memref<128xi32, #tpu.memory_space<vmem>>) semaphore(%arg16 : memref<!tpu.dma_semaphore, #tpu.memory_space<semaphore_mem>>)
      %dma_start3A_109 = arith.constant 7 : i32
      %dma_start3A_110 = arith.constant 896 : i32
      %dma_start3A_111 = arith.constant 0 : i32
      %dma_start3A_112 = tpu.memref_slice %arg12[%dma_start3A_110, %dma_start3A_111] : memref<1024x32xf32, #tpu.memory_space<vmem>> -> memref<128x32xf32, #tpu.memory_space<vmem>>
      %dma_start3A_113 = arith.constant 0 : i32
      %dma_start3A_114 = tpu.memref_slice %arg8[%dma_start3A_109, %dma_start3A_113] : memref<8x128xi32, #tpu.memory_space<vmem>> -> memref<1x128xi32, #tpu.memory_space<vmem>>
      %dma_start3A_115 = tpu.memref_squeeze %dma_start3A_114 : memref<1x128xi32, #tpu.memory_space<vmem>> -> memref<128xi32, #tpu.memory_space<vmem>>
      %dma_start3A_116 = arith.constant 0 : i32
      %dma_start3A_117 = arith.constant 0 : i32
      %dma_start3A_118 = tpu.memref_slice %arg2[%dma_start3A_116, %dma_start3A_117] : memref<1000000x32xf32, #tpu.memory_space<hbm>> -> memref<1000000x32xf32, #tpu.memory_space<hbm>>
      tpu.enqueue_indirect_dma source(%dma_start3A_118 : memref<1000000x32xf32, #tpu.memory_space<hbm>>) target(%dma_start3A_112 : memref<128x32xf32, #tpu.memory_space<vmem>>) offsets(%dma_start3A_115 : memref<128xi32, #tpu.memory_space<vmem>>) semaphore(%arg16 : memref<!tpu.dma_semaphore, #tpu.memory_space<semaphore_mem>>)
      %jit3A_119 = arith.constant 128 : i32
      %div3A_120 = arith.divsi %add3A_23, %jit3A_119 : i32
      %sign3A_121 = arith.constant 0 : i32
      %sign3A_122 = arith.cmpi sgt, %add3A_23, %sign3A_121 : i32
      %sign3A_123 = arith.extui %sign3A_122 : i1 to i32
      %sign3A_124 = arith.constant 0 : i32
      %sign3A_125 = arith.cmpi slt, %add3A_23, %sign3A_124 : i32
      %sign3A_126 = arith.extui %sign3A_125 : i1 to i32
      %sign3A_127 = arith.subi %sign3A_123, %sign3A_126 : i32
      %sign3A_128 = arith.constant 0 : i32
      %sign3A_129 = arith.cmpi sgt, %jit3A_119, %sign3A_128 : i32
      %sign3A_130 = arith.extui %sign3A_129 : i1 to i32
      %sign3A_131 = arith.constant 0 : i32
      %sign3A_132 = arith.cmpi slt, %jit3A_119, %sign3A_131 : i32
      %sign3A_133 = arith.extui %sign3A_132 : i1 to i32
      %sign3A_134 = arith.subi %sign3A_130, %sign3A_133 : i32
      %ne3A_135 = arith.cmpi ne, %sign3A_127, %sign3A_134 : i32
      %rem3A_136 = arith.remsi %add3A_23, %jit3A_119 : i32
      %ne3A_137 = arith.constant 0 : i32
      %ne3A_138 = arith.cmpi ne, %rem3A_136, %ne3A_137 : i32
      %and3A_139 = arith.andi %ne3A_135, %ne3A_138 : i1
      %sub3A_140 = arith.constant 1 : i32
      %sub3A_141 = arith.subi %div3A_120, %sub3A_140 : i32
      %select_n3A_142 = arith.select %and3A_139, %sub3A_141, %div3A_120 : i32
      %multiple_of3A_143 = tpu.assume_multiple %select_n3A_142, 8 : i32
      "tpu.region"() ({
        %run_scoped3A = tpu.sem_alloc : memref<!tpu.dma_semaphore, #tpu.memory_space<semaphore_mem>>
        %dma_start3A_406 = arith.constant 0 : i32
        %dma_start3A_407 = tpu.memref_slice %arg3[%multiple_of3A_143, %dma_start3A_406] : memref<6400x128xi32, #tpu.memory_space<hbm>> -> memref<8x128xi32, #tpu.memory_space<hbm>>
        %dma_start3A_408 = arith.constant 0 : i32
        %dma_start3A_409 = tpu.memref_slice %arg3[%multiple_of3A_143, %dma_start3A_408] : memref<6400x128xi32, #tpu.memory_space<hbm>> -> memref<8x128xi32, #tpu.memory_space<hbm>>
        tpu.enqueue_dma source(%dma_start3A_409 : memref<8x128xi32, #tpu.memory_space<hbm>>) target(%arg9 : memref<8x128xi32, #tpu.memory_space<vmem>>) target_semaphore(%run_scoped3A : memref<!tpu.dma_semaphore, #tpu.memory_space<semaphore_mem>>)
        %dma_wait3A_410 = arith.constant 0 : i32
        %dma_wait3A_411 = tpu.memref_slice %arg3[%multiple_of3A_143, %dma_wait3A_410] : memref<6400x128xi32, #tpu.memory_space<hbm>> -> memref<8x128xi32, #tpu.memory_space<hbm>>
        %dma_wait3A_412 = arith.constant 0 : i32
        %dma_wait3A_413 = tpu.memref_slice %arg3[%multiple_of3A_143, %dma_wait3A_412] : memref<6400x128xi32, #tpu.memory_space<hbm>> -> memref<8x128xi32, #tpu.memory_space<hbm>>
        tpu.wait_dma2 semaphore(%run_scoped3A : memref<!tpu.dma_semaphore, #tpu.memory_space<semaphore_mem>>) src(%dma_wait3A_413 : memref<8x128xi32, #tpu.memory_space<hbm>>) dst(%arg9 : memref<8x128xi32, #tpu.memory_space<vmem>>)
        tpu.yield
      }) : () -> ()
      "tpu.region"() ({
        %run_scoped3A = tpu.sem_alloc : memref<!tpu.dma_semaphore, #tpu.memory_space<semaphore_mem>>
        %dma_start3A_406 = tpu.memref_slice %arg4[%add3A_23] : memref<819200xf32, #tpu.memory_space<hbm>> -> memref<1024xf32, #tpu.memory_space<hbm>>
        %dma_start3A_407 = tpu.memref_slice %arg4[%add3A_23] : memref<819200xf32, #tpu.memory_space<hbm>> -> memref<1024xf32, #tpu.memory_space<hbm>>
        tpu.enqueue_dma source(%dma_start3A_407 : memref<1024xf32, #tpu.memory_space<hbm>>) target(%arg11 : memref<1024xf32, #tpu.memory_space<vmem>>) target_semaphore(%run_scoped3A : memref<!tpu.dma_semaphore, #tpu.memory_space<semaphore_mem>>)
        %dma_wait3A_408 = tpu.memref_slice %arg4[%add3A_23] : memref<819200xf32, #tpu.memory_space<hbm>> -> memref<1024xf32, #tpu.memory_space<hbm>>
        %dma_wait3A_409 = tpu.memref_slice %arg4[%add3A_23] : memref<819200xf32, #tpu.memory_space<hbm>> -> memref<1024xf32, #tpu.memory_space<hbm>>
        tpu.wait_dma2 semaphore(%run_scoped3A : memref<!tpu.dma_semaphore, #tpu.memory_space<semaphore_mem>>) src(%dma_wait3A_409 : memref<1024xf32, #tpu.memory_space<hbm>>) dst(%arg11 : memref<1024xf32, #tpu.memory_space<vmem>>)
        tpu.yield
      }) : () -> ()
      %dma_start3A_144 = arith.constant 0 : i32
      %dma_start3A_145 = arith.constant 0 : i32
      %dma_start3A_146 = arith.constant 0 : i32
      %dma_start3A_147 = tpu.memref_slice %arg13[%dma_start3A_145, %dma_start3A_146] : memref<1024x32xf32, #tpu.memory_space<vmem>> -> memref<128x32xf32, #tpu.memory_space<vmem>>
      %dma_start3A_148 = arith.constant 0 : i32
      %dma_start3A_149 = tpu.memref_slice %arg9[%dma_start3A_144, %dma_start3A_148] : memref<8x128xi32, #tpu.memory_space<vmem>> -> memref<1x128xi32, #tpu.memory_space<vmem>>
      %dma_start3A_150 = tpu.memref_squeeze %dma_start3A_149 : memref<1x128xi32, #tpu.memory_space<vmem>> -> memref<128xi32, #tpu.memory_space<vmem>>
      %dma_start3A_151 = arith.constant 0 : i32
      %dma_start3A_152 = arith.constant 0 : i32
      %dma_start3A_153 = tpu.memref_slice %arg2[%dma_start3A_151, %dma_start3A_152] : memref<1000000x32xf32, #tpu.memory_space<hbm>> -> memref<1000000x32xf32, #tpu.memory_space<hbm>>
      tpu.enqueue_indirect_dma source(%dma_start3A_153 : memref<1000000x32xf32, #tpu.memory_space<hbm>>) target(%dma_start3A_147 : memref<128x32xf32, #tpu.memory_space<vmem>>) offsets(%dma_start3A_150 : memref<128xi32, #tpu.memory_space<vmem>>) semaphore(%arg17 : memref<!tpu.dma_semaphore, #tpu.memory_space<semaphore_mem>>)
      %dma_start3A_154 = arith.constant 1 : i32
      %dma_start3A_155 = arith.constant 128 : i32
      %dma_start3A_156 = arith.constant 0 : i32
      %dma_start3A_157 = tpu.memref_slice %arg13[%dma_start3A_155, %dma_start3A_156] : memref<1024x32xf32, #tpu.memory_space<vmem>> -> memref<128x32xf32, #tpu.memory_space<vmem>>
      %dma_start3A_158 = arith.constant 0 : i32
      %dma_start3A_159 = tpu.memref_slice %arg9[%dma_start3A_154, %dma_start3A_158] : memref<8x128xi32, #tpu.memory_space<vmem>> -> memref<1x128xi32, #tpu.memory_space<vmem>>
      %dma_start3A_160 = tpu.memref_squeeze %dma_start3A_159 : memref<1x128xi32, #tpu.memory_space<vmem>> -> memref<128xi32, #tpu.memory_space<vmem>>
      %dma_start3A_161 = arith.constant 0 : i32
      %dma_start3A_162 = arith.constant 0 : i32
      %dma_start3A_163 = tpu.memref_slice %arg2[%dma_start3A_161, %dma_start3A_162] : memref<1000000x32xf32, #tpu.memory_space<hbm>> -> memref<1000000x32xf32, #tpu.memory_space<hbm>>
      tpu.enqueue_indirect_dma source(%dma_start3A_163 : memref<1000000x32xf32, #tpu.memory_space<hbm>>) target(%dma_start3A_157 : memref<128x32xf32, #tpu.memory_space<vmem>>) offsets(%dma_start3A_160 : memref<128xi32, #tpu.memory_space<vmem>>) semaphore(%arg17 : memref<!tpu.dma_semaphore, #tpu.memory_space<semaphore_mem>>)
      %dma_start3A_164 = arith.constant 2 : i32
      %dma_start3A_165 = arith.constant 256 : i32
      %dma_start3A_166 = arith.constant 0 : i32
      %dma_start3A_167 = tpu.memref_slice %arg13[%dma_start3A_165, %dma_start3A_166] : memref<1024x32xf32, #tpu.memory_space<vmem>> -> memref<128x32xf32, #tpu.memory_space<vmem>>
      %dma_start3A_168 = arith.constant 0 : i32
      %dma_start3A_169 = tpu.memref_slice %arg9[%dma_start3A_164, %dma_start3A_168] : memref<8x128xi32, #tpu.memory_space<vmem>> -> memref<1x128xi32, #tpu.memory_space<vmem>>
      %dma_start3A_170 = tpu.memref_squeeze %dma_start3A_169 : memref<1x128xi32, #tpu.memory_space<vmem>> -> memref<128xi32, #tpu.memory_space<vmem>>
      %dma_start3A_171 = arith.constant 0 : i32
      %dma_start3A_172 = arith.constant 0 : i32
      %dma_start3A_173 = tpu.memref_slice %arg2[%dma_start3A_171, %dma_start3A_172] : memref<1000000x32xf32, #tpu.memory_space<hbm>> -> memref<1000000x32xf32, #tpu.memory_space<hbm>>
      tpu.enqueue_indirect_dma source(%dma_start3A_173 : memref<1000000x32xf32, #tpu.memory_space<hbm>>) target(%dma_start3A_167 : memref<128x32xf32, #tpu.memory_space<vmem>>) offsets(%dma_start3A_170 : memref<128xi32, #tpu.memory_space<vmem>>) semaphore(%arg17 : memref<!tpu.dma_semaphore, #tpu.memory_space<semaphore_mem>>)
      %dma_start3A_174 = arith.constant 3 : i32
      %dma_start3A_175 = arith.constant 384 : i32
      %dma_start3A_176 = arith.constant 0 : i32
      %dma_start3A_177 = tpu.memref_slice %arg13[%dma_start3A_175, %dma_start3A_176] : memref<1024x32xf32, #tpu.memory_space<vmem>> -> memref<128x32xf32, #tpu.memory_space<vmem>>
      %dma_start3A_178 = arith.constant 0 : i32
      %dma_start3A_179 = tpu.memref_slice %arg9[%dma_start3A_174, %dma_start3A_178] : memref<8x128xi32, #tpu.memory_space<vmem>> -> memref<1x128xi32, #tpu.memory_space<vmem>>
      %dma_start3A_180 = tpu.memref_squeeze %dma_start3A_179 : memref<1x128xi32, #tpu.memory_space<vmem>> -> memref<128xi32, #tpu.memory_space<vmem>>
      %dma_start3A_181 = arith.constant 0 : i32
      %dma_start3A_182 = arith.constant 0 : i32
      %dma_start3A_183 = tpu.memref_slice %arg2[%dma_start3A_181, %dma_start3A_182] : memref<1000000x32xf32, #tpu.memory_space<hbm>> -> memref<1000000x32xf32, #tpu.memory_space<hbm>>
      tpu.enqueue_indirect_dma source(%dma_start3A_183 : memref<1000000x32xf32, #tpu.memory_space<hbm>>) target(%dma_start3A_177 : memref<128x32xf32, #tpu.memory_space<vmem>>) offsets(%dma_start3A_180 : memref<128xi32, #tpu.memory_space<vmem>>) semaphore(%arg17 : memref<!tpu.dma_semaphore, #tpu.memory_space<semaphore_mem>>)
      %dma_start3A_184 = arith.constant 4 : i32
      %dma_start3A_185 = arith.constant 512 : i32
      %dma_start3A_186 = arith.constant 0 : i32
      %dma_start3A_187 = tpu.memref_slice %arg13[%dma_start3A_185, %dma_start3A_186] : memref<1024x32xf32, #tpu.memory_space<vmem>> -> memref<128x32xf32, #tpu.memory_space<vmem>>
      %dma_start3A_188 = arith.constant 0 : i32
      %dma_start3A_189 = tpu.memref_slice %arg9[%dma_start3A_184, %dma_start3A_188] : memref<8x128xi32, #tpu.memory_space<vmem>> -> memref<1x128xi32, #tpu.memory_space<vmem>>
      %dma_start3A_190 = tpu.memref_squeeze %dma_start3A_189 : memref<1x128xi32, #tpu.memory_space<vmem>> -> memref<128xi32, #tpu.memory_space<vmem>>
      %dma_start3A_191 = arith.constant 0 : i32
      %dma_start3A_192 = arith.constant 0 : i32
      %dma_start3A_193 = tpu.memref_slice %arg2[%dma_start3A_191, %dma_start3A_192] : memref<1000000x32xf32, #tpu.memory_space<hbm>> -> memref<1000000x32xf32, #tpu.memory_space<hbm>>
      tpu.enqueue_indirect_dma source(%dma_start3A_193 : memref<1000000x32xf32, #tpu.memory_space<hbm>>) target(%dma_start3A_187 : memref<128x32xf32, #tpu.memory_space<vmem>>) offsets(%dma_start3A_190 : memref<128xi32, #tpu.memory_space<vmem>>) semaphore(%arg17 : memref<!tpu.dma_semaphore, #tpu.memory_space<semaphore_mem>>)
      %dma_start3A_194 = arith.constant 5 : i32
      %dma_start3A_195 = arith.constant 640 : i32
      %dma_start3A_196 = arith.constant 0 : i32
      %dma_start3A_197 = tpu.memref_slice %arg13[%dma_start3A_195, %dma_start3A_196] : memref<1024x32xf32, #tpu.memory_space<vmem>> -> memref<128x32xf32, #tpu.memory_space<vmem>>
      %dma_start3A_198 = arith.constant 0 : i32
      %dma_start3A_199 = tpu.memref_slice %arg9[%dma_start3A_194, %dma_start3A_198] : memref<8x128xi32, #tpu.memory_space<vmem>> -> memref<1x128xi32, #tpu.memory_space<vmem>>
      %dma_start3A_200 = tpu.memref_squeeze %dma_start3A_199 : memref<1x128xi32, #tpu.memory_space<vmem>> -> memref<128xi32, #tpu.memory_space<vmem>>
      %dma_start3A_201 = arith.constant 0 : i32
      %dma_start3A_202 = arith.constant 0 : i32
      %dma_start3A_203 = tpu.memref_slice %arg2[%dma_start3A_201, %dma_start3A_202] : memref<1000000x32xf32, #tpu.memory_space<hbm>> -> memref<1000000x32xf32, #tpu.memory_space<hbm>>
      tpu.enqueue_indirect_dma source(%dma_start3A_203 : memref<1000000x32xf32, #tpu.memory_space<hbm>>) target(%dma_start3A_197 : memref<128x32xf32, #tpu.memory_space<vmem>>) offsets(%dma_start3A_200 : memref<128xi32, #tpu.memory_space<vmem>>) semaphore(%arg17 : memref<!tpu.dma_semaphore, #tpu.memory_space<semaphore_mem>>)
      %dma_start3A_204 = arith.constant 6 : i32
      %dma_start3A_205 = arith.constant 768 : i32
      %dma_start3A_206 = arith.constant 0 : i32
      %dma_start3A_207 = tpu.memref_slice %arg13[%dma_start3A_205, %dma_start3A_206] : memref<1024x32xf32, #tpu.memory_space<vmem>> -> memref<128x32xf32, #tpu.memory_space<vmem>>
      %dma_start3A_208 = arith.constant 0 : i32
      %dma_start3A_209 = tpu.memref_slice %arg9[%dma_start3A_204, %dma_start3A_208] : memref<8x128xi32, #tpu.memory_space<vmem>> -> memref<1x128xi32, #tpu.memory_space<vmem>>
      %dma_start3A_210 = tpu.memref_squeeze %dma_start3A_209 : memref<1x128xi32, #tpu.memory_space<vmem>> -> memref<128xi32, #tpu.memory_space<vmem>>
      %dma_start3A_211 = arith.constant 0 : i32
      %dma_start3A_212 = arith.constant 0 : i32
      %dma_start3A_213 = tpu.memref_slice %arg2[%dma_start3A_211, %dma_start3A_212] : memref<1000000x32xf32, #tpu.memory_space<hbm>> -> memref<1000000x32xf32, #tpu.memory_space<hbm>>
      tpu.enqueue_indirect_dma source(%dma_start3A_213 : memref<1000000x32xf32, #tpu.memory_space<hbm>>) target(%dma_start3A_207 : memref<128x32xf32, #tpu.memory_space<vmem>>) offsets(%dma_start3A_210 : memref<128xi32, #tpu.memory_space<vmem>>) semaphore(%arg17 : memref<!tpu.dma_semaphore, #tpu.memory_space<semaphore_mem>>)
      %dma_start3A_214 = arith.constant 7 : i32
      %dma_start3A_215 = arith.constant 896 : i32
      %dma_start3A_216 = arith.constant 0 : i32
      %dma_start3A_217 = tpu.memref_slice %arg13[%dma_start3A_215, %dma_start3A_216] : memref<1024x32xf32, #tpu.memory_space<vmem>> -> memref<128x32xf32, #tpu.memory_space<vmem>>
      %dma_start3A_218 = arith.constant 0 : i32
      %dma_start3A_219 = tpu.memref_slice %arg9[%dma_start3A_214, %dma_start3A_218] : memref<8x128xi32, #tpu.memory_space<vmem>> -> memref<1x128xi32, #tpu.memory_space<vmem>>
      %dma_start3A_220 = tpu.memref_squeeze %dma_start3A_219 : memref<1x128xi32, #tpu.memory_space<vmem>> -> memref<128xi32, #tpu.memory_space<vmem>>
      %dma_start3A_221 = arith.constant 0 : i32
      %dma_start3A_222 = arith.constant 0 : i32
      %dma_start3A_223 = tpu.memref_slice %arg2[%dma_start3A_221, %dma_start3A_222] : memref<1000000x32xf32, #tpu.memory_space<hbm>> -> memref<1000000x32xf32, #tpu.memory_space<hbm>>
      tpu.enqueue_indirect_dma source(%dma_start3A_223 : memref<1000000x32xf32, #tpu.memory_space<hbm>>) target(%dma_start3A_217 : memref<128x32xf32, #tpu.memory_space<vmem>>) offsets(%dma_start3A_220 : memref<128xi32, #tpu.memory_space<vmem>>) semaphore(%arg17 : memref<!tpu.dma_semaphore, #tpu.memory_space<semaphore_mem>>)
      %dma_wait3A = arith.constant 0 : i32
      %dma_wait3A_224 = arith.constant 0 : i32
      %dma_wait3A_225 = arith.constant 0 : i32
      %dma_wait3A_226 = tpu.memref_slice %arg12[%dma_wait3A_224, %dma_wait3A_225] : memref<1024x32xf32, #tpu.memory_space<vmem>> -> memref<128x32xf32, #tpu.memory_space<vmem>>
      %dma_wait3A_227 = arith.constant 0 : i32
      %dma_wait3A_228 = tpu.memref_slice %arg8[%dma_wait3A, %dma_wait3A_227] : memref<8x128xi32, #tpu.memory_space<vmem>> -> memref<1x128xi32, #tpu.memory_space<vmem>>
      %dma_wait3A_229 = tpu.memref_squeeze %dma_wait3A_228 : memref<1x128xi32, #tpu.memory_space<vmem>> -> memref<128xi32, #tpu.memory_space<vmem>>
      %dma_wait3A_230 = arith.constant 0 : i32
      %dma_wait3A_231 = arith.constant 0 : i32
      %dma_wait3A_232 = tpu.memref_slice %arg2[%dma_wait3A_230, %dma_wait3A_231] : memref<1000000x32xf32, #tpu.memory_space<hbm>> -> memref<1000000x32xf32, #tpu.memory_space<hbm>>
      tpu.wait_indirect_dma semaphore(%arg16 : memref<!tpu.dma_semaphore, #tpu.memory_space<semaphore_mem>>) src(%dma_wait3A_232 : memref<1000000x32xf32, #tpu.memory_space<hbm>>) dst(%dma_wait3A_226 : memref<128x32xf32, #tpu.memory_space<vmem>>)
      %dma_wait3A_233 = arith.constant 1 : i32
      %dma_wait3A_234 = arith.constant 128 : i32
      %dma_wait3A_235 = arith.constant 0 : i32
      %dma_wait3A_236 = tpu.memref_slice %arg12[%dma_wait3A_234, %dma_wait3A_235] : memref<1024x32xf32, #tpu.memory_space<vmem>> -> memref<128x32xf32, #tpu.memory_space<vmem>>
      %dma_wait3A_237 = arith.constant 0 : i32
      %dma_wait3A_238 = tpu.memref_slice %arg8[%dma_wait3A_233, %dma_wait3A_237] : memref<8x128xi32, #tpu.memory_space<vmem>> -> memref<1x128xi32, #tpu.memory_space<vmem>>
      %dma_wait3A_239 = tpu.memref_squeeze %dma_wait3A_238 : memref<1x128xi32, #tpu.memory_space<vmem>> -> memref<128xi32, #tpu.memory_space<vmem>>
      %dma_wait3A_240 = arith.constant 0 : i32
      %dma_wait3A_241 = arith.constant 0 : i32
      %dma_wait3A_242 = tpu.memref_slice %arg2[%dma_wait3A_240, %dma_wait3A_241] : memref<1000000x32xf32, #tpu.memory_space<hbm>> -> memref<1000000x32xf32, #tpu.memory_space<hbm>>
      tpu.wait_indirect_dma semaphore(%arg16 : memref<!tpu.dma_semaphore, #tpu.memory_space<semaphore_mem>>) src(%dma_wait3A_242 : memref<1000000x32xf32, #tpu.memory_space<hbm>>) dst(%dma_wait3A_236 : memref<128x32xf32, #tpu.memory_space<vmem>>)
      %dma_wait3A_243 = arith.constant 2 : i32
      %dma_wait3A_244 = arith.constant 256 : i32
      %dma_wait3A_245 = arith.constant 0 : i32
      %dma_wait3A_246 = tpu.memref_slice %arg12[%dma_wait3A_244, %dma_wait3A_245] : memref<1024x32xf32, #tpu.memory_space<vmem>> -> memref<128x32xf32, #tpu.memory_space<vmem>>
      %dma_wait3A_247 = arith.constant 0 : i32
      %dma_wait3A_248 = tpu.memref_slice %arg8[%dma_wait3A_243, %dma_wait3A_247] : memref<8x128xi32, #tpu.memory_space<vmem>> -> memref<1x128xi32, #tpu.memory_space<vmem>>
      %dma_wait3A_249 = tpu.memref_squeeze %dma_wait3A_248 : memref<1x128xi32, #tpu.memory_space<vmem>> -> memref<128xi32, #tpu.memory_space<vmem>>
      %dma_wait3A_250 = arith.constant 0 : i32
      %dma_wait3A_251 = arith.constant 0 : i32
      %dma_wait3A_252 = tpu.memref_slice %arg2[%dma_wait3A_250, %dma_wait3A_251] : memref<1000000x32xf32, #tpu.memory_space<hbm>> -> memref<1000000x32xf32, #tpu.memory_space<hbm>>
      tpu.wait_indirect_dma semaphore(%arg16 : memref<!tpu.dma_semaphore, #tpu.memory_space<semaphore_mem>>) src(%dma_wait3A_252 : memref<1000000x32xf32, #tpu.memory_space<hbm>>) dst(%dma_wait3A_246 : memref<128x32xf32, #tpu.memory_space<vmem>>)
      %dma_wait3A_253 = arith.constant 3 : i32
      %dma_wait3A_254 = arith.constant 384 : i32
      %dma_wait3A_255 = arith.constant 0 : i32
      %dma_wait3A_256 = tpu.memref_slice %arg12[%dma_wait3A_254, %dma_wait3A_255] : memref<1024x32xf32, #tpu.memory_space<vmem>> -> memref<128x32xf32, #tpu.memory_space<vmem>>
      %dma_wait3A_257 = arith.constant 0 : i32
      %dma_wait3A_258 = tpu.memref_slice %arg8[%dma_wait3A_253, %dma_wait3A_257] : memref<8x128xi32, #tpu.memory_space<vmem>> -> memref<1x128xi32, #tpu.memory_space<vmem>>
      %dma_wait3A_259 = tpu.memref_squeeze %dma_wait3A_258 : memref<1x128xi32, #tpu.memory_space<vmem>> -> memref<128xi32, #tpu.memory_space<vmem>>
      %dma_wait3A_260 = arith.constant 0 : i32
      %dma_wait3A_261 = arith.constant 0 : i32
      %dma_wait3A_262 = tpu.memref_slice %arg2[%dma_wait3A_260, %dma_wait3A_261] : memref<1000000x32xf32, #tpu.memory_space<hbm>> -> memref<1000000x32xf32, #tpu.memory_space<hbm>>
      tpu.wait_indirect_dma semaphore(%arg16 : memref<!tpu.dma_semaphore, #tpu.memory_space<semaphore_mem>>) src(%dma_wait3A_262 : memref<1000000x32xf32, #tpu.memory_space<hbm>>) dst(%dma_wait3A_256 : memref<128x32xf32, #tpu.memory_space<vmem>>)
      %dma_wait3A_263 = arith.constant 4 : i32
      %dma_wait3A_264 = arith.constant 512 : i32
      %dma_wait3A_265 = arith.constant 0 : i32
      %dma_wait3A_266 = tpu.memref_slice %arg12[%dma_wait3A_264, %dma_wait3A_265] : memref<1024x32xf32, #tpu.memory_space<vmem>> -> memref<128x32xf32, #tpu.memory_space<vmem>>
      %dma_wait3A_267 = arith.constant 0 : i32
      %dma_wait3A_268 = tpu.memref_slice %arg8[%dma_wait3A_263, %dma_wait3A_267] : memref<8x128xi32, #tpu.memory_space<vmem>> -> memref<1x128xi32, #tpu.memory_space<vmem>>
      %dma_wait3A_269 = tpu.memref_squeeze %dma_wait3A_268 : memref<1x128xi32, #tpu.memory_space<vmem>> -> memref<128xi32, #tpu.memory_space<vmem>>
      %dma_wait3A_270 = arith.constant 0 : i32
      %dma_wait3A_271 = arith.constant 0 : i32
      %dma_wait3A_272 = tpu.memref_slice %arg2[%dma_wait3A_270, %dma_wait3A_271] : memref<1000000x32xf32, #tpu.memory_space<hbm>> -> memref<1000000x32xf32, #tpu.memory_space<hbm>>
      tpu.wait_indirect_dma semaphore(%arg16 : memref<!tpu.dma_semaphore, #tpu.memory_space<semaphore_mem>>) src(%dma_wait3A_272 : memref<1000000x32xf32, #tpu.memory_space<hbm>>) dst(%dma_wait3A_266 : memref<128x32xf32, #tpu.memory_space<vmem>>)
      %dma_wait3A_273 = arith.constant 5 : i32
      %dma_wait3A_274 = arith.constant 640 : i32
      %dma_wait3A_275 = arith.constant 0 : i32
      %dma_wait3A_276 = tpu.memref_slice %arg12[%dma_wait3A_274, %dma_wait3A_275] : memref<1024x32xf32, #tpu.memory_space<vmem>> -> memref<128x32xf32, #tpu.memory_space<vmem>>
      %dma_wait3A_277 = arith.constant 0 : i32
      %dma_wait3A_278 = tpu.memref_slice %arg8[%dma_wait3A_273, %dma_wait3A_277] : memref<8x128xi32, #tpu.memory_space<vmem>> -> memref<1x128xi32, #tpu.memory_space<vmem>>
      %dma_wait3A_279 = tpu.memref_squeeze %dma_wait3A_278 : memref<1x128xi32, #tpu.memory_space<vmem>> -> memref<128xi32, #tpu.memory_space<vmem>>
      %dma_wait3A_280 = arith.constant 0 : i32
      %dma_wait3A_281 = arith.constant 0 : i32
      %dma_wait3A_282 = tpu.memref_slice %arg2[%dma_wait3A_280, %dma_wait3A_281] : memref<1000000x32xf32, #tpu.memory_space<hbm>> -> memref<1000000x32xf32, #tpu.memory_space<hbm>>
      tpu.wait_indirect_dma semaphore(%arg16 : memref<!tpu.dma_semaphore, #tpu.memory_space<semaphore_mem>>) src(%dma_wait3A_282 : memref<1000000x32xf32, #tpu.memory_space<hbm>>) dst(%dma_wait3A_276 : memref<128x32xf32, #tpu.memory_space<vmem>>)
      %dma_wait3A_283 = arith.constant 6 : i32
      %dma_wait3A_284 = arith.constant 768 : i32
      %dma_wait3A_285 = arith.constant 0 : i32
      %dma_wait3A_286 = tpu.memref_slice %arg12[%dma_wait3A_284, %dma_wait3A_285] : memref<1024x32xf32, #tpu.memory_space<vmem>> -> memref<128x32xf32, #tpu.memory_space<vmem>>
      %dma_wait3A_287 = arith.constant 0 : i32
      %dma_wait3A_288 = tpu.memref_slice %arg8[%dma_wait3A_283, %dma_wait3A_287] : memref<8x128xi32, #tpu.memory_space<vmem>> -> memref<1x128xi32, #tpu.memory_space<vmem>>
      %dma_wait3A_289 = tpu.memref_squeeze %dma_wait3A_288 : memref<1x128xi32, #tpu.memory_space<vmem>> -> memref<128xi32, #tpu.memory_space<vmem>>
      %dma_wait3A_290 = arith.constant 0 : i32
      %dma_wait3A_291 = arith.constant 0 : i32
      %dma_wait3A_292 = tpu.memref_slice %arg2[%dma_wait3A_290, %dma_wait3A_291] : memref<1000000x32xf32, #tpu.memory_space<hbm>> -> memref<1000000x32xf32, #tpu.memory_space<hbm>>
      tpu.wait_indirect_dma semaphore(%arg16 : memref<!tpu.dma_semaphore, #tpu.memory_space<semaphore_mem>>) src(%dma_wait3A_292 : memref<1000000x32xf32, #tpu.memory_space<hbm>>) dst(%dma_wait3A_286 : memref<128x32xf32, #tpu.memory_space<vmem>>)
      %dma_wait3A_293 = arith.constant 7 : i32
      %dma_wait3A_294 = arith.constant 896 : i32
      %dma_wait3A_295 = arith.constant 0 : i32
      %dma_wait3A_296 = tpu.memref_slice %arg12[%dma_wait3A_294, %dma_wait3A_295] : memref<1024x32xf32, #tpu.memory_space<vmem>> -> memref<128x32xf32, #tpu.memory_space<vmem>>
      %dma_wait3A_297 = arith.constant 0 : i32
      %dma_wait3A_298 = tpu.memref_slice %arg8[%dma_wait3A_293, %dma_wait3A_297] : memref<8x128xi32, #tpu.memory_space<vmem>> -> memref<1x128xi32, #tpu.memory_space<vmem>>
      %dma_wait3A_299 = tpu.memref_squeeze %dma_wait3A_298 : memref<1x128xi32, #tpu.memory_space<vmem>> -> memref<128xi32, #tpu.memory_space<vmem>>
      %dma_wait3A_300 = arith.constant 0 : i32
      %dma_wait3A_301 = arith.constant 0 : i32
      %dma_wait3A_302 = tpu.memref_slice %arg2[%dma_wait3A_300, %dma_wait3A_301] : memref<1000000x32xf32, #tpu.memory_space<hbm>> -> memref<1000000x32xf32, #tpu.memory_space<hbm>>
      tpu.wait_indirect_dma semaphore(%arg16 : memref<!tpu.dma_semaphore, #tpu.memory_space<semaphore_mem>>) src(%dma_wait3A_302 : memref<1000000x32xf32, #tpu.memory_space<hbm>>) dst(%dma_wait3A_296 : memref<128x32xf32, #tpu.memory_space<vmem>>)
      %scan3A_303 = arith.constant 0 : i32
      %scan3A_304 = arith.constant 0 : i32
      %scan3A_305 = arith.constant 64 : i32
      %scan3A_306 = arith.addi %scan3A_304, %scan3A_305 : i32
      %scan3A_307 = arith.constant 1 : i32
      %scan3A_308 = scf.for %scan3A_406 = %scan3A_304 to %scan3A_306 step %scan3A_307 iter_args(%scan3A_407 = %scan3A_303) -> (i32)  : i32 {
        %mul3A_408 = arith.constant 16 : i32
        %mul3A_409 = arith.muli %scan3A_406, %mul3A_408 : i32
        %get3A_410 = arith.index_cast %mul3A_409 : i32 to index
        %get3A_411 = tpu.vector_load %arg10[%get3A_410] {strides = array<i32>} : memref<1024xf32, #tpu.memory_space<vmem>>, vector<16xf32>,
        %get3A_412 = vector.shape_cast %get3A_411 : vector<16xf32> to vector<16xf32>
        %add3A_413 = arith.constant 0 : i32
        %add3A_414 = arith.addi %mul3A_409, %add3A_413 : i32
        %slice3A = vector.extract_strided_slice %get3A_412 {offsets = [0], sizes = [1], strides = [1]} : vector<16xf32> to vector<1xf32>
        %squeeze3A = vector.extract %slice3A[0] : f32 from vector<1xf32>
        %add3A_415 = arith.addi %add3A_21, %add3A_414 : i32
        %rem3A_416 = arith.constant 200 : i32
        %rem3A_417 = arith.remsi %add3A_415, %rem3A_416 : i32
        %get3A_418 = arith.index_cast %add3A_414 : i32 to index
        %get3A_419 = arith.constant 0 : index
        %get3A_420 = tpu.vector_load %arg12[%get3A_418, %get3A_419] {strides = array<i32>} : memref<1024x32xf32, #tpu.memory_space<vmem>>, vector<1x16xf32>,
        %get3A_421 = vector.shape_cast %get3A_420 : vector<1x16xf32> to vector<16xf32>
        %mul3A_422 = vector.broadcast %squeeze3A : f32 to vector<16xf32>
        %mul3A_423 = arith.mulf %mul3A_422, %get3A_4 : vector<16xf32>
        %add3A_424 = arith.addf %get3A_421, %mul3A_423 : vector<16xf32>
        %get3A_425 = arith.index_cast %rem3A_417 : i32 to index
        %get3A_426 = arith.constant 0 : index
        %get3A_427 = tpu.vector_load %arg14[%get3A_425, %get3A_426] {strides = array<i32>} : memref<200x32xf32, #tpu.memory_space<vmem>>, vector<1x16xf32>,
        %get3A_428 = vector.shape_cast %get3A_427 : vector<1x16xf32> to vector<16xf32>
        %add3A_429 = arith.addf %add3A_424, %get3A_428 : vector<16xf32>
        %swap3A = arith.index_cast %add3A_414 : i32 to index
        %swap3A_430 = arith.constant 0 : index
        %swap3A_431 = tpu.vector_load %arg12[%swap3A, %swap3A_430] {strides = array<i32>} : memref<1024x32xf32, #tpu.memory_space<vmem>>, vector<1x16xf32>,
        %swap3A_432 = vector.shape_cast %swap3A_431 : vector<1x16xf32> to vector<16xf32>
        %swap3A_433 = vector.shape_cast %add3A_429 : vector<16xf32> to vector<1x16xf32>
        tpu.vector_store %arg12[%swap3A, %swap3A_430], %swap3A_433 {strides = array<i32>} : memref<1024x32xf32, #tpu.memory_space<vmem>>, vector<1x16xf32>,
        %get3A_434 = arith.index_cast %add3A_414 : i32 to index
        %get3A_435 = arith.constant 16 : index
        %get3A_436 = tpu.vector_load %arg12[%get3A_434, %get3A_435] {strides = array<i32>} : memref<1024x32xf32, #tpu.memory_space<vmem>>, vector<1x16xf32>,
        %get3A_437 = vector.shape_cast %get3A_436 : vector<1x16xf32> to vector<16xf32>
        %mul3A_438 = vector.broadcast %squeeze3A : f32 to vector<16xf32>
        %mul3A_439 = arith.mulf %mul3A_438, %get3A_7 : vector<16xf32>
        %add3A_440 = arith.addf %get3A_437, %mul3A_439 : vector<16xf32>
        %get3A_441 = arith.index_cast %rem3A_417 : i32 to index
        %get3A_442 = arith.constant 16 : index
        %get3A_443 = tpu.vector_load %arg14[%get3A_441, %get3A_442] {strides = array<i32>} : memref<200x32xf32, #tpu.memory_space<vmem>>, vector<1x16xf32>,
        %get3A_444 = vector.shape_cast %get3A_443 : vector<1x16xf32> to vector<16xf32>
        %add3A_445 = arith.addf %add3A_440, %get3A_444 : vector<16xf32>
        %swap3A_446 = arith.index_cast %add3A_414 : i32 to index
        %swap3A_447 = arith.constant 16 : index
        %swap3A_448 = tpu.vector_load %arg12[%swap3A_446, %swap3A_447] {strides = array<i32>} : memref<1024x32xf32, #tpu.memory_space<vmem>>, vector<1x16xf32>,
        %swap3A_449 = vector.shape_cast %swap3A_448 : vector<1x16xf32> to vector<16xf32>
        %swap3A_450 = vector.shape_cast %add3A_445 : vector<16xf32> to vector<1x16xf32>
        tpu.vector_store %arg12[%swap3A_446, %swap3A_447], %swap3A_450 {strides = array<i32>} : memref<1024x32xf32, #tpu.memory_space<vmem>>, vector<1x16xf32>,
        %add3A_451 = arith.constant 1 : i32
        %add3A_452 = arith.addi %mul3A_409, %add3A_451 : i32
        %slice3A_453 = vector.extract_strided_slice %get3A_412 {offsets = [1], sizes = [1], strides = [1]} : vector<16xf32> to vector<1xf32>
        %squeeze3A_454 = vector.extract %slice3A_453[0] : f32 from vector<1xf32>
        %add3A_455 = arith.addi %add3A_21, %add3A_452 : i32
        %rem3A_456 = arith.constant 200 : i32
        %rem3A_457 = arith.remsi %add3A_455, %rem3A_456 : i32
        %get3A_458 = arith.index_cast %add3A_452 : i32 to index
        %get3A_459 = arith.constant 0 : index
        %get3A_460 = tpu.vector_load %arg12[%get3A_458, %get3A_459] {strides = array<i32>} : memref<1024x32xf32, #tpu.memory_space<vmem>>, vector<1x16xf32>,
        %get3A_461 = vector.shape_cast %get3A_460 : vector<1x16xf32> to vector<16xf32>
        %mul3A_462 = vector.broadcast %squeeze3A_454 : f32 to vector<16xf32>
        %mul3A_463 = arith.mulf %mul3A_462, %get3A_4 : vector<16xf32>
        %add3A_464 = arith.addf %get3A_461, %mul3A_463 : vector<16xf32>
        %get3A_465 = arith.index_cast %rem3A_457 : i32 to index
        %get3A_466 = arith.constant 0 : index
        %get3A_467 = tpu.vector_load %arg14[%get3A_465, %get3A_466] {strides = array<i32>} : memref<200x32xf32, #tpu.memory_space<vmem>>, vector<1x16xf32>,
        %get3A_468 = vector.shape_cast %get3A_467 : vector<1x16xf32> to vector<16xf32>
        %add3A_469 = arith.addf %add3A_464, %get3A_468 : vector<16xf32>
        %swap3A_470 = arith.index_cast %add3A_452 : i32 to index
        %swap3A_471 = arith.constant 0 : index
        %swap3A_472 = tpu.vector_load %arg12[%swap3A_470, %swap3A_471] {strides = array<i32>} : memref<1024x32xf32, #tpu.memory_space<vmem>>, vector<1x16xf32>,
        %swap3A_473 = vector.shape_cast %swap3A_472 : vector<1x16xf32> to vector<16xf32>
        %swap3A_474 = vector.shape_cast %add3A_469 : vector<16xf32> to vector<1x16xf32>
        tpu.vector_store %arg12[%swap3A_470, %swap3A_471], %swap3A_474 {strides = array<i32>} : memref<1024x32xf32, #tpu.memory_space<vmem>>, vector<1x16xf32>,
        %get3A_475 = arith.index_cast %add3A_452 : i32 to index
        %get3A_476 = arith.constant 16 : index
        %get3A_477 = tpu.vector_load %arg12[%get3A_475, %get3A_476] {strides = array<i32>} : memref<1024x32xf32, #tpu.memory_space<vmem>>, vector<1x16xf32>,
        %get3A_478 = vector.shape_cast %get3A_477 : vector<1x16xf32> to vector<16xf32>
        %mul3A_479 = vector.broadcast %squeeze3A_454 : f32 to vector<16xf32>
        %mul3A_480 = arith.mulf %mul3A_479, %get3A_7 : vector<16xf32>
        %add3A_481 = arith.addf %get3A_478, %mul3A_480 : vector<16xf32>
        %get3A_482 = arith.index_cast %rem3A_457 : i32 to index
        %get3A_483 = arith.constant 16 : index
        %get3A_484 = tpu.vector_load %arg14[%get3A_482, %get3A_483] {strides = array<i32>} : memref<200x32xf32, #tpu.memory_space<vmem>>, vector<1x16xf32>,
        %get3A_485 = vector.shape_cast %get3A_484 : vector<1x16xf32> to vector<16xf32>
        %add3A_486 = arith.addf %add3A_481, %get3A_485 : vector<16xf32>
        %swap3A_487 = arith.index_cast %add3A_452 : i32 to index
        %swap3A_488 = arith.constant 16 : index
        %swap3A_489 = tpu.vector_load %arg12[%swap3A_487, %swap3A_488] {strides = array<i32>} : memref<1024x32xf32, #tpu.memory_space<vmem>>, vector<1x16xf32>,
        %swap3A_490 = vector.shape_cast %swap3A_489 : vector<1x16xf32> to vector<16xf32>
        %swap3A_491 = vector.shape_cast %add3A_486 : vector<16xf32> to vector<1x16xf32>
        tpu.vector_store %arg12[%swap3A_487, %swap3A_488], %swap3A_491 {strides = array<i32>} : memref<1024x32xf32, #tpu.memory_space<vmem>>, vector<1x16xf32>,
        %add3A_492 = arith.constant 2 : i32
        %add3A_493 = arith.addi %mul3A_409, %add3A_492 : i32
        %slice3A_494 = vector.extract_strided_slice %get3A_412 {offsets = [2], sizes = [1], strides = [1]} : vector<16xf32> to vector<1xf32>
        %squeeze3A_495 = vector.extract %slice3A_494[0] : f32 from vector<1xf32>
        %add3A_496 = arith.addi %add3A_21, %add3A_493 : i32
        %rem3A_497 = arith.constant 200 : i32
        %rem3A_498 = arith.remsi %add3A_496, %rem3A_497 : i32
        %get3A_499 = arith.index_cast %add3A_493 : i32 to index
        %get3A_500 = arith.constant 0 : index
        %get3A_501 = tpu.vector_load %arg12[%get3A_499, %get3A_500] {strides = array<i32>} : memref<1024x32xf32, #tpu.memory_space<vmem>>, vector<1x16xf32>,
        %get3A_502 = vector.shape_cast %get3A_501 : vector<1x16xf32> to vector<16xf32>
        %mul3A_503 = vector.broadcast %squeeze3A_495 : f32 to vector<16xf32>
        %mul3A_504 = arith.mulf %mul3A_503, %get3A_4 : vector<16xf32>
        %add3A_505 = arith.addf %get3A_502, %mul3A_504 : vector<16xf32>
        %get3A_506 = arith.index_cast %rem3A_498 : i32 to index
        %get3A_507 = arith.constant 0 : index
        %get3A_508 = tpu.vector_load %arg14[%get3A_506, %get3A_507] {strides = array<i32>} : memref<200x32xf32, #tpu.memory_space<vmem>>, vector<1x16xf32>,
        %get3A_509 = vector.shape_cast %get3A_508 : vector<1x16xf32> to vector<16xf32>
        %add3A_510 = arith.addf %add3A_505, %get3A_509 : vector<16xf32>
        %swap3A_511 = arith.index_cast %add3A_493 : i32 to index
        %swap3A_512 = arith.constant 0 : index
        %swap3A_513 = tpu.vector_load %arg12[%swap3A_511, %swap3A_512] {strides = array<i32>} : memref<1024x32xf32, #tpu.memory_space<vmem>>, vector<1x16xf32>,
        %swap3A_514 = vector.shape_cast %swap3A_513 : vector<1x16xf32> to vector<16xf32>
        %swap3A_515 = vector.shape_cast %add3A_510 : vector<16xf32> to vector<1x16xf32>
        tpu.vector_store %arg12[%swap3A_511, %swap3A_512], %swap3A_515 {strides = array<i32>} : memref<1024x32xf32, #tpu.memory_space<vmem>>, vector<1x16xf32>,
        %get3A_516 = arith.index_cast %add3A_493 : i32 to index
        %get3A_517 = arith.constant 16 : index
        %get3A_518 = tpu.vector_load %arg12[%get3A_516, %get3A_517] {strides = array<i32>} : memref<1024x32xf32, #tpu.memory_space<vmem>>, vector<1x16xf32>,
        %get3A_519 = vector.shape_cast %get3A_518 : vector<1x16xf32> to vector<16xf32>
        %mul3A_520 = vector.broadcast %squeeze3A_495 : f32 to vector<16xf32>
        %mul3A_521 = arith.mulf %mul3A_520, %get3A_7 : vector<16xf32>
        %add3A_522 = arith.addf %get3A_519, %mul3A_521 : vector<16xf32>
        %get3A_523 = arith.index_cast %rem3A_498 : i32 to index
        %get3A_524 = arith.constant 16 : index
        %get3A_525 = tpu.vector_load %arg14[%get3A_523, %get3A_524] {strides = array<i32>} : memref<200x32xf32, #tpu.memory_space<vmem>>, vector<1x16xf32>,
        %get3A_526 = vector.shape_cast %get3A_525 : vector<1x16xf32> to vector<16xf32>
        %add3A_527 = arith.addf %add3A_522, %get3A_526 : vector<16xf32>
        %swap3A_528 = arith.index_cast %add3A_493 : i32 to index
        %swap3A_529 = arith.constant 16 : index
        %swap3A_530 = tpu.vector_load %arg12[%swap3A_528, %swap3A_529] {strides = array<i32>} : memref<1024x32xf32, #tpu.memory_space<vmem>>, vector<1x16xf32>,
        %swap3A_531 = vector.shape_cast %swap3A_530 : vector<1x16xf32> to vector<16xf32>
        %swap3A_532 = vector.shape_cast %add3A_527 : vector<16xf32> to vector<1x16xf32>
        tpu.vector_store %arg12[%swap3A_528, %swap3A_529], %swap3A_532 {strides = array<i32>} : memref<1024x32xf32, #tpu.memory_space<vmem>>, vector<1x16xf32>,
        %add3A_533 = arith.constant 3 : i32
        %add3A_534 = arith.addi %mul3A_409, %add3A_533 : i32
        %slice3A_535 = vector.extract_strided_slice %get3A_412 {offsets = [3], sizes = [1], strides = [1]} : vector<16xf32> to vector<1xf32>
        %squeeze3A_536 = vector.extract %slice3A_535[0] : f32 from vector<1xf32>
        %add3A_537 = arith.addi %add3A_21, %add3A_534 : i32
        %rem3A_538 = arith.constant 200 : i32
        %rem3A_539 = arith.remsi %add3A_537, %rem3A_538 : i32
        %get3A_540 = arith.index_cast %add3A_534 : i32 to index
        %get3A_541 = arith.constant 0 : index
        %get3A_542 = tpu.vector_load %arg12[%get3A_540, %get3A_541] {strides = array<i32>} : memref<1024x32xf32, #tpu.memory_space<vmem>>, vector<1x16xf32>,
        %get3A_543 = vector.shape_cast %get3A_542 : vector<1x16xf32> to vector<16xf32>
        %mul3A_544 = vector.broadcast %squeeze3A_536 : f32 to vector<16xf32>
        %mul3A_545 = arith.mulf %mul3A_544, %get3A_4 : vector<16xf32>
        %add3A_546 = arith.addf %get3A_543, %mul3A_545 : vector<16xf32>
        %get3A_547 = arith.index_cast %rem3A_539 : i32 to index
        %get3A_548 = arith.constant 0 : index
        %get3A_549 = tpu.vector_load %arg14[%get3A_547, %get3A_548] {strides = array<i32>} : memref<200x32xf32, #tpu.memory_space<vmem>>, vector<1x16xf32>,
        %get3A_550 = vector.shape_cast %get3A_549 : vector<1x16xf32> to vector<16xf32>
        %add3A_551 = arith.addf %add3A_546, %get3A_550 : vector<16xf32>
        %swap3A_552 = arith.index_cast %add3A_534 : i32 to index
        %swap3A_553 = arith.constant 0 : index
        %swap3A_554 = tpu.vector_load %arg12[%swap3A_552, %swap3A_553] {strides = array<i32>} : memref<1024x32xf32, #tpu.memory_space<vmem>>, vector<1x16xf32>,
        %swap3A_555 = vector.shape_cast %swap3A_554 : vector<1x16xf32> to vector<16xf32>
        %swap3A_556 = vector.shape_cast %add3A_551 : vector<16xf32> to vector<1x16xf32>
        tpu.vector_store %arg12[%swap3A_552, %swap3A_553], %swap3A_556 {strides = array<i32>} : memref<1024x32xf32, #tpu.memory_space<vmem>>, vector<1x16xf32>,
        %get3A_557 = arith.index_cast %add3A_534 : i32 to index
        %get3A_558 = arith.constant 16 : index
        %get3A_559 = tpu.vector_load %arg12[%get3A_557, %get3A_558] {strides = array<i32>} : memref<1024x32xf32, #tpu.memory_space<vmem>>, vector<1x16xf32>,
        %get3A_560 = vector.shape_cast %get3A_559 : vector<1x16xf32> to vector<16xf32>
        %mul3A_561 = vector.broadcast %squeeze3A_536 : f32 to vector<16xf32>
        %mul3A_562 = arith.mulf %mul3A_561, %get3A_7 : vector<16xf32>
        %add3A_563 = arith.addf %get3A_560, %mul3A_562 : vector<16xf32>
        %get3A_564 = arith.index_cast %rem3A_539 : i32 to index
        %get3A_565 = arith.constant 16 : index
        %get3A_566 = tpu.vector_load %arg14[%get3A_564, %get3A_565] {strides = array<i32>} : memref<200x32xf32, #tpu.memory_space<vmem>>, vector<1x16xf32>,
        %get3A_567 = vector.shape_cast %get3A_566 : vector<1x16xf32> to vector<16xf32>
        %add3A_568 = arith.addf %add3A_563, %get3A_567 : vector<16xf32>
        %swap3A_569 = arith.index_cast %add3A_534 : i32 to index
        %swap3A_570 = arith.constant 16 : index
        %swap3A_571 = tpu.vector_load %arg12[%swap3A_569, %swap3A_570] {strides = array<i32>} : memref<1024x32xf32, #tpu.memory_space<vmem>>, vector<1x16xf32>,
        %swap3A_572 = vector.shape_cast %swap3A_571 : vector<1x16xf32> to vector<16xf32>
        %swap3A_573 = vector.shape_cast %add3A_568 : vector<16xf32> to vector<1x16xf32>
        tpu.vector_store %arg12[%swap3A_569, %swap3A_570], %swap3A_573 {strides = array<i32>} : memref<1024x32xf32, #tpu.memory_space<vmem>>, vector<1x16xf32>,
        %add3A_574 = arith.constant 4 : i32
        %add3A_575 = arith.addi %mul3A_409, %add3A_574 : i32
        %slice3A_576 = vector.extract_strided_slice %get3A_412 {offsets = [4], sizes = [1], strides = [1]} : vector<16xf32> to vector<1xf32>
        %squeeze3A_577 = vector.extract %slice3A_576[0] : f32 from vector<1xf32>
        %add3A_578 = arith.addi %add3A_21, %add3A_575 : i32
        %rem3A_579 = arith.constant 200 : i32
        %rem3A_580 = arith.remsi %add3A_578, %rem3A_579 : i32
        %get3A_581 = arith.index_cast %add3A_575 : i32 to index
        %get3A_582 = arith.constant 0 : index
        %get3A_583 = tpu.vector_load %arg12[%get3A_581, %get3A_582] {strides = array<i32>} : memref<1024x32xf32, #tpu.memory_space<vmem>>, vector<1x16xf32>,
        %get3A_584 = vector.shape_cast %get3A_583 : vector<1x16xf32> to vector<16xf32>
        %mul3A_585 = vector.broadcast %squeeze3A_577 : f32 to vector<16xf32>
        %mul3A_586 = arith.mulf %mul3A_585, %get3A_4 : vector<16xf32>
        %add3A_587 = arith.addf %get3A_584, %mul3A_586 : vector<16xf32>
        %get3A_588 = arith.index_cast %rem3A_580 : i32 to index
        %get3A_589 = arith.constant 0 : index
        %get3A_590 = tpu.vector_load %arg14[%get3A_588, %get3A_589] {strides = array<i32>} : memref<200x32xf32, #tpu.memory_space<vmem>>, vector<1x16xf32>,
        %get3A_591 = vector.shape_cast %get3A_590 : vector<1x16xf32> to vector<16xf32>
        %add3A_592 = arith.addf %add3A_587, %get3A_591 : vector<16xf32>
        %swap3A_593 = arith.index_cast %add3A_575 : i32 to index
        %swap3A_594 = arith.constant 0 : index
        %swap3A_595 = tpu.vector_load %arg12[%swap3A_593, %swap3A_594] {strides = array<i32>} : memref<1024x32xf32, #tpu.memory_space<vmem>>, vector<1x16xf32>,
        %swap3A_596 = vector.shape_cast %swap3A_595 : vector<1x16xf32> to vector<16xf32>
        %swap3A_597 = vector.shape_cast %add3A_592 : vector<16xf32> to vector<1x16xf32>
        tpu.vector_store %arg12[%swap3A_593, %swap3A_594], %swap3A_597 {strides = array<i32>} : memref<1024x32xf32, #tpu.memory_space<vmem>>, vector<1x16xf32>,
        %get3A_598 = arith.index_cast %add3A_575 : i32 to index
        %get3A_599 = arith.constant 16 : index
        %get3A_600 = tpu.vector_load %arg12[%get3A_598, %get3A_599] {strides = array<i32>} : memref<1024x32xf32, #tpu.memory_space<vmem>>, vector<1x16xf32>,
        %get3A_601 = vector.shape_cast %get3A_600 : vector<1x16xf32> to vector<16xf32>
        %mul3A_602 = vector.broadcast %squeeze3A_577 : f32 to vector<16xf32>
        %mul3A_603 = arith.mulf %mul3A_602, %get3A_7 : vector<16xf32>
        %add3A_604 = arith.addf %get3A_601, %mul3A_603 : vector<16xf32>
        %get3A_605 = arith.index_cast %rem3A_580 : i32 to index
        %get3A_606 = arith.constant 16 : index
        %get3A_607 = tpu.vector_load %arg14[%get3A_605, %get3A_606] {strides = array<i32>} : memref<200x32xf32, #tpu.memory_space<vmem>>, vector<1x16xf32>,
        %get3A_608 = vector.shape_cast %get3A_607 : vector<1x16xf32> to vector<16xf32>
        %add3A_609 = arith.addf %add3A_604, %get3A_608 : vector<16xf32>
        %swap3A_610 = arith.index_cast %add3A_575 : i32 to index
        %swap3A_611 = arith.constant 16 : index
        %swap3A_612 = tpu.vector_load %arg12[%swap3A_610, %swap3A_611] {strides = array<i32>} : memref<1024x32xf32, #tpu.memory_space<vmem>>, vector<1x16xf32>,
        %swap3A_613 = vector.shape_cast %swap3A_612 : vector<1x16xf32> to vector<16xf32>
        %swap3A_614 = vector.shape_cast %add3A_609 : vector<16xf32> to vector<1x16xf32>
        tpu.vector_store %arg12[%swap3A_610, %swap3A_611], %swap3A_614 {strides = array<i32>} : memref<1024x32xf32, #tpu.memory_space<vmem>>, vector<1x16xf32>,
        %add3A_615 = arith.constant 5 : i32
        %add3A_616 = arith.addi %mul3A_409, %add3A_615 : i32
        %slice3A_617 = vector.extract_strided_slice %get3A_412 {offsets = [5], sizes = [1], strides = [1]} : vector<16xf32> to vector<1xf32>
        %squeeze3A_618 = vector.extract %slice3A_617[0] : f32 from vector<1xf32>
        %add3A_619 = arith.addi %add3A_21, %add3A_616 : i32
        %rem3A_620 = arith.constant 200 : i32
        %rem3A_621 = arith.remsi %add3A_619, %rem3A_620 : i32
        %get3A_622 = arith.index_cast %add3A_616 : i32 to index
        %get3A_623 = arith.constant 0 : index
        %get3A_624 = tpu.vector_load %arg12[%get3A_622, %get3A_623] {strides = array<i32>} : memref<1024x32xf32, #tpu.memory_space<vmem>>, vector<1x16xf32>,
        %get3A_625 = vector.shape_cast %get3A_624 : vector<1x16xf32> to vector<16xf32>
        %mul3A_626 = vector.broadcast %squeeze3A_618 : f32 to vector<16xf32>
        %mul3A_627 = arith.mulf %mul3A_626, %get3A_4 : vector<16xf32>
        %add3A_628 = arith.addf %get3A_625, %mul3A_627 : vector<16xf32>
        %get3A_629 = arith.index_cast %rem3A_621 : i32 to index
        %get3A_630 = arith.constant 0 : index
        %get3A_631 = tpu.vector_load %arg14[%get3A_629, %get3A_630] {strides = array<i32>} : memref<200x32xf32, #tpu.memory_space<vmem>>, vector<1x16xf32>,
        %get3A_632 = vector.shape_cast %get3A_631 : vector<1x16xf32> to vector<16xf32>
        %add3A_633 = arith.addf %add3A_628, %get3A_632 : vector<16xf32>
        %swap3A_634 = arith.index_cast %add3A_616 : i32 to index
        %swap3A_635 = arith.constant 0 : index
        %swap3A_636 = tpu.vector_load %arg12[%swap3A_634, %swap3A_635] {strides = array<i32>} : memref<1024x32xf32, #tpu.memory_space<vmem>>, vector<1x16xf32>,
        %swap3A_637 = vector.shape_cast %swap3A_636 : vector<1x16xf32> to vector<16xf32>
        %swap3A_638 = vector.shape_cast %add3A_633 : vector<16xf32> to vector<1x16xf32>
        tpu.vector_store %arg12[%swap3A_634, %swap3A_635], %swap3A_638 {strides = array<i32>} : memref<1024x32xf32, #tpu.memory_space<vmem>>, vector<1x16xf32>,
        %get3A_639 = arith.index_cast %add3A_616 : i32 to index
        %get3A_640 = arith.constant 16 : index
        %get3A_641 = tpu.vector_load %arg12[%get3A_639, %get3A_640] {strides = array<i32>} : memref<1024x32xf32, #tpu.memory_space<vmem>>, vector<1x16xf32>,
        %get3A_642 = vector.shape_cast %get3A_641 : vector<1x16xf32> to vector<16xf32>
        %mul3A_643 = vector.broadcast %squeeze3A_618 : f32 to vector<16xf32>
        %mul3A_644 = arith.mulf %mul3A_643, %get3A_7 : vector<16xf32>
        %add3A_645 = arith.addf %get3A_642, %mul3A_644 : vector<16xf32>
        %get3A_646 = arith.index_cast %rem3A_621 : i32 to index
        %get3A_647 = arith.constant 16 : index
        %get3A_648 = tpu.vector_load %arg14[%get3A_646, %get3A_647] {strides = array<i32>} : memref<200x32xf32, #tpu.memory_space<vmem>>, vector<1x16xf32>,
        %get3A_649 = vector.shape_cast %get3A_648 : vector<1x16xf32> to vector<16xf32>
        %add3A_650 = arith.addf %add3A_645, %get3A_649 : vector<16xf32>
        %swap3A_651 = arith.index_cast %add3A_616 : i32 to index
        %swap3A_652 = arith.constant 16 : index
        %swap3A_653 = tpu.vector_load %arg12[%swap3A_651, %swap3A_652] {strides = array<i32>} : memref<1024x32xf32, #tpu.memory_space<vmem>>, vector<1x16xf32>,
        %swap3A_654 = vector.shape_cast %swap3A_653 : vector<1x16xf32> to vector<16xf32>
        %swap3A_655 = vector.shape_cast %add3A_650 : vector<16xf32> to vector<1x16xf32>
        tpu.vector_store %arg12[%swap3A_651, %swap3A_652], %swap3A_655 {strides = array<i32>} : memref<1024x32xf32, #tpu.memory_space<vmem>>, vector<1x16xf32>,
        %add3A_656 = arith.constant 6 : i32
        %add3A_657 = arith.addi %mul3A_409, %add3A_656 : i32
        %slice3A_658 = vector.extract_strided_slice %get3A_412 {offsets = [6], sizes = [1], strides = [1]} : vector<16xf32> to vector<1xf32>
        %squeeze3A_659 = vector.extract %slice3A_658[0] : f32 from vector<1xf32>
        %add3A_660 = arith.addi %add3A_21, %add3A_657 : i32
        %rem3A_661 = arith.constant 200 : i32
        %rem3A_662 = arith.remsi %add3A_660, %rem3A_661 : i32
        %get3A_663 = arith.index_cast %add3A_657 : i32 to index
        %get3A_664 = arith.constant 0 : index
        %get3A_665 = tpu.vector_load %arg12[%get3A_663, %get3A_664] {strides = array<i32>} : memref<1024x32xf32, #tpu.memory_space<vmem>>, vector<1x16xf32>,
        %get3A_666 = vector.shape_cast %get3A_665 : vector<1x16xf32> to vector<16xf32>
        %mul3A_667 = vector.broadcast %squeeze3A_659 : f32 to vector<16xf32>
        %mul3A_668 = arith.mulf %mul3A_667, %get3A_4 : vector<16xf32>
        %add3A_669 = arith.addf %get3A_666, %mul3A_668 : vector<16xf32>
        %get3A_670 = arith.index_cast %rem3A_662 : i32 to index
        %get3A_671 = arith.constant 0 : index
        %get3A_672 = tpu.vector_load %arg14[%get3A_670, %get3A_671] {strides = array<i32>} : memref<200x32xf32, #tpu.memory_space<vmem>>, vector<1x16xf32>,
        %get3A_673 = vector.shape_cast %get3A_672 : vector<1x16xf32> to vector<16xf32>
        %add3A_674 = arith.addf %add3A_669, %get3A_673 : vector<16xf32>
        %swap3A_675 = arith.index_cast %add3A_657 : i32 to index
        %swap3A_676 = arith.constant 0 : index
        %swap3A_677 = tpu.vector_load %arg12[%swap3A_675, %swap3A_676] {strides = array<i32>} : memref<1024x32xf32, #tpu.memory_space<vmem>>, vector<1x16xf32>,
        %swap3A_678 = vector.shape_cast %swap3A_677 : vector<1x16xf32> to vector<16xf32>
        %swap3A_679 = vector.shape_cast %add3A_674 : vector<16xf32> to vector<1x16xf32>
        tpu.vector_store %arg12[%swap3A_675, %swap3A_676], %swap3A_679 {strides = array<i32>} : memref<1024x32xf32, #tpu.memory_space<vmem>>, vector<1x16xf32>,
        %get3A_680 = arith.index_cast %add3A_657 : i32 to index
        %get3A_681 = arith.constant 16 : index
        %get3A_682 = tpu.vector_load %arg12[%get3A_680, %get3A_681] {strides = array<i32>} : memref<1024x32xf32, #tpu.memory_space<vmem>>, vector<1x16xf32>,
        %get3A_683 = vector.shape_cast %get3A_682 : vector<1x16xf32> to vector<16xf32>
        %mul3A_684 = vector.broadcast %squeeze3A_659 : f32 to vector<16xf32>
        %mul3A_685 = arith.mulf %mul3A_684, %get3A_7 : vector<16xf32>
        %add3A_686 = arith.addf %get3A_683, %mul3A_685 : vector<16xf32>
        %get3A_687 = arith.index_cast %rem3A_662 : i32 to index
        %get3A_688 = arith.constant 16 : index
        %get3A_689 = tpu.vector_load %arg14[%get3A_687, %get3A_688] {strides = array<i32>} : memref<200x32xf32, #tpu.memory_space<vmem>>, vector<1x16xf32>,
        %get3A_690 = vector.shape_cast %get3A_689 : vector<1x16xf32> to vector<16xf32>
        %add3A_691 = arith.addf %add3A_686, %get3A_690 : vector<16xf32>
        %swap3A_692 = arith.index_cast %add3A_657 : i32 to index
        %swap3A_693 = arith.constant 16 : index
        %swap3A_694 = tpu.vector_load %arg12[%swap3A_692, %swap3A_693] {strides = array<i32>} : memref<1024x32xf32, #tpu.memory_space<vmem>>, vector<1x16xf32>,
        %swap3A_695 = vector.shape_cast %swap3A_694 : vector<1x16xf32> to vector<16xf32>
        %swap3A_696 = vector.shape_cast %add3A_691 : vector<16xf32> to vector<1x16xf32>
        tpu.vector_store %arg12[%swap3A_692, %swap3A_693], %swap3A_696 {strides = array<i32>} : memref<1024x32xf32, #tpu.memory_space<vmem>>, vector<1x16xf32>,
        %add3A_697 = arith.constant 7 : i32
        %add3A_698 = arith.addi %mul3A_409, %add3A_697 : i32
        %slice3A_699 = vector.extract_strided_slice %get3A_412 {offsets = [7], sizes = [1], strides = [1]} : vector<16xf32> to vector<1xf32>
        %squeeze3A_700 = vector.extract %slice3A_699[0] : f32 from vector<1xf32>
        %add3A_701 = arith.addi %add3A_21, %add3A_698 : i32
        %rem3A_702 = arith.constant 200 : i32
        %rem3A_703 = arith.remsi %add3A_701, %rem3A_702 : i32
        %get3A_704 = arith.index_cast %add3A_698 : i32 to index
        %get3A_705 = arith.constant 0 : index
        %get3A_706 = tpu.vector_load %arg12[%get3A_704, %get3A_705] {strides = array<i32>} : memref<1024x32xf32, #tpu.memory_space<vmem>>, vector<1x16xf32>,
        %get3A_707 = vector.shape_cast %get3A_706 : vector<1x16xf32> to vector<16xf32>
        %mul3A_708 = vector.broadcast %squeeze3A_700 : f32 to vector<16xf32>
        %mul3A_709 = arith.mulf %mul3A_708, %get3A_4 : vector<16xf32>
        %add3A_710 = arith.addf %get3A_707, %mul3A_709 : vector<16xf32>
        %get3A_711 = arith.index_cast %rem3A_703 : i32 to index
        %get3A_712 = arith.constant 0 : index
        %get3A_713 = tpu.vector_load %arg14[%get3A_711, %get3A_712] {strides = array<i32>} : memref<200x32xf32, #tpu.memory_space<vmem>>, vector<1x16xf32>,
        %get3A_714 = vector.shape_cast %get3A_713 : vector<1x16xf32> to vector<16xf32>
        %add3A_715 = arith.addf %add3A_710, %get3A_714 : vector<16xf32>
        %swap3A_716 = arith.index_cast %add3A_698 : i32 to index
        %swap3A_717 = arith.constant 0 : index
        %swap3A_718 = tpu.vector_load %arg12[%swap3A_716, %swap3A_717] {strides = array<i32>} : memref<1024x32xf32, #tpu.memory_space<vmem>>, vector<1x16xf32>,
        %swap3A_719 = vector.shape_cast %swap3A_718 : vector<1x16xf32> to vector<16xf32>
        %swap3A_720 = vector.shape_cast %add3A_715 : vector<16xf32> to vector<1x16xf32>
        tpu.vector_store %arg12[%swap3A_716, %swap3A_717], %swap3A_720 {strides = array<i32>} : memref<1024x32xf32, #tpu.memory_space<vmem>>, vector<1x16xf32>,
        %get3A_721 = arith.index_cast %add3A_698 : i32 to index
        %get3A_722 = arith.constant 16 : index
        %get3A_723 = tpu.vector_load %arg12[%get3A_721, %get3A_722] {strides = array<i32>} : memref<1024x32xf32, #tpu.memory_space<vmem>>, vector<1x16xf32>,
        %get3A_724 = vector.shape_cast %get3A_723 : vector<1x16xf32> to vector<16xf32>
        %mul3A_725 = vector.broadcast %squeeze3A_700 : f32 to vector<16xf32>
        %mul3A_726 = arith.mulf %mul3A_725, %get3A_7 : vector<16xf32>
        %add3A_727 = arith.addf %get3A_724, %mul3A_726 : vector<16xf32>
        %get3A_728 = arith.index_cast %rem3A_703 : i32 to index
        %get3A_729 = arith.constant 16 : index
        %get3A_730 = tpu.vector_load %arg14[%get3A_728, %get3A_729] {strides = array<i32>} : memref<200x32xf32, #tpu.memory_space<vmem>>, vector<1x16xf32>,
        %get3A_731 = vector.shape_cast %get3A_730 : vector<1x16xf32> to vector<16xf32>
        %add3A_732 = arith.addf %add3A_727, %get3A_731 : vector<16xf32>
        %swap3A_733 = arith.index_cast %add3A_698 : i32 to index
        %swap3A_734 = arith.constant 16 : index
        %swap3A_735 = tpu.vector_load %arg12[%swap3A_733, %swap3A_734] {strides = array<i32>} : memref<1024x32xf32, #tpu.memory_space<vmem>>, vector<1x16xf32>,
        %swap3A_736 = vector.shape_cast %swap3A_735 : vector<1x16xf32> to vector<16xf32>
        %swap3A_737 = vector.shape_cast %add3A_732 : vector<16xf32> to vector<1x16xf32>
        tpu.vector_store %arg12[%swap3A_733, %swap3A_734], %swap3A_737 {strides = array<i32>} : memref<1024x32xf32, #tpu.memory_space<vmem>>, vector<1x16xf32>,
        %add3A_738 = arith.constant 8 : i32
        %add3A_739 = arith.addi %mul3A_409, %add3A_738 : i32
        %slice3A_740 = vector.extract_strided_slice %get3A_412 {offsets = [8], sizes = [1], strides = [1]} : vector<16xf32> to vector<1xf32>
        %squeeze3A_741 = vector.extract %slice3A_740[0] : f32 from vector<1xf32>
        %add3A_742 = arith.addi %add3A_21, %add3A_739 : i32
        %rem3A_743 = arith.constant 200 : i32
        %rem3A_744 = arith.remsi %add3A_742, %rem3A_743 : i32
        %get3A_745 = arith.index_cast %add3A_739 : i32 to index
        %get3A_746 = arith.constant 0 : index
        %get3A_747 = tpu.vector_load %arg12[%get3A_745, %get3A_746] {strides = array<i32>} : memref<1024x32xf32, #tpu.memory_space<vmem>>, vector<1x16xf32>,
        %get3A_748 = vector.shape_cast %get3A_747 : vector<1x16xf32> to vector<16xf32>
        %mul3A_749 = vector.broadcast %squeeze3A_741 : f32 to vector<16xf32>
        %mul3A_750 = arith.mulf %mul3A_749, %get3A_4 : vector<16xf32>
        %add3A_751 = arith.addf %get3A_748, %mul3A_750 : vector<16xf32>
        %get3A_752 = arith.index_cast %rem3A_744 : i32 to index
        %get3A_753 = arith.constant 0 : index
        %get3A_754 = tpu.vector_load %arg14[%get3A_752, %get3A_753] {strides = array<i32>} : memref<200x32xf32, #tpu.memory_space<vmem>>, vector<1x16xf32>,
        %get3A_755 = vector.shape_cast %get3A_754 : vector<1x16xf32> to vector<16xf32>
        %add3A_756 = arith.addf %add3A_751, %get3A_755 : vector<16xf32>
        %swap3A_757 = arith.index_cast %add3A_739 : i32 to index
        %swap3A_758 = arith.constant 0 : index
        %swap3A_759 = tpu.vector_load %arg12[%swap3A_757, %swap3A_758] {strides = array<i32>} : memref<1024x32xf32, #tpu.memory_space<vmem>>, vector<1x16xf32>,
        %swap3A_760 = vector.shape_cast %swap3A_759 : vector<1x16xf32> to vector<16xf32>
        %swap3A_761 = vector.shape_cast %add3A_756 : vector<16xf32> to vector<1x16xf32>
        tpu.vector_store %arg12[%swap3A_757, %swap3A_758], %swap3A_761 {strides = array<i32>} : memref<1024x32xf32, #tpu.memory_space<vmem>>, vector<1x16xf32>,
        %get3A_762 = arith.index_cast %add3A_739 : i32 to index
        %get3A_763 = arith.constant 16 : index
        %get3A_764 = tpu.vector_load %arg12[%get3A_762, %get3A_763] {strides = array<i32>} : memref<1024x32xf32, #tpu.memory_space<vmem>>, vector<1x16xf32>,
        %get3A_765 = vector.shape_cast %get3A_764 : vector<1x16xf32> to vector<16xf32>
        %mul3A_766 = vector.broadcast %squeeze3A_741 : f32 to vector<16xf32>
        %mul3A_767 = arith.mulf %mul3A_766, %get3A_7 : vector<16xf32>
        %add3A_768 = arith.addf %get3A_765, %mul3A_767 : vector<16xf32>
        %get3A_769 = arith.index_cast %rem3A_744 : i32 to index
        %get3A_770 = arith.constant 16 : index
        %get3A_771 = tpu.vector_load %arg14[%get3A_769, %get3A_770] {strides = array<i32>} : memref<200x32xf32, #tpu.memory_space<vmem>>, vector<1x16xf32>,
        %get3A_772 = vector.shape_cast %get3A_771 : vector<1x16xf32> to vector<16xf32>
        %add3A_773 = arith.addf %add3A_768, %get3A_772 : vector<16xf32>
        %swap3A_774 = arith.index_cast %add3A_739 : i32 to index
        %swap3A_775 = arith.constant 16 : index
        %swap3A_776 = tpu.vector_load %arg12[%swap3A_774, %swap3A_775] {strides = array<i32>} : memref<1024x32xf32, #tpu.memory_space<vmem>>, vector<1x16xf32>,
        %swap3A_777 = vector.shape_cast %swap3A_776 : vector<1x16xf32> to vector<16xf32>
        %swap3A_778 = vector.shape_cast %add3A_773 : vector<16xf32> to vector<1x16xf32>
        tpu.vector_store %arg12[%swap3A_774, %swap3A_775], %swap3A_778 {strides = array<i32>} : memref<1024x32xf32, #tpu.memory_space<vmem>>, vector<1x16xf32>,
        %add3A_779 = arith.constant 9 : i32
        %add3A_780 = arith.addi %mul3A_409, %add3A_779 : i32
        %slice3A_781 = vector.extract_strided_slice %get3A_412 {offsets = [9], sizes = [1], strides = [1]} : vector<16xf32> to vector<1xf32>
        %squeeze3A_782 = vector.extract %slice3A_781[0] : f32 from vector<1xf32>
        %add3A_783 = arith.addi %add3A_21, %add3A_780 : i32
        %rem3A_784 = arith.constant 200 : i32
        %rem3A_785 = arith.remsi %add3A_783, %rem3A_784 : i32
        %get3A_786 = arith.index_cast %add3A_780 : i32 to index
        %get3A_787 = arith.constant 0 : index
        %get3A_788 = tpu.vector_load %arg12[%get3A_786, %get3A_787] {strides = array<i32>} : memref<1024x32xf32, #tpu.memory_space<vmem>>, vector<1x16xf32>,
        %get3A_789 = vector.shape_cast %get3A_788 : vector<1x16xf32> to vector<16xf32>
        %mul3A_790 = vector.broadcast %squeeze3A_782 : f32 to vector<16xf32>
        %mul3A_791 = arith.mulf %mul3A_790, %get3A_4 : vector<16xf32>
        %add3A_792 = arith.addf %get3A_789, %mul3A_791 : vector<16xf32>
        %get3A_793 = arith.index_cast %rem3A_785 : i32 to index
        %get3A_794 = arith.constant 0 : index
        %get3A_795 = tpu.vector_load %arg14[%get3A_793, %get3A_794] {strides = array<i32>} : memref<200x32xf32, #tpu.memory_space<vmem>>, vector<1x16xf32>,
        %get3A_796 = vector.shape_cast %get3A_795 : vector<1x16xf32> to vector<16xf32>
        %add3A_797 = arith.addf %add3A_792, %get3A_796 : vector<16xf32>
        %swap3A_798 = arith.index_cast %add3A_780 : i32 to index
        %swap3A_799 = arith.constant 0 : index
        %swap3A_800 = tpu.vector_load %arg12[%swap3A_798, %swap3A_799] {strides = array<i32>} : memref<1024x32xf32, #tpu.memory_space<vmem>>, vector<1x16xf32>,
        %swap3A_801 = vector.shape_cast %swap3A_800 : vector<1x16xf32> to vector<16xf32>
        %swap3A_802 = vector.shape_cast %add3A_797 : vector<16xf32> to vector<1x16xf32>
        tpu.vector_store %arg12[%swap3A_798, %swap3A_799], %swap3A_802 {strides = array<i32>} : memref<1024x32xf32, #tpu.memory_space<vmem>>, vector<1x16xf32>,
        %get3A_803 = arith.index_cast %add3A_780 : i32 to index
        %get3A_804 = arith.constant 16 : index
        %get3A_805 = tpu.vector_load %arg12[%get3A_803, %get3A_804] {strides = array<i32>} : memref<1024x32xf32, #tpu.memory_space<vmem>>, vector<1x16xf32>,
        %get3A_806 = vector.shape_cast %get3A_805 : vector<1x16xf32> to vector<16xf32>
        %mul3A_807 = vector.broadcast %squeeze3A_782 : f32 to vector<16xf32>
        %mul3A_808 = arith.mulf %mul3A_807, %get3A_7 : vector<16xf32>
        %add3A_809 = arith.addf %get3A_806, %mul3A_808 : vector<16xf32>
        %get3A_810 = arith.index_cast %rem3A_785 : i32 to index
        %get3A_811 = arith.constant 16 : index
        %get3A_812 = tpu.vector_load %arg14[%get3A_810, %get3A_811] {strides = array<i32>} : memref<200x32xf32, #tpu.memory_space<vmem>>, vector<1x16xf32>,
        %get3A_813 = vector.shape_cast %get3A_812 : vector<1x16xf32> to vector<16xf32>
        %add3A_814 = arith.addf %add3A_809, %get3A_813 : vector<16xf32>
        %swap3A_815 = arith.index_cast %add3A_780 : i32 to index
        %swap3A_816 = arith.constant 16 : index
        %swap3A_817 = tpu.vector_load %arg12[%swap3A_815, %swap3A_816] {strides = array<i32>} : memref<1024x32xf32, #tpu.memory_space<vmem>>, vector<1x16xf32>,
        %swap3A_818 = vector.shape_cast %swap3A_817 : vector<1x16xf32> to vector<16xf32>
        %swap3A_819 = vector.shape_cast %add3A_814 : vector<16xf32> to vector<1x16xf32>
        tpu.vector_store %arg12[%swap3A_815, %swap3A_816], %swap3A_819 {strides = array<i32>} : memref<1024x32xf32, #tpu.memory_space<vmem>>, vector<1x16xf32>,
        %add3A_820 = arith.constant 10 : i32
        %add3A_821 = arith.addi %mul3A_409, %add3A_820 : i32
        %slice3A_822 = vector.extract_strided_slice %get3A_412 {offsets = [10], sizes = [1], strides = [1]} : vector<16xf32> to vector<1xf32>
        %squeeze3A_823 = vector.extract %slice3A_822[0] : f32 from vector<1xf32>
        %add3A_824 = arith.addi %add3A_21, %add3A_821 : i32
        %rem3A_825 = arith.constant 200 : i32
        %rem3A_826 = arith.remsi %add3A_824, %rem3A_825 : i32
        %get3A_827 = arith.index_cast %add3A_821 : i32 to index
        %get3A_828 = arith.constant 0 : index
        %get3A_829 = tpu.vector_load %arg12[%get3A_827, %get3A_828] {strides = array<i32>} : memref<1024x32xf32, #tpu.memory_space<vmem>>, vector<1x16xf32>,
        %get3A_830 = vector.shape_cast %get3A_829 : vector<1x16xf32> to vector<16xf32>
        %mul3A_831 = vector.broadcast %squeeze3A_823 : f32 to vector<16xf32>
        %mul3A_832 = arith.mulf %mul3A_831, %get3A_4 : vector<16xf32>
        %add3A_833 = arith.addf %get3A_830, %mul3A_832 : vector<16xf32>
        %get3A_834 = arith.index_cast %rem3A_826 : i32 to index
        %get3A_835 = arith.constant 0 : index
        %get3A_836 = tpu.vector_load %arg14[%get3A_834, %get3A_835] {strides = array<i32>} : memref<200x32xf32, #tpu.memory_space<vmem>>, vector<1x16xf32>,
        %get3A_837 = vector.shape_cast %get3A_836 : vector<1x16xf32> to vector<16xf32>
        %add3A_838 = arith.addf %add3A_833, %get3A_837 : vector<16xf32>
        %swap3A_839 = arith.index_cast %add3A_821 : i32 to index
        %swap3A_840 = arith.constant 0 : index
        %swap3A_841 = tpu.vector_load %arg12[%swap3A_839, %swap3A_840] {strides = array<i32>} : memref<1024x32xf32, #tpu.memory_space<vmem>>, vector<1x16xf32>,
        %swap3A_842 = vector.shape_cast %swap3A_841 : vector<1x16xf32> to vector<16xf32>
        %swap3A_843 = vector.shape_cast %add3A_838 : vector<16xf32> to vector<1x16xf32>
        tpu.vector_store %arg12[%swap3A_839, %swap3A_840], %swap3A_843 {strides = array<i32>} : memref<1024x32xf32, #tpu.memory_space<vmem>>, vector<1x16xf32>,
        %get3A_844 = arith.index_cast %add3A_821 : i32 to index
        %get3A_845 = arith.constant 16 : index
        %get3A_846 = tpu.vector_load %arg12[%get3A_844, %get3A_845] {strides = array<i32>} : memref<1024x32xf32, #tpu.memory_space<vmem>>, vector<1x16xf32>,
        %get3A_847 = vector.shape_cast %get3A_846 : vector<1x16xf32> to vector<16xf32>
        %mul3A_848 = vector.broadcast %squeeze3A_823 : f32 to vector<16xf32>
        %mul3A_849 = arith.mulf %mul3A_848, %get3A_7 : vector<16xf32>
        %add3A_850 = arith.addf %get3A_847, %mul3A_849 : vector<16xf32>
        %get3A_851 = arith.index_cast %rem3A_826 : i32 to index
        %get3A_852 = arith.constant 16 : index
        %get3A_853 = tpu.vector_load %arg14[%get3A_851, %get3A_852] {strides = array<i32>} : memref<200x32xf32, #tpu.memory_space<vmem>>, vector<1x16xf32>,
        %get3A_854 = vector.shape_cast %get3A_853 : vector<1x16xf32> to vector<16xf32>
        %add3A_855 = arith.addf %add3A_850, %get3A_854 : vector<16xf32>
        %swap3A_856 = arith.index_cast %add3A_821 : i32 to index
        %swap3A_857 = arith.constant 16 : index
        %swap3A_858 = tpu.vector_load %arg12[%swap3A_856, %swap3A_857] {strides = array<i32>} : memref<1024x32xf32, #tpu.memory_space<vmem>>, vector<1x16xf32>,
        %swap3A_859 = vector.shape_cast %swap3A_858 : vector<1x16xf32> to vector<16xf32>
        %swap3A_860 = vector.shape_cast %add3A_855 : vector<16xf32> to vector<1x16xf32>
        tpu.vector_store %arg12[%swap3A_856, %swap3A_857], %swap3A_860 {strides = array<i32>} : memref<1024x32xf32, #tpu.memory_space<vmem>>, vector<1x16xf32>,
        %add3A_861 = arith.constant 11 : i32
        %add3A_862 = arith.addi %mul3A_409, %add3A_861 : i32
        %slice3A_863 = vector.extract_strided_slice %get3A_412 {offsets = [11], sizes = [1], strides = [1]} : vector<16xf32> to vector<1xf32>
        %squeeze3A_864 = vector.extract %slice3A_863[0] : f32 from vector<1xf32>
        %add3A_865 = arith.addi %add3A_21, %add3A_862 : i32
        %rem3A_866 = arith.constant 200 : i32
        %rem3A_867 = arith.remsi %add3A_865, %rem3A_866 : i32
        %get3A_868 = arith.index_cast %add3A_862 : i32 to index
        %get3A_869 = arith.constant 0 : index
        %get3A_870 = tpu.vector_load %arg12[%get3A_868, %get3A_869] {strides = array<i32>} : memref<1024x32xf32, #tpu.memory_space<vmem>>, vector<1x16xf32>,
        %get3A_871 = vector.shape_cast %get3A_870 : vector<1x16xf32> to vector<16xf32>
        %mul3A_872 = vector.broadcast %squeeze3A_864 : f32 to vector<16xf32>
        %mul3A_873 = arith.mulf %mul3A_872, %get3A_4 : vector<16xf32>
        %add3A_874 = arith.addf %get3A_871, %mul3A_873 : vector<16xf32>
        %get3A_875 = arith.index_cast %rem3A_867 : i32 to index
        %get3A_876 = arith.constant 0 : index
        %get3A_877 = tpu.vector_load %arg14[%get3A_875, %get3A_876] {strides = array<i32>} : memref<200x32xf32, #tpu.memory_space<vmem>>, vector<1x16xf32>,
        %get3A_878 = vector.shape_cast %get3A_877 : vector<1x16xf32> to vector<16xf32>
        %add3A_879 = arith.addf %add3A_874, %get3A_878 : vector<16xf32>
        %swap3A_880 = arith.index_cast %add3A_862 : i32 to index
        %swap3A_881 = arith.constant 0 : index
        %swap3A_882 = tpu.vector_load %arg12[%swap3A_880, %swap3A_881] {strides = array<i32>} : memref<1024x32xf32, #tpu.memory_space<vmem>>, vector<1x16xf32>,
        %swap3A_883 = vector.shape_cast %swap3A_882 : vector<1x16xf32> to vector<16xf32>
        %swap3A_884 = vector.shape_cast %add3A_879 : vector<16xf32> to vector<1x16xf32>
        tpu.vector_store %arg12[%swap3A_880, %swap3A_881], %swap3A_884 {strides = array<i32>} : memref<1024x32xf32, #tpu.memory_space<vmem>>, vector<1x16xf32>,
        %get3A_885 = arith.index_cast %add3A_862 : i32 to index
        %get3A_886 = arith.constant 16 : index
        %get3A_887 = tpu.vector_load %arg12[%get3A_885, %get3A_886] {strides = array<i32>} : memref<1024x32xf32, #tpu.memory_space<vmem>>, vector<1x16xf32>,
        %get3A_888 = vector.shape_cast %get3A_887 : vector<1x16xf32> to vector<16xf32>
        %mul3A_889 = vector.broadcast %squeeze3A_864 : f32 to vector<16xf32>
        %mul3A_890 = arith.mulf %mul3A_889, %get3A_7 : vector<16xf32>
        %add3A_891 = arith.addf %get3A_888, %mul3A_890 : vector<16xf32>
        %get3A_892 = arith.index_cast %rem3A_867 : i32 to index
        %get3A_893 = arith.constant 16 : index
        %get3A_894 = tpu.vector_load %arg14[%get3A_892, %get3A_893] {strides = array<i32>} : memref<200x32xf32, #tpu.memory_space<vmem>>, vector<1x16xf32>,
        %get3A_895 = vector.shape_cast %get3A_894 : vector<1x16xf32> to vector<16xf32>
        %add3A_896 = arith.addf %add3A_891, %get3A_895 : vector<16xf32>
        %swap3A_897 = arith.index_cast %add3A_862 : i32 to index
        %swap3A_898 = arith.constant 16 : index
        %swap3A_899 = tpu.vector_load %arg12[%swap3A_897, %swap3A_898] {strides = array<i32>} : memref<1024x32xf32, #tpu.memory_space<vmem>>, vector<1x16xf32>,
        %swap3A_900 = vector.shape_cast %swap3A_899 : vector<1x16xf32> to vector<16xf32>
        %swap3A_901 = vector.shape_cast %add3A_896 : vector<16xf32> to vector<1x16xf32>
        tpu.vector_store %arg12[%swap3A_897, %swap3A_898], %swap3A_901 {strides = array<i32>} : memref<1024x32xf32, #tpu.memory_space<vmem>>, vector<1x16xf32>,
        %add3A_902 = arith.constant 12 : i32
        %add3A_903 = arith.addi %mul3A_409, %add3A_902 : i32
        %slice3A_904 = vector.extract_strided_slice %get3A_412 {offsets = [12], sizes = [1], strides = [1]} : vector<16xf32> to vector<1xf32>
        %squeeze3A_905 = vector.extract %slice3A_904[0] : f32 from vector<1xf32>
        %add3A_906 = arith.addi %add3A_21, %add3A_903 : i32
        %rem3A_907 = arith.constant 200 : i32
        %rem3A_908 = arith.remsi %add3A_906, %rem3A_907 : i32
        %get3A_909 = arith.index_cast %add3A_903 : i32 to index
        %get3A_910 = arith.constant 0 : index
        %get3A_911 = tpu.vector_load %arg12[%get3A_909, %get3A_910] {strides = array<i32>} : memref<1024x32xf32, #tpu.memory_space<vmem>>, vector<1x16xf32>,
        %get3A_912 = vector.shape_cast %get3A_911 : vector<1x16xf32> to vector<16xf32>
        %mul3A_913 = vector.broadcast %squeeze3A_905 : f32 to vector<16xf32>
        %mul3A_914 = arith.mulf %mul3A_913, %get3A_4 : vector<16xf32>
        %add3A_915 = arith.addf %get3A_912, %mul3A_914 : vector<16xf32>
        %get3A_916 = arith.index_cast %rem3A_908 : i32 to index
        %get3A_917 = arith.constant 0 : index
        %get3A_918 = tpu.vector_load %arg14[%get3A_916, %get3A_917] {strides = array<i32>} : memref<200x32xf32, #tpu.memory_space<vmem>>, vector<1x16xf32>,
        %get3A_919 = vector.shape_cast %get3A_918 : vector<1x16xf32> to vector<16xf32>
        %add3A_920 = arith.addf %add3A_915, %get3A_919 : vector<16xf32>
        %swap3A_921 = arith.index_cast %add3A_903 : i32 to index
        %swap3A_922 = arith.constant 0 : index
        %swap3A_923 = tpu.vector_load %arg12[%swap3A_921, %swap3A_922] {strides = array<i32>} : memref<1024x32xf32, #tpu.memory_space<vmem>>, vector<1x16xf32>,
        %swap3A_924 = vector.shape_cast %swap3A_923 : vector<1x16xf32> to vector<16xf32>
        %swap3A_925 = vector.shape_cast %add3A_920 : vector<16xf32> to vector<1x16xf32>
        tpu.vector_store %arg12[%swap3A_921, %swap3A_922], %swap3A_925 {strides = array<i32>} : memref<1024x32xf32, #tpu.memory_space<vmem>>, vector<1x16xf32>,
        %get3A_926 = arith.index_cast %add3A_903 : i32 to index
        %get3A_927 = arith.constant 16 : index
        %get3A_928 = tpu.vector_load %arg12[%get3A_926, %get3A_927] {strides = array<i32>} : memref<1024x32xf32, #tpu.memory_space<vmem>>, vector<1x16xf32>,
        %get3A_929 = vector.shape_cast %get3A_928 : vector<1x16xf32> to vector<16xf32>
        %mul3A_930 = vector.broadcast %squeeze3A_905 : f32 to vector<16xf32>
        %mul3A_931 = arith.mulf %mul3A_930, %get3A_7 : vector<16xf32>
        %add3A_932 = arith.addf %get3A_929, %mul3A_931 : vector<16xf32>
        %get3A_933 = arith.index_cast %rem3A_908 : i32 to index
        %get3A_934 = arith.constant 16 : index
        %get3A_935 = tpu.vector_load %arg14[%get3A_933, %get3A_934] {strides = array<i32>} : memref<200x32xf32, #tpu.memory_space<vmem>>, vector<1x16xf32>,
        %get3A_936 = vector.shape_cast %get3A_935 : vector<1x16xf32> to vector<16xf32>
        %add3A_937 = arith.addf %add3A_932, %get3A_936 : vector<16xf32>
        %swap3A_938 = arith.index_cast %add3A_903 : i32 to index
        %swap3A_939 = arith.constant 16 : index
        %swap3A_940 = tpu.vector_load %arg12[%swap3A_938, %swap3A_939] {strides = array<i32>} : memref<1024x32xf32, #tpu.memory_space<vmem>>, vector<1x16xf32>,
        %swap3A_941 = vector.shape_cast %swap3A_940 : vector<1x16xf32> to vector<16xf32>
        %swap3A_942 = vector.shape_cast %add3A_937 : vector<16xf32> to vector<1x16xf32>
        tpu.vector_store %arg12[%swap3A_938, %swap3A_939], %swap3A_942 {strides = array<i32>} : memref<1024x32xf32, #tpu.memory_space<vmem>>, vector<1x16xf32>,
        %add3A_943 = arith.constant 13 : i32
        %add3A_944 = arith.addi %mul3A_409, %add3A_943 : i32
        %slice3A_945 = vector.extract_strided_slice %get3A_412 {offsets = [13], sizes = [1], strides = [1]} : vector<16xf32> to vector<1xf32>
        %squeeze3A_946 = vector.extract %slice3A_945[0] : f32 from vector<1xf32>
        %add3A_947 = arith.addi %add3A_21, %add3A_944 : i32
        %rem3A_948 = arith.constant 200 : i32
        %rem3A_949 = arith.remsi %add3A_947, %rem3A_948 : i32
        %get3A_950 = arith.index_cast %add3A_944 : i32 to index
        %get3A_951 = arith.constant 0 : index
        %get3A_952 = tpu.vector_load %arg12[%get3A_950, %get3A_951] {strides = array<i32>} : memref<1024x32xf32, #tpu.memory_space<vmem>>, vector<1x16xf32>,
        %get3A_953 = vector.shape_cast %get3A_952 : vector<1x16xf32> to vector<16xf32>
        %mul3A_954 = vector.broadcast %squeeze3A_946 : f32 to vector<16xf32>
        %mul3A_955 = arith.mulf %mul3A_954, %get3A_4 : vector<16xf32>
        %add3A_956 = arith.addf %get3A_953, %mul3A_955 : vector<16xf32>
        %get3A_957 = arith.index_cast %rem3A_949 : i32 to index
        %get3A_958 = arith.constant 0 : index
        %get3A_959 = tpu.vector_load %arg14[%get3A_957, %get3A_958] {strides = array<i32>} : memref<200x32xf32, #tpu.memory_space<vmem>>, vector<1x16xf32>,
        %get3A_960 = vector.shape_cast %get3A_959 : vector<1x16xf32> to vector<16xf32>
        %add3A_961 = arith.addf %add3A_956, %get3A_960 : vector<16xf32>
        %swap3A_962 = arith.index_cast %add3A_944 : i32 to index
        %swap3A_963 = arith.constant 0 : index
        %swap3A_964 = tpu.vector_load %arg12[%swap3A_962, %swap3A_963] {strides = array<i32>} : memref<1024x32xf32, #tpu.memory_space<vmem>>, vector<1x16xf32>,
        %swap3A_965 = vector.shape_cast %swap3A_964 : vector<1x16xf32> to vector<16xf32>
        %swap3A_966 = vector.shape_cast %add3A_961 : vector<16xf32> to vector<1x16xf32>
        tpu.vector_store %arg12[%swap3A_962, %swap3A_963], %swap3A_966 {strides = array<i32>} : memref<1024x32xf32, #tpu.memory_space<vmem>>, vector<1x16xf32>,
        %get3A_967 = arith.index_cast %add3A_944 : i32 to index
        %get3A_968 = arith.constant 16 : index
        %get3A_969 = tpu.vector_load %arg12[%get3A_967, %get3A_968] {strides = array<i32>} : memref<1024x32xf32, #tpu.memory_space<vmem>>, vector<1x16xf32>,
        %get3A_970 = vector.shape_cast %get3A_969 : vector<1x16xf32> to vector<16xf32>
        %mul3A_971 = vector.broadcast %squeeze3A_946 : f32 to vector<16xf32>
        %mul3A_972 = arith.mulf %mul3A_971, %get3A_7 : vector<16xf32>
        %add3A_973 = arith.addf %get3A_970, %mul3A_972 : vector<16xf32>
        %get3A_974 = arith.index_cast %rem3A_949 : i32 to index
        %get3A_975 = arith.constant 16 : index
        %get3A_976 = tpu.vector_load %arg14[%get3A_974, %get3A_975] {strides = array<i32>} : memref<200x32xf32, #tpu.memory_space<vmem>>, vector<1x16xf32>,
        %get3A_977 = vector.shape_cast %get3A_976 : vector<1x16xf32> to vector<16xf32>
        %add3A_978 = arith.addf %add3A_973, %get3A_977 : vector<16xf32>
        %swap3A_979 = arith.index_cast %add3A_944 : i32 to index
        %swap3A_980 = arith.constant 16 : index
        %swap3A_981 = tpu.vector_load %arg12[%swap3A_979, %swap3A_980] {strides = array<i32>} : memref<1024x32xf32, #tpu.memory_space<vmem>>, vector<1x16xf32>,
        %swap3A_982 = vector.shape_cast %swap3A_981 : vector<1x16xf32> to vector<16xf32>
        %swap3A_983 = vector.shape_cast %add3A_978 : vector<16xf32> to vector<1x16xf32>
        tpu.vector_store %arg12[%swap3A_979, %swap3A_980], %swap3A_983 {strides = array<i32>} : memref<1024x32xf32, #tpu.memory_space<vmem>>, vector<1x16xf32>,
        %add3A_984 = arith.constant 14 : i32
        %add3A_985 = arith.addi %mul3A_409, %add3A_984 : i32
        %slice3A_986 = vector.extract_strided_slice %get3A_412 {offsets = [14], sizes = [1], strides = [1]} : vector<16xf32> to vector<1xf32>
        %squeeze3A_987 = vector.extract %slice3A_986[0] : f32 from vector<1xf32>
        %add3A_988 = arith.addi %add3A_21, %add3A_985 : i32
        %rem3A_989 = arith.constant 200 : i32
        %rem3A_990 = arith.remsi %add3A_988, %rem3A_989 : i32
        %get3A_991 = arith.index_cast %add3A_985 : i32 to index
        %get3A_992 = arith.constant 0 : index
        %get3A_993 = tpu.vector_load %arg12[%get3A_991, %get3A_992] {strides = array<i32>} : memref<1024x32xf32, #tpu.memory_space<vmem>>, vector<1x16xf32>,
        %get3A_994 = vector.shape_cast %get3A_993 : vector<1x16xf32> to vector<16xf32>
        %mul3A_995 = vector.broadcast %squeeze3A_987 : f32 to vector<16xf32>
        %mul3A_996 = arith.mulf %mul3A_995, %get3A_4 : vector<16xf32>
        %add3A_997 = arith.addf %get3A_994, %mul3A_996 : vector<16xf32>
        %get3A_998 = arith.index_cast %rem3A_990 : i32 to index
        %get3A_999 = arith.constant 0 : index
        %get3A_1000 = tpu.vector_load %arg14[%get3A_998, %get3A_999] {strides = array<i32>} : memref<200x32xf32, #tpu.memory_space<vmem>>, vector<1x16xf32>,
        %get3A_1001 = vector.shape_cast %get3A_1000 : vector<1x16xf32> to vector<16xf32>
        %add3A_1002 = arith.addf %add3A_997, %get3A_1001 : vector<16xf32>
        %swap3A_1003 = arith.index_cast %add3A_985 : i32 to index
        %swap3A_1004 = arith.constant 0 : index
        %swap3A_1005 = tpu.vector_load %arg12[%swap3A_1003, %swap3A_1004] {strides = array<i32>} : memref<1024x32xf32, #tpu.memory_space<vmem>>, vector<1x16xf32>,
        %swap3A_1006 = vector.shape_cast %swap3A_1005 : vector<1x16xf32> to vector<16xf32>
        %swap3A_1007 = vector.shape_cast %add3A_1002 : vector<16xf32> to vector<1x16xf32>
        tpu.vector_store %arg12[%swap3A_1003, %swap3A_1004], %swap3A_1007 {strides = array<i32>} : memref<1024x32xf32, #tpu.memory_space<vmem>>, vector<1x16xf32>,
        %get3A_1008 = arith.index_cast %add3A_985 : i32 to index
        %get3A_1009 = arith.constant 16 : index
        %get3A_1010 = tpu.vector_load %arg12[%get3A_1008, %get3A_1009] {strides = array<i32>} : memref<1024x32xf32, #tpu.memory_space<vmem>>, vector<1x16xf32>,
        %get3A_1011 = vector.shape_cast %get3A_1010 : vector<1x16xf32> to vector<16xf32>
        %mul3A_1012 = vector.broadcast %squeeze3A_987 : f32 to vector<16xf32>
        %mul3A_1013 = arith.mulf %mul3A_1012, %get3A_7 : vector<16xf32>
        %add3A_1014 = arith.addf %get3A_1011, %mul3A_1013 : vector<16xf32>
        %get3A_1015 = arith.index_cast %rem3A_990 : i32 to index
        %get3A_1016 = arith.constant 16 : index
        %get3A_1017 = tpu.vector_load %arg14[%get3A_1015, %get3A_1016] {strides = array<i32>} : memref<200x32xf32, #tpu.memory_space<vmem>>, vector<1x16xf32>,
        %get3A_1018 = vector.shape_cast %get3A_1017 : vector<1x16xf32> to vector<16xf32>
        %add3A_1019 = arith.addf %add3A_1014, %get3A_1018 : vector<16xf32>
        %swap3A_1020 = arith.index_cast %add3A_985 : i32 to index
        %swap3A_1021 = arith.constant 16 : index
        %swap3A_1022 = tpu.vector_load %arg12[%swap3A_1020, %swap3A_1021] {strides = array<i32>} : memref<1024x32xf32, #tpu.memory_space<vmem>>, vector<1x16xf32>,
        %swap3A_1023 = vector.shape_cast %swap3A_1022 : vector<1x16xf32> to vector<16xf32>
        %swap3A_1024 = vector.shape_cast %add3A_1019 : vector<16xf32> to vector<1x16xf32>
        tpu.vector_store %arg12[%swap3A_1020, %swap3A_1021], %swap3A_1024 {strides = array<i32>} : memref<1024x32xf32, #tpu.memory_space<vmem>>, vector<1x16xf32>,
        %add3A_1025 = arith.constant 15 : i32
        %add3A_1026 = arith.addi %mul3A_409, %add3A_1025 : i32
        %slice3A_1027 = vector.extract_strided_slice %get3A_412 {offsets = [15], sizes = [1], strides = [1]} : vector<16xf32> to vector<1xf32>
        %squeeze3A_1028 = vector.extract %slice3A_1027[0] : f32 from vector<1xf32>
        %add3A_1029 = arith.addi %add3A_21, %add3A_1026 : i32
        %rem3A_1030 = arith.constant 200 : i32
        %rem3A_1031 = arith.remsi %add3A_1029, %rem3A_1030 : i32
        %get3A_1032 = arith.index_cast %add3A_1026 : i32 to index
        %get3A_1033 = arith.constant 0 : index
        %get3A_1034 = tpu.vector_load %arg12[%get3A_1032, %get3A_1033] {strides = array<i32>} : memref<1024x32xf32, #tpu.memory_space<vmem>>, vector<1x16xf32>,
        %get3A_1035 = vector.shape_cast %get3A_1034 : vector<1x16xf32> to vector<16xf32>
        %mul3A_1036 = vector.broadcast %squeeze3A_1028 : f32 to vector<16xf32>
        %mul3A_1037 = arith.mulf %mul3A_1036, %get3A_4 : vector<16xf32>
        %add3A_1038 = arith.addf %get3A_1035, %mul3A_1037 : vector<16xf32>
        %get3A_1039 = arith.index_cast %rem3A_1031 : i32 to index
        %get3A_1040 = arith.constant 0 : index
        %get3A_1041 = tpu.vector_load %arg14[%get3A_1039, %get3A_1040] {strides = array<i32>} : memref<200x32xf32, #tpu.memory_space<vmem>>, vector<1x16xf32>,
        %get3A_1042 = vector.shape_cast %get3A_1041 : vector<1x16xf32> to vector<16xf32>
        %add3A_1043 = arith.addf %add3A_1038, %get3A_1042 : vector<16xf32>
        %swap3A_1044 = arith.index_cast %add3A_1026 : i32 to index
        %swap3A_1045 = arith.constant 0 : index
        %swap3A_1046 = tpu.vector_load %arg12[%swap3A_1044, %swap3A_1045] {strides = array<i32>} : memref<1024x32xf32, #tpu.memory_space<vmem>>, vector<1x16xf32>,
        %swap3A_1047 = vector.shape_cast %swap3A_1046 : vector<1x16xf32> to vector<16xf32>
        %swap3A_1048 = vector.shape_cast %add3A_1043 : vector<16xf32> to vector<1x16xf32>
        tpu.vector_store %arg12[%swap3A_1044, %swap3A_1045], %swap3A_1048 {strides = array<i32>} : memref<1024x32xf32, #tpu.memory_space<vmem>>, vector<1x16xf32>,
        %get3A_1049 = arith.index_cast %add3A_1026 : i32 to index
        %get3A_1050 = arith.constant 16 : index
        %get3A_1051 = tpu.vector_load %arg12[%get3A_1049, %get3A_1050] {strides = array<i32>} : memref<1024x32xf32, #tpu.memory_space<vmem>>, vector<1x16xf32>,
        %get3A_1052 = vector.shape_cast %get3A_1051 : vector<1x16xf32> to vector<16xf32>
        %mul3A_1053 = vector.broadcast %squeeze3A_1028 : f32 to vector<16xf32>
        %mul3A_1054 = arith.mulf %mul3A_1053, %get3A_7 : vector<16xf32>
        %add3A_1055 = arith.addf %get3A_1052, %mul3A_1054 : vector<16xf32>
        %get3A_1056 = arith.index_cast %rem3A_1031 : i32 to index
        %get3A_1057 = arith.constant 16 : index
        %get3A_1058 = tpu.vector_load %arg14[%get3A_1056, %get3A_1057] {strides = array<i32>} : memref<200x32xf32, #tpu.memory_space<vmem>>, vector<1x16xf32>,
        %get3A_1059 = vector.shape_cast %get3A_1058 : vector<1x16xf32> to vector<16xf32>
        %add3A_1060 = arith.addf %add3A_1055, %get3A_1059 : vector<16xf32>
        %swap3A_1061 = arith.index_cast %add3A_1026 : i32 to index
        %swap3A_1062 = arith.constant 16 : index
        %swap3A_1063 = tpu.vector_load %arg12[%swap3A_1061, %swap3A_1062] {strides = array<i32>} : memref<1024x32xf32, #tpu.memory_space<vmem>>, vector<1x16xf32>,
        %swap3A_1064 = vector.shape_cast %swap3A_1063 : vector<1x16xf32> to vector<16xf32>
        %swap3A_1065 = vector.shape_cast %add3A_1060 : vector<16xf32> to vector<1x16xf32>
        tpu.vector_store %arg12[%swap3A_1061, %swap3A_1062], %swap3A_1065 {strides = array<i32>} : memref<1024x32xf32, #tpu.memory_space<vmem>>, vector<1x16xf32>,
        %scan3A_1066 = arith.constant 0 : i32
        scf.yield %scan3A_1066 : i32
      }
      %scan3A_309 = arith.constant 64 : i32
      %dma_start3A_310 = arith.constant 0 : i32
      %dma_start3A_311 = tpu.memref_slice %arg7[%add3A_21, %dma_start3A_310] : memref<819200x32xf32, #tpu.memory_space<hbm>> -> memref<1024x32xf32, #tpu.memory_space<hbm>>
      %dma_start3A_312 = arith.constant 0 : i32
      %dma_start3A_313 = tpu.memref_slice %arg7[%add3A_21, %dma_start3A_312] : memref<819200x32xf32, #tpu.memory_space<hbm>> -> memref<1024x32xf32, #tpu.memory_space<hbm>>
      tpu.enqueue_dma source(%arg12 : memref<1024x32xf32, #tpu.memory_space<vmem>>) target(%dma_start3A_313 : memref<1024x32xf32, #tpu.memory_space<hbm>>) target_semaphore(%arg18 : memref<!tpu.dma_semaphore, #tpu.memory_space<semaphore_mem>>)
      %dma_wait3A_314 = arith.constant 0 : i32
      %dma_wait3A_315 = arith.constant 0 : i32
      %dma_wait3A_316 = arith.constant 0 : i32
      %dma_wait3A_317 = tpu.memref_slice %arg13[%dma_wait3A_315, %dma_wait3A_316] : memref<1024x32xf32, #tpu.memory_space<vmem>> -> memref<128x32xf32, #tpu.memory_space<vmem>>
      %dma_wait3A_318 = arith.constant 0 : i32
      %dma_wait3A_319 = tpu.memref_slice %arg9[%dma_wait3A_314, %dma_wait3A_318] : memref<8x128xi32, #tpu.memory_space<vmem>> -> memref<1x128xi32, #tpu.memory_space<vmem>>
      %dma_wait3A_320 = tpu.memref_squeeze %dma_wait3A_319 : memref<1x128xi32, #tpu.memory_space<vmem>> -> memref<128xi32, #tpu.memory_space<vmem>>
      %dma_wait3A_321 = arith.constant 0 : i32
      %dma_wait3A_322 = arith.constant 0 : i32
      %dma_wait3A_323 = tpu.memref_slice %arg2[%dma_wait3A_321, %dma_wait3A_322] : memref<1000000x32xf32, #tpu.memory_space<hbm>> -> memref<1000000x32xf32, #tpu.memory_space<hbm>>
      tpu.wait_indirect_dma semaphore(%arg17 : memref<!tpu.dma_semaphore, #tpu.memory_space<semaphore_mem>>) src(%dma_wait3A_323 : memref<1000000x32xf32, #tpu.memory_space<hbm>>) dst(%dma_wait3A_317 : memref<128x32xf32, #tpu.memory_space<vmem>>)
      %dma_wait3A_324 = arith.constant 1 : i32
      %dma_wait3A_325 = arith.constant 128 : i32
      %dma_wait3A_326 = arith.constant 0 : i32
      %dma_wait3A_327 = tpu.memref_slice %arg13[%dma_wait3A_325, %dma_wait3A_326] : memref<1024x32xf32, #tpu.memory_space<vmem>> -> memref<128x32xf32, #tpu.memory_space<vmem>>
      %dma_wait3A_328 = arith.constant 0 : i32
      %dma_wait3A_329 = tpu.memref_slice %arg9[%dma_wait3A_324, %dma_wait3A_328] : memref<8x128xi32, #tpu.memory_space<vmem>> -> memref<1x128xi32, #tpu.memory_space<vmem>>
      %dma_wait3A_330 = tpu.memref_squeeze %dma_wait3A_329 : memref<1x128xi32, #tpu.memory_space<vmem>> -> memref<128xi32, #tpu.memory_space<vmem>>
      %dma_wait3A_331 = arith.constant 0 : i32
      %dma_wait3A_332 = arith.constant 0 : i32
      %dma_wait3A_333 = tpu.memref_slice %arg2[%dma_wait3A_331, %dma_wait3A_332] : memref<1000000x32xf32, #tpu.memory_space<hbm>> -> memref<1000000x32xf32, #tpu.memory_space<hbm>>
      tpu.wait_indirect_dma semaphore(%arg17 : memref<!tpu.dma_semaphore, #tpu.memory_space<semaphore_mem>>) src(%dma_wait3A_333 : memref<1000000x32xf32, #tpu.memory_space<hbm>>) dst(%dma_wait3A_327 : memref<128x32xf32, #tpu.memory_space<vmem>>)
      %dma_wait3A_334 = arith.constant 2 : i32
      %dma_wait3A_335 = arith.constant 256 : i32
      %dma_wait3A_336 = arith.constant 0 : i32
      %dma_wait3A_337 = tpu.memref_slice %arg13[%dma_wait3A_335, %dma_wait3A_336] : memref<1024x32xf32, #tpu.memory_space<vmem>> -> memref<128x32xf32, #tpu.memory_space<vmem>>
      %dma_wait3A_338 = arith.constant 0 : i32
      %dma_wait3A_339 = tpu.memref_slice %arg9[%dma_wait3A_334, %dma_wait3A_338] : memref<8x128xi32, #tpu.memory_space<vmem>> -> memref<1x128xi32, #tpu.memory_space<vmem>>
      %dma_wait3A_340 = tpu.memref_squeeze %dma_wait3A_339 : memref<1x128xi32, #tpu.memory_space<vmem>> -> memref<128xi32, #tpu.memory_space<vmem>>
      %dma_wait3A_341 = arith.constant 0 : i32
      %dma_wait3A_342 = arith.constant 0 : i32
      %dma_wait3A_343 = tpu.memref_slice %arg2[%dma_wait3A_341, %dma_wait3A_342] : memref<1000000x32xf32, #tpu.memory_space<hbm>> -> memref<1000000x32xf32, #tpu.memory_space<hbm>>
      tpu.wait_indirect_dma semaphore(%arg17 : memref<!tpu.dma_semaphore, #tpu.memory_space<semaphore_mem>>) src(%dma_wait3A_343 : memref<1000000x32xf32, #tpu.memory_space<hbm>>) dst(%dma_wait3A_337 : memref<128x32xf32, #tpu.memory_space<vmem>>)
      %dma_wait3A_344 = arith.constant 3 : i32
      %dma_wait3A_345 = arith.constant 384 : i32
      %dma_wait3A_346 = arith.constant 0 : i32
      %dma_wait3A_347 = tpu.memref_slice %arg13[%dma_wait3A_345, %dma_wait3A_346] : memref<1024x32xf32, #tpu.memory_space<vmem>> -> memref<128x32xf32, #tpu.memory_space<vmem>>
      %dma_wait3A_348 = arith.constant 0 : i32
      %dma_wait3A_349 = tpu.memref_slice %arg9[%dma_wait3A_344, %dma_wait3A_348] : memref<8x128xi32, #tpu.memory_space<vmem>> -> memref<1x128xi32, #tpu.memory_space<vmem>>
      %dma_wait3A_350 = tpu.memref_squeeze %dma_wait3A_349 : memref<1x128xi32, #tpu.memory_space<vmem>> -> memref<128xi32, #tpu.memory_space<vmem>>
      %dma_wait3A_351 = arith.constant 0 : i32
      %dma_wait3A_352 = arith.constant 0 : i32
      %dma_wait3A_353 = tpu.memref_slice %arg2[%dma_wait3A_351, %dma_wait3A_352] : memref<1000000x32xf32, #tpu.memory_space<hbm>> -> memref<1000000x32xf32, #tpu.memory_space<hbm>>
      tpu.wait_indirect_dma semaphore(%arg17 : memref<!tpu.dma_semaphore, #tpu.memory_space<semaphore_mem>>) src(%dma_wait3A_353 : memref<1000000x32xf32, #tpu.memory_space<hbm>>) dst(%dma_wait3A_347 : memref<128x32xf32, #tpu.memory_space<vmem>>)
      %dma_wait3A_354 = arith.constant 4 : i32
      %dma_wait3A_355 = arith.constant 512 : i32
      %dma_wait3A_356 = arith.constant 0 : i32
      %dma_wait3A_357 = tpu.memref_slice %arg13[%dma_wait3A_355, %dma_wait3A_356] : memref<1024x32xf32, #tpu.memory_space<vmem>> -> memref<128x32xf32, #tpu.memory_space<vmem>>
      %dma_wait3A_358 = arith.constant 0 : i32
      %dma_wait3A_359 = tpu.memref_slice %arg9[%dma_wait3A_354, %dma_wait3A_358] : memref<8x128xi32, #tpu.memory_space<vmem>> -> memref<1x128xi32, #tpu.memory_space<vmem>>
      %dma_wait3A_360 = tpu.memref_squeeze %dma_wait3A_359 : memref<1x128xi32, #tpu.memory_space<vmem>> -> memref<128xi32, #tpu.memory_space<vmem>>
      %dma_wait3A_361 = arith.constant 0 : i32
      %dma_wait3A_362 = arith.constant 0 : i32
      %dma_wait3A_363 = tpu.memref_slice %arg2[%dma_wait3A_361, %dma_wait3A_362] : memref<1000000x32xf32, #tpu.memory_space<hbm>> -> memref<1000000x32xf32, #tpu.memory_space<hbm>>
      tpu.wait_indirect_dma semaphore(%arg17 : memref<!tpu.dma_semaphore, #tpu.memory_space<semaphore_mem>>) src(%dma_wait3A_363 : memref<1000000x32xf32, #tpu.memory_space<hbm>>) dst(%dma_wait3A_357 : memref<128x32xf32, #tpu.memory_space<vmem>>)
      %dma_wait3A_364 = arith.constant 5 : i32
      %dma_wait3A_365 = arith.constant 640 : i32
      %dma_wait3A_366 = arith.constant 0 : i32
      %dma_wait3A_367 = tpu.memref_slice %arg13[%dma_wait3A_365, %dma_wait3A_366] : memref<1024x32xf32, #tpu.memory_space<vmem>> -> memref<128x32xf32, #tpu.memory_space<vmem>>
      %dma_wait3A_368 = arith.constant 0 : i32
      %dma_wait3A_369 = tpu.memref_slice %arg9[%dma_wait3A_364, %dma_wait3A_368] : memref<8x128xi32, #tpu.memory_space<vmem>> -> memref<1x128xi32, #tpu.memory_space<vmem>>
      %dma_wait3A_370 = tpu.memref_squeeze %dma_wait3A_369 : memref<1x128xi32, #tpu.memory_space<vmem>> -> memref<128xi32, #tpu.memory_space<vmem>>
      %dma_wait3A_371 = arith.constant 0 : i32
      %dma_wait3A_372 = arith.constant 0 : i32
      %dma_wait3A_373 = tpu.memref_slice %arg2[%dma_wait3A_371, %dma_wait3A_372] : memref<1000000x32xf32, #tpu.memory_space<hbm>> -> memref<1000000x32xf32, #tpu.memory_space<hbm>>
      tpu.wait_indirect_dma semaphore(%arg17 : memref<!tpu.dma_semaphore, #tpu.memory_space<semaphore_mem>>) src(%dma_wait3A_373 : memref<1000000x32xf32, #tpu.memory_space<hbm>>) dst(%dma_wait3A_367 : memref<128x32xf32, #tpu.memory_space<vmem>>)
      %dma_wait3A_374 = arith.constant 6 : i32
      %dma_wait3A_375 = arith.constant 768 : i32
      %dma_wait3A_376 = arith.constant 0 : i32
      %dma_wait3A_377 = tpu.memref_slice %arg13[%dma_wait3A_375, %dma_wait3A_376] : memref<1024x32xf32, #tpu.memory_space<vmem>> -> memref<128x32xf32, #tpu.memory_space<vmem>>
      %dma_wait3A_378 = arith.constant 0 : i32
      %dma_wait3A_379 = tpu.memref_slice %arg9[%dma_wait3A_374, %dma_wait3A_378] : memref<8x128xi32, #tpu.memory_space<vmem>> -> memref<1x128xi32, #tpu.memory_space<vmem>>
      %dma_wait3A_380 = tpu.memref_squeeze %dma_wait3A_379 : memref<1x128xi32, #tpu.memory_space<vmem>> -> memref<128xi32, #tpu.memory_space<vmem>>
      %dma_wait3A_381 = arith.constant 0 : i32
      %dma_wait3A_382 = arith.constant 0 : i32
      %dma_wait3A_383 = tpu.memref_slice %arg2[%dma_wait3A_381, %dma_wait3A_382] : memref<1000000x32xf32, #tpu.memory_space<hbm>> -> memref<1000000x32xf32, #tpu.memory_space<hbm>>
      tpu.wait_indirect_dma semaphore(%arg17 : memref<!tpu.dma_semaphore, #tpu.memory_space<semaphore_mem>>) src(%dma_wait3A_383 : memref<1000000x32xf32, #tpu.memory_space<hbm>>) dst(%dma_wait3A_377 : memref<128x32xf32, #tpu.memory_space<vmem>>)
      %dma_wait3A_384 = arith.constant 7 : i32
      %dma_wait3A_385 = arith.constant 896 : i32
      %dma_wait3A_386 = arith.constant 0 : i32
      %dma_wait3A_387 = tpu.memref_slice %arg13[%dma_wait3A_385, %dma_wait3A_386] : memref<1024x32xf32, #tpu.memory_space<vmem>> -> memref<128x32xf32, #tpu.memory_space<vmem>>
      %dma_wait3A_388 = arith.constant 0 : i32
      %dma_wait3A_389 = tpu.memref_slice %arg9[%dma_wait3A_384, %dma_wait3A_388] : memref<8x128xi32, #tpu.memory_space<vmem>> -> memref<1x128xi32, #tpu.memory_space<vmem>>
      %dma_wait3A_390 = tpu.memref_squeeze %dma_wait3A_389 : memref<1x128xi32, #tpu.memory_space<vmem>> -> memref<128xi32, #tpu.memory_space<vmem>>
      %dma_wait3A_391 = arith.constant 0 : i32
      %dma_wait3A_392 = arith.constant 0 : i32
      %dma_wait3A_393 = tpu.memref_slice %arg2[%dma_wait3A_391, %dma_wait3A_392] : memref<1000000x32xf32, #tpu.memory_space<hbm>> -> memref<1000000x32xf32, #tpu.memory_space<hbm>>
      tpu.wait_indirect_dma semaphore(%arg17 : memref<!tpu.dma_semaphore, #tpu.memory_space<semaphore_mem>>) src(%dma_wait3A_393 : memref<1000000x32xf32, #tpu.memory_space<hbm>>) dst(%dma_wait3A_387 : memref<128x32xf32, #tpu.memory_space<vmem>>)
      %scan3A_394 = arith.constant 0 : i32
      %scan3A_395 = arith.constant 0 : i32
      %scan3A_396 = arith.constant 64 : i32
      %scan3A_397 = arith.addi %scan3A_395, %scan3A_396 : i32
      %scan3A_398 = arith.constant 1 : i32
      %scan3A_399 = scf.for %scan3A_406 = %scan3A_395 to %scan3A_397 step %scan3A_398 iter_args(%scan3A_407 = %scan3A_394) -> (i32)  : i32 {
        %mul3A_408 = arith.constant 16 : i32
        %mul3A_409 = arith.muli %scan3A_406, %mul3A_408 : i32
        %get3A_410 = arith.index_cast %mul3A_409 : i32 to index
        %get3A_411 = tpu.vector_load %arg11[%get3A_410] {strides = array<i32>} : memref<1024xf32, #tpu.memory_space<vmem>>, vector<16xf32>,
        %get3A_412 = vector.shape_cast %get3A_411 : vector<16xf32> to vector<16xf32>
        %add3A_413 = arith.constant 0 : i32
        %add3A_414 = arith.addi %mul3A_409, %add3A_413 : i32
        %slice3A = vector.extract_strided_slice %get3A_412 {offsets = [0], sizes = [1], strides = [1]} : vector<16xf32> to vector<1xf32>
        %squeeze3A = vector.extract %slice3A[0] : f32 from vector<1xf32>
        %add3A_415 = arith.addi %add3A_23, %add3A_414 : i32
        %rem3A_416 = arith.constant 200 : i32
        %rem3A_417 = arith.remsi %add3A_415, %rem3A_416 : i32
        %get3A_418 = arith.index_cast %add3A_414 : i32 to index
        %get3A_419 = arith.constant 0 : index
        %get3A_420 = tpu.vector_load %arg13[%get3A_418, %get3A_419] {strides = array<i32>} : memref<1024x32xf32, #tpu.memory_space<vmem>>, vector<1x16xf32>,
        %get3A_421 = vector.shape_cast %get3A_420 : vector<1x16xf32> to vector<16xf32>
        %mul3A_422 = vector.broadcast %squeeze3A : f32 to vector<16xf32>
        %mul3A_423 = arith.mulf %mul3A_422, %get3A_4 : vector<16xf32>
        %add3A_424 = arith.addf %get3A_421, %mul3A_423 : vector<16xf32>
        %get3A_425 = arith.index_cast %rem3A_417 : i32 to index
        %get3A_426 = arith.constant 0 : index
        %get3A_427 = tpu.vector_load %arg14[%get3A_425, %get3A_426] {strides = array<i32>} : memref<200x32xf32, #tpu.memory_space<vmem>>, vector<1x16xf32>,
        %get3A_428 = vector.shape_cast %get3A_427 : vector<1x16xf32> to vector<16xf32>
        %add3A_429 = arith.addf %add3A_424, %get3A_428 : vector<16xf32>
        %swap3A = arith.index_cast %add3A_414 : i32 to index
        %swap3A_430 = arith.constant 0 : index
        %swap3A_431 = tpu.vector_load %arg13[%swap3A, %swap3A_430] {strides = array<i32>} : memref<1024x32xf32, #tpu.memory_space<vmem>>, vector<1x16xf32>,
        %swap3A_432 = vector.shape_cast %swap3A_431 : vector<1x16xf32> to vector<16xf32>
        %swap3A_433 = vector.shape_cast %add3A_429 : vector<16xf32> to vector<1x16xf32>
        tpu.vector_store %arg13[%swap3A, %swap3A_430], %swap3A_433 {strides = array<i32>} : memref<1024x32xf32, #tpu.memory_space<vmem>>, vector<1x16xf32>,
        %get3A_434 = arith.index_cast %add3A_414 : i32 to index
        %get3A_435 = arith.constant 16 : index
        %get3A_436 = tpu.vector_load %arg13[%get3A_434, %get3A_435] {strides = array<i32>} : memref<1024x32xf32, #tpu.memory_space<vmem>>, vector<1x16xf32>,
        %get3A_437 = vector.shape_cast %get3A_436 : vector<1x16xf32> to vector<16xf32>
        %mul3A_438 = vector.broadcast %squeeze3A : f32 to vector<16xf32>
        %mul3A_439 = arith.mulf %mul3A_438, %get3A_7 : vector<16xf32>
        %add3A_440 = arith.addf %get3A_437, %mul3A_439 : vector<16xf32>
        %get3A_441 = arith.index_cast %rem3A_417 : i32 to index
        %get3A_442 = arith.constant 16 : index
        %get3A_443 = tpu.vector_load %arg14[%get3A_441, %get3A_442] {strides = array<i32>} : memref<200x32xf32, #tpu.memory_space<vmem>>, vector<1x16xf32>,
        %get3A_444 = vector.shape_cast %get3A_443 : vector<1x16xf32> to vector<16xf32>
        %add3A_445 = arith.addf %add3A_440, %get3A_444 : vector<16xf32>
        %swap3A_446 = arith.index_cast %add3A_414 : i32 to index
        %swap3A_447 = arith.constant 16 : index
        %swap3A_448 = tpu.vector_load %arg13[%swap3A_446, %swap3A_447] {strides = array<i32>} : memref<1024x32xf32, #tpu.memory_space<vmem>>, vector<1x16xf32>,
        %swap3A_449 = vector.shape_cast %swap3A_448 : vector<1x16xf32> to vector<16xf32>
        %swap3A_450 = vector.shape_cast %add3A_445 : vector<16xf32> to vector<1x16xf32>
        tpu.vector_store %arg13[%swap3A_446, %swap3A_447], %swap3A_450 {strides = array<i32>} : memref<1024x32xf32, #tpu.memory_space<vmem>>, vector<1x16xf32>,
        %add3A_451 = arith.constant 1 : i32
        %add3A_452 = arith.addi %mul3A_409, %add3A_451 : i32
        %slice3A_453 = vector.extract_strided_slice %get3A_412 {offsets = [1], sizes = [1], strides = [1]} : vector<16xf32> to vector<1xf32>
        %squeeze3A_454 = vector.extract %slice3A_453[0] : f32 from vector<1xf32>
        %add3A_455 = arith.addi %add3A_23, %add3A_452 : i32
        %rem3A_456 = arith.constant 200 : i32
        %rem3A_457 = arith.remsi %add3A_455, %rem3A_456 : i32
        %get3A_458 = arith.index_cast %add3A_452 : i32 to index
        %get3A_459 = arith.constant 0 : index
        %get3A_460 = tpu.vector_load %arg13[%get3A_458, %get3A_459] {strides = array<i32>} : memref<1024x32xf32, #tpu.memory_space<vmem>>, vector<1x16xf32>,
        %get3A_461 = vector.shape_cast %get3A_460 : vector<1x16xf32> to vector<16xf32>
        %mul3A_462 = vector.broadcast %squeeze3A_454 : f32 to vector<16xf32>
        %mul3A_463 = arith.mulf %mul3A_462, %get3A_4 : vector<16xf32>
        %add3A_464 = arith.addf %get3A_461, %mul3A_463 : vector<16xf32>
        %get3A_465 = arith.index_cast %rem3A_457 : i32 to index
        %get3A_466 = arith.constant 0 : index
        %get3A_467 = tpu.vector_load %arg14[%get3A_465, %get3A_466] {strides = array<i32>} : memref<200x32xf32, #tpu.memory_space<vmem>>, vector<1x16xf32>,
        %get3A_468 = vector.shape_cast %get3A_467 : vector<1x16xf32> to vector<16xf32>
        %add3A_469 = arith.addf %add3A_464, %get3A_468 : vector<16xf32>
        %swap3A_470 = arith.index_cast %add3A_452 : i32 to index
        %swap3A_471 = arith.constant 0 : index
        %swap3A_472 = tpu.vector_load %arg13[%swap3A_470, %swap3A_471] {strides = array<i32>} : memref<1024x32xf32, #tpu.memory_space<vmem>>, vector<1x16xf32>,
        %swap3A_473 = vector.shape_cast %swap3A_472 : vector<1x16xf32> to vector<16xf32>
        %swap3A_474 = vector.shape_cast %add3A_469 : vector<16xf32> to vector<1x16xf32>
        tpu.vector_store %arg13[%swap3A_470, %swap3A_471], %swap3A_474 {strides = array<i32>} : memref<1024x32xf32, #tpu.memory_space<vmem>>, vector<1x16xf32>,
        %get3A_475 = arith.index_cast %add3A_452 : i32 to index
        %get3A_476 = arith.constant 16 : index
        %get3A_477 = tpu.vector_load %arg13[%get3A_475, %get3A_476] {strides = array<i32>} : memref<1024x32xf32, #tpu.memory_space<vmem>>, vector<1x16xf32>,
        %get3A_478 = vector.shape_cast %get3A_477 : vector<1x16xf32> to vector<16xf32>
        %mul3A_479 = vector.broadcast %squeeze3A_454 : f32 to vector<16xf32>
        %mul3A_480 = arith.mulf %mul3A_479, %get3A_7 : vector<16xf32>
        %add3A_481 = arith.addf %get3A_478, %mul3A_480 : vector<16xf32>
        %get3A_482 = arith.index_cast %rem3A_457 : i32 to index
        %get3A_483 = arith.constant 16 : index
        %get3A_484 = tpu.vector_load %arg14[%get3A_482, %get3A_483] {strides = array<i32>} : memref<200x32xf32, #tpu.memory_space<vmem>>, vector<1x16xf32>,
        %get3A_485 = vector.shape_cast %get3A_484 : vector<1x16xf32> to vector<16xf32>
        %add3A_486 = arith.addf %add3A_481, %get3A_485 : vector<16xf32>
        %swap3A_487 = arith.index_cast %add3A_452 : i32 to index
        %swap3A_488 = arith.constant 16 : index
        %swap3A_489 = tpu.vector_load %arg13[%swap3A_487, %swap3A_488] {strides = array<i32>} : memref<1024x32xf32, #tpu.memory_space<vmem>>, vector<1x16xf32>,
        %swap3A_490 = vector.shape_cast %swap3A_489 : vector<1x16xf32> to vector<16xf32>
        %swap3A_491 = vector.shape_cast %add3A_486 : vector<16xf32> to vector<1x16xf32>
        tpu.vector_store %arg13[%swap3A_487, %swap3A_488], %swap3A_491 {strides = array<i32>} : memref<1024x32xf32, #tpu.memory_space<vmem>>, vector<1x16xf32>,
        %add3A_492 = arith.constant 2 : i32
        %add3A_493 = arith.addi %mul3A_409, %add3A_492 : i32
        %slice3A_494 = vector.extract_strided_slice %get3A_412 {offsets = [2], sizes = [1], strides = [1]} : vector<16xf32> to vector<1xf32>
        %squeeze3A_495 = vector.extract %slice3A_494[0] : f32 from vector<1xf32>
        %add3A_496 = arith.addi %add3A_23, %add3A_493 : i32
        %rem3A_497 = arith.constant 200 : i32
        %rem3A_498 = arith.remsi %add3A_496, %rem3A_497 : i32
        %get3A_499 = arith.index_cast %add3A_493 : i32 to index
        %get3A_500 = arith.constant 0 : index
        %get3A_501 = tpu.vector_load %arg13[%get3A_499, %get3A_500] {strides = array<i32>} : memref<1024x32xf32, #tpu.memory_space<vmem>>, vector<1x16xf32>,
        %get3A_502 = vector.shape_cast %get3A_501 : vector<1x16xf32> to vector<16xf32>
        %mul3A_503 = vector.broadcast %squeeze3A_495 : f32 to vector<16xf32>
        %mul3A_504 = arith.mulf %mul3A_503, %get3A_4 : vector<16xf32>
        %add3A_505 = arith.addf %get3A_502, %mul3A_504 : vector<16xf32>
        %get3A_506 = arith.index_cast %rem3A_498 : i32 to index
        %get3A_507 = arith.constant 0 : index
        %get3A_508 = tpu.vector_load %arg14[%get3A_506, %get3A_507] {strides = array<i32>} : memref<200x32xf32, #tpu.memory_space<vmem>>, vector<1x16xf32>,
        %get3A_509 = vector.shape_cast %get3A_508 : vector<1x16xf32> to vector<16xf32>
        %add3A_510 = arith.addf %add3A_505, %get3A_509 : vector<16xf32>
        %swap3A_511 = arith.index_cast %add3A_493 : i32 to index
        %swap3A_512 = arith.constant 0 : index
        %swap3A_513 = tpu.vector_load %arg13[%swap3A_511, %swap3A_512] {strides = array<i32>} : memref<1024x32xf32, #tpu.memory_space<vmem>>, vector<1x16xf32>,
        %swap3A_514 = vector.shape_cast %swap3A_513 : vector<1x16xf32> to vector<16xf32>
        %swap3A_515 = vector.shape_cast %add3A_510 : vector<16xf32> to vector<1x16xf32>
        tpu.vector_store %arg13[%swap3A_511, %swap3A_512], %swap3A_515 {strides = array<i32>} : memref<1024x32xf32, #tpu.memory_space<vmem>>, vector<1x16xf32>,
        %get3A_516 = arith.index_cast %add3A_493 : i32 to index
        %get3A_517 = arith.constant 16 : index
        %get3A_518 = tpu.vector_load %arg13[%get3A_516, %get3A_517] {strides = array<i32>} : memref<1024x32xf32, #tpu.memory_space<vmem>>, vector<1x16xf32>,
        %get3A_519 = vector.shape_cast %get3A_518 : vector<1x16xf32> to vector<16xf32>
        %mul3A_520 = vector.broadcast %squeeze3A_495 : f32 to vector<16xf32>
        %mul3A_521 = arith.mulf %mul3A_520, %get3A_7 : vector<16xf32>
        %add3A_522 = arith.addf %get3A_519, %mul3A_521 : vector<16xf32>
        %get3A_523 = arith.index_cast %rem3A_498 : i32 to index
        %get3A_524 = arith.constant 16 : index
        %get3A_525 = tpu.vector_load %arg14[%get3A_523, %get3A_524] {strides = array<i32>} : memref<200x32xf32, #tpu.memory_space<vmem>>, vector<1x16xf32>,
        %get3A_526 = vector.shape_cast %get3A_525 : vector<1x16xf32> to vector<16xf32>
        %add3A_527 = arith.addf %add3A_522, %get3A_526 : vector<16xf32>
        %swap3A_528 = arith.index_cast %add3A_493 : i32 to index
        %swap3A_529 = arith.constant 16 : index
        %swap3A_530 = tpu.vector_load %arg13[%swap3A_528, %swap3A_529] {strides = array<i32>} : memref<1024x32xf32, #tpu.memory_space<vmem>>, vector<1x16xf32>,
        %swap3A_531 = vector.shape_cast %swap3A_530 : vector<1x16xf32> to vector<16xf32>
        %swap3A_532 = vector.shape_cast %add3A_527 : vector<16xf32> to vector<1x16xf32>
        tpu.vector_store %arg13[%swap3A_528, %swap3A_529], %swap3A_532 {strides = array<i32>} : memref<1024x32xf32, #tpu.memory_space<vmem>>, vector<1x16xf32>,
        %add3A_533 = arith.constant 3 : i32
        %add3A_534 = arith.addi %mul3A_409, %add3A_533 : i32
        %slice3A_535 = vector.extract_strided_slice %get3A_412 {offsets = [3], sizes = [1], strides = [1]} : vector<16xf32> to vector<1xf32>
        %squeeze3A_536 = vector.extract %slice3A_535[0] : f32 from vector<1xf32>
        %add3A_537 = arith.addi %add3A_23, %add3A_534 : i32
        %rem3A_538 = arith.constant 200 : i32
        %rem3A_539 = arith.remsi %add3A_537, %rem3A_538 : i32
        %get3A_540 = arith.index_cast %add3A_534 : i32 to index
        %get3A_541 = arith.constant 0 : index
        %get3A_542 = tpu.vector_load %arg13[%get3A_540, %get3A_541] {strides = array<i32>} : memref<1024x32xf32, #tpu.memory_space<vmem>>, vector<1x16xf32>,
        %get3A_543 = vector.shape_cast %get3A_542 : vector<1x16xf32> to vector<16xf32>
        %mul3A_544 = vector.broadcast %squeeze3A_536 : f32 to vector<16xf32>
        %mul3A_545 = arith.mulf %mul3A_544, %get3A_4 : vector<16xf32>
        %add3A_546 = arith.addf %get3A_543, %mul3A_545 : vector<16xf32>
        %get3A_547 = arith.index_cast %rem3A_539 : i32 to index
        %get3A_548 = arith.constant 0 : index
        %get3A_549 = tpu.vector_load %arg14[%get3A_547, %get3A_548] {strides = array<i32>} : memref<200x32xf32, #tpu.memory_space<vmem>>, vector<1x16xf32>,
        %get3A_550 = vector.shape_cast %get3A_549 : vector<1x16xf32> to vector<16xf32>
        %add3A_551 = arith.addf %add3A_546, %get3A_550 : vector<16xf32>
        %swap3A_552 = arith.index_cast %add3A_534 : i32 to index
        %swap3A_553 = arith.constant 0 : index
        %swap3A_554 = tpu.vector_load %arg13[%swap3A_552, %swap3A_553] {strides = array<i32>} : memref<1024x32xf32, #tpu.memory_space<vmem>>, vector<1x16xf32>,
        %swap3A_555 = vector.shape_cast %swap3A_554 : vector<1x16xf32> to vector<16xf32>
        %swap3A_556 = vector.shape_cast %add3A_551 : vector<16xf32> to vector<1x16xf32>
        tpu.vector_store %arg13[%swap3A_552, %swap3A_553], %swap3A_556 {strides = array<i32>} : memref<1024x32xf32, #tpu.memory_space<vmem>>, vector<1x16xf32>,
        %get3A_557 = arith.index_cast %add3A_534 : i32 to index
        %get3A_558 = arith.constant 16 : index
        %get3A_559 = tpu.vector_load %arg13[%get3A_557, %get3A_558] {strides = array<i32>} : memref<1024x32xf32, #tpu.memory_space<vmem>>, vector<1x16xf32>,
        %get3A_560 = vector.shape_cast %get3A_559 : vector<1x16xf32> to vector<16xf32>
        %mul3A_561 = vector.broadcast %squeeze3A_536 : f32 to vector<16xf32>
        %mul3A_562 = arith.mulf %mul3A_561, %get3A_7 : vector<16xf32>
        %add3A_563 = arith.addf %get3A_560, %mul3A_562 : vector<16xf32>
        %get3A_564 = arith.index_cast %rem3A_539 : i32 to index
        %get3A_565 = arith.constant 16 : index
        %get3A_566 = tpu.vector_load %arg14[%get3A_564, %get3A_565] {strides = array<i32>} : memref<200x32xf32, #tpu.memory_space<vmem>>, vector<1x16xf32>,
        %get3A_567 = vector.shape_cast %get3A_566 : vector<1x16xf32> to vector<16xf32>
        %add3A_568 = arith.addf %add3A_563, %get3A_567 : vector<16xf32>
        %swap3A_569 = arith.index_cast %add3A_534 : i32 to index
        %swap3A_570 = arith.constant 16 : index
        %swap3A_571 = tpu.vector_load %arg13[%swap3A_569, %swap3A_570] {strides = array<i32>} : memref<1024x32xf32, #tpu.memory_space<vmem>>, vector<1x16xf32>,
        %swap3A_572 = vector.shape_cast %swap3A_571 : vector<1x16xf32> to vector<16xf32>
        %swap3A_573 = vector.shape_cast %add3A_568 : vector<16xf32> to vector<1x16xf32>
        tpu.vector_store %arg13[%swap3A_569, %swap3A_570], %swap3A_573 {strides = array<i32>} : memref<1024x32xf32, #tpu.memory_space<vmem>>, vector<1x16xf32>,
        %add3A_574 = arith.constant 4 : i32
        %add3A_575 = arith.addi %mul3A_409, %add3A_574 : i32
        %slice3A_576 = vector.extract_strided_slice %get3A_412 {offsets = [4], sizes = [1], strides = [1]} : vector<16xf32> to vector<1xf32>
        %squeeze3A_577 = vector.extract %slice3A_576[0] : f32 from vector<1xf32>
        %add3A_578 = arith.addi %add3A_23, %add3A_575 : i32
        %rem3A_579 = arith.constant 200 : i32
        %rem3A_580 = arith.remsi %add3A_578, %rem3A_579 : i32
        %get3A_581 = arith.index_cast %add3A_575 : i32 to index
        %get3A_582 = arith.constant 0 : index
        %get3A_583 = tpu.vector_load %arg13[%get3A_581, %get3A_582] {strides = array<i32>} : memref<1024x32xf32, #tpu.memory_space<vmem>>, vector<1x16xf32>,
        %get3A_584 = vector.shape_cast %get3A_583 : vector<1x16xf32> to vector<16xf32>
        %mul3A_585 = vector.broadcast %squeeze3A_577 : f32 to vector<16xf32>
        %mul3A_586 = arith.mulf %mul3A_585, %get3A_4 : vector<16xf32>
        %add3A_587 = arith.addf %get3A_584, %mul3A_586 : vector<16xf32>
        %get3A_588 = arith.index_cast %rem3A_580 : i32 to index
        %get3A_589 = arith.constant 0 : index
        %get3A_590 = tpu.vector_load %arg14[%get3A_588, %get3A_589] {strides = array<i32>} : memref<200x32xf32, #tpu.memory_space<vmem>>, vector<1x16xf32>,
        %get3A_591 = vector.shape_cast %get3A_590 : vector<1x16xf32> to vector<16xf32>
        %add3A_592 = arith.addf %add3A_587, %get3A_591 : vector<16xf32>
        %swap3A_593 = arith.index_cast %add3A_575 : i32 to index
        %swap3A_594 = arith.constant 0 : index
        %swap3A_595 = tpu.vector_load %arg13[%swap3A_593, %swap3A_594] {strides = array<i32>} : memref<1024x32xf32, #tpu.memory_space<vmem>>, vector<1x16xf32>,
        %swap3A_596 = vector.shape_cast %swap3A_595 : vector<1x16xf32> to vector<16xf32>
        %swap3A_597 = vector.shape_cast %add3A_592 : vector<16xf32> to vector<1x16xf32>
        tpu.vector_store %arg13[%swap3A_593, %swap3A_594], %swap3A_597 {strides = array<i32>} : memref<1024x32xf32, #tpu.memory_space<vmem>>, vector<1x16xf32>,
        %get3A_598 = arith.index_cast %add3A_575 : i32 to index
        %get3A_599 = arith.constant 16 : index
        %get3A_600 = tpu.vector_load %arg13[%get3A_598, %get3A_599] {strides = array<i32>} : memref<1024x32xf32, #tpu.memory_space<vmem>>, vector<1x16xf32>,
        %get3A_601 = vector.shape_cast %get3A_600 : vector<1x16xf32> to vector<16xf32>
        %mul3A_602 = vector.broadcast %squeeze3A_577 : f32 to vector<16xf32>
        %mul3A_603 = arith.mulf %mul3A_602, %get3A_7 : vector<16xf32>
        %add3A_604 = arith.addf %get3A_601, %mul3A_603 : vector<16xf32>
        %get3A_605 = arith.index_cast %rem3A_580 : i32 to index
        %get3A_606 = arith.constant 16 : index
        %get3A_607 = tpu.vector_load %arg14[%get3A_605, %get3A_606] {strides = array<i32>} : memref<200x32xf32, #tpu.memory_space<vmem>>, vector<1x16xf32>,
        %get3A_608 = vector.shape_cast %get3A_607 : vector<1x16xf32> to vector<16xf32>
        %add3A_609 = arith.addf %add3A_604, %get3A_608 : vector<16xf32>
        %swap3A_610 = arith.index_cast %add3A_575 : i32 to index
        %swap3A_611 = arith.constant 16 : index
        %swap3A_612 = tpu.vector_load %arg13[%swap3A_610, %swap3A_611] {strides = array<i32>} : memref<1024x32xf32, #tpu.memory_space<vmem>>, vector<1x16xf32>,
        %swap3A_613 = vector.shape_cast %swap3A_612 : vector<1x16xf32> to vector<16xf32>
        %swap3A_614 = vector.shape_cast %add3A_609 : vector<16xf32> to vector<1x16xf32>
        tpu.vector_store %arg13[%swap3A_610, %swap3A_611], %swap3A_614 {strides = array<i32>} : memref<1024x32xf32, #tpu.memory_space<vmem>>, vector<1x16xf32>,
        %add3A_615 = arith.constant 5 : i32
        %add3A_616 = arith.addi %mul3A_409, %add3A_615 : i32
        %slice3A_617 = vector.extract_strided_slice %get3A_412 {offsets = [5], sizes = [1], strides = [1]} : vector<16xf32> to vector<1xf32>
        %squeeze3A_618 = vector.extract %slice3A_617[0] : f32 from vector<1xf32>
        %add3A_619 = arith.addi %add3A_23, %add3A_616 : i32
        %rem3A_620 = arith.constant 200 : i32
        %rem3A_621 = arith.remsi %add3A_619, %rem3A_620 : i32
        %get3A_622 = arith.index_cast %add3A_616 : i32 to index
        %get3A_623 = arith.constant 0 : index
        %get3A_624 = tpu.vector_load %arg13[%get3A_622, %get3A_623] {strides = array<i32>} : memref<1024x32xf32, #tpu.memory_space<vmem>>, vector<1x16xf32>,
        %get3A_625 = vector.shape_cast %get3A_624 : vector<1x16xf32> to vector<16xf32>
        %mul3A_626 = vector.broadcast %squeeze3A_618 : f32 to vector<16xf32>
        %mul3A_627 = arith.mulf %mul3A_626, %get3A_4 : vector<16xf32>
        %add3A_628 = arith.addf %get3A_625, %mul3A_627 : vector<16xf32>
        %get3A_629 = arith.index_cast %rem3A_621 : i32 to index
        %get3A_630 = arith.constant 0 : index
        %get3A_631 = tpu.vector_load %arg14[%get3A_629, %get3A_630] {strides = array<i32>} : memref<200x32xf32, #tpu.memory_space<vmem>>, vector<1x16xf32>,
        %get3A_632 = vector.shape_cast %get3A_631 : vector<1x16xf32> to vector<16xf32>
        %add3A_633 = arith.addf %add3A_628, %get3A_632 : vector<16xf32>
        %swap3A_634 = arith.index_cast %add3A_616 : i32 to index
        %swap3A_635 = arith.constant 0 : index
        %swap3A_636 = tpu.vector_load %arg13[%swap3A_634, %swap3A_635] {strides = array<i32>} : memref<1024x32xf32, #tpu.memory_space<vmem>>, vector<1x16xf32>,
        %swap3A_637 = vector.shape_cast %swap3A_636 : vector<1x16xf32> to vector<16xf32>
        %swap3A_638 = vector.shape_cast %add3A_633 : vector<16xf32> to vector<1x16xf32>
        tpu.vector_store %arg13[%swap3A_634, %swap3A_635], %swap3A_638 {strides = array<i32>} : memref<1024x32xf32, #tpu.memory_space<vmem>>, vector<1x16xf32>,
        %get3A_639 = arith.index_cast %add3A_616 : i32 to index
        %get3A_640 = arith.constant 16 : index
        %get3A_641 = tpu.vector_load %arg13[%get3A_639, %get3A_640] {strides = array<i32>} : memref<1024x32xf32, #tpu.memory_space<vmem>>, vector<1x16xf32>,
        %get3A_642 = vector.shape_cast %get3A_641 : vector<1x16xf32> to vector<16xf32>
        %mul3A_643 = vector.broadcast %squeeze3A_618 : f32 to vector<16xf32>
        %mul3A_644 = arith.mulf %mul3A_643, %get3A_7 : vector<16xf32>
        %add3A_645 = arith.addf %get3A_642, %mul3A_644 : vector<16xf32>
        %get3A_646 = arith.index_cast %rem3A_621 : i32 to index
        %get3A_647 = arith.constant 16 : index
        %get3A_648 = tpu.vector_load %arg14[%get3A_646, %get3A_647] {strides = array<i32>} : memref<200x32xf32, #tpu.memory_space<vmem>>, vector<1x16xf32>,
        %get3A_649 = vector.shape_cast %get3A_648 : vector<1x16xf32> to vector<16xf32>
        %add3A_650 = arith.addf %add3A_645, %get3A_649 : vector<16xf32>
        %swap3A_651 = arith.index_cast %add3A_616 : i32 to index
        %swap3A_652 = arith.constant 16 : index
        %swap3A_653 = tpu.vector_load %arg13[%swap3A_651, %swap3A_652] {strides = array<i32>} : memref<1024x32xf32, #tpu.memory_space<vmem>>, vector<1x16xf32>,
        %swap3A_654 = vector.shape_cast %swap3A_653 : vector<1x16xf32> to vector<16xf32>
        %swap3A_655 = vector.shape_cast %add3A_650 : vector<16xf32> to vector<1x16xf32>
        tpu.vector_store %arg13[%swap3A_651, %swap3A_652], %swap3A_655 {strides = array<i32>} : memref<1024x32xf32, #tpu.memory_space<vmem>>, vector<1x16xf32>,
        %add3A_656 = arith.constant 6 : i32
        %add3A_657 = arith.addi %mul3A_409, %add3A_656 : i32
        %slice3A_658 = vector.extract_strided_slice %get3A_412 {offsets = [6], sizes = [1], strides = [1]} : vector<16xf32> to vector<1xf32>
        %squeeze3A_659 = vector.extract %slice3A_658[0] : f32 from vector<1xf32>
        %add3A_660 = arith.addi %add3A_23, %add3A_657 : i32
        %rem3A_661 = arith.constant 200 : i32
        %rem3A_662 = arith.remsi %add3A_660, %rem3A_661 : i32
        %get3A_663 = arith.index_cast %add3A_657 : i32 to index
        %get3A_664 = arith.constant 0 : index
        %get3A_665 = tpu.vector_load %arg13[%get3A_663, %get3A_664] {strides = array<i32>} : memref<1024x32xf32, #tpu.memory_space<vmem>>, vector<1x16xf32>,
        %get3A_666 = vector.shape_cast %get3A_665 : vector<1x16xf32> to vector<16xf32>
        %mul3A_667 = vector.broadcast %squeeze3A_659 : f32 to vector<16xf32>
        %mul3A_668 = arith.mulf %mul3A_667, %get3A_4 : vector<16xf32>
        %add3A_669 = arith.addf %get3A_666, %mul3A_668 : vector<16xf32>
        %get3A_670 = arith.index_cast %rem3A_662 : i32 to index
        %get3A_671 = arith.constant 0 : index
        %get3A_672 = tpu.vector_load %arg14[%get3A_670, %get3A_671] {strides = array<i32>} : memref<200x32xf32, #tpu.memory_space<vmem>>, vector<1x16xf32>,
        %get3A_673 = vector.shape_cast %get3A_672 : vector<1x16xf32> to vector<16xf32>
        %add3A_674 = arith.addf %add3A_669, %get3A_673 : vector<16xf32>
        %swap3A_675 = arith.index_cast %add3A_657 : i32 to index
        %swap3A_676 = arith.constant 0 : index
        %swap3A_677 = tpu.vector_load %arg13[%swap3A_675, %swap3A_676] {strides = array<i32>} : memref<1024x32xf32, #tpu.memory_space<vmem>>, vector<1x16xf32>,
        %swap3A_678 = vector.shape_cast %swap3A_677 : vector<1x16xf32> to vector<16xf32>
        %swap3A_679 = vector.shape_cast %add3A_674 : vector<16xf32> to vector<1x16xf32>
        tpu.vector_store %arg13[%swap3A_675, %swap3A_676], %swap3A_679 {strides = array<i32>} : memref<1024x32xf32, #tpu.memory_space<vmem>>, vector<1x16xf32>,
        %get3A_680 = arith.index_cast %add3A_657 : i32 to index
        %get3A_681 = arith.constant 16 : index
        %get3A_682 = tpu.vector_load %arg13[%get3A_680, %get3A_681] {strides = array<i32>} : memref<1024x32xf32, #tpu.memory_space<vmem>>, vector<1x16xf32>,
        %get3A_683 = vector.shape_cast %get3A_682 : vector<1x16xf32> to vector<16xf32>
        %mul3A_684 = vector.broadcast %squeeze3A_659 : f32 to vector<16xf32>
        %mul3A_685 = arith.mulf %mul3A_684, %get3A_7 : vector<16xf32>
        %add3A_686 = arith.addf %get3A_683, %mul3A_685 : vector<16xf32>
        %get3A_687 = arith.index_cast %rem3A_662 : i32 to index
        %get3A_688 = arith.constant 16 : index
        %get3A_689 = tpu.vector_load %arg14[%get3A_687, %get3A_688] {strides = array<i32>} : memref<200x32xf32, #tpu.memory_space<vmem>>, vector<1x16xf32>,
        %get3A_690 = vector.shape_cast %get3A_689 : vector<1x16xf32> to vector<16xf32>
        %add3A_691 = arith.addf %add3A_686, %get3A_690 : vector<16xf32>
        %swap3A_692 = arith.index_cast %add3A_657 : i32 to index
        %swap3A_693 = arith.constant 16 : index
        %swap3A_694 = tpu.vector_load %arg13[%swap3A_692, %swap3A_693] {strides = array<i32>} : memref<1024x32xf32, #tpu.memory_space<vmem>>, vector<1x16xf32>,
        %swap3A_695 = vector.shape_cast %swap3A_694 : vector<1x16xf32> to vector<16xf32>
        %swap3A_696 = vector.shape_cast %add3A_691 : vector<16xf32> to vector<1x16xf32>
        tpu.vector_store %arg13[%swap3A_692, %swap3A_693], %swap3A_696 {strides = array<i32>} : memref<1024x32xf32, #tpu.memory_space<vmem>>, vector<1x16xf32>,
        %add3A_697 = arith.constant 7 : i32
        %add3A_698 = arith.addi %mul3A_409, %add3A_697 : i32
        %slice3A_699 = vector.extract_strided_slice %get3A_412 {offsets = [7], sizes = [1], strides = [1]} : vector<16xf32> to vector<1xf32>
        %squeeze3A_700 = vector.extract %slice3A_699[0] : f32 from vector<1xf32>
        %add3A_701 = arith.addi %add3A_23, %add3A_698 : i32
        %rem3A_702 = arith.constant 200 : i32
        %rem3A_703 = arith.remsi %add3A_701, %rem3A_702 : i32
        %get3A_704 = arith.index_cast %add3A_698 : i32 to index
        %get3A_705 = arith.constant 0 : index
        %get3A_706 = tpu.vector_load %arg13[%get3A_704, %get3A_705] {strides = array<i32>} : memref<1024x32xf32, #tpu.memory_space<vmem>>, vector<1x16xf32>,
        %get3A_707 = vector.shape_cast %get3A_706 : vector<1x16xf32> to vector<16xf32>
        %mul3A_708 = vector.broadcast %squeeze3A_700 : f32 to vector<16xf32>
        %mul3A_709 = arith.mulf %mul3A_708, %get3A_4 : vector<16xf32>
        %add3A_710 = arith.addf %get3A_707, %mul3A_709 : vector<16xf32>
        %get3A_711 = arith.index_cast %rem3A_703 : i32 to index
        %get3A_712 = arith.constant 0 : index
        %get3A_713 = tpu.vector_load %arg14[%get3A_711, %get3A_712] {strides = array<i32>} : memref<200x32xf32, #tpu.memory_space<vmem>>, vector<1x16xf32>,
        %get3A_714 = vector.shape_cast %get3A_713 : vector<1x16xf32> to vector<16xf32>
        %add3A_715 = arith.addf %add3A_710, %get3A_714 : vector<16xf32>
        %swap3A_716 = arith.index_cast %add3A_698 : i32 to index
        %swap3A_717 = arith.constant 0 : index
        %swap3A_718 = tpu.vector_load %arg13[%swap3A_716, %swap3A_717] {strides = array<i32>} : memref<1024x32xf32, #tpu.memory_space<vmem>>, vector<1x16xf32>,
        %swap3A_719 = vector.shape_cast %swap3A_718 : vector<1x16xf32> to vector<16xf32>
        %swap3A_720 = vector.shape_cast %add3A_715 : vector<16xf32> to vector<1x16xf32>
        tpu.vector_store %arg13[%swap3A_716, %swap3A_717], %swap3A_720 {strides = array<i32>} : memref<1024x32xf32, #tpu.memory_space<vmem>>, vector<1x16xf32>,
        %get3A_721 = arith.index_cast %add3A_698 : i32 to index
        %get3A_722 = arith.constant 16 : index
        %get3A_723 = tpu.vector_load %arg13[%get3A_721, %get3A_722] {strides = array<i32>} : memref<1024x32xf32, #tpu.memory_space<vmem>>, vector<1x16xf32>,
        %get3A_724 = vector.shape_cast %get3A_723 : vector<1x16xf32> to vector<16xf32>
        %mul3A_725 = vector.broadcast %squeeze3A_700 : f32 to vector<16xf32>
        %mul3A_726 = arith.mulf %mul3A_725, %get3A_7 : vector<16xf32>
        %add3A_727 = arith.addf %get3A_724, %mul3A_726 : vector<16xf32>
        %get3A_728 = arith.index_cast %rem3A_703 : i32 to index
        %get3A_729 = arith.constant 16 : index
        %get3A_730 = tpu.vector_load %arg14[%get3A_728, %get3A_729] {strides = array<i32>} : memref<200x32xf32, #tpu.memory_space<vmem>>, vector<1x16xf32>,
        %get3A_731 = vector.shape_cast %get3A_730 : vector<1x16xf32> to vector<16xf32>
        %add3A_732 = arith.addf %add3A_727, %get3A_731 : vector<16xf32>
        %swap3A_733 = arith.index_cast %add3A_698 : i32 to index
        %swap3A_734 = arith.constant 16 : index
        %swap3A_735 = tpu.vector_load %arg13[%swap3A_733, %swap3A_734] {strides = array<i32>} : memref<1024x32xf32, #tpu.memory_space<vmem>>, vector<1x16xf32>,
        %swap3A_736 = vector.shape_cast %swap3A_735 : vector<1x16xf32> to vector<16xf32>
        %swap3A_737 = vector.shape_cast %add3A_732 : vector<16xf32> to vector<1x16xf32>
        tpu.vector_store %arg13[%swap3A_733, %swap3A_734], %swap3A_737 {strides = array<i32>} : memref<1024x32xf32, #tpu.memory_space<vmem>>, vector<1x16xf32>,
        %add3A_738 = arith.constant 8 : i32
        %add3A_739 = arith.addi %mul3A_409, %add3A_738 : i32
        %slice3A_740 = vector.extract_strided_slice %get3A_412 {offsets = [8], sizes = [1], strides = [1]} : vector<16xf32> to vector<1xf32>
        %squeeze3A_741 = vector.extract %slice3A_740[0] : f32 from vector<1xf32>
        %add3A_742 = arith.addi %add3A_23, %add3A_739 : i32
        %rem3A_743 = arith.constant 200 : i32
        %rem3A_744 = arith.remsi %add3A_742, %rem3A_743 : i32
        %get3A_745 = arith.index_cast %add3A_739 : i32 to index
        %get3A_746 = arith.constant 0 : index
        %get3A_747 = tpu.vector_load %arg13[%get3A_745, %get3A_746] {strides = array<i32>} : memref<1024x32xf32, #tpu.memory_space<vmem>>, vector<1x16xf32>,
        %get3A_748 = vector.shape_cast %get3A_747 : vector<1x16xf32> to vector<16xf32>
        %mul3A_749 = vector.broadcast %squeeze3A_741 : f32 to vector<16xf32>
        %mul3A_750 = arith.mulf %mul3A_749, %get3A_4 : vector<16xf32>
        %add3A_751 = arith.addf %get3A_748, %mul3A_750 : vector<16xf32>
        %get3A_752 = arith.index_cast %rem3A_744 : i32 to index
        %get3A_753 = arith.constant 0 : index
        %get3A_754 = tpu.vector_load %arg14[%get3A_752, %get3A_753] {strides = array<i32>} : memref<200x32xf32, #tpu.memory_space<vmem>>, vector<1x16xf32>,
        %get3A_755 = vector.shape_cast %get3A_754 : vector<1x16xf32> to vector<16xf32>
        %add3A_756 = arith.addf %add3A_751, %get3A_755 : vector<16xf32>
        %swap3A_757 = arith.index_cast %add3A_739 : i32 to index
        %swap3A_758 = arith.constant 0 : index
        %swap3A_759 = tpu.vector_load %arg13[%swap3A_757, %swap3A_758] {strides = array<i32>} : memref<1024x32xf32, #tpu.memory_space<vmem>>, vector<1x16xf32>,
        %swap3A_760 = vector.shape_cast %swap3A_759 : vector<1x16xf32> to vector<16xf32>
        %swap3A_761 = vector.shape_cast %add3A_756 : vector<16xf32> to vector<1x16xf32>
        tpu.vector_store %arg13[%swap3A_757, %swap3A_758], %swap3A_761 {strides = array<i32>} : memref<1024x32xf32, #tpu.memory_space<vmem>>, vector<1x16xf32>,
        %get3A_762 = arith.index_cast %add3A_739 : i32 to index
        %get3A_763 = arith.constant 16 : index
        %get3A_764 = tpu.vector_load %arg13[%get3A_762, %get3A_763] {strides = array<i32>} : memref<1024x32xf32, #tpu.memory_space<vmem>>, vector<1x16xf32>,
        %get3A_765 = vector.shape_cast %get3A_764 : vector<1x16xf32> to vector<16xf32>
        %mul3A_766 = vector.broadcast %squeeze3A_741 : f32 to vector<16xf32>
        %mul3A_767 = arith.mulf %mul3A_766, %get3A_7 : vector<16xf32>
        %add3A_768 = arith.addf %get3A_765, %mul3A_767 : vector<16xf32>
        %get3A_769 = arith.index_cast %rem3A_744 : i32 to index
        %get3A_770 = arith.constant 16 : index
        %get3A_771 = tpu.vector_load %arg14[%get3A_769, %get3A_770] {strides = array<i32>} : memref<200x32xf32, #tpu.memory_space<vmem>>, vector<1x16xf32>,
        %get3A_772 = vector.shape_cast %get3A_771 : vector<1x16xf32> to vector<16xf32>
        %add3A_773 = arith.addf %add3A_768, %get3A_772 : vector<16xf32>
        %swap3A_774 = arith.index_cast %add3A_739 : i32 to index
        %swap3A_775 = arith.constant 16 : index
        %swap3A_776 = tpu.vector_load %arg13[%swap3A_774, %swap3A_775] {strides = array<i32>} : memref<1024x32xf32, #tpu.memory_space<vmem>>, vector<1x16xf32>,
        %swap3A_777 = vector.shape_cast %swap3A_776 : vector<1x16xf32> to vector<16xf32>
        %swap3A_778 = vector.shape_cast %add3A_773 : vector<16xf32> to vector<1x16xf32>
        tpu.vector_store %arg13[%swap3A_774, %swap3A_775], %swap3A_778 {strides = array<i32>} : memref<1024x32xf32, #tpu.memory_space<vmem>>, vector<1x16xf32>,
        %add3A_779 = arith.constant 9 : i32
        %add3A_780 = arith.addi %mul3A_409, %add3A_779 : i32
        %slice3A_781 = vector.extract_strided_slice %get3A_412 {offsets = [9], sizes = [1], strides = [1]} : vector<16xf32> to vector<1xf32>
        %squeeze3A_782 = vector.extract %slice3A_781[0] : f32 from vector<1xf32>
        %add3A_783 = arith.addi %add3A_23, %add3A_780 : i32
        %rem3A_784 = arith.constant 200 : i32
        %rem3A_785 = arith.remsi %add3A_783, %rem3A_784 : i32
        %get3A_786 = arith.index_cast %add3A_780 : i32 to index
        %get3A_787 = arith.constant 0 : index
        %get3A_788 = tpu.vector_load %arg13[%get3A_786, %get3A_787] {strides = array<i32>} : memref<1024x32xf32, #tpu.memory_space<vmem>>, vector<1x16xf32>,
        %get3A_789 = vector.shape_cast %get3A_788 : vector<1x16xf32> to vector<16xf32>
        %mul3A_790 = vector.broadcast %squeeze3A_782 : f32 to vector<16xf32>
        %mul3A_791 = arith.mulf %mul3A_790, %get3A_4 : vector<16xf32>
        %add3A_792 = arith.addf %get3A_789, %mul3A_791 : vector<16xf32>
        %get3A_793 = arith.index_cast %rem3A_785 : i32 to index
        %get3A_794 = arith.constant 0 : index
        %get3A_795 = tpu.vector_load %arg14[%get3A_793, %get3A_794] {strides = array<i32>} : memref<200x32xf32, #tpu.memory_space<vmem>>, vector<1x16xf32>,
        %get3A_796 = vector.shape_cast %get3A_795 : vector<1x16xf32> to vector<16xf32>
        %add3A_797 = arith.addf %add3A_792, %get3A_796 : vector<16xf32>
        %swap3A_798 = arith.index_cast %add3A_780 : i32 to index
        %swap3A_799 = arith.constant 0 : index
        %swap3A_800 = tpu.vector_load %arg13[%swap3A_798, %swap3A_799] {strides = array<i32>} : memref<1024x32xf32, #tpu.memory_space<vmem>>, vector<1x16xf32>,
        %swap3A_801 = vector.shape_cast %swap3A_800 : vector<1x16xf32> to vector<16xf32>
        %swap3A_802 = vector.shape_cast %add3A_797 : vector<16xf32> to vector<1x16xf32>
        tpu.vector_store %arg13[%swap3A_798, %swap3A_799], %swap3A_802 {strides = array<i32>} : memref<1024x32xf32, #tpu.memory_space<vmem>>, vector<1x16xf32>,
        %get3A_803 = arith.index_cast %add3A_780 : i32 to index
        %get3A_804 = arith.constant 16 : index
        %get3A_805 = tpu.vector_load %arg13[%get3A_803, %get3A_804] {strides = array<i32>} : memref<1024x32xf32, #tpu.memory_space<vmem>>, vector<1x16xf32>,
        %get3A_806 = vector.shape_cast %get3A_805 : vector<1x16xf32> to vector<16xf32>
        %mul3A_807 = vector.broadcast %squeeze3A_782 : f32 to vector<16xf32>
        %mul3A_808 = arith.mulf %mul3A_807, %get3A_7 : vector<16xf32>
        %add3A_809 = arith.addf %get3A_806, %mul3A_808 : vector<16xf32>
        %get3A_810 = arith.index_cast %rem3A_785 : i32 to index
        %get3A_811 = arith.constant 16 : index
        %get3A_812 = tpu.vector_load %arg14[%get3A_810, %get3A_811] {strides = array<i32>} : memref<200x32xf32, #tpu.memory_space<vmem>>, vector<1x16xf32>,
        %get3A_813 = vector.shape_cast %get3A_812 : vector<1x16xf32> to vector<16xf32>
        %add3A_814 = arith.addf %add3A_809, %get3A_813 : vector<16xf32>
        %swap3A_815 = arith.index_cast %add3A_780 : i32 to index
        %swap3A_816 = arith.constant 16 : index
        %swap3A_817 = tpu.vector_load %arg13[%swap3A_815, %swap3A_816] {strides = array<i32>} : memref<1024x32xf32, #tpu.memory_space<vmem>>, vector<1x16xf32>,
        %swap3A_818 = vector.shape_cast %swap3A_817 : vector<1x16xf32> to vector<16xf32>
        %swap3A_819 = vector.shape_cast %add3A_814 : vector<16xf32> to vector<1x16xf32>
        tpu.vector_store %arg13[%swap3A_815, %swap3A_816], %swap3A_819 {strides = array<i32>} : memref<1024x32xf32, #tpu.memory_space<vmem>>, vector<1x16xf32>,
        %add3A_820 = arith.constant 10 : i32
        %add3A_821 = arith.addi %mul3A_409, %add3A_820 : i32
        %slice3A_822 = vector.extract_strided_slice %get3A_412 {offsets = [10], sizes = [1], strides = [1]} : vector<16xf32> to vector<1xf32>
        %squeeze3A_823 = vector.extract %slice3A_822[0] : f32 from vector<1xf32>
        %add3A_824 = arith.addi %add3A_23, %add3A_821 : i32
        %rem3A_825 = arith.constant 200 : i32
        %rem3A_826 = arith.remsi %add3A_824, %rem3A_825 : i32
        %get3A_827 = arith.index_cast %add3A_821 : i32 to index
        %get3A_828 = arith.constant 0 : index
        %get3A_829 = tpu.vector_load %arg13[%get3A_827, %get3A_828] {strides = array<i32>} : memref<1024x32xf32, #tpu.memory_space<vmem>>, vector<1x16xf32>,
        %get3A_830 = vector.shape_cast %get3A_829 : vector<1x16xf32> to vector<16xf32>
        %mul3A_831 = vector.broadcast %squeeze3A_823 : f32 to vector<16xf32>
        %mul3A_832 = arith.mulf %mul3A_831, %get3A_4 : vector<16xf32>
        %add3A_833 = arith.addf %get3A_830, %mul3A_832 : vector<16xf32>
        %get3A_834 = arith.index_cast %rem3A_826 : i32 to index
        %get3A_835 = arith.constant 0 : index
        %get3A_836 = tpu.vector_load %arg14[%get3A_834, %get3A_835] {strides = array<i32>} : memref<200x32xf32, #tpu.memory_space<vmem>>, vector<1x16xf32>,
        %get3A_837 = vector.shape_cast %get3A_836 : vector<1x16xf32> to vector<16xf32>
        %add3A_838 = arith.addf %add3A_833, %get3A_837 : vector<16xf32>
        %swap3A_839 = arith.index_cast %add3A_821 : i32 to index
        %swap3A_840 = arith.constant 0 : index
        %swap3A_841 = tpu.vector_load %arg13[%swap3A_839, %swap3A_840] {strides = array<i32>} : memref<1024x32xf32, #tpu.memory_space<vmem>>, vector<1x16xf32>,
        %swap3A_842 = vector.shape_cast %swap3A_841 : vector<1x16xf32> to vector<16xf32>
        %swap3A_843 = vector.shape_cast %add3A_838 : vector<16xf32> to vector<1x16xf32>
        tpu.vector_store %arg13[%swap3A_839, %swap3A_840], %swap3A_843 {strides = array<i32>} : memref<1024x32xf32, #tpu.memory_space<vmem>>, vector<1x16xf32>,
        %get3A_844 = arith.index_cast %add3A_821 : i32 to index
        %get3A_845 = arith.constant 16 : index
        %get3A_846 = tpu.vector_load %arg13[%get3A_844, %get3A_845] {strides = array<i32>} : memref<1024x32xf32, #tpu.memory_space<vmem>>, vector<1x16xf32>,
        %get3A_847 = vector.shape_cast %get3A_846 : vector<1x16xf32> to vector<16xf32>
        %mul3A_848 = vector.broadcast %squeeze3A_823 : f32 to vector<16xf32>
        %mul3A_849 = arith.mulf %mul3A_848, %get3A_7 : vector<16xf32>
        %add3A_850 = arith.addf %get3A_847, %mul3A_849 : vector<16xf32>
        %get3A_851 = arith.index_cast %rem3A_826 : i32 to index
        %get3A_852 = arith.constant 16 : index
        %get3A_853 = tpu.vector_load %arg14[%get3A_851, %get3A_852] {strides = array<i32>} : memref<200x32xf32, #tpu.memory_space<vmem>>, vector<1x16xf32>,
        %get3A_854 = vector.shape_cast %get3A_853 : vector<1x16xf32> to vector<16xf32>
        %add3A_855 = arith.addf %add3A_850, %get3A_854 : vector<16xf32>
        %swap3A_856 = arith.index_cast %add3A_821 : i32 to index
        %swap3A_857 = arith.constant 16 : index
        %swap3A_858 = tpu.vector_load %arg13[%swap3A_856, %swap3A_857] {strides = array<i32>} : memref<1024x32xf32, #tpu.memory_space<vmem>>, vector<1x16xf32>,
        %swap3A_859 = vector.shape_cast %swap3A_858 : vector<1x16xf32> to vector<16xf32>
        %swap3A_860 = vector.shape_cast %add3A_855 : vector<16xf32> to vector<1x16xf32>
        tpu.vector_store %arg13[%swap3A_856, %swap3A_857], %swap3A_860 {strides = array<i32>} : memref<1024x32xf32, #tpu.memory_space<vmem>>, vector<1x16xf32>,
        %add3A_861 = arith.constant 11 : i32
        %add3A_862 = arith.addi %mul3A_409, %add3A_861 : i32
        %slice3A_863 = vector.extract_strided_slice %get3A_412 {offsets = [11], sizes = [1], strides = [1]} : vector<16xf32> to vector<1xf32>
        %squeeze3A_864 = vector.extract %slice3A_863[0] : f32 from vector<1xf32>
        %add3A_865 = arith.addi %add3A_23, %add3A_862 : i32
        %rem3A_866 = arith.constant 200 : i32
        %rem3A_867 = arith.remsi %add3A_865, %rem3A_866 : i32
        %get3A_868 = arith.index_cast %add3A_862 : i32 to index
        %get3A_869 = arith.constant 0 : index
        %get3A_870 = tpu.vector_load %arg13[%get3A_868, %get3A_869] {strides = array<i32>} : memref<1024x32xf32, #tpu.memory_space<vmem>>, vector<1x16xf32>,
        %get3A_871 = vector.shape_cast %get3A_870 : vector<1x16xf32> to vector<16xf32>
        %mul3A_872 = vector.broadcast %squeeze3A_864 : f32 to vector<16xf32>
        %mul3A_873 = arith.mulf %mul3A_872, %get3A_4 : vector<16xf32>
        %add3A_874 = arith.addf %get3A_871, %mul3A_873 : vector<16xf32>
        %get3A_875 = arith.index_cast %rem3A_867 : i32 to index
        %get3A_876 = arith.constant 0 : index
        %get3A_877 = tpu.vector_load %arg14[%get3A_875, %get3A_876] {strides = array<i32>} : memref<200x32xf32, #tpu.memory_space<vmem>>, vector<1x16xf32>,
        %get3A_878 = vector.shape_cast %get3A_877 : vector<1x16xf32> to vector<16xf32>
        %add3A_879 = arith.addf %add3A_874, %get3A_878 : vector<16xf32>
        %swap3A_880 = arith.index_cast %add3A_862 : i32 to index
        %swap3A_881 = arith.constant 0 : index
        %swap3A_882 = tpu.vector_load %arg13[%swap3A_880, %swap3A_881] {strides = array<i32>} : memref<1024x32xf32, #tpu.memory_space<vmem>>, vector<1x16xf32>,
        %swap3A_883 = vector.shape_cast %swap3A_882 : vector<1x16xf32> to vector<16xf32>
        %swap3A_884 = vector.shape_cast %add3A_879 : vector<16xf32> to vector<1x16xf32>
        tpu.vector_store %arg13[%swap3A_880, %swap3A_881], %swap3A_884 {strides = array<i32>} : memref<1024x32xf32, #tpu.memory_space<vmem>>, vector<1x16xf32>,
        %get3A_885 = arith.index_cast %add3A_862 : i32 to index
        %get3A_886 = arith.constant 16 : index
        %get3A_887 = tpu.vector_load %arg13[%get3A_885, %get3A_886] {strides = array<i32>} : memref<1024x32xf32, #tpu.memory_space<vmem>>, vector<1x16xf32>,
        %get3A_888 = vector.shape_cast %get3A_887 : vector<1x16xf32> to vector<16xf32>
        %mul3A_889 = vector.broadcast %squeeze3A_864 : f32 to vector<16xf32>
        %mul3A_890 = arith.mulf %mul3A_889, %get3A_7 : vector<16xf32>
        %add3A_891 = arith.addf %get3A_888, %mul3A_890 : vector<16xf32>
        %get3A_892 = arith.index_cast %rem3A_867 : i32 to index
        %get3A_893 = arith.constant 16 : index
        %get3A_894 = tpu.vector_load %arg14[%get3A_892, %get3A_893] {strides = array<i32>} : memref<200x32xf32, #tpu.memory_space<vmem>>, vector<1x16xf32>,
        %get3A_895 = vector.shape_cast %get3A_894 : vector<1x16xf32> to vector<16xf32>
        %add3A_896 = arith.addf %add3A_891, %get3A_895 : vector<16xf32>
        %swap3A_897 = arith.index_cast %add3A_862 : i32 to index
        %swap3A_898 = arith.constant 16 : index
        %swap3A_899 = tpu.vector_load %arg13[%swap3A_897, %swap3A_898] {strides = array<i32>} : memref<1024x32xf32, #tpu.memory_space<vmem>>, vector<1x16xf32>,
        %swap3A_900 = vector.shape_cast %swap3A_899 : vector<1x16xf32> to vector<16xf32>
        %swap3A_901 = vector.shape_cast %add3A_896 : vector<16xf32> to vector<1x16xf32>
        tpu.vector_store %arg13[%swap3A_897, %swap3A_898], %swap3A_901 {strides = array<i32>} : memref<1024x32xf32, #tpu.memory_space<vmem>>, vector<1x16xf32>,
        %add3A_902 = arith.constant 12 : i32
        %add3A_903 = arith.addi %mul3A_409, %add3A_902 : i32
        %slice3A_904 = vector.extract_strided_slice %get3A_412 {offsets = [12], sizes = [1], strides = [1]} : vector<16xf32> to vector<1xf32>
        %squeeze3A_905 = vector.extract %slice3A_904[0] : f32 from vector<1xf32>
        %add3A_906 = arith.addi %add3A_23, %add3A_903 : i32
        %rem3A_907 = arith.constant 200 : i32
        %rem3A_908 = arith.remsi %add3A_906, %rem3A_907 : i32
        %get3A_909 = arith.index_cast %add3A_903 : i32 to index
        %get3A_910 = arith.constant 0 : index
        %get3A_911 = tpu.vector_load %arg13[%get3A_909, %get3A_910] {strides = array<i32>} : memref<1024x32xf32, #tpu.memory_space<vmem>>, vector<1x16xf32>,
        %get3A_912 = vector.shape_cast %get3A_911 : vector<1x16xf32> to vector<16xf32>
        %mul3A_913 = vector.broadcast %squeeze3A_905 : f32 to vector<16xf32>
        %mul3A_914 = arith.mulf %mul3A_913, %get3A_4 : vector<16xf32>
        %add3A_915 = arith.addf %get3A_912, %mul3A_914 : vector<16xf32>
        %get3A_916 = arith.index_cast %rem3A_908 : i32 to index
        %get3A_917 = arith.constant 0 : index
        %get3A_918 = tpu.vector_load %arg14[%get3A_916, %get3A_917] {strides = array<i32>} : memref<200x32xf32, #tpu.memory_space<vmem>>, vector<1x16xf32>,
        %get3A_919 = vector.shape_cast %get3A_918 : vector<1x16xf32> to vector<16xf32>
        %add3A_920 = arith.addf %add3A_915, %get3A_919 : vector<16xf32>
        %swap3A_921 = arith.index_cast %add3A_903 : i32 to index
        %swap3A_922 = arith.constant 0 : index
        %swap3A_923 = tpu.vector_load %arg13[%swap3A_921, %swap3A_922] {strides = array<i32>} : memref<1024x32xf32, #tpu.memory_space<vmem>>, vector<1x16xf32>,
        %swap3A_924 = vector.shape_cast %swap3A_923 : vector<1x16xf32> to vector<16xf32>
        %swap3A_925 = vector.shape_cast %add3A_920 : vector<16xf32> to vector<1x16xf32>
        tpu.vector_store %arg13[%swap3A_921, %swap3A_922], %swap3A_925 {strides = array<i32>} : memref<1024x32xf32, #tpu.memory_space<vmem>>, vector<1x16xf32>,
        %get3A_926 = arith.index_cast %add3A_903 : i32 to index
        %get3A_927 = arith.constant 16 : index
        %get3A_928 = tpu.vector_load %arg13[%get3A_926, %get3A_927] {strides = array<i32>} : memref<1024x32xf32, #tpu.memory_space<vmem>>, vector<1x16xf32>,
        %get3A_929 = vector.shape_cast %get3A_928 : vector<1x16xf32> to vector<16xf32>
        %mul3A_930 = vector.broadcast %squeeze3A_905 : f32 to vector<16xf32>
        %mul3A_931 = arith.mulf %mul3A_930, %get3A_7 : vector<16xf32>
        %add3A_932 = arith.addf %get3A_929, %mul3A_931 : vector<16xf32>
        %get3A_933 = arith.index_cast %rem3A_908 : i32 to index
        %get3A_934 = arith.constant 16 : index
        %get3A_935 = tpu.vector_load %arg14[%get3A_933, %get3A_934] {strides = array<i32>} : memref<200x32xf32, #tpu.memory_space<vmem>>, vector<1x16xf32>,
        %get3A_936 = vector.shape_cast %get3A_935 : vector<1x16xf32> to vector<16xf32>
        %add3A_937 = arith.addf %add3A_932, %get3A_936 : vector<16xf32>
        %swap3A_938 = arith.index_cast %add3A_903 : i32 to index
        %swap3A_939 = arith.constant 16 : index
        %swap3A_940 = tpu.vector_load %arg13[%swap3A_938, %swap3A_939] {strides = array<i32>} : memref<1024x32xf32, #tpu.memory_space<vmem>>, vector<1x16xf32>,
        %swap3A_941 = vector.shape_cast %swap3A_940 : vector<1x16xf32> to vector<16xf32>
        %swap3A_942 = vector.shape_cast %add3A_937 : vector<16xf32> to vector<1x16xf32>
        tpu.vector_store %arg13[%swap3A_938, %swap3A_939], %swap3A_942 {strides = array<i32>} : memref<1024x32xf32, #tpu.memory_space<vmem>>, vector<1x16xf32>,
        %add3A_943 = arith.constant 13 : i32
        %add3A_944 = arith.addi %mul3A_409, %add3A_943 : i32
        %slice3A_945 = vector.extract_strided_slice %get3A_412 {offsets = [13], sizes = [1], strides = [1]} : vector<16xf32> to vector<1xf32>
        %squeeze3A_946 = vector.extract %slice3A_945[0] : f32 from vector<1xf32>
        %add3A_947 = arith.addi %add3A_23, %add3A_944 : i32
        %rem3A_948 = arith.constant 200 : i32
        %rem3A_949 = arith.remsi %add3A_947, %rem3A_948 : i32
        %get3A_950 = arith.index_cast %add3A_944 : i32 to index
        %get3A_951 = arith.constant 0 : index
        %get3A_952 = tpu.vector_load %arg13[%get3A_950, %get3A_951] {strides = array<i32>} : memref<1024x32xf32, #tpu.memory_space<vmem>>, vector<1x16xf32>,
        %get3A_953 = vector.shape_cast %get3A_952 : vector<1x16xf32> to vector<16xf32>
        %mul3A_954 = vector.broadcast %squeeze3A_946 : f32 to vector<16xf32>
        %mul3A_955 = arith.mulf %mul3A_954, %get3A_4 : vector<16xf32>
        %add3A_956 = arith.addf %get3A_953, %mul3A_955 : vector<16xf32>
        %get3A_957 = arith.index_cast %rem3A_949 : i32 to index
        %get3A_958 = arith.constant 0 : index
        %get3A_959 = tpu.vector_load %arg14[%get3A_957, %get3A_958] {strides = array<i32>} : memref<200x32xf32, #tpu.memory_space<vmem>>, vector<1x16xf32>,
        %get3A_960 = vector.shape_cast %get3A_959 : vector<1x16xf32> to vector<16xf32>
        %add3A_961 = arith.addf %add3A_956, %get3A_960 : vector<16xf32>
        %swap3A_962 = arith.index_cast %add3A_944 : i32 to index
        %swap3A_963 = arith.constant 0 : index
        %swap3A_964 = tpu.vector_load %arg13[%swap3A_962, %swap3A_963] {strides = array<i32>} : memref<1024x32xf32, #tpu.memory_space<vmem>>, vector<1x16xf32>,
        %swap3A_965 = vector.shape_cast %swap3A_964 : vector<1x16xf32> to vector<16xf32>
        %swap3A_966 = vector.shape_cast %add3A_961 : vector<16xf32> to vector<1x16xf32>
        tpu.vector_store %arg13[%swap3A_962, %swap3A_963], %swap3A_966 {strides = array<i32>} : memref<1024x32xf32, #tpu.memory_space<vmem>>, vector<1x16xf32>,
        %get3A_967 = arith.index_cast %add3A_944 : i32 to index
        %get3A_968 = arith.constant 16 : index
        %get3A_969 = tpu.vector_load %arg13[%get3A_967, %get3A_968] {strides = array<i32>} : memref<1024x32xf32, #tpu.memory_space<vmem>>, vector<1x16xf32>,
        %get3A_970 = vector.shape_cast %get3A_969 : vector<1x16xf32> to vector<16xf32>
        %mul3A_971 = vector.broadcast %squeeze3A_946 : f32 to vector<16xf32>
        %mul3A_972 = arith.mulf %mul3A_971, %get3A_7 : vector<16xf32>
        %add3A_973 = arith.addf %get3A_970, %mul3A_972 : vector<16xf32>
        %get3A_974 = arith.index_cast %rem3A_949 : i32 to index
        %get3A_975 = arith.constant 16 : index
        %get3A_976 = tpu.vector_load %arg14[%get3A_974, %get3A_975] {strides = array<i32>} : memref<200x32xf32, #tpu.memory_space<vmem>>, vector<1x16xf32>,
        %get3A_977 = vector.shape_cast %get3A_976 : vector<1x16xf32> to vector<16xf32>
        %add3A_978 = arith.addf %add3A_973, %get3A_977 : vector<16xf32>
        %swap3A_979 = arith.index_cast %add3A_944 : i32 to index
        %swap3A_980 = arith.constant 16 : index
        %swap3A_981 = tpu.vector_load %arg13[%swap3A_979, %swap3A_980] {strides = array<i32>} : memref<1024x32xf32, #tpu.memory_space<vmem>>, vector<1x16xf32>,
        %swap3A_982 = vector.shape_cast %swap3A_981 : vector<1x16xf32> to vector<16xf32>
        %swap3A_983 = vector.shape_cast %add3A_978 : vector<16xf32> to vector<1x16xf32>
        tpu.vector_store %arg13[%swap3A_979, %swap3A_980], %swap3A_983 {strides = array<i32>} : memref<1024x32xf32, #tpu.memory_space<vmem>>, vector<1x16xf32>,
        %add3A_984 = arith.constant 14 : i32
        %add3A_985 = arith.addi %mul3A_409, %add3A_984 : i32
        %slice3A_986 = vector.extract_strided_slice %get3A_412 {offsets = [14], sizes = [1], strides = [1]} : vector<16xf32> to vector<1xf32>
        %squeeze3A_987 = vector.extract %slice3A_986[0] : f32 from vector<1xf32>
        %add3A_988 = arith.addi %add3A_23, %add3A_985 : i32
        %rem3A_989 = arith.constant 200 : i32
        %rem3A_990 = arith.remsi %add3A_988, %rem3A_989 : i32
        %get3A_991 = arith.index_cast %add3A_985 : i32 to index
        %get3A_992 = arith.constant 0 : index
        %get3A_993 = tpu.vector_load %arg13[%get3A_991, %get3A_992] {strides = array<i32>} : memref<1024x32xf32, #tpu.memory_space<vmem>>, vector<1x16xf32>,
        %get3A_994 = vector.shape_cast %get3A_993 : vector<1x16xf32> to vector<16xf32>
        %mul3A_995 = vector.broadcast %squeeze3A_987 : f32 to vector<16xf32>
        %mul3A_996 = arith.mulf %mul3A_995, %get3A_4 : vector<16xf32>
        %add3A_997 = arith.addf %get3A_994, %mul3A_996 : vector<16xf32>
        %get3A_998 = arith.index_cast %rem3A_990 : i32 to index
        %get3A_999 = arith.constant 0 : index
        %get3A_1000 = tpu.vector_load %arg14[%get3A_998, %get3A_999] {strides = array<i32>} : memref<200x32xf32, #tpu.memory_space<vmem>>, vector<1x16xf32>,
        %get3A_1001 = vector.shape_cast %get3A_1000 : vector<1x16xf32> to vector<16xf32>
        %add3A_1002 = arith.addf %add3A_997, %get3A_1001 : vector<16xf32>
        %swap3A_1003 = arith.index_cast %add3A_985 : i32 to index
        %swap3A_1004 = arith.constant 0 : index
        %swap3A_1005 = tpu.vector_load %arg13[%swap3A_1003, %swap3A_1004] {strides = array<i32>} : memref<1024x32xf32, #tpu.memory_space<vmem>>, vector<1x16xf32>,
        %swap3A_1006 = vector.shape_cast %swap3A_1005 : vector<1x16xf32> to vector<16xf32>
        %swap3A_1007 = vector.shape_cast %add3A_1002 : vector<16xf32> to vector<1x16xf32>
        tpu.vector_store %arg13[%swap3A_1003, %swap3A_1004], %swap3A_1007 {strides = array<i32>} : memref<1024x32xf32, #tpu.memory_space<vmem>>, vector<1x16xf32>,
        %get3A_1008 = arith.index_cast %add3A_985 : i32 to index
        %get3A_1009 = arith.constant 16 : index
        %get3A_1010 = tpu.vector_load %arg13[%get3A_1008, %get3A_1009] {strides = array<i32>} : memref<1024x32xf32, #tpu.memory_space<vmem>>, vector<1x16xf32>,
        %get3A_1011 = vector.shape_cast %get3A_1010 : vector<1x16xf32> to vector<16xf32>
        %mul3A_1012 = vector.broadcast %squeeze3A_987 : f32 to vector<16xf32>
        %mul3A_1013 = arith.mulf %mul3A_1012, %get3A_7 : vector<16xf32>
        %add3A_1014 = arith.addf %get3A_1011, %mul3A_1013 : vector<16xf32>
        %get3A_1015 = arith.index_cast %rem3A_990 : i32 to index
        %get3A_1016 = arith.constant 16 : index
        %get3A_1017 = tpu.vector_load %arg14[%get3A_1015, %get3A_1016] {strides = array<i32>} : memref<200x32xf32, #tpu.memory_space<vmem>>, vector<1x16xf32>,
        %get3A_1018 = vector.shape_cast %get3A_1017 : vector<1x16xf32> to vector<16xf32>
        %add3A_1019 = arith.addf %add3A_1014, %get3A_1018 : vector<16xf32>
        %swap3A_1020 = arith.index_cast %add3A_985 : i32 to index
        %swap3A_1021 = arith.constant 16 : index
        %swap3A_1022 = tpu.vector_load %arg13[%swap3A_1020, %swap3A_1021] {strides = array<i32>} : memref<1024x32xf32, #tpu.memory_space<vmem>>, vector<1x16xf32>,
        %swap3A_1023 = vector.shape_cast %swap3A_1022 : vector<1x16xf32> to vector<16xf32>
        %swap3A_1024 = vector.shape_cast %add3A_1019 : vector<16xf32> to vector<1x16xf32>
        tpu.vector_store %arg13[%swap3A_1020, %swap3A_1021], %swap3A_1024 {strides = array<i32>} : memref<1024x32xf32, #tpu.memory_space<vmem>>, vector<1x16xf32>,
        %add3A_1025 = arith.constant 15 : i32
        %add3A_1026 = arith.addi %mul3A_409, %add3A_1025 : i32
        %slice3A_1027 = vector.extract_strided_slice %get3A_412 {offsets = [15], sizes = [1], strides = [1]} : vector<16xf32> to vector<1xf32>
        %squeeze3A_1028 = vector.extract %slice3A_1027[0] : f32 from vector<1xf32>
        %add3A_1029 = arith.addi %add3A_23, %add3A_1026 : i32
        %rem3A_1030 = arith.constant 200 : i32
        %rem3A_1031 = arith.remsi %add3A_1029, %rem3A_1030 : i32
        %get3A_1032 = arith.index_cast %add3A_1026 : i32 to index
        %get3A_1033 = arith.constant 0 : index
        %get3A_1034 = tpu.vector_load %arg13[%get3A_1032, %get3A_1033] {strides = array<i32>} : memref<1024x32xf32, #tpu.memory_space<vmem>>, vector<1x16xf32>,
        %get3A_1035 = vector.shape_cast %get3A_1034 : vector<1x16xf32> to vector<16xf32>
        %mul3A_1036 = vector.broadcast %squeeze3A_1028 : f32 to vector<16xf32>
        %mul3A_1037 = arith.mulf %mul3A_1036, %get3A_4 : vector<16xf32>
        %add3A_1038 = arith.addf %get3A_1035, %mul3A_1037 : vector<16xf32>
        %get3A_1039 = arith.index_cast %rem3A_1031 : i32 to index
        %get3A_1040 = arith.constant 0 : index
        %get3A_1041 = tpu.vector_load %arg14[%get3A_1039, %get3A_1040] {strides = array<i32>} : memref<200x32xf32, #tpu.memory_space<vmem>>, vector<1x16xf32>,
        %get3A_1042 = vector.shape_cast %get3A_1041 : vector<1x16xf32> to vector<16xf32>
        %add3A_1043 = arith.addf %add3A_1038, %get3A_1042 : vector<16xf32>
        %swap3A_1044 = arith.index_cast %add3A_1026 : i32 to index
        %swap3A_1045 = arith.constant 0 : index
        %swap3A_1046 = tpu.vector_load %arg13[%swap3A_1044, %swap3A_1045] {strides = array<i32>} : memref<1024x32xf32, #tpu.memory_space<vmem>>, vector<1x16xf32>,
        %swap3A_1047 = vector.shape_cast %swap3A_1046 : vector<1x16xf32> to vector<16xf32>
        %swap3A_1048 = vector.shape_cast %add3A_1043 : vector<16xf32> to vector<1x16xf32>
        tpu.vector_store %arg13[%swap3A_1044, %swap3A_1045], %swap3A_1048 {strides = array<i32>} : memref<1024x32xf32, #tpu.memory_space<vmem>>, vector<1x16xf32>,
        %get3A_1049 = arith.index_cast %add3A_1026 : i32 to index
        %get3A_1050 = arith.constant 16 : index
        %get3A_1051 = tpu.vector_load %arg13[%get3A_1049, %get3A_1050] {strides = array<i32>} : memref<1024x32xf32, #tpu.memory_space<vmem>>, vector<1x16xf32>,
        %get3A_1052 = vector.shape_cast %get3A_1051 : vector<1x16xf32> to vector<16xf32>
        %mul3A_1053 = vector.broadcast %squeeze3A_1028 : f32 to vector<16xf32>
        %mul3A_1054 = arith.mulf %mul3A_1053, %get3A_7 : vector<16xf32>
        %add3A_1055 = arith.addf %get3A_1052, %mul3A_1054 : vector<16xf32>
        %get3A_1056 = arith.index_cast %rem3A_1031 : i32 to index
        %get3A_1057 = arith.constant 16 : index
        %get3A_1058 = tpu.vector_load %arg14[%get3A_1056, %get3A_1057] {strides = array<i32>} : memref<200x32xf32, #tpu.memory_space<vmem>>, vector<1x16xf32>,
        %get3A_1059 = vector.shape_cast %get3A_1058 : vector<1x16xf32> to vector<16xf32>
        %add3A_1060 = arith.addf %add3A_1055, %get3A_1059 : vector<16xf32>
        %swap3A_1061 = arith.index_cast %add3A_1026 : i32 to index
        %swap3A_1062 = arith.constant 16 : index
        %swap3A_1063 = tpu.vector_load %arg13[%swap3A_1061, %swap3A_1062] {strides = array<i32>} : memref<1024x32xf32, #tpu.memory_space<vmem>>, vector<1x16xf32>,
        %swap3A_1064 = vector.shape_cast %swap3A_1063 : vector<1x16xf32> to vector<16xf32>
        %swap3A_1065 = vector.shape_cast %add3A_1060 : vector<16xf32> to vector<1x16xf32>
        tpu.vector_store %arg13[%swap3A_1061, %swap3A_1062], %swap3A_1065 {strides = array<i32>} : memref<1024x32xf32, #tpu.memory_space<vmem>>, vector<1x16xf32>,
        %scan3A_1066 = arith.constant 0 : i32
        scf.yield %scan3A_1066 : i32
      }
      %scan3A_400 = arith.constant 64 : i32
      %dma_wait3A_401 = arith.constant 0 : i32
      %dma_wait3A_402 = tpu.memref_slice %arg7[%add3A_21, %dma_wait3A_401] : memref<819200x32xf32, #tpu.memory_space<hbm>> -> memref<1024x32xf32, #tpu.memory_space<hbm>>
      %dma_wait3A_403 = arith.constant 0 : i32
      %dma_wait3A_404 = tpu.memref_slice %arg7[%add3A_21, %dma_wait3A_403] : memref<819200x32xf32, #tpu.memory_space<hbm>> -> memref<1024x32xf32, #tpu.memory_space<hbm>>
      tpu.wait_dma2 semaphore(%arg18 : memref<!tpu.dma_semaphore, #tpu.memory_space<semaphore_mem>>) src(%arg12 : memref<1024x32xf32, #tpu.memory_space<vmem>>) dst(%dma_wait3A_404 : memref<1024x32xf32, #tpu.memory_space<hbm>>)
      "tpu.region"() ({
        %run_scoped3A = tpu.sem_alloc : memref<!tpu.dma_semaphore, #tpu.memory_space<semaphore_mem>>
        %dma_start3A_406 = arith.constant 0 : i32
        %dma_start3A_407 = tpu.memref_slice %arg7[%add3A_23, %dma_start3A_406] : memref<819200x32xf32, #tpu.memory_space<hbm>> -> memref<1024x32xf32, #tpu.memory_space<hbm>>
        %dma_start3A_408 = arith.constant 0 : i32
        %dma_start3A_409 = tpu.memref_slice %arg7[%add3A_23, %dma_start3A_408] : memref<819200x32xf32, #tpu.memory_space<hbm>> -> memref<1024x32xf32, #tpu.memory_space<hbm>>
        tpu.enqueue_dma source(%arg13 : memref<1024x32xf32, #tpu.memory_space<vmem>>) target(%dma_start3A_409 : memref<1024x32xf32, #tpu.memory_space<hbm>>) target_semaphore(%run_scoped3A : memref<!tpu.dma_semaphore, #tpu.memory_space<semaphore_mem>>)
        %dma_wait3A_410 = arith.constant 0 : i32
        %dma_wait3A_411 = tpu.memref_slice %arg7[%add3A_23, %dma_wait3A_410] : memref<819200x32xf32, #tpu.memory_space<hbm>> -> memref<1024x32xf32, #tpu.memory_space<hbm>>
        %dma_wait3A_412 = arith.constant 0 : i32
        %dma_wait3A_413 = tpu.memref_slice %arg7[%add3A_23, %dma_wait3A_412] : memref<819200x32xf32, #tpu.memory_space<hbm>> -> memref<1024x32xf32, #tpu.memory_space<hbm>>
        tpu.wait_dma2 semaphore(%run_scoped3A : memref<!tpu.dma_semaphore, #tpu.memory_space<semaphore_mem>>) src(%arg13 : memref<1024x32xf32, #tpu.memory_space<vmem>>) dst(%dma_wait3A_413 : memref<1024x32xf32, #tpu.memory_space<hbm>>)
        tpu.yield
      }) : () -> ()
      %scan3A_405 = arith.constant 0 : i32
      scf.yield %scan3A_405 : i32
    }
    %scan3A_13 = arith.constant 13 : i32
    return
  }
}

</mosaic_0001>

<sc_bundles>
// kernel: kernel.3.cloned.1.call-start
scs
__scs_entry_jumppad:
0x0: {  	(pc) =	sbr.rel $0x88, $3  }
0x1: {  	(tag) =	ssettag $0x0;
	lr =	simm.s32 $0x1  }
0x2: {  	[smem:$0x3F9C] =	sst lr;
	_ =	strace $0xD0000000  }
0x3: {  	_ = 	snop  }
0x4: {  	_ = 	snop  }
0x5: {  	_ = 	snop  }
0x6: {  	_ = 	snop  }
0x7: {  	_ = 	snop  }
__scs_overlays_trampoline_lowered:
0x8: {  	[smem:$0x3FAB] =	sst s0  }
0x9: {  	[smem:$0x3FAC] =	sst s1  }
0xa: {  	[smem:$0x3FAD] =	sst s2  }
0xb: {  	[smem:$0x3FAE] =	sst s3  }
0xc: {  	[smem:$0x3FAF] =	sst s4  }
0xd: {  	[smem:$0x3FB0] =	sst s5  }
0xe: {  	[smem:$0x3FB1] =	sst s6  }
0xf: {  	[smem:$0x3FB2] =	sst s7  }
0x10: {  	[smem:$0x3FB3] =	sst s8  }
0x11: {  	[smem:$0x3FB4] =	sst s9;
	s0 =	simm.s32 @!p0 $0x0  }
0x12: {  	s1 =	sld [smem:$0x3F9A];
	s0 =	simm.s32 @p0 $0x1  }
0x13: {  	[smem:$0x3FB5] =	sst s0;
	s0 =	simm.s32 @!p1 $0x0  }
0x14: {  	s2 =	sld [smem:$0x3F99];
	s0 =	simm.s32 @p1 $0x1  }
0x15: {  	[smem:$0x3FB6] =	sst s0;
	s0 =	simm.s32 @!p2 $0x0  }
0x16: {  	s3 =	sld [smem:$0x3FDB];
	s0 =	simm.s32 @p2 $0x1  }
0x17: {  	s4 =	simm.s32 $0x1BF5;
	[smem:$0x3FB8] =	sst s0  }
0x18: {  	s0 =	sld [smem:$0x3F9B];
	_ =	swait.ge [sflag:s4], $0x0  }
0x19: {  	s7 =	sld [smem:$0x3F9C]  }
0x1a: {  	s8 =	sadd.s32 $0xFFFFE003, lr  }
0x1b: {  	s9 =	sadd.s32 $0xFFFFFEF7, lr;
	s5 =	simm.s32 $0xFFFFFFFF;
	p2 =	slt.u32 s8, $0xFFFFF086  }
0x1c: {  	p1 =	slt.u32 s9, $0xF7A;
	s5 =	simm.s32 @!p2 $0x0  }
0x1d: {  	s5 =	simm.s32 @p1 $0x1;
	p0 =	seq.s32 s7, s2  }
0x1e: {  	s7 =	smul.u32 @!p0 $0xF7A, s2;
	p2 =	seq.s32 @!p0 s5, $0x0  }
0x1f: {  	s9 =	smul.u32 $0xF7A, s1;
	s8 =	simm.s32 @!p0 $0x1BF5;
	p2 =	por !p2, p0  }
0x20: {  	[sflag:s8] =	ssyncset.s32 @!p0 $0xFFFFF086;
	s6 =	sadd.s32 @!p0 s3, s7;
	s7 =	simm.s32 @!p0 $0x108  }
0x21: {  	s3 =	sadd.s32 s3, s9;
	s6 =	sadd.s32 @!p0 $0x88, s6;
	s7 =	simm.s32 @p2 $0x1082  }
0x22: {  	[simem:s7], [sflag:s8] =	dma.local @!p0 [hbm:s6], $0xF7A  }
0x23: {  	s9 =	sor.u32 $0xD0000000, s2;
	s6 =	simm.s32 $0x108;
	_ =	swait.ge @!p0 [sflag:s8], $0x0  }
0x24: {  	s3 =	sadd.s32 $0x88, s3;
	s6 =	simm.s32 @!p1 $0x1082;
	[sflag:s4] =	ssyncset.s32 $0xFFFFF086  }
0x25: {  	[simem:s6], [sflag:s4] =	dma.local [hbm:s3], $0xF7A  }
0x26: {  	[smem:$0x3F9C] =	sst s1;
	(tag) =	ssettag s2;
	_ =	strace s9  }
0x27: {  	s1 =	sld [smem:$0x3FAC]  }
0x28: {  	s2 =	sld [smem:$0x3FAD]  }
0x29: {  	s4 =	sld [smem:$0x3FAF]  }
0x2a: {  	p0 =	seq.s32 s5, $0x0;
	s5 =	sld [smem:$0x3FB0]  }
0x2b: {  	s6 =	sld [smem:$0x3FB1]  }
0x2c: {  	s7 =	sld [smem:$0x3FB2]  }
0x2d: {  	s3 =	simm.s32 $0x108;
	s8 =	sld [smem:$0x3FB3]  }
0x2e: {  	s3 =	simm.s32 @!p0 $0x1082;
	s9 =	sld [smem:$0x3FB4]  }
0x2f: {  	lr =	sadd.s32 s0, s3;
	s0 =	sld [smem:$0x3FAB]  }
0x30: {  	s3 =	sld [smem:$0x3FAE]  }
0x31: {  	[smem:$0x3FB7] =	sst s10  }
0x32: {  	s10 =	sld [smem:$0x3FB5];
	_ =	sdelay $0x3  }
0x33: {  	p0 =	seq.s32 s10, $0x1;
	s10 =	sld [smem:$0x3FB7];
	_ =	sdelay $0x3  }
0x34: {  	[smem:$0x3FB7] =	sst s10  }
0x35: {  	s10 =	sld [smem:$0x3FB6];
	_ =	sdelay $0x3  }
0x36: {  	p1 =	seq.s32 s10, $0x1;
	s10 =	sld [smem:$0x3FB7];
	_ =	sdelay $0x3  }
0x37: {  	[smem:$0x3FB7] =	sst s10  }
0x38: {  	s10 =	sld [smem:$0x3FB8]  }
0x39: {  	_ = 	snop;
	(pc) =	sbr.ind lr, $3  }
0x3a: {  	_ = 	snop  }
0x3b: {  	_ = 	snop  }
0x3c: {  	p2 =	seq.s32 s10, $0x1;
	s10 =	sld [smem:$0x3FB7]  }
0x3d: {  	_ =	shalt  }
0x3e: {  	_ =	shalt  }
0x3f: {  	_ =	shalt  }
0x40: {  	_ =	shalt  }
0x41: {  	_ =	shalt  }
0x42: {  	_ =	shalt  }
0x43: {  	_ =	shalt  }
0x44: {  	_ =	shalt  }
0x45: {  	_ =	shalt  }
0x46: {  	_ =	shalt  }
0x47: {  	_ =	shalt  }
0x48: {  	_ =	shalt  }
0x49: {  	_ =	shalt  }
0x4a: {  	_ =	shalt  }
0x4b: {  	_ =	shalt  }
0x4c: {  	_ =	shalt  }
0x4d: {  	_ =	shalt  }
0x4e: {  	_ =	shalt  }
0x4f: {  	_ =	shalt  }
0x50: {  	_ =	shalt  }
0x51: {  	_ =	shalt  }
0x52: {  	_ =	shalt  }
0x53: {  	_ =	shalt  }
0x54: {  	_ =	shalt  }
0x55: {  	_ =	shalt  }
0x56: {  	_ =	shalt  }
0x57: {  	_ =	shalt  }
0x58: {  	_ =	shalt  }
0x59: {  	_ =	shalt  }
0x5a: {  	_ =	shalt  }
0x5b: {  	_ =	shalt  }
0x5c: {  	_ =	shalt  }
0x5d: {  	_ =	shalt  }
0x5e: {  	_ =	shalt  }
0x5f: {  	_ =	shalt  }
0x60: {  	_ =	shalt  }
0x61: {  	_ =	shalt  }
0x62: {  	_ =	shalt  }
0x63: {  	_ =	shalt  }
0x64: {  	_ =	shalt  }
0x65: {  	_ =	shalt  }
0x66: {  	_ =	shalt  }
0x67: {  	_ =	shalt  }
0x68: {  	_ =	shalt  }
0x69: {  	_ =	shalt  }
0x6a: {  	_ =	shalt  }
0x6b: {  	_ =	shalt  }
0x6c: {  	_ =	shalt  }
0x6d: {  	_ =	shalt  }
0x6e: {  	_ =	shalt  }
0x6f: {  	_ =	shalt  }
0x70: {  	_ =	shalt  }
0x71: {  	_ =	shalt  }
0x72: {  	_ =	shalt  }
0x73: {  	_ =	shalt  }
0x74: {  	_ =	shalt  }
0x75: {  	_ =	shalt  }
0x76: {  	_ =	shalt  }
0x77: {  	_ =	shalt  }
0x78: {  	_ =	shalt  }
0x79: {  	_ =	shalt  }
0x7a: {  	_ =	shalt  }
0x7b: {  	_ =	shalt  }
0x7c: {  	_ =	shalt  }
0x7d: {  	_ =	shalt  }
0x7e: {  	_ =	shalt  }
0x7f: {  	_ =	shalt  }
0x80: {  	_ =	shalt  }
0x81: {  	_ =	shalt  }
0x82: {  	_ =	shalt  }
0x83: {  	_ =	shalt  }
0x84: {  	_ =	shalt  }
0x85: {  	_ =	shalt  }
0x86: {  	_ =	shalt  }
0x87: {  	_ =	shalt  }
.Lfunc_end0:
.L_simem_size_0:
called_computation.1_lowered:
.L_overlay_start_0:
0x88: {  	s2 =	sld [smem:$0x3FD9]  }
0x89: {  	s3 =	sld [smem:$0x3FFE];
	_ =	sdelay $0x1  }
0x8a: {  	s1 =	srdreg.scid  }
0x8b: {  	s0 =	sand.u32 $0x1, s1  }
0x8c: {  	s17 =	sshll.u32 s0, $0xA;
	s2 =	sadd.s32 s3, s2  }
0x8d: {  	s2 =	sadd.s32 s2, s17  }
0x8e: {  	[smem:$0x3FC3] =	sst s2  }
0x8f: {  	_ = 	snop  }
0x90: {  	s2 =	sld [smem:$0x3FC6]  }
0x91: {  	s18 =	sld [smem:$0x3FD0];
	(tm) =	ssettm $0x1  }
0x92: {  	s4 =	sld [smem:$0x3FFB];
	_ =	sdelay $0x3  }
0x93: {  	_ =	strace s4  }
0x94: {  	s4 =	sld [smem:$0x3FFC];
	_ =	sdelay $0x3  }
0x95: {  	_ =	strace s4  }
0x96: {  	s4 =	sld [smem:$0x3FFD];
	_ =	sdelay $0x3  }
0x97: {  	_ =	strace s4  }
0x98: {  	_ =	strace $0x8FFFFFFF  }
0x99: {  	s19 =	sld [smem:$0x3FDB];
	_ =	sdelay $0x1  }
0x9a: {  	s5 =	simm.s32 $_scs_section_size  }
0x9b: {  	s6 =	simm.s32 $_size__tile_overlayer_lowered;
	s7 =	simm.s32 $_tile_overlayer_lowered  }
0x9c: {  	s22 =	simm.s32 $0x1BFF;
	s21 =	sshll.u32 s7, $0x1;
	s4 =	sadd.s32 s5, s19  }
0x9d: {  	s8 =	simm.s32 $0x0;
	s20 =	sshll.u32 s6, $0x1;
	s6 =	sadd.s32 s21, s4  }
0x9e: {  	[timem:s8], [sflag:s22] =	dma.local [hbm:s6], s20  }
0x9f: {  	_ =	swait.ge [sflag:s22], s20  }
0xa0: {  	s5 =	ssub.s32 $0x0, s20;
	[sflag:s22] =	ssyncset.done $0x0  }
0xa1: {  	[sflag:s22] =	ssyncadd.s32 s5;
	_ =	sdelay $0x1  }
0xa2: {  	s23 =	simm.s32 $0x1B8B  }
0xa3: {  	_ =	swait.ge [sflag:s23], $0x1  }
0xa4: {  	[sflag:s23] =	ssyncset.done $0x0  }
0xa5: {  	s25 =	simm.s32 $0x1B8E;
	s24 =	sld [smem:$0x3FFE];
	[sflag:s23] =	ssyncadd.s32 $0xFFFFFFFF  }
0xa6: {  	s26 =	simm.s32 $execute0_lowered;
	[smem:$0x3FD2] =	sst s25  }
0xa7: {  	s6 =	sshll.u32 s26, $0x1;
	_ =	strace $0x80000046;
	[dreg:$0x1] =	wrdreg $0xFFFFFFFF  }
0xa8: {  	s28 =	simm.s32 $_size_execute0_lowered;
	s4 =	sadd.s32 s4, s6;
	[dreg:$0x0] =	wrdreg $0x0  }
0xa9: {  	s6 =	sshll.u32 s28, $0x1;
	[dreg:$0x2] =	wrdreg s4  }
0xaa: {  	[dreg:$0x3] =	wrdreg s6  }
0xab: {  	[dreg:$0x4] =	wrdreg $0xC0  }
0xac: {  	_ =	task [dreg:s8], $0x5FFFF  }
0xad: {  	[dreg:$0x1] =	wrdreg $0xFFFFFFFF  }
0xae: {  	[dreg:$0x0] =	wrdreg $0x60  }
0xaf: {  	[dreg:$0x2] =	wrdreg s24  }
0xb0: {  	[dreg:$0x3] =	wrdreg s2  }
0xb1: {  	[dreg:$0x4] =	wrdreg s18  }
0xb2: {  	[dreg:$0x5] =	wrdreg $0x9  }
0xb3: {  	_ =	task.clear_ibuf [dreg:s8], $0x6FFFF;
	_ =	strace $0x90000046  }
0xb4: {  	s29 =	simm.s32 $0x9;
	_ =	strace $0x80000048  }
0xb5: {  	_ =	swait.ge [sflag:s29], $0x1  }
0xb6: {  	[sflag:s29] =	ssyncadd.s32 $0xFFFFFFFF  }
0xb7: {  	_ =	strace $0x90000048  }
0xb8: {  	_ =	sfence  }
0xb9: {  	s30 =	sld [smem:$0x0];
	_ =	sdelay $0x2  }
0xba: {  	s31 =	sshll.u32 s1, $0xD;
	s1 =	sshrl.u32 s1, $0x2  }
0xbb: {  	s3 =	sand.u32 $0x4000, s31;
	s1 =	sadd.s32 s1, s30  }
0xbc: {  	s0 =	sor.u32 s3, s0;
	s1 =	sshll.u32 s1, $0x11  }
0xbd: {  	s0 =	sor.u32 s1, s0  }
0xbe: {  	s0 =	sadd.s32 $0x8F2B, s0  }
0xbf: {  	[sflag:s0] =	ssyncadd.remote.s32 $0x1  }
0xc0: {  	_ =	sfence.sel $0xFFFF  }
0xc1: {  	[dreg:$0x0] =	wrdreg $0xFFFFFFFF;
	(pc) =	sbr.abs _section_cstart, $3  }
0xc2: {  	[dreg:$0x1] =	wrdreg $0xFFFFFFFF  }
0xc3: {  	_ =	task.clear_ibuf [dreg:s8], $0x2FFFF;
	_ =	strace $0x9FFFFFFF  }
0xc4: {  	(tm) =	ssettm $0x7FFFFFFF  }
0xc5: {  	_ =	shalt  }
tec
execute0_lowered:
.L_overlay_start_1:
0x0: {  	(tag) =	ssettag $0x1  }
0x1: {  	s0 =	srdreg.scid;
	s5 =	stileid.u32  }
0x2: {  	s2 =	sand.u32 $0x1, s0;
	s9 =	smul.u32 $0x640000, s5  }
0x3: {  	s1 =	rddreg [dreg:$0x0];
	s4 =	simm.s32 $0x0;
	s3 =	smul.u32 $0x320000, s2  }
0x4: {  	[smem:$0x7FF] =	sst s4;
	s0 =	sshrl.u32 s9, $0x2  }
0x5: {  	[smem:$0x7D2] =	sst s3;
	s12 =	sadd.s32 $0x19000, s0  }
0x6: {  	s13 =	sadd.s32 $0x19010, s0;
	_ =	strace $0x80000047;
	[dreg:$0x7] =	wrdreg s12  }
0x7: {  	s14 =	sadd.s32 $0x19030, s0;
	[dreg:$0x8] =	wrdreg s13  }
0x8: {  	s15 =	sadd.s32 $0x191E0, s0;
	[dreg:$0x9] =	wrdreg s14  }
0x9: {  	s16 =	sadd.s32 $0x191F0, s0;
	[dreg:$0xa] =	wrdreg s15  }
0xa: {  	s17 =	sadd.s32 $0x19020, s0;
	[dreg:$0xb] =	wrdreg s16  }
0xb: {  	s19 =	sadd.s32 $0x19E00, s1;
	[dreg:$0xc] =	wrdreg s17  }
0xc: {  	s18 =	sadd.s32 $0x19050, s0;
	[smem:$0x7D3] =	sst s19  }
0xd: {  	s21 =	sadd.s32 $0xE00, s1;
	[dreg:$0xd] =	wrdreg s18  }
0xe: {  	s20 =	sadd.s32 $0x191C0, s0;
	[smem:$0x7D4] =	sst s21  }
0xf: {  	s7 =	sadd.s32 $0xF43200, s1;
	s1 =	sadd.s32 $0x32E00, s1;
	[dreg:$0xe] =	wrdreg s20  }
0x10: {  	s22 =	sadd.s32 $0x191D0, s0;
	[smem:$0x7D5] =	sst s1  }
0x11: {  	s23 =	sadd.s32 $0x19040, s0;
	[dreg:$0xf] =	wrdreg s22  }
0x12: {  	s25 =	sadd.s32 $0x19070, s0;
	[dreg:$0x10] =	wrdreg s23  }
0x13: {  	s30 =	sshll.u32 s5, $0x1;
	s28 =	sadd.s32 $0x191A0, s0;
	[dreg:$0x11] =	wrdreg s25  }
0x14: {  	s4 =	sor.u32 s2, s30;
	s29 =	sadd.s32 $0x191B0, s0;
	[dreg:$0x12] =	wrdreg s28  }
0x15: {  	s4 =	smul.u32 $0x6400, s4;
	s31 =	sadd.s32 $0x19060, s0;
	[dreg:$0x13] =	wrdreg s29  }
0x16: {  	[dreg:$0x14] =	wrdreg s31  }
0x17: {  	s8 =	sadd.s32 $0x19090, s0;
	[smem:$0x7D6] =	sst s4  }
0x18: {  	s6 =	sadd.s32 s3, s9;
	s9 =	sadd.s32 $0x19180, s0;
	[dreg:$0x15] =	wrdreg s8  }
0x19: {  	s3 =	sor.u32 $0x40, s6;
	[dreg:$0x16] =	wrdreg s9  }
0x1a: {  	s10 =	sor.u32 $0x7C0, s6;
	[dreg:$0x4] =	wrdreg s3  }
0x1b: {  	s11 =	sor.u32 $0x400, s6;
	[dreg:$0x5] =	wrdreg s10  }
0x1c: {  	s12 =	sadd.s32 $0x19080, s0;
	[dreg:$0x6] =	wrdreg s11  }
0x1d: {  	s13 =	sadd.s32 $0x190B0, s0;
	[dreg:$0x18] =	wrdreg s12  }
0x1e: {  	s14 =	sadd.s32 $0x19160, s0;
	[dreg:$0x19] =	wrdreg s13  }
0x1f: {  	s16 =	sadd.s32 $0x19170, s0;
	[dreg:$0x1a] =	wrdreg s14  }
0x20: {  	s18 =	sadd.s32 $0x190A0, s0;
	[dreg:$0x1b] =	wrdreg s16  }
0x21: {  	s20 =	sadd.s32 $0x190D0, s0;
	[dreg:$0x1c] =	wrdreg s18  }
0x22: {  	s22 =	sadd.s32 $0x19140, s0;
	[dreg:$0x1d] =	wrdreg s20  }
0x23: {  	s29 =	sadd.s32 $0x190F0, s0;
	[dreg:$0x1e] =	wrdreg s22  }
0x24: {  	s31 =	sadd.s32 $0x19120, s0;
	[smem:$0x7E1] =	sst s29  }
0x25: {  	s24 =	ssub.s32 $0x2, s2;
	s9 =	sadd.s32 $0x190E0, s0;
	[smem:$0x7E3] =	sst s31  }
0x26: {  	s26 =	sshrl.u32 s24, $0x1;
	s11 =	sadd.s32 $0x19190, s0;
	[smem:$0x7E6] =	sst s9  }
0x27: {  	s3 =	ssub.s32 s24, s26;
	s24 =	sadd.s32 $0x19150, s0;
	[dreg:$0x17] =	wrdreg s11  }
0x28: {  	s26 =	sadd.s32 $0x190C0, s0;
	[dreg:$0x1f] =	wrdreg s24  }
0x29: {  	s10 =	smul.u32 $0xC800, s5;
	s5 =	sadd.s32 $0x19130, s0;
	[smem:$0x7DF] =	sst s26  }
0x2a: {  	s2 =	smul.u32 $0x6400, s2;
	s0 =	sadd.s32 $0x19100, s0;
	[smem:$0x7E5] =	sst s5  }
0x2b: {  	s3 =	smax.u32 s3, $0x1;
	[smem:$0x7E8] =	sst s0  }
0x2c: {  	[smem:$0x7D7] =	sst s3;
	s2 =	sadd.s32 s2, s10  }
0x2d: {  	s15 =	sor.u32 $0x1, s2;
	[smem:$0x7FC] =	sst s2  }
0x2e: {  	s17 =	sor.u32 $0x2, s2;
	[smem:$0x7D8] =	sst s15  }
0x2f: {  	s19 =	sor.u32 $0xF, s2;
	[smem:$0x7D9] =	sst s17  }
0x30: {  	s21 =	sor.u32 $0x3, s2;
	[smem:$0x7DA] =	sst s19  }
0x31: {  	s23 =	sor.u32 $0xE, s2;
	[smem:$0x7DB] =	sst s21  }
0x32: {  	s25 =	sor.u32 $0x4, s2;
	[smem:$0x7DC] =	sst s23  }
0x33: {  	s28 =	sor.u32 $0xD, s2;
	[smem:$0x7DD] =	sst s25  }
0x34: {  	s30 =	sor.u32 $0x5, s2;
	[smem:$0x7DE] =	sst s28  }
0x35: {  	s4 =	sor.u32 $0xC, s2;
	[smem:$0x7E0] =	sst s30  }
0x36: {  	s8 =	sor.u32 $0x6, s2;
	[smem:$0x7E2] =	sst s4  }
0x37: {  	s10 =	sor.u32 $0xB, s2;
	[smem:$0x7E4] =	sst s8  }
0x38: {  	s11 =	sor.u32 $0x7, s2;
	[smem:$0x7E7] =	sst s10  }
0x39: {  	s12 =	sor.u32 $0xA, s2;
	[smem:$0x7E9] =	sst s11  }
0x3a: {  	s13 =	sor.u32 $0x8, s2;
	[smem:$0x7EA] =	sst s12  }
0x3b: {  	s14 =	sor.u32 $0x9, s2;
	[smem:$0x7EB] =	sst s13  }
0x3c: {  	s16 =	sadd.s32 $0x401, s2;
	[smem:$0x7EC] =	sst s14  }
0x3d: {  	s18 =	sadd.s32 $0x402, s2;
	[smem:$0x7EE] =	sst s16  }
0x3e: {  	s20 =	sadd.s32 $0x403, s2;
	[smem:$0x7F0] =	sst s18  }
0x3f: {  	s22 =	sadd.s32 $0x404, s2;
	[smem:$0x7F2] =	sst s20  }
0x40: {  	s24 =	sadd.s32 $0x405, s2;
	[smem:$0x7F4] =	sst s22  }
0x41: {  	s26 =	sadd.s32 $0x406, s2;
	[smem:$0x7F6] =	sst s24  }
0x42: {  	s29 =	sadd.s32 $0x407, s2;
	[smem:$0x7F8] =	sst s26  }
0x43: {  	s31 =	sadd.s32 $0x408, s2;
	[smem:$0x7FA] =	sst s29  }
0x44: {  	s15 =	sadd.s32 $0x400, s2;
	[smem:$0x7FD] =	sst s31  }
0x45: {  	s17 =	sadd.s32 $0x40F, s2;
	[smem:$0x7ED] =	sst s15  }
0x46: {  	s19 =	sadd.s32 $0x40E, s2;
	[smem:$0x7EF] =	sst s17  }
0x47: {  	s21 =	sadd.s32 $0x40D, s2;
	[smem:$0x7F1] =	sst s19  }
0x48: {  	s23 =	sadd.s32 $0x40C, s2;
	[smem:$0x7F3] =	sst s21  }
0x49: {  	s1 =	simm.s32 $0x0;
	s25 =	sadd.s32 $0x40B, s2;
	[smem:$0x7F5] =	sst s23  }
0x4a: {  	s28 =	sadd.s32 $0x40A, s2;
	s30 =	sadd.s32 $0x409, s2;
	[smem:$0x7F7] =	sst s25  }
0x4b: {  	s8 =	simm.s32 $0x4;
	s10 =	simm.s32 $0x9000;
	[smem:$0x7F9] =	sst s28  }
0x4c: {  	s26 =	simm.s32 $0x2;
	[smem:$0x7FB] =	sst s30;
	s25 =	simm.s32 $0x1  }
.LBB2_1:
0x4d: {  	s0 =	sld [smem:$0x7D5];
	_ =	sdelay $0x1  }
0x4e: {  	[smem:$0x7D1] =	sst s1;
	s29 =	simm.s32 $0x0;
	s2 =	simm.s32 $0x11000  }
0x4f: {  	[tilespmem:s2], [sflag:$0x4] =	stream.linear.gather [hbm4b:s0+s29], $0x1900, $0x38;
	[tilespmem:$0x12920] =	vst v63  }
0x50: {  	_ =	swait.ge [sflag:s8], $0x1900  }
0x51: {  	[sflag:s8] =	ssyncset.done $0x0  }
0x52: {  	[sflag:s8] =	ssyncadd.s32 $0xFFFFE700  }
0x53: {  	s31 =	simm.s32 $0x12900;
	s30 =	rddreg [dreg:$0x1]  }
0x54: {  	[tilespmem:s31], [sflag:$0x4] =	stream.linear.gather [hbm4b:s30+s29], $0x20, $0x38;
	[tilespmem:$0x12920] =	vst v63  }
0x55: {  	_ =	swait.ge [sflag:s8], $0x20  }
0x56: {  	[sflag:s8] =	ssyncset.done $0x0  }
0x57: {  	[sflag:s8] =	ssyncadd.s32 $0xFFFFFFE0  }
0x58: {  	v0 =	vld [tilespmem:$0x12900]  }
0x59: {  	s11 =	simm.s32 $0x0;
	s0 =	simm.s32 $0x0;
	v1 =	vld [tilespmem:$0x12910]  }
.LBB2_2:
0x5a: {  	s17 =	sshll.u32 s0, $0x1;
	s1 =	sld [smem:$0x7D6]  }
0x5b: {  	[smem:$0x7BE] =	sst s0;
	s0 =	smin.u32 s17, $0x17  }
0x5c: {  	s3 =	sld [smem:$0x7D3];
	s0 =	sshll.u32 s0, $0xA  }
0x5d: {  	s23 =	sadd.s32 s1, s0  }
0x5e: {  	s0 =	sshrl.u32 s23, $0x3  }
0x5f: {  	s2 =	simm.s32 $0x0;
	s18 =	sadd.s32 s3, s0  }
0x60: {  	[tilespmem:s2], [sflag:$0x4] =	stream.linear.gather [hbm4b:s18+s2], $0x400, $0x38;
	[tilespmem:$0x12920] =	vst v63  }
0x61: {  	_ =	swait.ge [sflag:s8], $0x400  }
0x62: {  	s5 =	sld [smem:$0x7D4];
	_ =	sdelay $0x1  }
0x63: {  	[sflag:s8] =	ssyncset.done $0x0  }
0x64: {  	s4 =	simm.s32 $0x800;
	[sflag:s8] =	ssyncadd.s32 $0xFFFFFC00;
	s0 =	sadd.s32 s5, s0  }
0x65: {  	[tilespmem:s4], [sflag:$0x4] =	stream.linear.gather [hbm4b:s0+s2], $0x400, $0x38;
	[tilespmem:$0x12920] =	vst v63  }
0x66: {  	_ =	swait.ge [sflag:s8], $0x400  }
0x67: {  	[sflag:s8] =	ssyncset.done $0x0  }
0x68: {  	s9 =	simm.s32 $0x80;
	s19 =	simm.s32 $0x1000;
	[sflag:s8] =	ssyncadd.s32 $0xFFFFFC00  }
0x69: {  	[tilespmem:s19], [sflag:$0x1] =	stream.indirect.gather [hbm4b:s7+s9], $0x20, s2, s9, $0xb8;
	[tilespmem:$0x12920] =	vst v63  }
0x6a: {  	s20 =	simm.s32 $0x2000  }
0x6b: {  	[tilespmem:s20], [sflag:$0x1] =	stream.indirect.gather [hbm4b:s7+s9], $0x20, s9, s9, $0xb8;
	[tilespmem:$0x12920] =	vst v63  }
0x6c: {  	s21 =	simm.s32 $0x100;
	s22 =	simm.s32 $0x3000  }
0x6d: {  	[tilespmem:s22], [sflag:$0x1] =	stream.indirect.gather [hbm4b:s7+s9], $0x20, s21, s9, $0xb8;
	[tilespmem:$0x12920] =	vst v63  }
0x6e: {  	s24 =	simm.s32 $0x180;
	s30 =	simm.s32 $0x4000  }
0x6f: {  	[tilespmem:s30], [sflag:$0x1] =	stream.indirect.gather [hbm4b:s7+s9], $0x20, s24, s9, $0xb8;
	[tilespmem:$0x12920] =	vst v63  }
0x70: {  	s12 =	simm.s32 $0x5000;
	s1 =	simm.s32 $0x200  }
0x71: {  	[tilespmem:s12], [sflag:$0x1] =	stream.indirect.gather [hbm4b:s7+s9], $0x20, s1, s9, $0xb8;
	[tilespmem:$0x12920] =	vst v63  }
0x72: {  	s13 =	simm.s32 $0x280;
	s14 =	simm.s32 $0x6000  }
0x73: {  	[tilespmem:s14], [sflag:$0x1] =	stream.indirect.gather [hbm4b:s7+s9], $0x20, s13, s9, $0xb8;
	[tilespmem:$0x12920] =	vst v63  }
0x74: {  	s15 =	simm.s32 $0x300;
	s16 =	simm.s32 $0x7000;
	s12 =	sadd.s32 $0x400, s23  }
0x75: {  	[tilespmem:s16], [sflag:$0x1] =	stream.indirect.gather [hbm4b:s7+s9], $0x20, s15, s9, $0xb8;
	[tilespmem:$0x12920] =	vst v63  }
0x76: {  	s17 =	simm.s32 $0x380;
	s18 =	simm.s32 $0x8000;
	s19 =	sshrl.u32 s12, $0x3  }
0x77: {  	[tilespmem:s18], [sflag:$0x1] =	stream.indirect.gather [hbm4b:s7+s9], $0x20, s17, s9, $0xb8;
	[tilespmem:$0x12920] =	vst v63  }
0x78: {  	s21 =	simm.s32 $0x400;
	[smem:$0x7BF] =	sst s12;
	s20 =	sadd.s32 s3, s19  }
0x79: {  	[tilespmem:s21], [sflag:$0x4] =	stream.linear.gather [hbm4b:s20+s2], $0x400, $0x38;
	[tilespmem:$0x12920] =	vst v63  }
0x7a: {  	_ =	swait.ge [sflag:s8], $0x400  }
0x7b: {  	[sflag:s8] =	ssyncset.done $0x0  }
0x7c: {  	s22 =	simm.s32 $0xC00;
	s0 =	sadd.s32 s5, s19;
	[sflag:s8] =	ssyncadd.s32 $0xFFFFFC00  }
0x7d: {  	[tilespmem:s22], [sflag:$0x4] =	stream.linear.gather [hbm4b:s0+s2], $0x400, $0x38;
	[tilespmem:$0x12920] =	vst v63  }
0x7e: {  	_ =	swait.ge [sflag:s8], $0x400  }
0x7f: {  	[sflag:s8] =	ssyncset.done $0x0  }
0x80: {  	[sflag:s8] =	ssyncadd.s32 $0xFFFFFC00  }
0x81: {  	[tilespmem:s10], [sflag:$0x2] =	stream.indirect.gather [hbm4b:s7+s9], $0x20, s21, s9, $0xb8;
	[tilespmem:$0x12920] =	vst v63  }
0x82: {  	s24 =	simm.s32 $0x480;
	s30 =	simm.s32 $0xA000  }
0x83: {  	[tilespmem:s30], [sflag:$0x2] =	stream.indirect.gather [hbm4b:s7+s9], $0x20, s24, s9, $0xb8;
	[tilespmem:$0x12920] =	vst v63  }
0x84: {  	s3 =	simm.s32 $0xB000;
	s2 =	simm.s32 $0x500  }
0x85: {  	[tilespmem:s3], [sflag:$0x2] =	stream.indirect.gather [hbm4b:s7+s9], $0x20, s2, s9, $0xb8;
	[tilespmem:$0x12920] =	vst v63  }
0x86: {  	s5 =	simm.s32 $0x580;
	s8 =	simm.s32 $0xC000  }
0x87: {  	[tilespmem:s8], [sflag:$0x2] =	stream.indirect.gather [hbm4b:s7+s9], $0x20, s5, s9, $0xb8;
	[tilespmem:$0x12920] =	vst v63  }
0x88: {  	s12 =	simm.s32 $0xD000;
	s10 =	simm.s32 $0x600  }
0x89: {  	[tilespmem:s12], [sflag:$0x2] =	stream.indirect.gather [hbm4b:s7+s9], $0x20, s10, s9, $0xb8;
	[tilespmem:$0x12920] =	vst v63  }
0x8a: {  	s13 =	simm.s32 $0x680;
	s14 =	simm.s32 $0xE000  }
0x8b: {  	[tilespmem:s14], [sflag:$0x2] =	stream.indirect.gather [hbm4b:s7+s9], $0x20, s13, s9, $0xb8;
	[tilespmem:$0x12920] =	vst v63  }
0x8c: {  	s15 =	simm.s32 $0x700;
	s16 =	simm.s32 $0xF000  }
0x8d: {  	[tilespmem:s16], [sflag:$0x2] =	stream.indirect.gather [hbm4b:s7+s9], $0x20, s15, s9, $0xb8;
	[tilespmem:$0x12920] =	vst v63  }
0x8e: {  	s17 =	simm.s32 $0x780;
	s18 =	simm.s32 $0x10000  }
0x8f: {  	[tilespmem:s18], [sflag:$0x2] =	stream.indirect.gather [hbm4b:s7+s9], $0x20, s17, s9, $0xb8;
	[tilespmem:$0x12920] =	vst v63  }
0x90: {  	_ =	swait.ge [sflag:s25], $0x1000  }
0x91: {  	[sflag:s25] =	ssyncset.done $0x0  }
0x92: {  	[sflag:s25] =	ssyncadd.s32 $0xFFFFF000  }
0x93: {  	_ =	swait.ge [sflag:s25], $0x1000  }
0x94: {  	[sflag:s25] =	ssyncset.done $0x0  }
0x95: {  	[sflag:s25] =	ssyncadd.s32 $0xFFFFF000  }
0x96: {  	_ =	swait.ge [sflag:s25], $0x1000  }
0x97: {  	[sflag:s25] =	ssyncset.done $0x0  }
0x98: {  	[sflag:s25] =	ssyncadd.s32 $0xFFFFF000  }
0x99: {  	_ =	swait.ge [sflag:s25], $0x1000  }
0x9a: {  	[sflag:s25] =	ssyncset.done $0x0  }
0x9b: {  	[sflag:s25] =	ssyncadd.s32 $0xFFFFF000  }
0x9c: {  	_ =	swait.ge [sflag:s25], $0x1000  }
0x9d: {  	[sflag:s25] =	ssyncset.done $0x0  }
0x9e: {  	[sflag:s25] =	ssyncadd.s32 $0xFFFFF000  }
0x9f: {  	_ =	swait.ge [sflag:s25], $0x1000  }
0xa0: {  	[sflag:s25] =	ssyncset.done $0x0  }
0xa1: {  	[sflag:s25] =	ssyncadd.s32 $0xFFFFF000  }
0xa2: {  	_ =	swait.ge [sflag:s25], $0x1000  }
0xa3: {  	s20 =	sld [smem:$0x7FC]  }
0xa4: {  	s19 =	smin.u32 s11, $0x17;
	[sflag:s25] =	ssyncset.done $0x0  }
0xa5: {  	s3 =	sshll.u32 s19, $0xA;
	[smem:$0x7C0] =	sst s11;
	[sflag:s25] =	ssyncadd.s32 $0xFFFFF000  }
0xa6: {  	_ =	swait.ge [sflag:s25], $0x1000;
	s2 =	sadd.s32 s3, s20  }
0xa7: {  	s21 =	sshll.u32 s19, $0x11;
	[sflag:s25] =	ssyncset.done $0x0;
	s22 =	smulhi.u32 $0x51EB851F, s2  }
0xa8: {  	s1 =	sshrl.u32 s21, $0x2;
	[sflag:s25] =	ssyncadd.s32 $0xFFFFF000  }
0xa9: {  	s24 =	sadd.s32 $0x11000, s1;
	v3 =	vld [tilespmem:s4+$0x0];
	s0 =	sshrl.u32 s22, $0x6  }
0xaa: {  	v2 =	vmov s24;
	s0 =	smul.u32 $0x6400, s0  }
0xab: {  	s30 =	rddreg [dreg:$0x4]  }
0xac: {  	s8 =	simm.s32 $0x0;
	s0 =	ssub.s32 s30, s0  }
0xad: {  	v4 =	vld [tilespmem:s8+$0x1000];
	s0 =	sadd.s32 $0x0, s0  }
0xae: {  	v5 =	vbroadcast v3, $0x0;
	s0 =	sshra.s32 s0, $0x2  }
0xaf: {  	v6 =	vld.idx.msk [tilespmem:v2+s0+$0xFFFFFFF0 ss:$0x1], $0xffff  }
0xb0: {  	v7 =	vmul.f32 v5, v0;
	_ =	sdelay $0x1  }
0xb1: {  	v4 =	vadd.f32 v7, v4;
	_ =	sdelay $0x1  }
0xb2: {  	v4 =	vadd.f32 v4, v6  }
0xb3: {  	s9 =	sld [smem:$0x7D8]  }
0xb4: {  	[tilespmem:s8+$0x1000] =	vst v4;
	v4 =	vld [tilespmem:s8+$0x1010];
	_ =	sdelay $0x1  }
0xb5: {  	s9 =	sadd.s32 s3, s9;
	v20 =	vld.idx.msk [tilespmem:v2+s0+$0x0 ss:$0x1], $0xffff  }
0xb6: {  	v5 =	vmul.f32 v5, v1;
	s0 =	smulhi.u32 $0x51EB851F, s9;
	_ =	sdelay $0x1  }
0xb7: {  	s0 =	sshrl.u32 s0, $0x6;
	v4 =	vadd.f32 v4, v5  }
0xb8: {  	s0 =	smul.u32 $0x6400, s0  }
0xb9: {  	v4 =	vadd.f32 v20, v4  }
0xba: {  	s0 =	ssub.s32 s6, s0  }
0xbb: {  	s0 =	sadd.s32 $0x0, s0;
	[tilespmem:s8+$0x1010] =	vst v4;
	v4 =	vld [tilespmem:s8+$0x1020]  }
0xbc: {  	v5 =	vbroadcast v3, $0x1;
	s0 =	sshra.s32 s0, $0x2  }
0xbd: {  	v21 =	vld.idx.msk [tilespmem:v2+s0+$0x20 ss:$0x1], $0xffff  }
0xbe: {  	v22 =	vmul.f32 v5, v0;
	_ =	sdelay $0x1  }
0xbf: {  	v4 =	vadd.f32 v4, v22;
	_ =	sdelay $0x1  }
0xc0: {  	v4 =	vadd.f32 v21, v4  }
0xc1: {  	s10 =	sld [smem:$0x7D9]  }
0xc2: {  	[tilespmem:s8+$0x1020] =	vst v4;
	v4 =	vld [tilespmem:s8+$0x1030];
	_ =	sdelay $0x1  }
0xc3: {  	s20 =	sadd.s32 s3, s10;
	v23 =	vld.idx.msk [tilespmem:v2+s0+$0x30 ss:$0x1], $0xffff  }
0xc4: {  	v5 =	vmul.f32 v5, v1;
	s0 =	smulhi.u32 $0x51EB851F, s20;
	_ =	sdelay $0x1  }
0xc5: {  	s0 =	sshrl.u32 s0, $0x6;
	v4 =	vadd.f32 v4, v5  }
0xc6: {  	s0 =	smul.u32 $0x6400, s0  }
0xc7: {  	v4 =	vadd.f32 v23, v4  }
0xc8: {  	s0 =	ssub.s32 s6, s0  }
0xc9: {  	s0 =	sadd.s32 $0x0, s0;
	[tilespmem:s8+$0x1030] =	vst v4;
	v4 =	vld [tilespmem:s8+$0x1040]  }
0xca: {  	v5 =	vbroadcast v3, $0x2;
	s0 =	sshra.s32 s0, $0x2  }
0xcb: {  	v24 =	vld.idx.msk [tilespmem:v2+s0+$0x40 ss:$0x1], $0xffff  }
0xcc: {  	v25 =	vmul.f32 v5, v0;
	_ =	sdelay $0x1  }
0xcd: {  	v4 =	vadd.f32 v4, v25;
	_ =	sdelay $0x1  }
0xce: {  	v4 =	vadd.f32 v24, v4  }
0xcf: {  	s11 =	sld [smem:$0x7DB]  }
0xd0: {  	[tilespmem:s8+$0x1040] =	vst v4;
	v4 =	vld [tilespmem:s8+$0x1050];
	_ =	sdelay $0x1  }
0xd1: {  	s19 =	sadd.s32 s3, s11;
	v26 =	vld.idx.msk [tilespmem:v2+s0+$0x50 ss:$0x1], $0xffff  }
0xd2: {  	v5 =	vmul.f32 v5, v1;
	s0 =	smulhi.u32 $0x51EB851F, s19;
	_ =	sdelay $0x1  }
0xd3: {  	s0 =	sshrl.u32 s0, $0x6;
	v4 =	vadd.f32 v4, v5  }
0xd4: {  	s0 =	smul.u32 $0x6400, s0  }
0xd5: {  	v4 =	vadd.f32 v26, v4  }
0xd6: {  	s0 =	ssub.s32 s6, s0  }
0xd7: {  	s0 =	sadd.s32 $0x0, s0;
	[tilespmem:s8+$0x1050] =	vst v4;
	v4 =	vld [tilespmem:s8+$0x1060]  }
0xd8: {  	v5 =	vbroadcast v3, $0x3;
	s0 =	sshra.s32 s0, $0x2  }
0xd9: {  	v27 =	vld.idx.msk [tilespmem:v2+s0+$0x60 ss:$0x1], $0xffff  }
0xda: {  	v28 =	vmul.f32 v5, v0;
	_ =	sdelay $0x1  }
0xdb: {  	v4 =	vadd.f32 v4, v28;
	_ =	sdelay $0x1  }
0xdc: {  	v4 =	vadd.f32 v27, v4  }
0xdd: {  	s12 =	sld [smem:$0x7DD]  }
0xde: {  	[tilespmem:s8+$0x1060] =	vst v4;
	v4 =	vld [tilespmem:s8+$0x1070];
	_ =	sdelay $0x1  }
0xdf: {  	s10 =	sadd.s32 s3, s12;
	v29 =	vld.idx.msk [tilespmem:v2+s0+$0x70 ss:$0x1], $0xffff  }
0xe0: {  	v5 =	vmul.f32 v5, v1;
	s0 =	smulhi.u32 $0x51EB851F, s10;
	_ =	sdelay $0x1  }
0xe1: {  	s0 =	sshrl.u32 s0, $0x6;
	v4 =	vadd.f32 v4, v5  }
0xe2: {  	s0 =	smul.u32 $0x6400, s0  }
0xe3: {  	v4 =	vadd.f32 v29, v4  }
0xe4: {  	s0 =	ssub.s32 s6, s0  }
0xe5: {  	s0 =	sadd.s32 $0x0, s0;
	[tilespmem:s8+$0x1070] =	vst v4;
	v4 =	vld [tilespmem:s8+$0x1080]  }
0xe6: {  	v5 =	vbroadcast v3, $0x4;
	s0 =	sshra.s32 s0, $0x2  }
0xe7: {  	v30 =	vld.idx.msk [tilespmem:v2+s0+$0x80 ss:$0x1], $0xffff  }
0xe8: {  	v31 =	vmul.f32 v5, v0;
	_ =	sdelay $0x1  }
0xe9: {  	v4 =	vadd.f32 v4, v31;
	_ =	sdelay $0x1  }
0xea: {  	v4 =	vadd.f32 v30, v4  }
0xeb: {  	s13 =	sld [smem:$0x7E0]  }
0xec: {  	[tilespmem:s8+$0x1080] =	vst v4;
	v4 =	vld [tilespmem:s8+$0x1090];
	_ =	sdelay $0x1  }
0xed: {  	s12 =	sadd.s32 s3, s13;
	v32 =	vld.idx.msk [tilespmem:v2+s0+$0x90 ss:$0x1], $0xffff  }
0xee: {  	v5 =	vmul.f32 v5, v1;
	s0 =	smulhi.u32 $0x51EB851F, s12;
	_ =	sdelay $0x1  }
0xef: {  	s0 =	sshrl.u32 s0, $0x6;
	v4 =	vadd.f32 v4, v5  }
0xf0: {  	s0 =	smul.u32 $0x6400, s0  }
0xf1: {  	v4 =	vadd.f32 v32, v4  }
0xf2: {  	s0 =	ssub.s32 s6, s0  }
0xf3: {  	s0 =	sadd.s32 $0x0, s0;
	[tilespmem:s8+$0x1090] =	vst v4;
	v4 =	vld [tilespmem:s8+$0x10A0]  }
0xf4: {  	v5 =	vbroadcast v3, $0x5;
	s0 =	sshra.s32 s0, $0x2  }
0xf5: {  	v33 =	vld.idx.msk [tilespmem:v2+s0+$0xA0 ss:$0x1], $0xffff  }
0xf6: {  	v34 =	vmul.f32 v5, v0;
	_ =	sdelay $0x1  }
0xf7: {  	v4 =	vadd.f32 v4, v34;
	_ =	sdelay $0x1  }
0xf8: {  	v4 =	vadd.f32 v33, v4  }
0xf9: {  	s14 =	sld [smem:$0x7E4]  }
0xfa: {  	[tilespmem:s8+$0x10A0] =	vst v4;
	v4 =	vld [tilespmem:s8+$0x10B0];
	_ =	sdelay $0x1  }
0xfb: {  	s13 =	sadd.s32 s3, s14;
	v35 =	vld.idx.msk [tilespmem:v2+s0+$0xB0 ss:$0x1], $0xffff  }
0xfc: {  	v5 =	vmul.f32 v5, v1;
	s0 =	smulhi.u32 $0x51EB851F, s13;
	_ =	sdelay $0x1  }
0xfd: {  	s0 =	sshrl.u32 s0, $0x6;
	v4 =	vadd.f32 v4, v5  }
0xfe: {  	s0 =	smul.u32 $0x6400, s0  }
0xff: {  	v4 =	vadd.f32 v35, v4  }
0x100: {  	s0 =	ssub.s32 s6, s0  }
0x101: {  	s0 =	sadd.s32 $0x0, s0;
	[tilespmem:s8+$0x10B0] =	vst v4;
	v4 =	vld [tilespmem:s8+$0x10C0]  }
0x102: {  	v5 =	vbroadcast v3, $0x6;
	s0 =	sshra.s32 s0, $0x2  }
0x103: {  	v36 =	vld.idx.msk [tilespmem:v2+s0+$0xC0 ss:$0x1], $0xffff  }
0x104: {  	v37 =	vmul.f32 v5, v0;
	_ =	sdelay $0x1  }
0x105: {  	v4 =	vadd.f32 v4, v37;
	_ =	sdelay $0x1  }
0x106: {  	v4 =	vadd.f32 v36, v4  }
0x107: {  	s15 =	sld [smem:$0x7E9]  }
0x108: {  	[tilespmem:s8+$0x10C0] =	vst v4;
	v4 =	vld [tilespmem:s8+$0x10D0];
	_ =	sdelay $0x1  }
0x109: {  	s15 =	sadd.s32 s3, s15;
	v38 =	vld.idx.msk [tilespmem:v2+s0+$0xD0 ss:$0x1], $0xffff  }
0x10a: {  	v5 =	vmul.f32 v5, v1;
	s0 =	smulhi.u32 $0x51EB851F, s15;
	_ =	sdelay $0x1  }
0x10b: {  	s0 =	sshrl.u32 s0, $0x6;
	v4 =	vadd.f32 v4, v5  }
0x10c: {  	s0 =	smul.u32 $0x6400, s0  }
0x10d: {  	v4 =	vadd.f32 v38, v4  }
0x10e: {  	s0 =	ssub.s32 s6, s0  }
0x10f: {  	s0 =	sadd.s32 $0x0, s0;
	[tilespmem:s8+$0x10D0] =	vst v4;
	v4 =	vld [tilespmem:s8+$0x10E0]  }
0x110: {  	v5 =	vbroadcast v3, $0x7;
	s0 =	sshra.s32 s0, $0x2  }
0x111: {  	v39 =	vld.idx.msk [tilespmem:v2+s0+$0xE0 ss:$0x1], $0xffff  }
0x112: {  	v40 =	vmul.f32 v5, v0;
	_ =	sdelay $0x1  }
0x113: {  	v4 =	vadd.f32 v4, v40;
	_ =	sdelay $0x1  }
0x114: {  	v4 =	vadd.f32 v39, v4  }
0x115: {  	s16 =	sld [smem:$0x7EB]  }
0x116: {  	[tilespmem:s8+$0x10E0] =	vst v4;
	v4 =	vld [tilespmem:s8+$0x10F0];
	_ =	sdelay $0x1  }
0x117: {  	s11 =	sadd.s32 s3, s16;
	v41 =	vld.idx.msk [tilespmem:v2+s0+$0xF0 ss:$0x1], $0xffff  }
0x118: {  	v5 =	vmul.f32 v5, v1;
	s0 =	smulhi.u32 $0x51EB851F, s11;
	_ =	sdelay $0x1  }
0x119: {  	s0 =	sshrl.u32 s0, $0x6;
	v4 =	vadd.f32 v4, v5  }
0x11a: {  	s0 =	smul.u32 $0x6400, s0  }
0x11b: {  	s17 =	rddreg [dreg:$0x6];
	v4 =	vadd.f32 v41, v4  }
0x11c: {  	s0 =	ssub.s32 s17, s0  }
0x11d: {  	s0 =	sadd.s32 $0x0, s0;
	[tilespmem:s8+$0x10F0] =	vst v4;
	v4 =	vld [tilespmem:s8+$0x1100]  }
0x11e: {  	v5 =	vbroadcast v3, $0x8;
	s0 =	sshra.s32 s0, $0x2  }
0x11f: {  	v42 =	vld.idx.msk [tilespmem:v2+s0+$0x0 ss:$0x1], $0xffff  }
0x120: {  	v43 =	vmul.f32 v5, v0;
	_ =	sdelay $0x1  }
0x121: {  	v4 =	vadd.f32 v4, v43;
	_ =	sdelay $0x1  }
0x122: {  	v4 =	vadd.f32 v42, v4  }
0x123: {  	s18 =	sld [smem:$0x7EC]  }
0x124: {  	[tilespmem:s8+$0x1100] =	vst v4;
	v4 =	vld [tilespmem:s8+$0x1110];
	_ =	sdelay $0x1  }
0x125: {  	s16 =	sadd.s32 s3, s18;
	v44 =	vld.idx.msk [tilespmem:v2+s0+$0x10 ss:$0x1], $0xffff  }
0x126: {  	v5 =	vmul.f32 v5, v1;
	s0 =	smulhi.u32 $0x51EB851F, s16;
	_ =	sdelay $0x1  }
0x127: {  	s0 =	sshrl.u32 s0, $0x6;
	v4 =	vadd.f32 v4, v5  }
0x128: {  	s0 =	smul.u32 $0x6400, s0  }
0x129: {  	v4 =	vadd.f32 v44, v4  }
0x12a: {  	s0 =	ssub.s32 s6, s0  }
0x12b: {  	s0 =	sadd.s32 $0x0, s0;
	[tilespmem:s8+$0x1110] =	vst v4;
	v4 =	vld [tilespmem:s8+$0x1120]  }
0x12c: {  	v5 =	vbroadcast v3, $0x9;
	s0 =	sshra.s32 s0, $0x2  }
0x12d: {  	v45 =	vld.idx.msk [tilespmem:v2+s0+$0x120 ss:$0x1], $0xffff  }
0x12e: {  	v46 =	vmul.f32 v5, v0;
	_ =	sdelay $0x1  }
0x12f: {  	v4 =	vadd.f32 v4, v46;
	_ =	sdelay $0x1  }
0x130: {  	[smem:$0x7C1] =	sst s21;
	v4 =	vadd.f32 v45, v4  }
0x131: {  	s21 =	sld [smem:$0x7EA]  }
0x132: {  	[tilespmem:s8+$0x1120] =	vst v4;
	v4 =	vld [tilespmem:s8+$0x1130];
	_ =	sdelay $0x1  }
0x133: {  	s5 =	sadd.s32 s3, s21;
	v47 =	vld.idx.msk [tilespmem:v2+s0+$0x130 ss:$0x1], $0xffff  }
0x134: {  	v5 =	vmul.f32 v5, v1;
	s0 =	smulhi.u32 $0x51EB851F, s5;
	_ =	sdelay $0x1  }
0x135: {  	s0 =	sshrl.u32 s0, $0x6;
	v4 =	vadd.f32 v4, v5  }
0x136: {  	s0 =	smul.u32 $0x6400, s0  }
0x137: {  	v4 =	vadd.f32 v47, v4  }
0x138: {  	s0 =	ssub.s32 s6, s0  }
0x139: {  	s0 =	sadd.s32 $0x0, s0;
	[tilespmem:s8+$0x1130] =	vst v4;
	v4 =	vld [tilespmem:s8+$0x1140]  }
0x13a: {  	v5 =	vbroadcast v3, $0xA;
	s0 =	sshra.s32 s0, $0x2  }
0x13b: {  	v48 =	vld.idx.msk [tilespmem:v2+s0+$0x140 ss:$0x1], $0xffff  }
0x13c: {  	v49 =	vmul.f32 v5, v0;
	_ =	sdelay $0x1  }
0x13d: {  	v4 =	vadd.f32 v4, v49;
	_ =	sdelay $0x1  }
0x13e: {  	v4 =	vadd.f32 v48, v4  }
0x13f: {  	s22 =	sld [smem:$0x7E7]  }
0x140: {  	[tilespmem:s8+$0x1140] =	vst v4;
	v4 =	vld [tilespmem:s8+$0x1150];
	_ =	sdelay $0x1  }
0x141: {  	s17 =	sadd.s32 s3, s22;
	v50 =	vld.idx.msk [tilespmem:v2+s0+$0x150 ss:$0x1], $0xffff  }
0x142: {  	v5 =	vmul.f32 v5, v1;
	s0 =	smulhi.u32 $0x51EB851F, s17;
	_ =	sdelay $0x1  }
0x143: {  	s0 =	sshrl.u32 s0, $0x6;
	v4 =	vadd.f32 v4, v5  }
0x144: {  	s0 =	smul.u32 $0x6400, s0  }
0x145: {  	v4 =	vadd.f32 v50, v4  }
0x146: {  	s0 =	ssub.s32 s6, s0  }
0x147: {  	s0 =	sadd.s32 $0x0, s0;
	[tilespmem:s8+$0x1150] =	vst v4;
	v4 =	vld [tilespmem:s8+$0x1160]  }
0x148: {  	v5 =	vbroadcast v3, $0xB;
	s0 =	sshra.s32 s0, $0x2  }
0x149: {  	v51 =	vld.idx.msk [tilespmem:v2+s0+$0x160 ss:$0x1], $0xffff  }
0x14a: {  	v52 =	vmul.f32 v5, v0;
	_ =	sdelay $0x1  }
0x14b: {  	v4 =	vadd.f32 v4, v52;
	_ =	sdelay $0x1  }
0x14c: {  	v4 =	vadd.f32 v51, v4  }
0x14d: {  	s24 =	sld [smem:$0x7E2]  }
0x14e: {  	[tilespmem:s8+$0x1160] =	vst v4;
	v4 =	vld [tilespmem:s8+$0x1170];
	_ =	sdelay $0x1  }
0x14f: {  	s18 =	sadd.s32 s3, s24;
	v53 =	vld.idx.msk [tilespmem:v2+s0+$0x170 ss:$0x1], $0xffff  }
0x150: {  	v5 =	vmul.f32 v5, v1;
	s0 =	smulhi.u32 $0x51EB851F, s18;
	_ =	sdelay $0x1  }
0x151: {  	s0 =	sshrl.u32 s0, $0x6;
	v4 =	vadd.f32 v4, v5  }
0x152: {  	s0 =	smul.u32 $0x6400, s0  }
0x153: {  	v4 =	vadd.f32 v53, v4  }
0x154: {  	s0 =	ssub.s32 s6, s0  }
0x155: {  	s0 =	sadd.s32 $0x0, s0;
	[tilespmem:s8+$0x1170] =	vst v4;
	v4 =	vld [tilespmem:s8+$0x1180]  }
0x156: {  	v5 =	vbroadcast v3, $0xC;
	s0 =	sshra.s32 s0, $0x2  }
0x157: {  	v54 =	vld.idx.msk [tilespmem:v2+s0+$0x180 ss:$0x1], $0xffff  }
0x158: {  	v55 =	vmul.f32 v5, v0;
	_ =	sdelay $0x1  }
0x159: {  	v4 =	vadd.f32 v4, v55;
	_ =	sdelay $0x1  }
0x15a: {  	v4 =	vadd.f32 v54, v4  }
0x15b: {  	s30 =	sld [smem:$0x7DE]  }
0x15c: {  	[tilespmem:s8+$0x1180] =	vst v4;
	v4 =	vld [tilespmem:s8+$0x1190];
	_ =	sdelay $0x1  }
0x15d: {  	s22 =	sadd.s32 s3, s30;
	v56 =	vld.idx.msk [tilespmem:v2+s0+$0x190 ss:$0x1], $0xffff  }
0x15e: {  	v5 =	vmul.f32 v5, v1;
	s0 =	smulhi.u32 $0x51EB851F, s22;
	_ =	sdelay $0x1  }
0x15f: {  	s0 =	sshrl.u32 s0, $0x6;
	v4 =	vadd.f32 v4, v5  }
0x160: {  	s0 =	smul.u32 $0x6400, s0  }
0x161: {  	v4 =	vadd.f32 v56, v4  }
0x162: {  	s0 =	ssub.s32 s6, s0  }
0x163: {  	s0 =	sadd.s32 $0x0, s0;
	[tilespmem:s8+$0x1190] =	vst v4;
	v4 =	vld [tilespmem:s8+$0x11A0]  }
0x164: {  	v5 =	vbroadcast v3, $0xD;
	s0 =	sshra.s32 s0, $0x2  }
0x165: {  	v57 =	vld.idx.msk [tilespmem:v2+s0+$0x1A0 ss:$0x1], $0xffff  }
0x166: {  	v58 =	vmul.f32 v5, v0;
	_ =	sdelay $0x1  }
0x167: {  	v4 =	vadd.f32 v4, v58;
	_ =	sdelay $0x1  }
0x168: {  	v4 =	vadd.f32 v57, v4  }
0x169: {  	s14 =	sld [smem:$0x7DC]  }
0x16a: {  	[tilespmem:s8+$0x11A0] =	vst v4;
	v4 =	vld [tilespmem:s8+$0x11B0];
	_ =	sdelay $0x1  }
0x16b: {  	s24 =	sadd.s32 s3, s14;
	v59 =	vld.idx.msk [tilespmem:v2+s0+$0x1B0 ss:$0x1], $0xffff  }
0x16c: {  	v5 =	vmul.f32 v5, v1;
	s0 =	smulhi.u32 $0x51EB851F, s24;
	_ =	sdelay $0x1  }
0x16d: {  	s0 =	sshrl.u32 s0, $0x6;
	v4 =	vadd.f32 v4, v5  }
0x16e: {  	s0 =	smul.u32 $0x6400, s0  }
0x16f: {  	v4 =	vadd.f32 v59, v4  }
0x170: {  	s0 =	ssub.s32 s6, s0  }
0x171: {  	s0 =	sadd.s32 $0x0, s0;
	[tilespmem:s8+$0x11B0] =	vst v4;
	v4 =	vld [tilespmem:s8+$0x11C0]  }
0x172: {  	v5 =	vbroadcast v3, $0xE;
	s0 =	sshra.s32 s0, $0x2  }
0x173: {  	v60 =	vld.idx.msk [tilespmem:v2+s0+$0x1C0 ss:$0x1], $0xffff  }
0x174: {  	v61 =	vmul.f32 v5, v0;
	_ =	sdelay $0x1  }
0x175: {  	v4 =	vadd.f32 v4, v61  }
0x176: {  	s21 =	sld [smem:$0x7DA]  }
0x177: {  	v4 =	vadd.f32 v60, v4;
	_ =	sdelay $0x1  }
0x178: {  	s28 =	sadd.s32 s3, s21;
	[tilespmem:s8+$0x11C0] =	vst v4  }
0x179: {  	v62 =	vld.idx.msk [tilespmem:v2+s0+$0x1D0 ss:$0x1], $0xffff;
	s0 =	smulhi.u32 $0x51EB851F, s28;
	_ =	sdelay $0x1  }
0x17a: {  	s14 =	rddreg [dreg:$0x5];
	s0 =	sshrl.u32 s0, $0x6  }
0x17b: {  	s21 =	sld [smem:$0x7EF];
	s0 =	smul.u32 $0x6400, s0  }
0x17c: {  	s30 =	sld [smem:$0x7ED]  }
0x17d: {  	s31 =	sadd.s32 $0x10, s28;
	s28 =	rddreg [dreg:$0x4];
	s0 =	ssub.s32 s14, s0  }
0x17e: {  	s14 =	sld [smem:$0x7EE];
	s0 =	sadd.s32 $0x0, s0  }
0x17f: {  	s29 =	sshra.s32 s0, $0x2;
	s0 =	sadd.s32 s3, s30;
	s30 =	sld [smem:$0x7F0]  }
0x180: {  	[smem:$0x7C2] =	sst s0  }
0x181: {  	s0 =	sadd.s32 s3, s14;
	s14 =	sadd.s32 s3, s21;
	s21 =	sld [smem:$0x7F1]  }
0x182: {  	[smem:$0x7C3] =	sst s14  }
0x183: {  	s14 =	sadd.s32 s3, s30;
	s30 =	sld [smem:$0x7F2]  }
0x184: {  	[smem:$0x7C4] =	sst s14  }
0x185: {  	v4 =	vld [tilespmem:s8+$0x11D0];
	s14 =	sadd.s32 s3, s21;
	s21 =	sld [smem:$0x7F3]  }
0x186: {  	[smem:$0x7C5] =	sst s14  }
0x187: {  	s14 =	sadd.s32 s3, s30;
	s30 =	sld [smem:$0x7F4]  }
0x188: {  	v5 =	vmul.f32 v5, v1;
	[smem:$0x7C6] =	sst s14  }
0x189: {  	s14 =	sadd.s32 s3, s21;
	s21 =	sld [smem:$0x7F5]  }
0x18a: {  	v4 =	vadd.f32 v4, v5;
	[smem:$0x7C7] =	sst s14  }
0x18b: {  	s14 =	sadd.s32 s3, s30;
	s30 =	sld [smem:$0x7F6]  }
0x18c: {  	v4 =	vadd.f32 v62, v4;
	[smem:$0x7C8] =	sst s14  }
0x18d: {  	s14 =	sadd.s32 s3, s21;
	s21 =	sld [smem:$0x7F7]  }
0x18e: {  	[tilespmem:s8+$0x11D0] =	vst v4;
	v4 =	vld [tilespmem:s8+$0x11E0];
	[smem:$0x7C9] =	sst s14  }
0x18f: {  	v3 =	vbroadcast v3, $0xF;
	s14 =	sadd.s32 s3, s30;
	s30 =	sld [smem:$0x7F8]  }
0x190: {  	v5 =	vld.idx.msk [tilespmem:v2+s29+$0xFFFFFFF0 ss:$0x1], $0xffff;
	[smem:$0x7CA] =	sst s14  }
0x191: {  	v63 =	vmul.f32 v3, v0;
	s14 =	sadd.s32 s3, s21;
	s21 =	sld [smem:$0x7F9]  }
0x192: {  	[smem:$0x7CB] =	sst s14  }
0x193: {  	v4 =	vadd.f32 v4, v63;
	s14 =	sadd.s32 s3, s30;
	s30 =	sld [smem:$0x7FA]  }
0x194: {  	[smem:$0x7CC] =	sst s14  }
0x195: {  	v4 =	vadd.f32 v5, v4;
	s14 =	sadd.s32 s3, s21;
	s21 =	sld [smem:$0x7FB]  }
0x196: {  	s19 =	sadd.s32 $0x10, s19;
	[smem:$0x7CD] =	sst s14  }
0x197: {  	s15 =	sadd.s32 $0x10, s15;
	[tilespmem:s8+$0x11E0] =	vst v4;
	v4 =	vld [tilespmem:s8+$0x11F0];
	s14 =	sadd.s32 s3, s30;
	s30 =	sld [smem:$0x7FD]  }
0x198: {  	s5 =	sadd.s32 $0x10, s5;
	[smem:$0x7CE] =	sst s14;
	s14 =	sadd.s32 s3, s21  }
0x199: {  	v5 =	vld.idx.msk [tilespmem:v2+s29+$0x0 ss:$0x1], $0xffff;
	s29 =	simm.s32 $0x1000;
	[smem:$0x7CF] =	sst s14;
	s14 =	sadd.s32 $0x10, s11  }
0x19a: {  	v3 =	vmul.f32 v3, v1;
	s11 =	sadd.s32 $0x10, s16;
	s16 =	sadd.s32 $0x10, s13;
	s13 =	sadd.s32 $0x10, s2  }
0x19b: {  	s2 =	sadd.s32 $0x10, s24;
	s24 =	sadd.s32 $0x10, s9;
	s3 =	sadd.s32 s3, s30  }
0x19c: {  	v3 =	vadd.f32 v4, v3;
	s9 =	simm.s32 $0x800;
	[smem:$0x7D0] =	sst s3;
	s3 =	sadd.s32 $0x10, s17  }
0x19d: {  	s17 =	sadd.s32 $0x10, s12;
	s12 =	sadd.s32 $0x10, s18;
	s18 =	sadd.s32 $0x10, s10  }
0x19e: {  	v3 =	vadd.f32 v5, v3;
	s10 =	sadd.s32 $0x10, s22;
	s22 =	sadd.s32 $0x10, s20;
	s20 =	smulhi.u32 $0x51EB851F, s13  }
.LBB2_3:
0x19f: {  	_ = 	snop  }
0x1a0: {  	s4 =	sadd.s32 $0x10, s4;
	[tilespmem:s8+$0x11F0] =	vst v3  }
0x1a1: {  	s30 =	sshrl.u32 s20, $0x6;
	v3 =	vld [tilespmem:s4+$0x0]  }
0x1a2: {  	s30 =	smul.u32 $0x6400, s30;
	_ =	sdelay $0x1  }
0x1a3: {  	s8 =	sshra.s32 s9, $0x2;
	s30 =	ssub.s32 s28, s30  }
0x1a4: {  	s21 =	rddreg [dreg:$0x4];
	v4 =	vld [tilespmem:s8+$0x1000];
	s30 =	sadd.s32 s30, s9  }
0x1a5: {  	s28 =	smov.u32 s21;
	s21 =	sshra.s32 s30, $0x2;
	v5 =	vbroadcast v3, $0x0  }
0x1a6: {  	v6 =	vld.idx.msk [tilespmem:v2+s21+$0xFFFFFFF0 ss:$0x1], $0xffff  }
0x1a7: {  	v10 =	vmul.f32 v5, v0;
	_ =	sdelay $0x1  }
0x1a8: {  	v4 =	vadd.f32 v10, v4;
	_ =	sdelay $0x1  }
0x1a9: {  	v4 =	vadd.f32 v4, v6;
	_ =	sdelay $0x1  }
0x1aa: {  	[tilespmem:s8+$0x1000] =	vst v4;
	v4 =	vld [tilespmem:s8+$0x1010];
	_ =	sdelay $0x1  }
0x1ab: {  	v41 =	vld.idx.msk [tilespmem:v2+s21+$0x0 ss:$0x1], $0xffff  }
0x1ac: {  	s30 =	smulhi.u32 $0x51EB851F, s24;
	v5 =	vmul.f32 v5, v1;
	_ =	sdelay $0x1  }
0x1ad: {  	s21 =	sshrl.u32 s30, $0x6;
	v4 =	vadd.f32 v4, v5  }
0x1ae: {  	s21 =	smul.u32 $0x6400, s21  }
0x1af: {  	v4 =	vadd.f32 v41, v4  }
0x1b0: {  	s21 =	ssub.s32 s6, s21  }
0x1b1: {  	s21 =	sadd.s32 s21, s9;
	[tilespmem:s8+$0x1010] =	vst v4;
	v4 =	vld [tilespmem:s8+$0x1020]  }
0x1b2: {  	v5 =	vbroadcast v3, $0x1;
	s21 =	sshra.s32 s21, $0x2  }
0x1b3: {  	v33 =	vld.idx.msk [tilespmem:v2+s21+$0x20 ss:$0x1], $0xffff  }
0x1b4: {  	v31 =	vmul.f32 v5, v0;
	_ =	sdelay $0x1  }
0x1b5: {  	v31 =	vadd.f32 v4, v31;
	_ =	sdelay $0x1  }
0x1b6: {  	v31 =	vadd.f32 v33, v31  }
0x1b7: {  	v46 =	vld [tilespmem:s8+$0x1030]  }
0x1b8: {  	[tilespmem:s8+$0x1020] =	vst v31  }
0x1b9: {  	s30 =	smulhi.u32 $0x51EB851F, s22;
	v47 =	vld.idx.msk [tilespmem:v2+s21+$0x30 ss:$0x1], $0xffff  }
0x1ba: {  	v32 =	vmul.f32 v5, v1  }
0x1bb: {  	s21 =	sshrl.u32 s30, $0x6  }
0x1bc: {  	v31 =	vadd.f32 v46, v32;
	s21 =	smul.u32 $0x6400, s21;
	_ =	sdelay $0x1  }
0x1bd: {  	s21 =	ssub.s32 s6, s21;
	v31 =	vadd.f32 v47, v31  }
0x1be: {  	v48 =	vld [tilespmem:s8+$0x1040];
	s21 =	sadd.s32 s21, s9  }
0x1bf: {  	v7 =	vbroadcast v3, $0x2;
	s21 =	sshra.s32 s21, $0x2;
	[tilespmem:s8+$0x1030] =	vst v31  }
0x1c0: {  	v49 =	vld.idx.msk [tilespmem:v2+s21+$0x40 ss:$0x1], $0xffff  }
0x1c1: {  	v29 =	vmul.f32 v7, v0;
	_ =	sdelay $0x1  }
0x1c2: {  	v29 =	vadd.f32 v48, v29;
	_ =	sdelay $0x1  }
0x1c3: {  	v29 =	vadd.f32 v49, v29  }
0x1c4: {  	v50 =	vld [tilespmem:s8+$0x1050]  }
0x1c5: {  	[tilespmem:s8+$0x1040] =	vst v29  }
0x1c6: {  	s30 =	smulhi.u32 $0x51EB851F, s19;
	v51 =	vld.idx.msk [tilespmem:v2+s21+$0x50 ss:$0x1], $0xffff  }
0x1c7: {  	v30 =	vmul.f32 v7, v1  }
0x1c8: {  	s21 =	sshrl.u32 s30, $0x6  }
0x1c9: {  	v29 =	vadd.f32 v50, v30;
	s21 =	smul.u32 $0x6400, s21;
	_ =	sdelay $0x1  }
0x1ca: {  	s21 =	ssub.s32 s6, s21;
	v29 =	vadd.f32 v51, v29  }
0x1cb: {  	v52 =	vld [tilespmem:s8+$0x1060];
	s21 =	sadd.s32 s21, s9  }
0x1cc: {  	v9 =	vbroadcast v3, $0x3;
	s21 =	sshra.s32 s21, $0x2;
	[tilespmem:s8+$0x1050] =	vst v29  }
0x1cd: {  	v53 =	vld.idx.msk [tilespmem:v2+s21+$0x60 ss:$0x1], $0xffff  }
0x1ce: {  	v28 =	vmul.f32 v9, v0;
	_ =	sdelay $0x1  }
0x1cf: {  	v28 =	vadd.f32 v52, v28;
	_ =	sdelay $0x1  }
0x1d0: {  	v28 =	vadd.f32 v53, v28  }
0x1d1: {  	v54 =	vld [tilespmem:s8+$0x1070]  }
0x1d2: {  	[tilespmem:s8+$0x1060] =	vst v28  }
0x1d3: {  	s30 =	smulhi.u32 $0x51EB851F, s18;
	v55 =	vld.idx.msk [tilespmem:v2+s21+$0x70 ss:$0x1], $0xffff  }
0x1d4: {  	v27 =	vmul.f32 v9, v1  }
0x1d5: {  	s21 =	sshrl.u32 s30, $0x6  }
0x1d6: {  	v27 =	vadd.f32 v54, v27;
	s21 =	smul.u32 $0x6400, s21;
	_ =	sdelay $0x1  }
0x1d7: {  	s21 =	ssub.s32 s6, s21;
	v27 =	vadd.f32 v55, v27  }
0x1d8: {  	v56 =	vld [tilespmem:s8+$0x1080];
	s21 =	sadd.s32 s21, s9  }
0x1d9: {  	v39 =	vbroadcast v3, $0x4;
	s21 =	sshra.s32 s21, $0x2;
	[tilespmem:s8+$0x1070] =	vst v27  }
0x1da: {  	v57 =	vld.idx.msk [tilespmem:v2+s21+$0x80 ss:$0x1], $0xffff  }
0x1db: {  	v26 =	vmul.f32 v39, v0;
	_ =	sdelay $0x1  }
0x1dc: {  	v26 =	vadd.f32 v56, v26;
	_ =	sdelay $0x1  }
0x1dd: {  	v26 =	vadd.f32 v57, v26  }
0x1de: {  	v58 =	vld [tilespmem:s8+$0x1090]  }
0x1df: {  	[tilespmem:s8+$0x1080] =	vst v26  }
0x1e0: {  	s30 =	smulhi.u32 $0x51EB851F, s17;
	v59 =	vld.idx.msk [tilespmem:v2+s21+$0x90 ss:$0x1], $0xffff  }
0x1e1: {  	v25 =	vmul.f32 v39, v1  }
0x1e2: {  	s21 =	sshrl.u32 s30, $0x6  }
0x1e3: {  	v25 =	vadd.f32 v58, v25;
	s21 =	smul.u32 $0x6400, s21;
	_ =	sdelay $0x1  }
0x1e4: {  	s21 =	ssub.s32 s6, s21;
	v25 =	vadd.f32 v59, v25  }
0x1e5: {  	v60 =	vld [tilespmem:s8+$0x10A0];
	s21 =	sadd.s32 s21, s9  }
0x1e6: {  	v40 =	vbroadcast v3, $0x5;
	s21 =	sshra.s32 s21, $0x2;
	[tilespmem:s8+$0x1090] =	vst v25  }
0x1e7: {  	v61 =	vld.idx.msk [tilespmem:v2+s21+$0xA0 ss:$0x1], $0xffff  }
0x1e8: {  	v23 =	vmul.f32 v40, v0;
	_ =	sdelay $0x1  }
0x1e9: {  	v23 =	vadd.f32 v60, v23;
	_ =	sdelay $0x1  }
0x1ea: {  	v23 =	vadd.f32 v61, v23  }
0x1eb: {  	v62 =	vld [tilespmem:s8+$0x10B0]  }
0x1ec: {  	[tilespmem:s8+$0x10A0] =	vst v23  }
0x1ed: {  	s30 =	smulhi.u32 $0x51EB851F, s16;
	v63 =	vld.idx.msk [tilespmem:v2+s21+$0xB0 ss:$0x1], $0xffff  }
0x1ee: {  	v21 =	vmul.f32 v40, v1  }
0x1ef: {  	s21 =	sshrl.u32 s30, $0x6  }
0x1f0: {  	v21 =	vadd.f32 v62, v21;
	s21 =	smul.u32 $0x6400, s21;
	_ =	sdelay $0x1  }
0x1f1: {  	s21 =	ssub.s32 s6, s21;
	v21 =	vadd.f32 v63, v21  }
0x1f2: {  	v27 =	vld [tilespmem:s8+$0x10C0];
	s21 =	sadd.s32 s21, s9  }
0x1f3: {  	v44 =	vbroadcast v3, $0x6;
	s21 =	sshra.s32 s21, $0x2;
	[tilespmem:s8+$0x10B0] =	vst v21  }
0x1f4: {  	v28 =	vld.idx.msk [tilespmem:v2+s21+$0xC0 ss:$0x1], $0xffff  }
0x1f5: {  	v24 =	vmul.f32 v44, v0;
	_ =	sdelay $0x1  }
0x1f6: {  	v21 =	vadd.f32 v27, v24;
	_ =	sdelay $0x1  }
0x1f7: {  	v21 =	vadd.f32 v28, v21  }
0x1f8: {  	v29 =	vld [tilespmem:s8+$0x10D0]  }
0x1f9: {  	[tilespmem:s8+$0x10C0] =	vst v21  }
0x1fa: {  	s30 =	smulhi.u32 $0x51EB851F, s15;
	v30 =	vld.idx.msk [tilespmem:v2+s21+$0xD0 ss:$0x1], $0xffff  }
0x1fb: {  	v22 =	vmul.f32 v44, v1  }
0x1fc: {  	s21 =	sshrl.u32 s30, $0x6  }
0x1fd: {  	v21 =	vadd.f32 v29, v22;
	s21 =	smul.u32 $0x6400, s21;
	_ =	sdelay $0x1  }
0x1fe: {  	s21 =	ssub.s32 s6, s21;
	v21 =	vadd.f32 v30, v21  }
0x1ff: {  	v31 =	vld [tilespmem:s8+$0x10E0];
	s21 =	sadd.s32 s21, s9  }
0x200: {  	v20 =	vbroadcast v3, $0x7;
	s21 =	sshra.s32 s21, $0x2;
	[tilespmem:s8+$0x10D0] =	vst v21  }
0x201: {  	v32 =	vld.idx.msk [tilespmem:v2+s21+$0xE0 ss:$0x1], $0xffff  }
0x202: {  	v19 =	vmul.f32 v20, v1;
	v20 =	vmul.f32 v20, v0;
	_ =	sdelay $0x1  }
0x203: {  	v20 =	vadd.f32 v31, v20;
	_ =	sdelay $0x1  }
0x204: {  	v20 =	vadd.f32 v32, v20  }
0x205: {  	v33 =	vld [tilespmem:s8+$0x10F0]  }
0x206: {  	[tilespmem:s8+$0x10E0] =	vst v20  }
0x207: {  	s30 =	smulhi.u32 $0x51EB851F, s14;
	v34 =	vld.idx.msk [tilespmem:v2+s21+$0xF0 ss:$0x1], $0xffff;
	_ =	sdelay $0x1  }
0x208: {  	s21 =	sshrl.u32 s30, $0x6  }
0x209: {  	v19 =	vadd.f32 v33, v19;
	s21 =	smul.u32 $0x6400, s21  }
0x20a: {  	s30 =	rddreg [dreg:$0x6]  }
0x20b: {  	s21 =	ssub.s32 s30, s21;
	v19 =	vadd.f32 v34, v19  }
0x20c: {  	v35 =	vld [tilespmem:s8+$0x1100];
	s21 =	sadd.s32 s21, s9  }
0x20d: {  	v16 =	vbroadcast v3, $0x8;
	s21 =	sshra.s32 s21, $0x2;
	[tilespmem:s8+$0x10F0] =	vst v19  }
0x20e: {  	v36 =	vld.idx.msk [tilespmem:v2+s21+$0x0 ss:$0x1], $0xffff  }
0x20f: {  	v17 =	vmul.f32 v16, v1;
	v16 =	vmul.f32 v16, v0;
	_ =	sdelay $0x1  }
0x210: {  	v16 =	vadd.f32 v35, v16;
	_ =	sdelay $0x1  }
0x211: {  	v16 =	vadd.f32 v36, v16  }
0x212: {  	v37 =	vld [tilespmem:s8+$0x1110]  }
0x213: {  	[tilespmem:s8+$0x1100] =	vst v16  }
0x214: {  	s30 =	smulhi.u32 $0x51EB851F, s11;
	v38 =	vld.idx.msk [tilespmem:v2+s21+$0x10 ss:$0x1], $0xffff;
	_ =	sdelay $0x1  }
0x215: {  	s21 =	sshrl.u32 s30, $0x6  }
0x216: {  	v16 =	vadd.f32 v37, v17;
	s21 =	smul.u32 $0x6400, s21;
	_ =	sdelay $0x1  }
0x217: {  	s21 =	ssub.s32 s6, s21;
	v16 =	vadd.f32 v38, v16  }
0x218: {  	v39 =	vld [tilespmem:s8+$0x1120];
	s21 =	sadd.s32 s21, s9  }
0x219: {  	v42 =	vbroadcast v3, $0x9;
	s21 =	sshra.s32 s21, $0x2;
	[tilespmem:s8+$0x1110] =	vst v16  }
0x21a: {  	v40 =	vld.idx.msk [tilespmem:v2+s21+$0x120 ss:$0x1], $0xffff  }
0x21b: {  	v18 =	vmul.f32 v42, v0;
	_ =	sdelay $0x1  }
0x21c: {  	v16 =	vadd.f32 v39, v18;
	_ =	sdelay $0x1  }
0x21d: {  	v16 =	vadd.f32 v40, v16  }
0x21e: {  	v41 =	vld [tilespmem:s8+$0x1130]  }
0x21f: {  	[tilespmem:s8+$0x1120] =	vst v16  }
0x220: {  	v15 =	vmul.f32 v42, v1;
	s30 =	smulhi.u32 $0x51EB851F, s5;
	v42 =	vld.idx.msk [tilespmem:v2+s21+$0x130 ss:$0x1], $0xffff;
	_ =	sdelay $0x1  }
0x221: {  	s21 =	sshrl.u32 s30, $0x6  }
0x222: {  	v15 =	vadd.f32 v41, v15;
	s21 =	smul.u32 $0x6400, s21  }
0x223: {  	v43 =	vbroadcast v3, $0xC  }
0x224: {  	s21 =	ssub.s32 s6, s21;
	v15 =	vadd.f32 v42, v15  }
0x225: {  	v11 =	vmul.f32 v43, v0;
	v9 =	vmul.f32 v43, v1;
	v43 =	vld [tilespmem:s8+$0x1140];
	s21 =	sadd.s32 s21, s9  }
0x226: {  	v13 =	vbroadcast v3, $0xA;
	s21 =	sshra.s32 s21, $0x2;
	[tilespmem:s8+$0x1130] =	vst v15  }
0x227: {  	v44 =	vld.idx.msk [tilespmem:v2+s21+$0x140 ss:$0x1], $0xffff  }
0x228: {  	v14 =	vmul.f32 v13, v0;
	_ =	sdelay $0x1  }
0x229: {  	v14 =	vadd.f32 v43, v14  }
0x22a: {  	v45 =	vbroadcast v3, $0xD  }
0x22b: {  	v14 =	vadd.f32 v44, v14  }
0x22c: {  	v7 =	vmul.f32 v45, v1;
	v10 =	vmul.f32 v45, v0;
	v45 =	vld [tilespmem:s8+$0x1150]  }
0x22d: {  	[tilespmem:s8+$0x1140] =	vst v14  }
0x22e: {  	s30 =	smulhi.u32 $0x51EB851F, s3;
	v46 =	vld.idx.msk [tilespmem:v2+s21+$0x150 ss:$0x1], $0xffff  }
0x22f: {  	v13 =	vmul.f32 v13, v1  }
0x230: {  	s21 =	sshrl.u32 s30, $0x6  }
0x231: {  	v13 =	vadd.f32 v45, v13;
	s21 =	smul.u32 $0x6400, s21;
	_ =	sdelay $0x1  }
0x232: {  	s21 =	ssub.s32 s6, s21;
	v13 =	vadd.f32 v46, v13  }
0x233: {  	v47 =	vld [tilespmem:s8+$0x1160];
	s21 =	sadd.s32 s21, s9  }
0x234: {  	v8 =	vbroadcast v3, $0xB;
	s21 =	sshra.s32 s21, $0x2;
	[tilespmem:s8+$0x1150] =	vst v13  }
0x235: {  	v48 =	vld.idx.msk [tilespmem:v2+s21+$0x160 ss:$0x1], $0xffff  }
0x236: {  	v12 =	vmul.f32 v8, v0;
	_ =	sdelay $0x1  }
0x237: {  	v12 =	vadd.f32 v47, v12;
	_ =	sdelay $0x1  }
0x238: {  	v12 =	vadd.f32 v48, v12  }
0x239: {  	v49 =	vld [tilespmem:s8+$0x1170]  }
0x23a: {  	[tilespmem:s8+$0x1160] =	vst v12  }
0x23b: {  	s30 =	smulhi.u32 $0x51EB851F, s12;
	v50 =	vld.idx.msk [tilespmem:v2+s21+$0x170 ss:$0x1], $0xffff  }
0x23c: {  	v8 =	vmul.f32 v8, v1  }
0x23d: {  	s21 =	sshrl.u32 s30, $0x6  }
0x23e: {  	v8 =	vadd.f32 v49, v8;
	s21 =	smul.u32 $0x6400, s21;
	_ =	sdelay $0x1  }
0x23f: {  	s21 =	ssub.s32 s6, s21;
	v8 =	vadd.f32 v50, v8  }
0x240: {  	v51 =	vld [tilespmem:s8+$0x1180];
	s21 =	sadd.s32 s21, s9  }
0x241: {  	s21 =	sshra.s32 s21, $0x2;
	[tilespmem:s8+$0x1170] =	vst v8  }
0x242: {  	v52 =	vld.idx.msk [tilespmem:v2+s21+$0x180 ss:$0x1], $0xffff;
	_ =	sdelay $0x2  }
0x243: {  	v8 =	vadd.f32 v51, v11;
	_ =	sdelay $0x1  }
0x244: {  	v8 =	vadd.f32 v52, v8  }
0x245: {  	v53 =	vld [tilespmem:s8+$0x1190]  }
0x246: {  	[tilespmem:s8+$0x1180] =	vst v8  }
0x247: {  	s30 =	smulhi.u32 $0x51EB851F, s10;
	v54 =	vld.idx.msk [tilespmem:v2+s21+$0x190 ss:$0x1], $0xffff;
	_ =	sdelay $0x1  }
0x248: {  	s21 =	sshrl.u32 s30, $0x6  }
0x249: {  	v8 =	vadd.f32 v53, v9;
	s21 =	smul.u32 $0x6400, s21;
	_ =	sdelay $0x1  }
0x24a: {  	s21 =	ssub.s32 s6, s21;
	v8 =	vadd.f32 v54, v8  }
0x24b: {  	v55 =	vld [tilespmem:s8+$0x11A0];
	s21 =	sadd.s32 s21, s9  }
0x24c: {  	s21 =	sshra.s32 s21, $0x2;
	[tilespmem:s8+$0x1190] =	vst v8  }
0x24d: {  	v56 =	vld.idx.msk [tilespmem:v2+s21+$0x1A0 ss:$0x1], $0xffff;
	_ =	sdelay $0x2  }
0x24e: {  	v8 =	vadd.f32 v55, v10;
	_ =	sdelay $0x1  }
0x24f: {  	v8 =	vadd.f32 v56, v8  }
0x250: {  	v57 =	vld [tilespmem:s8+$0x11B0]  }
0x251: {  	[tilespmem:s8+$0x11A0] =	vst v8  }
0x252: {  	s30 =	smulhi.u32 $0x51EB851F, s2;
	v58 =	vld.idx.msk [tilespmem:v2+s21+$0x1B0 ss:$0x1], $0xffff;
	_ =	sdelay $0x1  }
0x253: {  	s21 =	sshrl.u32 s30, $0x6  }
0x254: {  	v7 =	vadd.f32 v57, v7;
	s21 =	smul.u32 $0x6400, s21;
	_ =	sdelay $0x1  }
0x255: {  	s21 =	ssub.s32 s6, s21;
	v7 =	vadd.f32 v58, v7  }
0x256: {  	v59 =	vld [tilespmem:s8+$0x11C0];
	s21 =	sadd.s32 s21, s9  }
0x257: {  	v5 =	vbroadcast v3, $0xE;
	s21 =	sshra.s32 s21, $0x2;
	[tilespmem:s8+$0x11B0] =	vst v7  }
0x258: {  	v60 =	vld.idx.msk [tilespmem:v2+s21+$0x1C0 ss:$0x1], $0xffff  }
0x259: {  	v6 =	vmul.f32 v5, v0;
	_ =	sdelay $0x1  }
0x25a: {  	v6 =	vadd.f32 v59, v6;
	_ =	sdelay $0x1  }
0x25b: {  	v6 =	vadd.f32 v60, v6  }
0x25c: {  	v61 =	vld [tilespmem:s8+$0x11D0]  }
0x25d: {  	[tilespmem:s8+$0x11C0] =	vst v6  }
0x25e: {  	v62 =	vld.idx.msk [tilespmem:v2+s21+$0x1D0 ss:$0x1], $0xffff  }
0x25f: {  	v5 =	vmul.f32 v5, v1;
	s30 =	smulhi.u32 $0x51EB851F, s31;
	_ =	sdelay $0x1  }
0x260: {  	v5 =	vadd.f32 v61, v5;
	s21 =	sshrl.u32 s30, $0x6  }
0x261: {  	s21 =	smul.u32 $0x6400, s21  }
0x262: {  	s30 =	rddreg [dreg:$0x5];
	v5 =	vadd.f32 v62, v5  }
0x263: {  	s21 =	ssub.s32 s30, s21  }
0x264: {  	s21 =	sadd.s32 s21, s9;
	[tilespmem:s8+$0x11D0] =	vst v5;
	v5 =	vld [tilespmem:s8+$0x11E0]  }
0x265: {  	v3 =	vbroadcast v3, $0xF;
	s30 =	sshra.s32 s21, $0x2  }
0x266: {  	v63 =	vld.idx.msk [tilespmem:v2+s30+$0xFFFFFFF0 ss:$0x1], $0xffff  }
0x267: {  	v4 =	vmul.f32 v3, v0;
	_ =	sdelay $0x1  }
0x268: {  	v4 =	vadd.f32 v5, v4;
	_ =	sdelay $0x1  }
0x269: {  	v4 =	vadd.f32 v63, v4;
	_ =	sdelay $0x1  }
0x26a: {  	p0 =	sne.s32 s29, $0x1F800;
	[tilespmem:s8+$0x11E0] =	vst v4;
	v4 =	vld [tilespmem:s8+$0x11F0]  }
0x26b: {  	s13 =	sadd.s32 $0x10, s13;
	s20 =	smov.u32 s29;
	s29 =	sadd.s32 $0x800, s29  }
0x26c: {  	s24 =	sadd.s32 $0x10, s24;
	s22 =	sadd.s32 $0x10, s22;
	s19 =	sadd.s32 $0x10, s19;
	v5 =	vld.idx.msk [tilespmem:v2+s30+$0x0 ss:$0x1], $0xffff  }
.Ltmp0:
0x26d: {  	v3 =	vmul.f32 v3, v1;
	s18 =	sadd.s32 $0x10, s18;
	s17 =	sadd.s32 $0x10, s17;
	(pc) =	sbr.rel @p0 .LBB2_3-.Ltmp0, $4  }
0x26e: {  	s16 =	sadd.s32 $0x10, s16;
	s15 =	sadd.s32 $0x10, s15;
	s14 =	sadd.s32 $0x10, s14  }
0x26f: {  	s11 =	sadd.s32 $0x10, s11;
	s5 =	sadd.s32 $0x10, s5;
	s3 =	sadd.s32 $0x10, s3;
	v3 =	vadd.f32 v4, v3  }
0x270: {  	s12 =	sadd.s32 $0x10, s12;
	s10 =	sadd.s32 $0x10, s10;
	s2 =	sadd.s32 $0x10, s2  }
0x271: {  	s31 =	sadd.s32 $0x10, s31;
	s9 =	smov.u32 s20;
	s20 =	smulhi.u32 $0x51EB851F, s13;
	v3 =	vadd.f32 v5, v3  }
0x272: {  	_ = 	snop  }
0x273: {  	s4 =	sadd.s32 $0x10, s4;
	[tilespmem:s8+$0x11F0] =	vst v3  }
0x274: {  	s20 =	sshrl.u32 s20, $0x6;
	v3 =	vld [tilespmem:s4+$0x0]  }
0x275: {  	s4 =	smul.u32 $0x6400, s20;
	_ =	sdelay $0x1  }
0x276: {  	s21 =	ssub.s32 s28, s4;
	s4 =	sshra.s32 s9, $0x2  }
0x277: {  	s8 =	sadd.s32 s21, s9;
	v4 =	vld [tilespmem:s4+$0x1000]  }
0x278: {  	s8 =	sshra.s32 s8, $0x2;
	v5 =	vbroadcast v3, $0x0  }
0x279: {  	v6 =	vld.idx.msk [tilespmem:v2+s8+$0xFFFFFFF0 ss:$0x1], $0xffff  }
0x27a: {  	v7 =	vmul.f32 v5, v0;
	_ =	sdelay $0x1  }
0x27b: {  	v4 =	vadd.f32 v7, v4;
	_ =	sdelay $0x1  }
0x27c: {  	v4 =	vadd.f32 v4, v6  }
0x27d: {  	v52 =	vld [tilespmem:s4+$0x1010]  }
0x27e: {  	[tilespmem:s4+$0x1000] =	vst v4  }
0x27f: {  	s29 =	smulhi.u32 $0x51EB851F, s24;
	v4 =	vld.idx.msk [tilespmem:v2+s8+$0x0 ss:$0x1], $0xffff  }
0x280: {  	v5 =	vmul.f32 v5, v1  }
0x281: {  	s8 =	sshrl.u32 s29, $0x6  }
0x282: {  	v5 =	vadd.f32 v52, v5;
	s8 =	smul.u32 $0x6400, s8;
	_ =	sdelay $0x1  }
0x283: {  	s8 =	ssub.s32 s6, s8;
	v4 =	vadd.f32 v4, v5  }
0x284: {  	v53 =	vld [tilespmem:s4+$0x1020];
	s8 =	sadd.s32 s8, s9  }
0x285: {  	v54 =	vbroadcast v3, $0x1;
	s8 =	sshra.s32 s8, $0x2;
	[tilespmem:s4+$0x1010] =	vst v4  }
0x286: {  	v4 =	vld.idx.msk [tilespmem:v2+s8+$0x20 ss:$0x1], $0xffff  }
0x287: {  	v55 =	vmul.f32 v54, v0;
	_ =	sdelay $0x1  }
0x288: {  	v5 =	vadd.f32 v53, v55;
	_ =	sdelay $0x1  }
0x289: {  	v4 =	vadd.f32 v4, v5  }
0x28a: {  	v56 =	vld [tilespmem:s4+$0x1030]  }
0x28b: {  	[tilespmem:s4+$0x1020] =	vst v4  }
0x28c: {  	s30 =	smulhi.u32 $0x51EB851F, s22;
	v4 =	vld.idx.msk [tilespmem:v2+s8+$0x30 ss:$0x1], $0xffff  }
0x28d: {  	v6 =	vmul.f32 v54, v1  }
0x28e: {  	s8 =	sshrl.u32 s30, $0x6  }
0x28f: {  	v5 =	vadd.f32 v56, v6;
	s8 =	smul.u32 $0x6400, s8;
	_ =	sdelay $0x1  }
0x290: {  	s8 =	ssub.s32 s6, s8;
	v4 =	vadd.f32 v4, v5  }
0x291: {  	v57 =	vld [tilespmem:s4+$0x1040];
	s8 =	sadd.s32 s8, s9  }
0x292: {  	v58 =	vbroadcast v3, $0x2;
	s8 =	sshra.s32 s8, $0x2;
	[tilespmem:s4+$0x1030] =	vst v4  }
0x293: {  	v4 =	vld.idx.msk [tilespmem:v2+s8+$0x40 ss:$0x1], $0xffff  }
0x294: {  	v59 =	vmul.f32 v58, v0;
	_ =	sdelay $0x1  }
0x295: {  	v5 =	vadd.f32 v57, v59;
	_ =	sdelay $0x1  }
0x296: {  	v4 =	vadd.f32 v4, v5  }
0x297: {  	v60 =	vld [tilespmem:s4+$0x1050]  }
0x298: {  	[tilespmem:s4+$0x1040] =	vst v4  }
0x299: {  	s13 =	smulhi.u32 $0x51EB851F, s19;
	v4 =	vld.idx.msk [tilespmem:v2+s8+$0x50 ss:$0x1], $0xffff  }
0x29a: {  	v6 =	vmul.f32 v58, v1  }
0x29b: {  	s8 =	sshrl.u32 s13, $0x6  }
0x29c: {  	v5 =	vadd.f32 v60, v6;
	s8 =	smul.u32 $0x6400, s8;
	_ =	sdelay $0x1  }
0x29d: {  	s8 =	ssub.s32 s6, s8;
	v4 =	vadd.f32 v4, v5  }
0x29e: {  	v61 =	vld [tilespmem:s4+$0x1060];
	s8 =	sadd.s32 s8, s9  }
0x29f: {  	v62 =	vbroadcast v3, $0x3;
	s8 =	sshra.s32 s8, $0x2;
	[tilespmem:s4+$0x1050] =	vst v4  }
0x2a0: {  	v4 =	vld.idx.msk [tilespmem:v2+s8+$0x60 ss:$0x1], $0xffff  }
0x2a1: {  	v63 =	vmul.f32 v62, v0;
	_ =	sdelay $0x1  }
0x2a2: {  	v5 =	vadd.f32 v61, v63;
	_ =	sdelay $0x1  }
0x2a3: {  	v4 =	vadd.f32 v4, v5  }
0x2a4: {  	v9 =	vld [tilespmem:s4+$0x1070]  }
0x2a5: {  	[tilespmem:s4+$0x1060] =	vst v4  }
0x2a6: {  	s19 =	smulhi.u32 $0x51EB851F, s18;
	v4 =	vld.idx.msk [tilespmem:v2+s8+$0x70 ss:$0x1], $0xffff  }
0x2a7: {  	v6 =	vmul.f32 v62, v1  }
0x2a8: {  	s8 =	sshrl.u32 s19, $0x6  }
0x2a9: {  	v5 =	vadd.f32 v9, v6;
	s8 =	smul.u32 $0x6400, s8;
	_ =	sdelay $0x1  }
0x2aa: {  	s8 =	ssub.s32 s6, s8;
	v4 =	vadd.f32 v4, v5  }
0x2ab: {  	v10 =	vld [tilespmem:s4+$0x1080];
	s8 =	sadd.s32 s8, s9  }
0x2ac: {  	v11 =	vbroadcast v3, $0x4;
	s8 =	sshra.s32 s8, $0x2;
	[tilespmem:s4+$0x1070] =	vst v4  }
0x2ad: {  	v4 =	vld.idx.msk [tilespmem:v2+s8+$0x80 ss:$0x1], $0xffff  }
0x2ae: {  	v12 =	vmul.f32 v11, v0;
	_ =	sdelay $0x1  }
0x2af: {  	v5 =	vadd.f32 v10, v12;
	_ =	sdelay $0x1  }
0x2b0: {  	v4 =	vadd.f32 v4, v5  }
0x2b1: {  	v13 =	vld [tilespmem:s4+$0x1090]  }
0x2b2: {  	[tilespmem:s4+$0x1080] =	vst v4  }
0x2b3: {  	s20 =	smulhi.u32 $0x51EB851F, s17;
	v4 =	vld.idx.msk [tilespmem:v2+s8+$0x90 ss:$0x1], $0xffff  }
0x2b4: {  	v6 =	vmul.f32 v11, v1  }
0x2b5: {  	s8 =	sshrl.u32 s20, $0x6  }
0x2b6: {  	v5 =	vadd.f32 v13, v6;
	s8 =	smul.u32 $0x6400, s8;
	_ =	sdelay $0x1  }
0x2b7: {  	s8 =	ssub.s32 s6, s8;
	v4 =	vadd.f32 v4, v5  }
0x2b8: {  	v14 =	vld [tilespmem:s4+$0x10A0];
	s8 =	sadd.s32 s8, s9  }
0x2b9: {  	v15 =	vbroadcast v3, $0x5;
	s8 =	sshra.s32 s8, $0x2;
	[tilespmem:s4+$0x1090] =	vst v4  }
0x2ba: {  	v4 =	vld.idx.msk [tilespmem:v2+s8+$0xA0 ss:$0x1], $0xffff  }
0x2bb: {  	v16 =	vmul.f32 v15, v0;
	_ =	sdelay $0x1  }
0x2bc: {  	v5 =	vadd.f32 v14, v16;
	_ =	sdelay $0x1  }
0x2bd: {  	v4 =	vadd.f32 v4, v5  }
0x2be: {  	v17 =	vld [tilespmem:s4+$0x10B0]  }
0x2bf: {  	[tilespmem:s4+$0x10A0] =	vst v4  }
0x2c0: {  	s21 =	smulhi.u32 $0x51EB851F, s16;
	v4 =	vld.idx.msk [tilespmem:v2+s8+$0xB0 ss:$0x1], $0xffff  }
0x2c1: {  	v6 =	vmul.f32 v15, v1  }
0x2c2: {  	s8 =	sshrl.u32 s21, $0x6  }
0x2c3: {  	v5 =	vadd.f32 v17, v6;
	s8 =	smul.u32 $0x6400, s8;
	_ =	sdelay $0x1  }
0x2c4: {  	s8 =	ssub.s32 s6, s8;
	v4 =	vadd.f32 v4, v5  }
0x2c5: {  	v18 =	vld [tilespmem:s4+$0x10C0];
	s8 =	sadd.s32 s8, s9  }
0x2c6: {  	v19 =	vbroadcast v3, $0x6;
	s8 =	sshra.s32 s8, $0x2;
	[tilespmem:s4+$0x10B0] =	vst v4  }
0x2c7: {  	v4 =	vld.idx.msk [tilespmem:v2+s8+$0xC0 ss:$0x1], $0xffff  }
0x2c8: {  	v20 =	vmul.f32 v19, v0;
	_ =	sdelay $0x1  }
0x2c9: {  	v5 =	vadd.f32 v18, v20;
	_ =	sdelay $0x1  }
0x2ca: {  	v4 =	vadd.f32 v4, v5  }
0x2cb: {  	v21 =	vld [tilespmem:s4+$0x10D0]  }
0x2cc: {  	[tilespmem:s4+$0x10C0] =	vst v4  }
0x2cd: {  	s22 =	smulhi.u32 $0x51EB851F, s15;
	v4 =	vld.idx.msk [tilespmem:v2+s8+$0xD0 ss:$0x1], $0xffff  }
0x2ce: {  	v6 =	vmul.f32 v19, v1  }
0x2cf: {  	s8 =	sshrl.u32 s22, $0x6  }
0x2d0: {  	v5 =	vadd.f32 v21, v6;
	s8 =	smul.u32 $0x6400, s8;
	_ =	sdelay $0x1  }
0x2d1: {  	s8 =	ssub.s32 s6, s8;
	v4 =	vadd.f32 v4, v5  }
0x2d2: {  	v22 =	vld [tilespmem:s4+$0x10E0];
	s8 =	sadd.s32 s8, s9  }
0x2d3: {  	v23 =	vbroadcast v3, $0x7;
	s8 =	sshra.s32 s8, $0x2;
	[tilespmem:s4+$0x10D0] =	vst v4  }
0x2d4: {  	v4 =	vld.idx.msk [tilespmem:v2+s8+$0xE0 ss:$0x1], $0xffff  }
0x2d5: {  	v24 =	vmul.f32 v23, v0;
	_ =	sdelay $0x1  }
0x2d6: {  	v5 =	vadd.f32 v22, v24;
	_ =	sdelay $0x1  }
0x2d7: {  	v4 =	vadd.f32 v4, v5  }
0x2d8: {  	v25 =	vld [tilespmem:s4+$0x10F0]  }
0x2d9: {  	[tilespmem:s4+$0x10E0] =	vst v4  }
0x2da: {  	s24 =	smulhi.u32 $0x51EB851F, s14;
	v4 =	vld.idx.msk [tilespmem:v2+s8+$0xF0 ss:$0x1], $0xffff  }
0x2db: {  	v6 =	vmul.f32 v23, v1  }
0x2dc: {  	s8 =	sshrl.u32 s24, $0x6  }
0x2dd: {  	v5 =	vadd.f32 v25, v6;
	s8 =	smul.u32 $0x6400, s8  }
0x2de: {  	s13 =	rddreg [dreg:$0x6]  }
0x2df: {  	s8 =	ssub.s32 s13, s8;
	v4 =	vadd.f32 v4, v5  }
0x2e0: {  	v26 =	vld [tilespmem:s4+$0x1100];
	s8 =	sadd.s32 s8, s9  }
0x2e1: {  	v27 =	vbroadcast v3, $0x8;
	s8 =	sshra.s32 s8, $0x2;
	[tilespmem:s4+$0x10F0] =	vst v4  }
0x2e2: {  	v4 =	vld.idx.msk [tilespmem:v2+s8+$0x0 ss:$0x1], $0xffff  }
0x2e3: {  	v28 =	vmul.f32 v27, v0;
	_ =	sdelay $0x1  }
0x2e4: {  	v5 =	vadd.f32 v26, v28;
	_ =	sdelay $0x1  }
0x2e5: {  	v4 =	vadd.f32 v4, v5  }
0x2e6: {  	v29 =	vld [tilespmem:s4+$0x1110]  }
0x2e7: {  	[tilespmem:s4+$0x1100] =	vst v4  }
0x2e8: {  	s29 =	smulhi.u32 $0x51EB851F, s11;
	v4 =	vld.idx.msk [tilespmem:v2+s8+$0x10 ss:$0x1], $0xffff  }
0x2e9: {  	v6 =	vmul.f32 v27, v1  }
0x2ea: {  	s8 =	sshrl.u32 s29, $0x6  }
0x2eb: {  	v5 =	vadd.f32 v29, v6;
	s8 =	smul.u32 $0x6400, s8;
	_ =	sdelay $0x1  }
0x2ec: {  	s8 =	ssub.s32 s6, s8;
	v4 =	vadd.f32 v4, v5  }
0x2ed: {  	v30 =	vld [tilespmem:s4+$0x1120];
	s8 =	sadd.s32 s8, s9  }
0x2ee: {  	v31 =	vbroadcast v3, $0x9;
	s8 =	sshra.s32 s8, $0x2;
	[tilespmem:s4+$0x1110] =	vst v4  }
0x2ef: {  	v4 =	vld.idx.msk [tilespmem:v2+s8+$0x120 ss:$0x1], $0xffff  }
0x2f0: {  	v32 =	vmul.f32 v31, v0;
	_ =	sdelay $0x1  }
0x2f1: {  	v5 =	vadd.f32 v30, v32;
	_ =	sdelay $0x1  }
0x2f2: {  	v4 =	vadd.f32 v4, v5  }
0x2f3: {  	v33 =	vld [tilespmem:s4+$0x1130]  }
0x2f4: {  	[tilespmem:s4+$0x1120] =	vst v4  }
0x2f5: {  	s5 =	smulhi.u32 $0x51EB851F, s5;
	v4 =	vld.idx.msk [tilespmem:v2+s8+$0x130 ss:$0x1], $0xffff  }
0x2f6: {  	v6 =	vmul.f32 v31, v1  }
0x2f7: {  	s5 =	sshrl.u32 s5, $0x6  }
0x2f8: {  	s5 =	smul.u32 $0x6400, s5;
	v5 =	vadd.f32 v33, v6;
	_ =	sdelay $0x1  }
0x2f9: {  	s5 =	ssub.s32 s6, s5;
	v4 =	vadd.f32 v4, v5  }
0x2fa: {  	v34 =	vld [tilespmem:s4+$0x1140];
	s5 =	sadd.s32 s5, s9  }
0x2fb: {  	v35 =	vbroadcast v3, $0xA;
	s5 =	sshra.s32 s5, $0x2;
	[tilespmem:s4+$0x1130] =	vst v4  }
0x2fc: {  	v4 =	vld.idx.msk [tilespmem:v2+s5+$0x140 ss:$0x1], $0xffff  }
0x2fd: {  	v36 =	vmul.f32 v35, v0;
	_ =	sdelay $0x1  }
0x2fe: {  	v5 =	vadd.f32 v34, v36;
	_ =	sdelay $0x1  }
0x2ff: {  	v4 =	vadd.f32 v4, v5  }
0x300: {  	v37 =	vld [tilespmem:s4+$0x1150]  }
0x301: {  	[tilespmem:s4+$0x1140] =	vst v4  }
0x302: {  	s3 =	smulhi.u32 $0x51EB851F, s3;
	v4 =	vld.idx.msk [tilespmem:v2+s5+$0x150 ss:$0x1], $0xffff  }
0x303: {  	v6 =	vmul.f32 v35, v1  }
0x304: {  	s3 =	sshrl.u32 s3, $0x6  }
0x305: {  	s3 =	smul.u32 $0x6400, s3;
	v5 =	vadd.f32 v37, v6;
	_ =	sdelay $0x1  }
0x306: {  	s3 =	ssub.s32 s6, s3;
	v4 =	vadd.f32 v4, v5  }
0x307: {  	v38 =	vld [tilespmem:s4+$0x1160];
	s3 =	sadd.s32 s3, s9  }
0x308: {  	v39 =	vbroadcast v3, $0xB;
	s3 =	sshra.s32 s3, $0x2;
	[tilespmem:s4+$0x1150] =	vst v4  }
0x309: {  	v4 =	vld.idx.msk [tilespmem:v2+s3+$0x160 ss:$0x1], $0xffff  }
0x30a: {  	v40 =	vmul.f32 v39, v0;
	_ =	sdelay $0x1  }
0x30b: {  	v5 =	vadd.f32 v38, v40;
	_ =	sdelay $0x1  }
0x30c: {  	v4 =	vadd.f32 v4, v5  }
0x30d: {  	v41 =	vld [tilespmem:s4+$0x1170]  }
0x30e: {  	[tilespmem:s4+$0x1160] =	vst v4  }
0x30f: {  	s30 =	smulhi.u32 $0x51EB851F, s12;
	v4 =	vld.idx.msk [tilespmem:v2+s3+$0x170 ss:$0x1], $0xffff  }
0x310: {  	v6 =	vmul.f32 v39, v1  }
0x311: {  	s3 =	sshrl.u32 s30, $0x6  }
0x312: {  	v5 =	vadd.f32 v41, v6;
	s3 =	smul.u32 $0x6400, s3;
	_ =	sdelay $0x1  }
0x313: {  	s3 =	ssub.s32 s6, s3;
	v4 =	vadd.f32 v4, v5  }
0x314: {  	v42 =	vld [tilespmem:s4+$0x1180];
	s3 =	sadd.s32 s3, s9  }
0x315: {  	v43 =	vbroadcast v3, $0xC;
	s3 =	sshra.s32 s3, $0x2;
	[tilespmem:s4+$0x1170] =	vst v4  }
0x316: {  	v4 =	vld.idx.msk [tilespmem:v2+s3+$0x180 ss:$0x1], $0xffff  }
0x317: {  	v44 =	vmul.f32 v43, v0;
	_ =	sdelay $0x1  }
0x318: {  	v5 =	vadd.f32 v42, v44;
	_ =	sdelay $0x1  }
0x319: {  	v4 =	vadd.f32 v4, v5  }
0x31a: {  	v45 =	vld [tilespmem:s4+$0x1190]  }
0x31b: {  	[tilespmem:s4+$0x1180] =	vst v4  }
0x31c: {  	s5 =	smulhi.u32 $0x51EB851F, s10;
	v4 =	vld.idx.msk [tilespmem:v2+s3+$0x190 ss:$0x1], $0xffff  }
0x31d: {  	v6 =	vmul.f32 v43, v1  }
0x31e: {  	s3 =	sshrl.u32 s5, $0x6  }
0x31f: {  	v5 =	vadd.f32 v45, v6;
	s3 =	smul.u32 $0x6400, s3;
	_ =	sdelay $0x1  }
0x320: {  	s3 =	ssub.s32 s6, s3;
	v4 =	vadd.f32 v4, v5  }
0x321: {  	v46 =	vld [tilespmem:s4+$0x11A0];
	s3 =	sadd.s32 s3, s9  }
0x322: {  	v47 =	vbroadcast v3, $0xD;
	s3 =	sshra.s32 s3, $0x2;
	[tilespmem:s4+$0x1190] =	vst v4  }
0x323: {  	v4 =	vld.idx.msk [tilespmem:v2+s3+$0x1A0 ss:$0x1], $0xffff  }
0x324: {  	v48 =	vmul.f32 v47, v0;
	_ =	sdelay $0x1  }
0x325: {  	v5 =	vadd.f32 v46, v48;
	_ =	sdelay $0x1  }
0x326: {  	v4 =	vadd.f32 v4, v5  }
0x327: {  	v49 =	vld [tilespmem:s4+$0x11B0]  }
0x328: {  	[tilespmem:s4+$0x11A0] =	vst v4  }
0x329: {  	s2 =	smulhi.u32 $0x51EB851F, s2;
	v4 =	vld.idx.msk [tilespmem:v2+s3+$0x1B0 ss:$0x1], $0xffff  }
0x32a: {  	v6 =	vmul.f32 v47, v1  }
0x32b: {  	s2 =	sshrl.u32 s2, $0x6  }
0x32c: {  	s2 =	smul.u32 $0x6400, s2;
	v5 =	vadd.f32 v49, v6;
	_ =	sdelay $0x1  }
0x32d: {  	s2 =	ssub.s32 s6, s2;
	v4 =	vadd.f32 v4, v5  }
0x32e: {  	s2 =	sadd.s32 s2, s9;
	v50 =	vld [tilespmem:s4+$0x11C0]  }
0x32f: {  	v51 =	vbroadcast v3, $0xE;
	s2 =	sshra.s32 s2, $0x2;
	[tilespmem:s4+$0x11B0] =	vst v4  }
0x330: {  	v4 =	vld.idx.msk [tilespmem:v2+s2+$0x1C0 ss:$0x1], $0xffff  }
0x331: {  	v52 =	vmul.f32 v51, v0;
	_ =	sdelay $0x1  }
0x332: {  	v5 =	vadd.f32 v50, v52;
	_ =	sdelay $0x1  }
0x333: {  	v4 =	vadd.f32 v4, v5  }
0x334: {  	v53 =	vld [tilespmem:s4+$0x11D0]  }
0x335: {  	[tilespmem:s4+$0x11C0] =	vst v4  }
0x336: {  	s8 =	smulhi.u32 $0x51EB851F, s31;
	v4 =	vld.idx.msk [tilespmem:v2+s2+$0x1D0 ss:$0x1], $0xffff  }
0x337: {  	v6 =	vmul.f32 v51, v1  }
0x338: {  	s2 =	sshrl.u32 s8, $0x6  }
0x339: {  	v5 =	vadd.f32 v53, v6;
	s2 =	smul.u32 $0x6400, s2  }
0x33a: {  	s10 =	rddreg [dreg:$0x5]  }
0x33b: {  	s2 =	ssub.s32 s10, s2;
	v4 =	vadd.f32 v4, v5  }
0x33c: {  	v54 =	vld [tilespmem:s4+$0x11E0];
	s2 =	sadd.s32 s2, s9  }
0x33d: {  	v3 =	vbroadcast v3, $0xF;
	s2 =	sshra.s32 s2, $0x2;
	[tilespmem:s4+$0x11D0] =	vst v4  }
0x33e: {  	v4 =	vld.idx.msk [tilespmem:v2+s2+$0xFFFFFFF0 ss:$0x1], $0xffff  }
0x33f: {  	v55 =	vmul.f32 v3, v0;
	_ =	sdelay $0x1  }
0x340: {  	v5 =	vadd.f32 v54, v55;
	_ =	sdelay $0x1  }
0x341: {  	v4 =	vadd.f32 v4, v5  }
0x342: {  	v56 =	vld [tilespmem:s4+$0x11F0]  }
0x343: {  	[tilespmem:s4+$0x11E0] =	vst v4  }
0x344: {  	v2 =	vld.idx.msk [tilespmem:v2+s2+$0x0 ss:$0x1], $0xffff  }
0x345: {  	v3 =	vmul.f32 v3, v1;
	_ =	sdelay $0x1  }
0x346: {  	v3 =	vadd.f32 v56, v3;
	_ =	sdelay $0x1  }
0x347: {  	s11 =	sshll.u32 s23, $0x2;
	v2 =	vadd.f32 v2, v3  }
0x348: {  	s12 =	rddreg [dreg:$0x2];
	s2 =	sand.u32 $0x7FF000, s11  }
0x349: {  	s14 =	simm.s32 $0x1000;
	s13 =	simm.s32 $0x0;
	s2 =	sadd.s32 s12, s2;
	[tilespmem:s4+$0x11F0] =	vst v2  }
0x34a: {  	[hbm4b:s2+s13] =	stream.linear.scatter [tilespmem:s14], [sflag:$0x3], $0x8000, $0x38;
	[tilespmem:$0x12920] =	vst v63  }
0x34b: {  	_ =	swait.ge [sflag:s26], $0x1000  }
0x34c: {  	[sflag:s26] =	ssyncset.done $0x0  }
0x34d: {  	[sflag:s26] =	ssyncadd.s32 $0xFFFFF000  }
0x34e: {  	_ =	swait.ge [sflag:s26], $0x1000  }
0x34f: {  	[sflag:s26] =	ssyncset.done $0x0  }
0x350: {  	[sflag:s26] =	ssyncadd.s32 $0xFFFFF000  }
0x351: {  	_ =	swait.ge [sflag:s26], $0x1000  }
0x352: {  	[sflag:s26] =	ssyncset.done $0x0  }
0x353: {  	[sflag:s26] =	ssyncadd.s32 $0xFFFFF000  }
0x354: {  	_ =	swait.ge [sflag:s26], $0x1000  }
0x355: {  	[sflag:s26] =	ssyncset.done $0x0  }
0x356: {  	[sflag:s26] =	ssyncadd.s32 $0xFFFFF000  }
0x357: {  	_ =	swait.ge [sflag:s26], $0x1000  }
0x358: {  	[sflag:s26] =	ssyncset.done $0x0  }
0x359: {  	[sflag:s26] =	ssyncadd.s32 $0xFFFFF000  }
0x35a: {  	_ =	swait.ge [sflag:s26], $0x1000  }
0x35b: {  	[sflag:s26] =	ssyncset.done $0x0  }
0x35c: {  	[sflag:s26] =	ssyncadd.s32 $0xFFFFF000  }
0x35d: {  	_ =	swait.ge [sflag:s26], $0x1000  }
0x35e: {  	[sflag:s26] =	ssyncset.done $0x0  }
0x35f: {  	[sflag:s26] =	ssyncadd.s32 $0xFFFFF000  }
0x360: {  	_ =	swait.ge [sflag:s26], $0x1000  }
0x361: {  	s8 =	sld [smem:$0x7D2]  }
0x362: {  	s15 =	sld [smem:$0x7C1]  }
0x363: {  	s17 =	sld [smem:$0x7C2];
	_ =	sdelay $0x2  }
0x364: {  	[sflag:s26] =	ssyncset.done $0x0;
	s2 =	sadd.s32 s15, s8;
	s16 =	smulhi.u32 $0x51EB851F, s17  }
0x365: {  	s23 =	simm.s32 $0xC00;
	[sflag:s26] =	ssyncadd.s32 $0xFFFFF000;
	[smem:$0x7BD] =	sst s2  }
0x366: {  	v2 =	vld [tilespmem:s23+$0x0];
	s18 =	sshrl.u32 s16, $0x6;
	s19 =	sld [smem:$0x7BD]  }
0x367: {  	s2 =	smul.u32 $0xFFFF9C00, s18  }
0x368: {  	s28 =	simm.s32 $0x0  }
0x369: {  	s20 =	rddreg [dreg:$0x7];
	s21 =	sshra.s32 s2, $0x2;
	s22 =	sadd.s32 $0x0, s19  }
0x36a: {  	v3 =	vld [tilespmem:s28+$0x9000];
	s24 =	sadd.s32 s21, s20;
	s2 =	sshra.s32 s22, $0x2  }
0x36b: {  	v57 =	vbroadcast v2, $0x0;
	s3 =	sadd.s32 s2, s24  }
0x36c: {  	v58 =	vld [tilespmem:s3+$0x0]  }
0x36d: {  	v59 =	vmul.f32 v57, v0;
	_ =	sdelay $0x1  }
0x36e: {  	v3 =	vadd.f32 v59, v3;
	_ =	sdelay $0x1  }
0x36f: {  	s29 =	rddreg [dreg:$0x8];
	v3 =	vadd.f32 v3, v58  }
0x370: {  	v60 =	vld [tilespmem:s28+$0x9010];
	s3 =	sadd.s32 s21, s29  }
0x371: {  	s3 =	sadd.s32 s2, s3;
	[tilespmem:s28+$0x9000] =	vst v3  }
0x372: {  	s30 =	smulhi.u32 $0x51EB851F, s0;
	v3 =	vld [tilespmem:s3+$0x0]  }
0x373: {  	v4 =	vmul.f32 v57, v1  }
0x374: {  	s4 =	sshrl.u32 s30, $0x6  }
0x375: {  	v4 =	vadd.f32 v60, v4;
	s3 =	smul.u32 $0xFFFF9C00, s4;
	_ =	sdelay $0x1  }
0x376: {  	s5 =	rddreg [dreg:$0xc];
	s3 =	sshra.s32 s3, $0x2;
	v3 =	vadd.f32 v3, v4  }
0x377: {  	v61 =	vld [tilespmem:s28+$0x9020];
	s4 =	sadd.s32 s3, s5  }
0x378: {  	v62 =	vbroadcast v2, $0x1;
	s4 =	sadd.s32 s2, s4;
	[tilespmem:s28+$0x9010] =	vst v3  }
0x379: {  	v3 =	vld [tilespmem:s4+$0x0]  }
0x37a: {  	v63 =	vmul.f32 v62, v0;
	_ =	sdelay $0x1  }
0x37b: {  	v4 =	vadd.f32 v61, v63  }
0x37c: {  	s9 =	rddreg [dreg:$0x9]  }
0x37d: {  	s21 =	sld [smem:$0x7C4];
	v3 =	vadd.f32 v3, v4  }
0x37e: {  	v8 =	vld [tilespmem:s28+$0x9030];
	s3 =	sadd.s32 s3, s9  }
0x37f: {  	s3 =	sadd.s32 s2, s3;
	[tilespmem:s28+$0x9020] =	vst v3  }
0x380: {  	s10 =	smulhi.u32 $0x51EB851F, s21;
	v3 =	vld [tilespmem:s3+$0x0]  }
0x381: {  	v5 =	vmul.f32 v62, v1  }
0x382: {  	s11 =	sshrl.u32 s10, $0x6  }
0x383: {  	v4 =	vadd.f32 v8, v5;
	s3 =	smul.u32 $0xFFFF9C00, s11;
	_ =	sdelay $0x1  }
0x384: {  	s12 =	rddreg [dreg:$0x10];
	s3 =	sshra.s32 s3, $0x2;
	v3 =	vadd.f32 v3, v4  }
0x385: {  	v9 =	vld [tilespmem:s28+$0x9040];
	s4 =	sadd.s32 s3, s12  }
0x386: {  	v10 =	vbroadcast v2, $0x2;
	s4 =	sadd.s32 s2, s4;
	[tilespmem:s28+$0x9030] =	vst v3  }
0x387: {  	v3 =	vld [tilespmem:s4+$0x0]  }
0x388: {  	v11 =	vmul.f32 v10, v0;
	_ =	sdelay $0x1  }
0x389: {  	v4 =	vadd.f32 v9, v11  }
0x38a: {  	s13 =	rddreg [dreg:$0xd]  }
0x38b: {  	s24 =	sld [smem:$0x7C6];
	v3 =	vadd.f32 v3, v4  }
0x38c: {  	v12 =	vld [tilespmem:s28+$0x9050];
	s3 =	sadd.s32 s3, s13  }
0x38d: {  	s3 =	sadd.s32 s2, s3;
	[tilespmem:s28+$0x9040] =	vst v3  }
0x38e: {  	s14 =	smulhi.u32 $0x51EB851F, s24;
	v3 =	vld [tilespmem:s3+$0x0]  }
0x38f: {  	v5 =	vmul.f32 v10, v1  }
0x390: {  	s15 =	sshrl.u32 s14, $0x6  }
0x391: {  	v4 =	vadd.f32 v12, v5;
	s3 =	smul.u32 $0xFFFF9C00, s15;
	_ =	sdelay $0x1  }
0x392: {  	s16 =	rddreg [dreg:$0x14];
	s3 =	sshra.s32 s3, $0x2;
	v3 =	vadd.f32 v3, v4  }
0x393: {  	v13 =	vld [tilespmem:s28+$0x9060];
	s4 =	sadd.s32 s3, s16  }
0x394: {  	v14 =	vbroadcast v2, $0x3;
	s4 =	sadd.s32 s2, s4;
	[tilespmem:s28+$0x9050] =	vst v3  }
0x395: {  	v3 =	vld [tilespmem:s4+$0x0]  }
0x396: {  	v15 =	vmul.f32 v14, v0;
	_ =	sdelay $0x1  }
0x397: {  	v4 =	vadd.f32 v13, v15  }
0x398: {  	s18 =	rddreg [dreg:$0x11]  }
0x399: {  	s15 =	sld [smem:$0x7C8];
	v3 =	vadd.f32 v3, v4  }
0x39a: {  	v16 =	vld [tilespmem:s28+$0x9070];
	s3 =	sadd.s32 s3, s18  }
0x39b: {  	s3 =	sadd.s32 s2, s3;
	[tilespmem:s28+$0x9060] =	vst v3  }
0x39c: {  	s19 =	smulhi.u32 $0x51EB851F, s15;
	v3 =	vld [tilespmem:s3+$0x0]  }
0x39d: {  	v5 =	vmul.f32 v14, v1  }
0x39e: {  	s20 =	sshrl.u32 s19, $0x6  }
0x39f: {  	v4 =	vadd.f32 v16, v5;
	s3 =	smul.u32 $0xFFFF9C00, s20;
	_ =	sdelay $0x1  }
0x3a0: {  	s22 =	rddreg [dreg:$0x18];
	s3 =	sshra.s32 s3, $0x2;
	v3 =	vadd.f32 v3, v4  }
0x3a1: {  	v17 =	vld [tilespmem:s28+$0x9080];
	s4 =	sadd.s32 s3, s22  }
0x3a2: {  	v18 =	vbroadcast v2, $0x4;
	s4 =	sadd.s32 s2, s4;
	[tilespmem:s28+$0x9070] =	vst v3  }
0x3a3: {  	v3 =	vld [tilespmem:s4+$0x0]  }
0x3a4: {  	v19 =	vmul.f32 v18, v0;
	_ =	sdelay $0x1  }
0x3a5: {  	v4 =	vadd.f32 v17, v19  }
0x3a6: {  	s29 =	rddreg [dreg:$0x15]  }
0x3a7: {  	s11 =	sld [smem:$0x7CA];
	v3 =	vadd.f32 v3, v4  }
0x3a8: {  	v20 =	vld [tilespmem:s28+$0x9090];
	s3 =	sadd.s32 s3, s29  }
0x3a9: {  	s3 =	sadd.s32 s2, s3;
	[tilespmem:s28+$0x9080] =	vst v3  }
0x3aa: {  	s30 =	smulhi.u32 $0x51EB851F, s11;
	v3 =	vld [tilespmem:s3+$0x0]  }
0x3ab: {  	v5 =	vmul.f32 v18, v1  }
0x3ac: {  	s5 =	sshrl.u32 s30, $0x6  }
0x3ad: {  	v4 =	vadd.f32 v20, v5;
	s3 =	smul.u32 $0xFFFF9C00, s5;
	_ =	sdelay $0x1  }
0x3ae: {  	s9 =	rddreg [dreg:$0x1c];
	s3 =	sshra.s32 s3, $0x2;
	v3 =	vadd.f32 v3, v4  }
0x3af: {  	v21 =	vld [tilespmem:s28+$0x90A0];
	s4 =	sadd.s32 s3, s9  }
0x3b0: {  	v22 =	vbroadcast v2, $0x5;
	s4 =	sadd.s32 s2, s4;
	[tilespmem:s28+$0x9090] =	vst v3  }
0x3b1: {  	v3 =	vld [tilespmem:s4+$0x0]  }
0x3b2: {  	v23 =	vmul.f32 v22, v0;
	_ =	sdelay $0x1  }
0x3b3: {  	v4 =	vadd.f32 v21, v23  }
0x3b4: {  	s10 =	rddreg [dreg:$0x19]  }
0x3b5: {  	s16 =	sld [smem:$0x7CC];
	v3 =	vadd.f32 v3, v4  }
0x3b6: {  	v24 =	vld [tilespmem:s28+$0x90B0];
	s3 =	sadd.s32 s3, s10  }
0x3b7: {  	s3 =	sadd.s32 s2, s3;
	[tilespmem:s28+$0x90A0] =	vst v3  }
0x3b8: {  	s12 =	smulhi.u32 $0x51EB851F, s16;
	v3 =	vld [tilespmem:s3+$0x0]  }
0x3b9: {  	v5 =	vmul.f32 v22, v1  }
0x3ba: {  	s13 =	sshrl.u32 s12, $0x6  }
0x3bb: {  	s14 =	sld [smem:$0x7DF];
	v4 =	vadd.f32 v24, v5;
	s3 =	smul.u32 $0xFFFF9C00, s13  }
0x3bc: {  	_ = 	snop  }
0x3bd: {  	s3 =	sshra.s32 s3, $0x2;
	v3 =	vadd.f32 v3, v4  }
0x3be: {  	v25 =	vld [tilespmem:s28+$0x90C0];
	s4 =	sadd.s32 s3, s14  }
0x3bf: {  	v26 =	vbroadcast v2, $0x6;
	s4 =	sadd.s32 s2, s4;
	[tilespmem:s28+$0x90B0] =	vst v3  }
0x3c0: {  	v3 =	vld [tilespmem:s4+$0x0]  }
0x3c1: {  	v27 =	vmul.f32 v26, v0;
	_ =	sdelay $0x1  }
0x3c2: {  	v4 =	vadd.f32 v25, v27  }
0x3c3: {  	s18 =	rddreg [dreg:$0x1d]  }
0x3c4: {  	s14 =	sld [smem:$0x7CE];
	v3 =	vadd.f32 v3, v4  }
0x3c5: {  	v28 =	vld [tilespmem:s28+$0x90D0];
	s3 =	sadd.s32 s3, s18  }
0x3c6: {  	s3 =	sadd.s32 s2, s3;
	[tilespmem:s28+$0x90C0] =	vst v3  }
0x3c7: {  	s19 =	smulhi.u32 $0x51EB851F, s14;
	v3 =	vld [tilespmem:s3+$0x0]  }
0x3c8: {  	v5 =	vmul.f32 v26, v1  }
0x3c9: {  	s20 =	sshrl.u32 s19, $0x6  }
0x3ca: {  	s22 =	sld [smem:$0x7E6];
	v4 =	vadd.f32 v28, v5;
	s3 =	smul.u32 $0xFFFF9C00, s20  }
0x3cb: {  	_ = 	snop  }
0x3cc: {  	s3 =	sshra.s32 s3, $0x2;
	v3 =	vadd.f32 v3, v4  }
0x3cd: {  	v29 =	vld [tilespmem:s28+$0x90E0];
	s4 =	sadd.s32 s3, s22  }
0x3ce: {  	v30 =	vbroadcast v2, $0x7;
	s4 =	sadd.s32 s2, s4;
	[tilespmem:s28+$0x90D0] =	vst v3  }
0x3cf: {  	v3 =	vld [tilespmem:s4+$0x0]  }
0x3d0: {  	v31 =	vmul.f32 v30, v0  }
0x3d1: {  	s12 =	sld [smem:$0x7D0]  }
0x3d2: {  	s29 =	sld [smem:$0x7E1];
	v4 =	vadd.f32 v29, v31;
	_ =	sdelay $0x1  }
0x3d3: {  	v3 =	vadd.f32 v3, v4  }
0x3d4: {  	v32 =	vld [tilespmem:s28+$0x90F0];
	s30 =	smulhi.u32 $0x51EB851F, s12;
	s3 =	sadd.s32 s3, s29  }
0x3d5: {  	s3 =	sadd.s32 s2, s3;
	[tilespmem:s28+$0x90E0] =	vst v3  }
0x3d6: {  	s4 =	sshrl.u32 s30, $0x6;
	v3 =	vld [tilespmem:s3+$0x0]  }
0x3d7: {  	s5 =	sld [smem:$0x7E8];
	v5 =	vmul.f32 v30, v1;
	s4 =	smul.u32 $0xFFFF9C00, s4  }
0x3d8: {  	_ = 	snop  }
0x3d9: {  	v4 =	vadd.f32 v32, v5;
	s3 =	sshra.s32 s4, $0x2  }
0x3da: {  	s4 =	sshrl.u32 s8, $0x2;
	s3 =	sadd.s32 s3, s5  }
0x3db: {  	s3 =	sadd.s32 s4, s3;
	v3 =	vadd.f32 v3, v4  }
0x3dc: {  	v33 =	vld [tilespmem:s28+$0x9100];
	s3 =	sadd.s32 s1, s3  }
0x3dd: {  	v34 =	vbroadcast v2, $0x8;
	s3 =	sadd.s32 $0x0, s3;
	[tilespmem:s28+$0x90F0] =	vst v3  }
0x3de: {  	v3 =	vld [tilespmem:s3+$0x0]  }
0x3df: {  	v35 =	vmul.f32 v34, v0;
	_ =	sdelay $0x1  }
0x3e0: {  	v4 =	vadd.f32 v33, v35;
	_ =	sdelay $0x1  }
0x3e1: {  	s10 =	sld [smem:$0x7CF];
	v3 =	vadd.f32 v3, v4  }
0x3e2: {  	v36 =	vld [tilespmem:s28+$0x9110]  }
0x3e3: {  	[tilespmem:s28+$0x9100] =	vst v3  }
0x3e4: {  	s8 =	smulhi.u32 $0x51EB851F, s10;
	v3 =	vld [tilespmem:s3+$0x10]  }
0x3e5: {  	v5 =	vmul.f32 v34, v1  }
0x3e6: {  	s9 =	sshrl.u32 s8, $0x6  }
0x3e7: {  	s13 =	sld [smem:$0x7E3];
	v4 =	vadd.f32 v36, v5;
	s3 =	smul.u32 $0xFFFF9C00, s9  }
0x3e8: {  	_ = 	snop  }
0x3e9: {  	s3 =	sshra.s32 s3, $0x2;
	v3 =	vadd.f32 v3, v4  }
0x3ea: {  	v37 =	vld [tilespmem:s28+$0x9120];
	s5 =	sadd.s32 s3, s13  }
0x3eb: {  	v38 =	vbroadcast v2, $0x9;
	s5 =	sadd.s32 s2, s5;
	[tilespmem:s28+$0x9110] =	vst v3  }
0x3ec: {  	v3 =	vld [tilespmem:s5+$0x0]  }
0x3ed: {  	v39 =	vmul.f32 v38, v0;
	_ =	sdelay $0x1  }
0x3ee: {  	s18 =	sld [smem:$0x7E5];
	v4 =	vadd.f32 v37, v39;
	_ =	sdelay $0x1  }
0x3ef: {  	s9 =	sld [smem:$0x7CD];
	v3 =	vadd.f32 v3, v4  }
0x3f0: {  	v40 =	vld [tilespmem:s28+$0x9130];
	s3 =	sadd.s32 s3, s18  }
0x3f1: {  	s3 =	sadd.s32 s2, s3;
	[tilespmem:s28+$0x9120] =	vst v3  }
0x3f2: {  	s19 =	smulhi.u32 $0x51EB851F, s9;
	v3 =	vld [tilespmem:s3+$0x0]  }
0x3f3: {  	v5 =	vmul.f32 v38, v1  }
0x3f4: {  	s20 =	sshrl.u32 s19, $0x6  }
0x3f5: {  	v4 =	vadd.f32 v40, v5;
	s3 =	smul.u32 $0xFFFF9C00, s20;
	_ =	sdelay $0x1  }
0x3f6: {  	s22 =	rddreg [dreg:$0x1e];
	s3 =	sshra.s32 s3, $0x2;
	v3 =	vadd.f32 v3, v4  }
0x3f7: {  	v41 =	vld [tilespmem:s28+$0x9140];
	s5 =	sadd.s32 s3, s22  }
0x3f8: {  	v42 =	vbroadcast v2, $0xA;
	s5 =	sadd.s32 s2, s5;
	[tilespmem:s28+$0x9130] =	vst v3  }
0x3f9: {  	v3 =	vld [tilespmem:s5+$0x0]  }
0x3fa: {  	v43 =	vmul.f32 v42, v0;
	_ =	sdelay $0x1  }
0x3fb: {  	v4 =	vadd.f32 v41, v43  }
0x3fc: {  	s29 =	rddreg [dreg:$0x1f]  }
0x3fd: {  	s13 =	sld [smem:$0x7CB];
	v3 =	vadd.f32 v3, v4  }
0x3fe: {  	v44 =	vld [tilespmem:s28+$0x9150];
	s3 =	sadd.s32 s3, s29  }
0x3ff: {  	s3 =	sadd.s32 s2, s3;
	[tilespmem:s28+$0x9140] =	vst v3  }
0x400: {  	s30 =	smulhi.u32 $0x51EB851F, s13;
	v3 =	vld [tilespmem:s3+$0x0]  }
0x401: {  	v5 =	vmul.f32 v42, v1  }
0x402: {  	s8 =	sshrl.u32 s30, $0x6  }
0x403: {  	v4 =	vadd.f32 v44, v5;
	s3 =	smul.u32 $0xFFFF9C00, s8;
	_ =	sdelay $0x1  }
0x404: {  	s18 =	rddreg [dreg:$0x1a];
	s3 =	sshra.s32 s3, $0x2;
	v3 =	vadd.f32 v3, v4  }
0x405: {  	v45 =	vld [tilespmem:s28+$0x9160];
	s5 =	sadd.s32 s3, s18  }
0x406: {  	v46 =	vbroadcast v2, $0xB;
	s5 =	sadd.s32 s2, s5;
	[tilespmem:s28+$0x9150] =	vst v3  }
0x407: {  	v3 =	vld [tilespmem:s5+$0x0]  }
0x408: {  	v47 =	vmul.f32 v46, v0;
	_ =	sdelay $0x1  }
0x409: {  	v4 =	vadd.f32 v45, v47  }
0x40a: {  	s19 =	rddreg [dreg:$0x1b]  }
0x40b: {  	s22 =	sld [smem:$0x7C9];
	v3 =	vadd.f32 v3, v4  }
0x40c: {  	v48 =	vld [tilespmem:s28+$0x9170];
	s3 =	sadd.s32 s3, s19  }
0x40d: {  	s3 =	sadd.s32 s2, s3;
	[tilespmem:s28+$0x9160] =	vst v3  }
0x40e: {  	s20 =	smulhi.u32 $0x51EB851F, s22;
	v3 =	vld [tilespmem:s3+$0x0]  }
0x40f: {  	v5 =	vmul.f32 v46, v1  }
0x410: {  	s29 =	sshrl.u32 s20, $0x6  }
0x411: {  	v4 =	vadd.f32 v48, v5;
	s3 =	smul.u32 $0xFFFF9C00, s29;
	_ =	sdelay $0x1  }
0x412: {  	s30 =	rddreg [dreg:$0x16];
	s3 =	sshra.s32 s3, $0x2;
	v3 =	vadd.f32 v3, v4  }
0x413: {  	v49 =	vld [tilespmem:s28+$0x9180];
	s5 =	sadd.s32 s3, s30  }
0x414: {  	v50 =	vbroadcast v2, $0xC;
	s5 =	sadd.s32 s2, s5;
	[tilespmem:s28+$0x9170] =	vst v3  }
0x415: {  	v3 =	vld [tilespmem:s5+$0x0]  }
0x416: {  	v51 =	vmul.f32 v50, v0;
	_ =	sdelay $0x1  }
0x417: {  	v4 =	vadd.f32 v49, v51  }
0x418: {  	s8 =	rddreg [dreg:$0x17]  }
0x419: {  	s3 =	sadd.s32 s3, s8;
	s8 =	sld [smem:$0x7C7];
	v3 =	vadd.f32 v3, v4  }
0x41a: {  	v52 =	vld [tilespmem:s28+$0x9190]  }
0x41b: {  	s3 =	sadd.s32 s2, s3;
	[tilespmem:s28+$0x9180] =	vst v3  }
0x41c: {  	s18 =	smulhi.u32 $0x51EB851F, s8;
	v3 =	vld [tilespmem:s3+$0x0]  }
0x41d: {  	v5 =	vmul.f32 v50, v1  }
0x41e: {  	s19 =	sshrl.u32 s18, $0x6  }
0x41f: {  	v4 =	vadd.f32 v52, v5;
	s3 =	smul.u32 $0xFFFF9C00, s19;
	_ =	sdelay $0x1  }
0x420: {  	s20 =	rddreg [dreg:$0x12];
	s3 =	sshra.s32 s3, $0x2;
	v3 =	vadd.f32 v3, v4  }
0x421: {  	v53 =	vld [tilespmem:s28+$0x91A0];
	s5 =	sadd.s32 s3, s20  }
0x422: {  	v54 =	vbroadcast v2, $0xD;
	s5 =	sadd.s32 s2, s5;
	[tilespmem:s28+$0x9190] =	vst v3  }
0x423: {  	v3 =	vld [tilespmem:s5+$0x0]  }
0x424: {  	v55 =	vmul.f32 v54, v0;
	_ =	sdelay $0x1  }
0x425: {  	v4 =	vadd.f32 v53, v55  }
0x426: {  	s29 =	rddreg [dreg:$0x13]  }
0x427: {  	s20 =	sld [smem:$0x7C5];
	v3 =	vadd.f32 v3, v4  }
0x428: {  	v56 =	vld [tilespmem:s28+$0x91B0];
	s3 =	sadd.s32 s3, s29  }
0x429: {  	s3 =	sadd.s32 s2, s3;
	[tilespmem:s28+$0x91A0] =	vst v3  }
0x42a: {  	s30 =	smulhi.u32 $0x51EB851F, s20;
	v3 =	vld [tilespmem:s3+$0x0]  }
0x42b: {  	v5 =	vmul.f32 v54, v1  }
0x42c: {  	s18 =	sshrl.u32 s30, $0x6  }
0x42d: {  	v4 =	vadd.f32 v56, v5;
	s3 =	smul.u32 $0xFFFF9C00, s18;
	_ =	sdelay $0x1  }
0x42e: {  	s19 =	rddreg [dreg:$0xe];
	s3 =	sshra.s32 s3, $0x2;
	v3 =	vadd.f32 v3, v4  }
0x42f: {  	v57 =	vld [tilespmem:s28+$0x91C0];
	s5 =	sadd.s32 s3, s19  }
0x430: {  	v58 =	vbroadcast v2, $0xE;
	s5 =	sadd.s32 s2, s5;
	[tilespmem:s28+$0x91B0] =	vst v3  }
0x431: {  	v3 =	vld [tilespmem:s5+$0x0]  }
0x432: {  	v59 =	vmul.f32 v58, v0;
	_ =	sdelay $0x1  }
0x433: {  	v4 =	vadd.f32 v57, v59  }
0x434: {  	s29 =	rddreg [dreg:$0xf]  }
0x435: {  	s18 =	sld [smem:$0x7C3];
	v3 =	vadd.f32 v3, v4  }
0x436: {  	v60 =	vld [tilespmem:s28+$0x91D0];
	s3 =	sadd.s32 s3, s29  }
0x437: {  	s3 =	sadd.s32 s2, s3;
	[tilespmem:s28+$0x91C0] =	vst v3  }
0x438: {  	s30 =	smulhi.u32 $0x51EB851F, s18;
	v3 =	vld [tilespmem:s3+$0x0]  }
0x439: {  	v5 =	vmul.f32 v58, v1  }
0x43a: {  	s19 =	sshrl.u32 s30, $0x6  }
0x43b: {  	v4 =	vadd.f32 v60, v5;
	s3 =	smul.u32 $0xFFFF9C00, s19;
	_ =	sdelay $0x1  }
0x43c: {  	s29 =	rddreg [dreg:$0xa];
	s3 =	sshra.s32 s3, $0x2;
	v3 =	vadd.f32 v3, v4  }
0x43d: {  	v61 =	vld [tilespmem:s28+$0x91E0];
	s5 =	sadd.s32 s3, s29  }
0x43e: {  	v2 =	vbroadcast v2, $0xF;
	s5 =	sadd.s32 s2, s5;
	[tilespmem:s28+$0x91D0] =	vst v3  }
0x43f: {  	v3 =	vld [tilespmem:s5+$0x0]  }
0x440: {  	v62 =	vmul.f32 v2, v0;
	_ =	sdelay $0x1  }
0x441: {  	v4 =	vadd.f32 v61, v62;
	_ =	sdelay $0x1  }
0x442: {  	s30 =	rddreg [dreg:$0xb];
	v3 =	vadd.f32 v3, v4  }
0x443: {  	v63 =	vld [tilespmem:s28+$0x91F0];
	s3 =	sadd.s32 s3, s30  }
0x444: {  	s2 =	sadd.s32 s2, s3;
	[tilespmem:s28+$0x91E0] =	vst v3  }
0x445: {  	s31 =	simm.s32 $0x1000;
	s15 =	sadd.s32 $0x10, s15;
	s16 =	sadd.s32 $0x10, s16;
	v3 =	vld [tilespmem:s2+$0x0]  }
0x446: {  	v2 =	vmul.f32 v2, v1;
	s12 =	sadd.s32 $0x10, s12;
	s10 =	sadd.s32 $0x10, s10;
	s9 =	sadd.s32 $0x10, s9  }
0x447: {  	s13 =	sadd.s32 $0x10, s13;
	s19 =	simm.s32 $0x800;
	s3 =	sadd.s32 $0x10, s14  }
0x448: {  	v2 =	vadd.f32 v63, v2;
	s14 =	sadd.s32 $0x10, s11;
	s11 =	sadd.s32 $0x10, s8;
	s8 =	sadd.s32 $0x10, s22  }
0x449: {  	s22 =	sadd.s32 $0x10, s17;
	s17 =	sadd.s32 $0x10, s24;
	s5 =	sadd.s32 $0x10, s20  }
0x44a: {  	s20 =	smulhi.u32 $0x51EB851F, s22;
	s2 =	sadd.s32 $0x10, s18;
	s18 =	sadd.s32 $0x10, s21;
	v2 =	vadd.f32 v3, v2  }
.LBB2_5:
0x44b: {  	_ = 	snop  }
0x44c: {  	s23 =	sadd.s32 $0x10, s23;
	[tilespmem:s28+$0x91F0] =	vst v2  }
0x44d: {  	s24 =	sld [smem:$0x7BD];
	s20 =	sshrl.u32 s20, $0x6;
	v2 =	vld [tilespmem:s23+$0x0]  }
0x44e: {  	s20 =	smul.u32 $0xFFFF9C00, s20  }
0x44f: {  	s30 =	rddreg [dreg:$0x7]  }
0x450: {  	s28 =	sshra.s32 s19, $0x2;
	s24 =	sadd.s32 s19, s24;
	s20 =	sshra.s32 s20, $0x2  }
0x451: {  	v3 =	vld [tilespmem:s28+$0x9000];
	s24 =	sshra.s32 s24, $0x2;
	s30 =	sadd.s32 s20, s30  }
0x452: {  	s30 =	sadd.s32 s24, s30;
	v4 =	vbroadcast v2, $0x0  }
0x453: {  	v6 =	vld [tilespmem:s30+$0x0]  }
0x454: {  	v8 =	vmul.f32 v4, v0;
	_ =	sdelay $0x1  }
0x455: {  	v3 =	vadd.f32 v8, v3;
	_ =	sdelay $0x1  }
0x456: {  	s21 =	rddreg [dreg:$0x8];
	v3 =	vadd.f32 v3, v6  }
0x457: {  	v55 =	vld [tilespmem:s28+$0x9010];
	s20 =	sadd.s32 s20, s21  }
0x458: {  	s0 =	sadd.s32 $0x10, s0;
	s20 =	sadd.s32 s24, s20;
	[tilespmem:s28+$0x9000] =	vst v3  }
0x459: {  	s30 =	smulhi.u32 $0x51EB851F, s0;
	v3 =	vld [tilespmem:s20+$0x0]  }
0x45a: {  	s29 =	smov.u32 s31;
	v4 =	vmul.f32 v4, v1  }
0x45b: {  	s19 =	smov.u32 s29;
	s29 =	sshrl.u32 s30, $0x6  }
0x45c: {  	v4 =	vadd.f32 v55, v4;
	s20 =	smul.u32 $0xFFFF9C00, s29  }
0x45d: {  	s21 =	rddreg [dreg:$0xc]  }
0x45e: {  	s30 =	rddreg [dreg:$0x9];
	s20 =	sshra.s32 s20, $0x2;
	v3 =	vadd.f32 v3, v4  }
0x45f: {  	v32 =	vld [tilespmem:s28+$0x9020];
	s29 =	sadd.s32 s20, s30;
	s20 =	sadd.s32 s20, s21  }
0x460: {  	v28 =	vbroadcast v2, $0x1;
	s20 =	sadd.s32 s24, s20;
	[tilespmem:s28+$0x9010] =	vst v3  }
0x461: {  	v33 =	vld [tilespmem:s20+$0x0]  }
0x462: {  	v29 =	vmul.f32 v28, v0;
	_ =	sdelay $0x1  }
0x463: {  	v29 =	vadd.f32 v32, v29;
	_ =	sdelay $0x1  }
0x464: {  	v29 =	vadd.f32 v33, v29  }
0x465: {  	v63 =	vld [tilespmem:s28+$0x9030]  }
0x466: {  	s30 =	sadd.s32 s24, s29;
	[tilespmem:s28+$0x9020] =	vst v29  }
0x467: {  	s29 =	smulhi.u32 $0x51EB851F, s18;
	v29 =	vld [tilespmem:s30+$0x0]  }
0x468: {  	v28 =	vmul.f32 v28, v1  }
0x469: {  	s20 =	sshrl.u32 s29, $0x6  }
0x46a: {  	v28 =	vadd.f32 v63, v28;
	s20 =	smul.u32 $0xFFFF9C00, s20;
	_ =	sdelay $0x1  }
0x46b: {  	s20 =	sshra.s32 s20, $0x2;
	s30 =	rddreg [dreg:$0x10];
	v28 =	vadd.f32 v29, v28  }
0x46c: {  	v36 =	vld [tilespmem:s28+$0x9040];
	s21 =	sadd.s32 s20, s30  }
0x46d: {  	v7 =	vbroadcast v2, $0x2;
	s21 =	sadd.s32 s24, s21;
	[tilespmem:s28+$0x9030] =	vst v28  }
0x46e: {  	v28 =	vld [tilespmem:s21+$0x0]  }
0x46f: {  	v30 =	vmul.f32 v7, v0;
	_ =	sdelay $0x1  }
0x470: {  	v29 =	vadd.f32 v36, v30;
	_ =	sdelay $0x1  }
0x471: {  	s29 =	rddreg [dreg:$0xd];
	v28 =	vadd.f32 v28, v29  }
0x472: {  	v37 =	vld [tilespmem:s28+$0x9050];
	s20 =	sadd.s32 s20, s29  }
0x473: {  	s20 =	sadd.s32 s24, s20;
	[tilespmem:s28+$0x9040] =	vst v28  }
0x474: {  	s30 =	smulhi.u32 $0x51EB851F, s17;
	v28 =	vld [tilespmem:s20+$0x0]  }
0x475: {  	v31 =	vmul.f32 v7, v1  }
0x476: {  	s29 =	sshrl.u32 s30, $0x6  }
0x477: {  	v29 =	vadd.f32 v37, v31;
	s20 =	smul.u32 $0xFFFF9C00, s29;
	_ =	sdelay $0x1  }
0x478: {  	s30 =	rddreg [dreg:$0x14];
	s20 =	sshra.s32 s20, $0x2;
	v28 =	vadd.f32 v28, v29  }
0x479: {  	v38 =	vld [tilespmem:s28+$0x9060];
	s21 =	sadd.s32 s20, s30  }
0x47a: {  	v5 =	vbroadcast v2, $0x3;
	s21 =	sadd.s32 s24, s21;
	[tilespmem:s28+$0x9050] =	vst v28  }
0x47b: {  	v28 =	vld [tilespmem:s21+$0x0]  }
0x47c: {  	v27 =	vmul.f32 v5, v0;
	_ =	sdelay $0x1  }
0x47d: {  	v27 =	vadd.f32 v38, v27;
	_ =	sdelay $0x1  }
0x47e: {  	s29 =	rddreg [dreg:$0x11];
	v27 =	vadd.f32 v28, v27  }
0x47f: {  	v39 =	vld [tilespmem:s28+$0x9070];
	s20 =	sadd.s32 s20, s29  }
0x480: {  	s20 =	sadd.s32 s24, s20;
	[tilespmem:s28+$0x9060] =	vst v27  }
0x481: {  	s30 =	smulhi.u32 $0x51EB851F, s15;
	v27 =	vld [tilespmem:s20+$0x0]  }
0x482: {  	v26 =	vmul.f32 v5, v1  }
0x483: {  	s29 =	sshrl.u32 s30, $0x6  }
0x484: {  	v26 =	vadd.f32 v39, v26;
	s20 =	smul.u32 $0xFFFF9C00, s29;
	_ =	sdelay $0x1  }
0x485: {  	s30 =	rddreg [dreg:$0x18];
	s20 =	sshra.s32 s20, $0x2;
	v26 =	vadd.f32 v27, v26  }
0x486: {  	v40 =	vld [tilespmem:s28+$0x9080];
	s21 =	sadd.s32 s20, s30  }
0x487: {  	v23 =	vbroadcast v2, $0x4;
	s21 =	sadd.s32 s24, s21;
	[tilespmem:s28+$0x9070] =	vst v26  }
0x488: {  	v26 =	vld [tilespmem:s21+$0x0]  }
0x489: {  	v25 =	vmul.f32 v23, v0;
	_ =	sdelay $0x1  }
0x48a: {  	v25 =	vadd.f32 v40, v25;
	_ =	sdelay $0x1  }
0x48b: {  	s29 =	rddreg [dreg:$0x15];
	v25 =	vadd.f32 v26, v25  }
0x48c: {  	v41 =	vld [tilespmem:s28+$0x9090];
	s20 =	sadd.s32 s20, s29  }
0x48d: {  	s20 =	sadd.s32 s24, s20;
	[tilespmem:s28+$0x9080] =	vst v25  }
0x48e: {  	s30 =	smulhi.u32 $0x51EB851F, s14;
	v25 =	vld [tilespmem:s20+$0x0]  }
0x48f: {  	v23 =	vmul.f32 v23, v1  }
0x490: {  	s29 =	sshrl.u32 s30, $0x6  }
0x491: {  	v23 =	vadd.f32 v41, v23;
	s20 =	smul.u32 $0xFFFF9C00, s29;
	_ =	sdelay $0x1  }
0x492: {  	s30 =	rddreg [dreg:$0x1c];
	s20 =	sshra.s32 s20, $0x2;
	v23 =	vadd.f32 v25, v23  }
0x493: {  	v42 =	vld [tilespmem:s28+$0x90A0];
	s21 =	sadd.s32 s20, s30  }
0x494: {  	v54 =	vbroadcast v2, $0x5;
	s21 =	sadd.s32 s24, s21;
	[tilespmem:s28+$0x9090] =	vst v23  }
0x495: {  	v23 =	vld [tilespmem:s21+$0x0]  }
0x496: {  	v22 =	vmul.f32 v54, v0;
	_ =	sdelay $0x1  }
0x497: {  	v22 =	vadd.f32 v42, v22;
	_ =	sdelay $0x1  }
0x498: {  	s29 =	rddreg [dreg:$0x19];
	v22 =	vadd.f32 v23, v22  }
0x499: {  	v43 =	vld [tilespmem:s28+$0x90B0];
	s20 =	sadd.s32 s20, s29  }
0x49a: {  	s20 =	sadd.s32 s24, s20;
	[tilespmem:s28+$0x90A0] =	vst v22  }
0x49b: {  	s30 =	smulhi.u32 $0x51EB851F, s16;
	v22 =	vld [tilespmem:s20+$0x0]  }
0x49c: {  	v24 =	vmul.f32 v54, v1  }
0x49d: {  	s29 =	sshrl.u32 s30, $0x6  }
0x49e: {  	s30 =	sld [smem:$0x7DF];
	v23 =	vadd.f32 v43, v24;
	s20 =	smul.u32 $0xFFFF9C00, s29  }
0x49f: {  	_ = 	snop  }
0x4a0: {  	s20 =	sshra.s32 s20, $0x2;
	v22 =	vadd.f32 v22, v23  }
0x4a1: {  	v44 =	vld [tilespmem:s28+$0x90C0];
	s21 =	sadd.s32 s20, s30  }
0x4a2: {  	v21 =	vbroadcast v2, $0x6;
	s21 =	sadd.s32 s24, s21;
	[tilespmem:s28+$0x90B0] =	vst v22  }
0x4a3: {  	v22 =	vld [tilespmem:s21+$0x0]  }
0x4a4: {  	v20 =	vmul.f32 v21, v1;
	v21 =	vmul.f32 v21, v0;
	_ =	sdelay $0x1  }
0x4a5: {  	v21 =	vadd.f32 v44, v21;
	_ =	sdelay $0x1  }
0x4a6: {  	s29 =	rddreg [dreg:$0x1d];
	v21 =	vadd.f32 v22, v21  }
0x4a7: {  	v45 =	vld [tilespmem:s28+$0x90D0];
	s20 =	sadd.s32 s20, s29  }
0x4a8: {  	s20 =	sadd.s32 s24, s20;
	[tilespmem:s28+$0x90C0] =	vst v21  }
0x4a9: {  	s30 =	smulhi.u32 $0x51EB851F, s3;
	v21 =	vld [tilespmem:s20+$0x0];
	_ =	sdelay $0x1  }
0x4aa: {  	s29 =	sshrl.u32 s30, $0x6  }
0x4ab: {  	v20 =	vadd.f32 v45, v20;
	s30 =	sld [smem:$0x7E6];
	s20 =	smul.u32 $0xFFFF9C00, s29  }
0x4ac: {  	_ = 	snop  }
0x4ad: {  	s20 =	sshra.s32 s20, $0x2;
	v20 =	vadd.f32 v21, v20  }
0x4ae: {  	v46 =	vld [tilespmem:s28+$0x90E0];
	s21 =	sadd.s32 s20, s30  }
0x4af: {  	v56 =	vbroadcast v2, $0x7;
	s21 =	sadd.s32 s24, s21;
	[tilespmem:s28+$0x90D0] =	vst v20  }
0x4b0: {  	v20 =	vld [tilespmem:s21+$0x0]  }
0x4b1: {  	v19 =	vmul.f32 v56, v0;
	_ =	sdelay $0x1  }
0x4b2: {  	v19 =	vadd.f32 v46, v19;
	s29 =	sld [smem:$0x7E1];
	_ =	sdelay $0x1  }
0x4b3: {  	v19 =	vadd.f32 v20, v19  }
0x4b4: {  	v47 =	vld [tilespmem:s28+$0x90F0];
	s20 =	sadd.s32 s20, s29;
	s30 =	smulhi.u32 $0x51EB851F, s12  }
0x4b5: {  	s20 =	sadd.s32 s24, s20;
	[tilespmem:s28+$0x90E0] =	vst v19  }
0x4b6: {  	s21 =	sshrl.u32 s30, $0x6;
	v19 =	vld [tilespmem:s20+$0x0]  }
0x4b7: {  	v18 =	vmul.f32 v56, v1;
	s29 =	sld [smem:$0x7E8];
	s21 =	smul.u32 $0xFFFF9C00, s21  }
0x4b8: {  	_ = 	snop  }
0x4b9: {  	v18 =	vadd.f32 v47, v18;
	s20 =	sshra.s32 s21, $0x2  }
0x4ba: {  	s20 =	sadd.s32 s20, s29  }
0x4bb: {  	s20 =	sadd.s32 s4, s20;
	v18 =	vadd.f32 v19, v18  }
0x4bc: {  	v48 =	vld [tilespmem:s28+$0x9100];
	s20 =	sadd.s32 s1, s20  }
0x4bd: {  	v15 =	vbroadcast v2, $0x8;
	s20 =	sadd.s32 s28, s20;
	[tilespmem:s28+$0x90F0] =	vst v18  }
0x4be: {  	v18 =	vld [tilespmem:s20+$0x0]  }
0x4bf: {  	v17 =	vmul.f32 v15, v1;
	v15 =	vmul.f32 v15, v0;
	_ =	sdelay $0x1  }
0x4c0: {  	v15 =	vadd.f32 v48, v15;
	_ =	sdelay $0x1  }
0x4c1: {  	v15 =	vadd.f32 v18, v15  }
0x4c2: {  	v49 =	vld [tilespmem:s28+$0x9110]  }
0x4c3: {  	[tilespmem:s28+$0x9100] =	vst v15  }
0x4c4: {  	s30 =	smulhi.u32 $0x51EB851F, s10;
	v15 =	vld [tilespmem:s20+$0x10];
	_ =	sdelay $0x1  }
0x4c5: {  	s29 =	sshrl.u32 s30, $0x6  }
0x4c6: {  	v17 =	vadd.f32 v49, v17;
	s30 =	sld [smem:$0x7E3];
	s20 =	smul.u32 $0xFFFF9C00, s29  }
0x4c7: {  	_ = 	snop  }
0x4c8: {  	s20 =	sshra.s32 s20, $0x2;
	v15 =	vadd.f32 v15, v17  }
0x4c9: {  	v50 =	vld [tilespmem:s28+$0x9120];
	s21 =	sadd.s32 s20, s30  }
0x4ca: {  	v57 =	vbroadcast v2, $0x9;
	s21 =	sadd.s32 s24, s21;
	[tilespmem:s28+$0x9110] =	vst v15  }
0x4cb: {  	v15 =	vld [tilespmem:s21+$0x0]  }
0x4cc: {  	v16 =	vmul.f32 v57, v0;
	_ =	sdelay $0x1  }
0x4cd: {  	v16 =	vadd.f32 v50, v16;
	s29 =	sld [smem:$0x7E5];
	_ =	sdelay $0x1  }
0x4ce: {  	v15 =	vadd.f32 v15, v16  }
0x4cf: {  	v51 =	vld [tilespmem:s28+$0x9130];
	s20 =	sadd.s32 s20, s29  }
0x4d0: {  	s20 =	sadd.s32 s24, s20;
	[tilespmem:s28+$0x9120] =	vst v15  }
0x4d1: {  	s30 =	smulhi.u32 $0x51EB851F, s9;
	v15 =	vld [tilespmem:s20+$0x0]  }
0x4d2: {  	v14 =	vmul.f32 v57, v1  }
0x4d3: {  	s29 =	sshrl.u32 s30, $0x6  }
0x4d4: {  	v14 =	vadd.f32 v51, v14;
	s20 =	smul.u32 $0xFFFF9C00, s29;
	_ =	sdelay $0x1  }
0x4d5: {  	s30 =	rddreg [dreg:$0x1e];
	s20 =	sshra.s32 s20, $0x2;
	v14 =	vadd.f32 v15, v14  }
0x4d6: {  	v52 =	vld [tilespmem:s28+$0x9140];
	s21 =	sadd.s32 s20, s30  }
0x4d7: {  	v12 =	vbroadcast v2, $0xA;
	s21 =	sadd.s32 s24, s21;
	[tilespmem:s28+$0x9130] =	vst v14  }
0x4d8: {  	v14 =	vld [tilespmem:s21+$0x0]  }
0x4d9: {  	v13 =	vmul.f32 v12, v0;
	_ =	sdelay $0x1  }
0x4da: {  	v13 =	vadd.f32 v52, v13;
	_ =	sdelay $0x1  }
0x4db: {  	s29 =	rddreg [dreg:$0x1f];
	v13 =	vadd.f32 v14, v13  }
0x4dc: {  	v53 =	vld [tilespmem:s28+$0x9150];
	s20 =	sadd.s32 s20, s29  }
0x4dd: {  	s20 =	sadd.s32 s24, s20;
	[tilespmem:s28+$0x9140] =	vst v13  }
0x4de: {  	s30 =	smulhi.u32 $0x51EB851F, s13;
	v13 =	vld [tilespmem:s20+$0x0]  }
0x4df: {  	v12 =	vmul.f32 v12, v1  }
0x4e0: {  	s29 =	sshrl.u32 s30, $0x6  }
0x4e1: {  	v12 =	vadd.f32 v53, v12;
	s20 =	smul.u32 $0xFFFF9C00, s29;
	_ =	sdelay $0x1  }
0x4e2: {  	s30 =	rddreg [dreg:$0x1a];
	s20 =	sshra.s32 s20, $0x2;
	v12 =	vadd.f32 v13, v12  }
0x4e3: {  	v54 =	vld [tilespmem:s28+$0x9160];
	s21 =	sadd.s32 s20, s30  }
0x4e4: {  	v10 =	vbroadcast v2, $0xB;
	s21 =	sadd.s32 s24, s21;
	[tilespmem:s28+$0x9150] =	vst v12  }
0x4e5: {  	v12 =	vld [tilespmem:s21+$0x0]  }
0x4e6: {  	v11 =	vmul.f32 v10, v0;
	_ =	sdelay $0x1  }
0x4e7: {  	v11 =	vadd.f32 v54, v11;
	_ =	sdelay $0x1  }
0x4e8: {  	s29 =	rddreg [dreg:$0x1b];
	v11 =	vadd.f32 v12, v11  }
0x4e9: {  	v55 =	vld [tilespmem:s28+$0x9170];
	s20 =	sadd.s32 s20, s29  }
0x4ea: {  	s20 =	sadd.s32 s24, s20;
	[tilespmem:s28+$0x9160] =	vst v11  }
0x4eb: {  	s30 =	smulhi.u32 $0x51EB851F, s8;
	v11 =	vld [tilespmem:s20+$0x0]  }
0x4ec: {  	v10 =	vmul.f32 v10, v1  }
0x4ed: {  	s29 =	sshrl.u32 s30, $0x6  }
0x4ee: {  	v10 =	vadd.f32 v55, v10;
	s20 =	smul.u32 $0xFFFF9C00, s29;
	_ =	sdelay $0x1  }
0x4ef: {  	s30 =	rddreg [dreg:$0x16];
	s20 =	sshra.s32 s20, $0x2;
	v10 =	vadd.f32 v11, v10  }
0x4f0: {  	v56 =	vld [tilespmem:s28+$0x9180];
	s21 =	sadd.s32 s20, s30  }
0x4f1: {  	v58 =	vbroadcast v2, $0xC;
	s21 =	sadd.s32 s24, s21;
	[tilespmem:s28+$0x9170] =	vst v10  }
0x4f2: {  	v10 =	vld [tilespmem:s21+$0x0]  }
0x4f3: {  	v9 =	vmul.f32 v58, v0;
	_ =	sdelay $0x1  }
0x4f4: {  	v9 =	vadd.f32 v56, v9;
	_ =	sdelay $0x1  }
0x4f5: {  	s29 =	rddreg [dreg:$0x17];
	v9 =	vadd.f32 v10, v9  }
0x4f6: {  	v57 =	vld [tilespmem:s28+$0x9190];
	s20 =	sadd.s32 s20, s29  }
0x4f7: {  	s20 =	sadd.s32 s24, s20;
	[tilespmem:s28+$0x9180] =	vst v9  }
0x4f8: {  	s30 =	smulhi.u32 $0x51EB851F, s11;
	v9 =	vld [tilespmem:s20+$0x0]  }
0x4f9: {  	v59 =	vmul.f32 v58, v1  }
0x4fa: {  	s29 =	sshrl.u32 s30, $0x6  }
0x4fb: {  	v8 =	vadd.f32 v57, v59;
	s20 =	smul.u32 $0xFFFF9C00, s29;
	_ =	sdelay $0x1  }
0x4fc: {  	s30 =	rddreg [dreg:$0x12];
	s20 =	sshra.s32 s20, $0x2;
	v8 =	vadd.f32 v9, v8  }
0x4fd: {  	v58 =	vld [tilespmem:s28+$0x91A0];
	s21 =	sadd.s32 s20, s30  }
0x4fe: {  	v3 =	vbroadcast v2, $0xD;
	s21 =	sadd.s32 s24, s21;
	[tilespmem:s28+$0x9190] =	vst v8  }
0x4ff: {  	v8 =	vld [tilespmem:s21+$0x0]  }
0x500: {  	v60 =	vmul.f32 v3, v0;
	_ =	sdelay $0x1  }
0x501: {  	v7 =	vadd.f32 v58, v60;
	_ =	sdelay $0x1  }
0x502: {  	s29 =	rddreg [dreg:$0x13];
	v7 =	vadd.f32 v8, v7  }
0x503: {  	v59 =	vld [tilespmem:s28+$0x91B0];
	s20 =	sadd.s32 s20, s29  }
0x504: {  	s20 =	sadd.s32 s24, s20;
	[tilespmem:s28+$0x91A0] =	vst v7  }
0x505: {  	s30 =	smulhi.u32 $0x51EB851F, s5;
	v7 =	vld [tilespmem:s20+$0x0]  }
0x506: {  	v61 =	vmul.f32 v3, v1  }
0x507: {  	s29 =	sshrl.u32 s30, $0x6  }
0x508: {  	v6 =	vadd.f32 v59, v61;
	s20 =	smul.u32 $0xFFFF9C00, s29;
	_ =	sdelay $0x1  }
0x509: {  	s30 =	rddreg [dreg:$0xe];
	s20 =	sshra.s32 s20, $0x2;
	v6 =	vadd.f32 v7, v6  }
0x50a: {  	v60 =	vld [tilespmem:s28+$0x91C0];
	s21 =	sadd.s32 s20, s30  }
0x50b: {  	v4 =	vbroadcast v2, $0xE;
	s21 =	sadd.s32 s24, s21;
	[tilespmem:s28+$0x91B0] =	vst v6  }
0x50c: {  	v6 =	vld [tilespmem:s21+$0x0]  }
0x50d: {  	v62 =	vmul.f32 v4, v0;
	_ =	sdelay $0x1  }
0x50e: {  	v5 =	vadd.f32 v60, v62;
	_ =	sdelay $0x1  }
0x50f: {  	s29 =	rddreg [dreg:$0xf];
	v5 =	vadd.f32 v6, v5  }
0x510: {  	v61 =	vld [tilespmem:s28+$0x91D0];
	s20 =	sadd.s32 s20, s29  }
0x511: {  	s20 =	sadd.s32 s24, s20;
	[tilespmem:s28+$0x91C0] =	vst v5  }
0x512: {  	s30 =	smulhi.u32 $0x51EB851F, s2;
	v5 =	vld [tilespmem:s20+$0x0]  }
0x513: {  	v4 =	vmul.f32 v4, v1  }
0x514: {  	s21 =	sshrl.u32 s30, $0x6  }
0x515: {  	v4 =	vadd.f32 v61, v4;
	s20 =	smul.u32 $0xFFFF9C00, s21;
	_ =	sdelay $0x1  }
0x516: {  	s29 =	rddreg [dreg:$0xa];
	s20 =	sshra.s32 s20, $0x2;
	v4 =	vadd.f32 v5, v4  }
0x517: {  	v62 =	vld [tilespmem:s28+$0x91E0];
	s21 =	sadd.s32 s20, s29  }
0x518: {  	v2 =	vbroadcast v2, $0xF;
	s21 =	sadd.s32 s24, s21;
	[tilespmem:s28+$0x91D0] =	vst v4  }
0x519: {  	v4 =	vld [tilespmem:s21+$0x0]  }
0x51a: {  	v3 =	vmul.f32 v2, v0;
	_ =	sdelay $0x1  }
0x51b: {  	v3 =	vadd.f32 v62, v3;
	_ =	sdelay $0x1  }
0x51c: {  	s30 =	rddreg [dreg:$0xb];
	v3 =	vadd.f32 v4, v3  }
0x51d: {  	v63 =	vld [tilespmem:s28+$0x91F0];
	s20 =	sadd.s32 s20, s30  }
0x51e: {  	p0 =	sne.s32 s31, $0x1F800;
	s20 =	sadd.s32 s24, s20;
	[tilespmem:s28+$0x91E0] =	vst v3  }
0x51f: {  	s31 =	sadd.s32 $0x800, s31;
	s22 =	sadd.s32 $0x10, s22;
	s18 =	sadd.s32 $0x10, s18;
	v3 =	vld [tilespmem:s20+$0x0]  }
.Ltmp1:
0x520: {  	v2 =	vmul.f32 v2, v1;
	s17 =	sadd.s32 $0x10, s17;
	s15 =	sadd.s32 $0x10, s15;
	(pc) =	sbr.rel @p0 .LBB2_5-.Ltmp1, $4  }
0x521: {  	s14 =	sadd.s32 $0x10, s14;
	s16 =	sadd.s32 $0x10, s16;
	s3 =	sadd.s32 $0x10, s3  }
0x522: {  	v2 =	vadd.f32 v63, v2;
	s12 =	sadd.s32 $0x10, s12;
	s10 =	sadd.s32 $0x10, s10;
	s9 =	sadd.s32 $0x10, s9  }
0x523: {  	s13 =	sadd.s32 $0x10, s13;
	s8 =	sadd.s32 $0x10, s8;
	s11 =	sadd.s32 $0x10, s11  }
0x524: {  	s5 =	sadd.s32 $0x10, s5;
	s2 =	sadd.s32 $0x10, s2;
	s20 =	smulhi.u32 $0x51EB851F, s22;
	v2 =	vadd.f32 v3, v2  }
0x525: {  	_ = 	snop  }
0x526: {  	s21 =	sadd.s32 $0x10, s23;
	[tilespmem:s28+$0x91F0] =	vst v2  }
0x527: {  	s30 =	sld [smem:$0x7BD];
	s20 =	sshrl.u32 s20, $0x6;
	v2 =	vld [tilespmem:s21+$0x0]  }
0x528: {  	s20 =	smul.u32 $0xFFFF9C00, s20  }
0x529: {  	s22 =	rddreg [dreg:$0x7]  }
0x52a: {  	s24 =	sadd.s32 s19, s30;
	s19 =	sshra.s32 s19, $0x2;
	s31 =	sshra.s32 s20, $0x2  }
0x52b: {  	v3 =	vld [tilespmem:s19+$0x9000];
	s20 =	sshra.s32 s24, $0x2;
	s28 =	sadd.s32 s31, s22  }
0x52c: {  	s21 =	sadd.s32 s20, s28;
	v4 =	vbroadcast v2, $0x0  }
0x52d: {  	v5 =	vld [tilespmem:s21+$0x0]  }
0x52e: {  	v6 =	vmul.f32 v4, v0;
	_ =	sdelay $0x1  }
0x52f: {  	v3 =	vadd.f32 v6, v3;
	_ =	sdelay $0x1  }
0x530: {  	s29 =	rddreg [dreg:$0x8];
	v3 =	vadd.f32 v3, v5  }
0x531: {  	v60 =	vld [tilespmem:s19+$0x9010];
	s21 =	sadd.s32 s31, s29  }
0x532: {  	s0 =	sadd.s32 $0x10, s0;
	s21 =	sadd.s32 s20, s21;
	[tilespmem:s19+$0x9000] =	vst v3  }
0x533: {  	s0 =	smulhi.u32 $0x51EB851F, s0;
	v3 =	vld [tilespmem:s21+$0x0]  }
0x534: {  	v4 =	vmul.f32 v4, v1  }
0x535: {  	s0 =	sshrl.u32 s0, $0x6  }
0x536: {  	s0 =	smul.u32 $0xFFFF9C00, s0;
	v4 =	vadd.f32 v60, v4;
	_ =	sdelay $0x1  }
0x537: {  	s30 =	rddreg [dreg:$0xc];
	s0 =	sshra.s32 s0, $0x2;
	v3 =	vadd.f32 v3, v4  }
0x538: {  	v61 =	vld [tilespmem:s19+$0x9020];
	s21 =	sadd.s32 s0, s30  }
0x539: {  	v62 =	vbroadcast v2, $0x1;
	s21 =	sadd.s32 s20, s21;
	[tilespmem:s19+$0x9010] =	vst v3  }
0x53a: {  	v3 =	vld [tilespmem:s21+$0x0]  }
0x53b: {  	v63 =	vmul.f32 v62, v0;
	_ =	sdelay $0x1  }
0x53c: {  	v4 =	vadd.f32 v61, v63;
	_ =	sdelay $0x1  }
0x53d: {  	s31 =	rddreg [dreg:$0x9];
	v3 =	vadd.f32 v3, v4  }
0x53e: {  	v8 =	vld [tilespmem:s19+$0x9030];
	s0 =	sadd.s32 s0, s31  }
0x53f: {  	s0 =	sadd.s32 s20, s0;
	[tilespmem:s19+$0x9020] =	vst v3  }
0x540: {  	s18 =	smulhi.u32 $0x51EB851F, s18;
	v3 =	vld [tilespmem:s0+$0x0]  }
0x541: {  	v5 =	vmul.f32 v62, v1  }
0x542: {  	s18 =	sshrl.u32 s18, $0x6  }
0x543: {  	v4 =	vadd.f32 v8, v5;
	s0 =	smul.u32 $0xFFFF9C00, s18;
	_ =	sdelay $0x1  }
0x544: {  	s21 =	rddreg [dreg:$0x10];
	s0 =	sshra.s32 s0, $0x2;
	v3 =	vadd.f32 v3, v4  }
0x545: {  	v9 =	vld [tilespmem:s19+$0x9040];
	s18 =	sadd.s32 s0, s21  }
0x546: {  	v10 =	vbroadcast v2, $0x2;
	s18 =	sadd.s32 s20, s18;
	[tilespmem:s19+$0x9030] =	vst v3  }
0x547: {  	v3 =	vld [tilespmem:s18+$0x0]  }
0x548: {  	v11 =	vmul.f32 v10, v0;
	_ =	sdelay $0x1  }
0x549: {  	v4 =	vadd.f32 v9, v11;
	_ =	sdelay $0x1  }
0x54a: {  	s22 =	rddreg [dreg:$0xd];
	v3 =	vadd.f32 v3, v4  }
0x54b: {  	v12 =	vld [tilespmem:s19+$0x9050];
	s0 =	sadd.s32 s0, s22  }
0x54c: {  	s0 =	sadd.s32 s20, s0;
	[tilespmem:s19+$0x9040] =	vst v3  }
0x54d: {  	s17 =	smulhi.u32 $0x51EB851F, s17;
	v3 =	vld [tilespmem:s0+$0x0]  }
0x54e: {  	v5 =	vmul.f32 v10, v1  }
0x54f: {  	s23 =	sshrl.u32 s17, $0x6  }
0x550: {  	v4 =	vadd.f32 v12, v5;
	s0 =	smul.u32 $0xFFFF9C00, s23;
	_ =	sdelay $0x1  }
0x551: {  	s24 =	rddreg [dreg:$0x14];
	s0 =	sshra.s32 s0, $0x2;
	v3 =	vadd.f32 v3, v4  }
0x552: {  	v13 =	vld [tilespmem:s19+$0x9060];
	s17 =	sadd.s32 s0, s24  }
0x553: {  	v14 =	vbroadcast v2, $0x3;
	s17 =	sadd.s32 s20, s17;
	[tilespmem:s19+$0x9050] =	vst v3  }
0x554: {  	v3 =	vld [tilespmem:s17+$0x0]  }
0x555: {  	v15 =	vmul.f32 v14, v0;
	_ =	sdelay $0x1  }
0x556: {  	v4 =	vadd.f32 v13, v15;
	_ =	sdelay $0x1  }
0x557: {  	s28 =	rddreg [dreg:$0x11];
	v3 =	vadd.f32 v3, v4  }
0x558: {  	v16 =	vld [tilespmem:s19+$0x9070];
	s0 =	sadd.s32 s0, s28  }
0x559: {  	s0 =	sadd.s32 s20, s0;
	[tilespmem:s19+$0x9060] =	vst v3  }
0x55a: {  	s15 =	smulhi.u32 $0x51EB851F, s15;
	v3 =	vld [tilespmem:s0+$0x0]  }
0x55b: {  	v5 =	vmul.f32 v14, v1  }
0x55c: {  	s29 =	sshrl.u32 s15, $0x6  }
0x55d: {  	v4 =	vadd.f32 v16, v5;
	s0 =	smul.u32 $0xFFFF9C00, s29;
	_ =	sdelay $0x1  }
0x55e: {  	s30 =	rddreg [dreg:$0x18];
	s0 =	sshra.s32 s0, $0x2;
	v3 =	vadd.f32 v3, v4  }
0x55f: {  	v17 =	vld [tilespmem:s19+$0x9080];
	s15 =	sadd.s32 s0, s30  }
0x560: {  	v18 =	vbroadcast v2, $0x4;
	s15 =	sadd.s32 s20, s15;
	[tilespmem:s19+$0x9070] =	vst v3  }
0x561: {  	v3 =	vld [tilespmem:s15+$0x0]  }
0x562: {  	v19 =	vmul.f32 v18, v0;
	_ =	sdelay $0x1  }
0x563: {  	v4 =	vadd.f32 v17, v19;
	_ =	sdelay $0x1  }
0x564: {  	s31 =	rddreg [dreg:$0x15];
	v3 =	vadd.f32 v3, v4  }
0x565: {  	v20 =	vld [tilespmem:s19+$0x9090];
	s0 =	sadd.s32 s0, s31  }
0x566: {  	s0 =	sadd.s32 s20, s0;
	[tilespmem:s19+$0x9080] =	vst v3  }
0x567: {  	s14 =	smulhi.u32 $0x51EB851F, s14;
	v3 =	vld [tilespmem:s0+$0x0]  }
0x568: {  	v5 =	vmul.f32 v18, v1  }
0x569: {  	s15 =	sshrl.u32 s14, $0x6  }
0x56a: {  	v4 =	vadd.f32 v20, v5;
	s0 =	smul.u32 $0xFFFF9C00, s15;
	_ =	sdelay $0x1  }
0x56b: {  	s17 =	rddreg [dreg:$0x1c];
	s0 =	sshra.s32 s0, $0x2;
	v3 =	vadd.f32 v3, v4  }
0x56c: {  	v21 =	vld [tilespmem:s19+$0x90A0];
	s14 =	sadd.s32 s0, s17  }
0x56d: {  	v22 =	vbroadcast v2, $0x5;
	s14 =	sadd.s32 s20, s14;
	[tilespmem:s19+$0x9090] =	vst v3  }
0x56e: {  	v3 =	vld [tilespmem:s14+$0x0]  }
0x56f: {  	v23 =	vmul.f32 v22, v0;
	_ =	sdelay $0x1  }
0x570: {  	v4 =	vadd.f32 v21, v23;
	_ =	sdelay $0x1  }
0x571: {  	s18 =	rddreg [dreg:$0x19];
	v3 =	vadd.f32 v3, v4  }
0x572: {  	v24 =	vld [tilespmem:s19+$0x90B0];
	s0 =	sadd.s32 s0, s18  }
0x573: {  	s0 =	sadd.s32 s20, s0;
	[tilespmem:s19+$0x90A0] =	vst v3  }
0x574: {  	s21 =	smulhi.u32 $0x51EB851F, s16;
	v3 =	vld [tilespmem:s0+$0x0]  }
0x575: {  	v5 =	vmul.f32 v22, v1  }
0x576: {  	s22 =	sshrl.u32 s21, $0x6  }
0x577: {  	s23 =	sld [smem:$0x7DF];
	v4 =	vadd.f32 v24, v5;
	s0 =	smul.u32 $0xFFFF9C00, s22  }
0x578: {  	_ = 	snop  }
0x579: {  	s0 =	sshra.s32 s0, $0x2;
	v3 =	vadd.f32 v3, v4  }
0x57a: {  	v25 =	vld [tilespmem:s19+$0x90C0];
	s14 =	sadd.s32 s0, s23  }
0x57b: {  	v26 =	vbroadcast v2, $0x6;
	s14 =	sadd.s32 s20, s14;
	[tilespmem:s19+$0x90B0] =	vst v3  }
0x57c: {  	v3 =	vld [tilespmem:s14+$0x0]  }
0x57d: {  	v27 =	vmul.f32 v26, v0;
	_ =	sdelay $0x1  }
0x57e: {  	v4 =	vadd.f32 v25, v27;
	_ =	sdelay $0x1  }
0x57f: {  	s24 =	rddreg [dreg:$0x1d];
	v3 =	vadd.f32 v3, v4  }
0x580: {  	v28 =	vld [tilespmem:s19+$0x90D0];
	s0 =	sadd.s32 s0, s24  }
0x581: {  	s0 =	sadd.s32 s20, s0;
	[tilespmem:s19+$0x90C0] =	vst v3  }
0x582: {  	s3 =	smulhi.u32 $0x51EB851F, s3;
	v3 =	vld [tilespmem:s0+$0x0]  }
0x583: {  	v5 =	vmul.f32 v26, v1  }
0x584: {  	s28 =	sshrl.u32 s3, $0x6  }
0x585: {  	s29 =	sld [smem:$0x7E6];
	v4 =	vadd.f32 v28, v5;
	s0 =	smul.u32 $0xFFFF9C00, s28  }
0x586: {  	_ = 	snop  }
0x587: {  	s0 =	sshra.s32 s0, $0x2;
	v3 =	vadd.f32 v3, v4  }
0x588: {  	v29 =	vld [tilespmem:s19+$0x90E0];
	s3 =	sadd.s32 s0, s29  }
0x589: {  	v30 =	vbroadcast v2, $0x7;
	s3 =	sadd.s32 s20, s3;
	[tilespmem:s19+$0x90D0] =	vst v3  }
0x58a: {  	v3 =	vld [tilespmem:s3+$0x0]  }
0x58b: {  	v31 =	vmul.f32 v30, v0;
	_ =	sdelay $0x1  }
0x58c: {  	s30 =	sld [smem:$0x7E1];
	v4 =	vadd.f32 v29, v31;
	_ =	sdelay $0x1  }
0x58d: {  	v3 =	vadd.f32 v3, v4  }
0x58e: {  	v32 =	vld [tilespmem:s19+$0x90F0];
	s31 =	smulhi.u32 $0x51EB851F, s12;
	s0 =	sadd.s32 s0, s30  }
0x58f: {  	s0 =	sadd.s32 s20, s0;
	[tilespmem:s19+$0x90E0] =	vst v3  }
0x590: {  	s3 =	sshrl.u32 s31, $0x6;
	v3 =	vld [tilespmem:s0+$0x0]  }
0x591: {  	s14 =	sld [smem:$0x7E8];
	v5 =	vmul.f32 v30, v1;
	s12 =	smul.u32 $0xFFFF9C00, s3  }
0x592: {  	_ = 	snop  }
0x593: {  	v4 =	vadd.f32 v32, v5;
	s0 =	sshra.s32 s12, $0x2  }
0x594: {  	s0 =	sadd.s32 s0, s14  }
0x595: {  	s0 =	sadd.s32 s4, s0;
	v3 =	vadd.f32 v3, v4  }
0x596: {  	v33 =	vld [tilespmem:s19+$0x9100];
	s0 =	sadd.s32 s1, s0  }
0x597: {  	v34 =	vbroadcast v2, $0x8;
	s0 =	sadd.s32 s19, s0;
	[tilespmem:s19+$0x90F0] =	vst v3  }
0x598: {  	v3 =	vld [tilespmem:s0+$0x0]  }
0x599: {  	v35 =	vmul.f32 v34, v0;
	_ =	sdelay $0x1  }
0x59a: {  	v4 =	vadd.f32 v33, v35;
	_ =	sdelay $0x1  }
0x59b: {  	v3 =	vadd.f32 v3, v4  }
0x59c: {  	v36 =	vld [tilespmem:s19+$0x9110]  }
0x59d: {  	[tilespmem:s19+$0x9100] =	vst v3  }
0x59e: {  	s15 =	smulhi.u32 $0x51EB851F, s10;
	v3 =	vld [tilespmem:s0+$0x10]  }
0x59f: {  	v5 =	vmul.f32 v34, v1  }
0x5a0: {  	s16 =	sshrl.u32 s15, $0x6  }
0x5a1: {  	s17 =	sld [smem:$0x7E3];
	v4 =	vadd.f32 v36, v5;
	s0 =	smul.u32 $0xFFFF9C00, s16  }
0x5a2: {  	_ = 	snop  }
0x5a3: {  	s0 =	sshra.s32 s0, $0x2;
	v3 =	vadd.f32 v3, v4  }
0x5a4: {  	v37 =	vld [tilespmem:s19+$0x9120];
	s1 =	sadd.s32 s0, s17  }
0x5a5: {  	v38 =	vbroadcast v2, $0x9;
	s1 =	sadd.s32 s20, s1;
	[tilespmem:s19+$0x9110] =	vst v3  }
0x5a6: {  	v3 =	vld [tilespmem:s1+$0x0]  }
0x5a7: {  	v39 =	vmul.f32 v38, v0;
	_ =	sdelay $0x1  }
0x5a8: {  	s18 =	sld [smem:$0x7E5];
	v4 =	vadd.f32 v37, v39;
	_ =	sdelay $0x1  }
0x5a9: {  	v3 =	vadd.f32 v3, v4  }
0x5aa: {  	v40 =	vld [tilespmem:s19+$0x9130];
	s0 =	sadd.s32 s0, s18  }
0x5ab: {  	s0 =	sadd.s32 s20, s0;
	[tilespmem:s19+$0x9120] =	vst v3  }
0x5ac: {  	s21 =	smulhi.u32 $0x51EB851F, s9;
	v3 =	vld [tilespmem:s0+$0x0]  }
0x5ad: {  	v5 =	vmul.f32 v38, v1  }
0x5ae: {  	s22 =	sshrl.u32 s21, $0x6  }
0x5af: {  	v4 =	vadd.f32 v40, v5;
	s0 =	smul.u32 $0xFFFF9C00, s22;
	_ =	sdelay $0x1  }
0x5b0: {  	s23 =	rddreg [dreg:$0x1e];
	s0 =	sshra.s32 s0, $0x2;
	v3 =	vadd.f32 v3, v4  }
0x5b1: {  	v41 =	vld [tilespmem:s19+$0x9140];
	s1 =	sadd.s32 s0, s23  }
0x5b2: {  	v42 =	vbroadcast v2, $0xA;
	s1 =	sadd.s32 s20, s1;
	[tilespmem:s19+$0x9130] =	vst v3  }
0x5b3: {  	v3 =	vld [tilespmem:s1+$0x0]  }
0x5b4: {  	v43 =	vmul.f32 v42, v0;
	_ =	sdelay $0x1  }
0x5b5: {  	v4 =	vadd.f32 v41, v43;
	_ =	sdelay $0x1  }
0x5b6: {  	s24 =	rddreg [dreg:$0x1f];
	v3 =	vadd.f32 v3, v4  }
0x5b7: {  	v44 =	vld [tilespmem:s19+$0x9150];
	s0 =	sadd.s32 s0, s24  }
0x5b8: {  	s0 =	sadd.s32 s20, s0;
	[tilespmem:s19+$0x9140] =	vst v3  }
0x5b9: {  	s28 =	smulhi.u32 $0x51EB851F, s13;
	v3 =	vld [tilespmem:s0+$0x0]  }
0x5ba: {  	v5 =	vmul.f32 v42, v1  }
0x5bb: {  	s29 =	sshrl.u32 s28, $0x6  }
0x5bc: {  	v4 =	vadd.f32 v44, v5;
	s0 =	smul.u32 $0xFFFF9C00, s29;
	_ =	sdelay $0x1  }
0x5bd: {  	s30 =	rddreg [dreg:$0x1a];
	s0 =	sshra.s32 s0, $0x2;
	v3 =	vadd.f32 v3, v4  }
0x5be: {  	v45 =	vld [tilespmem:s19+$0x9160];
	s1 =	sadd.s32 s0, s30  }
0x5bf: {  	v46 =	vbroadcast v2, $0xB;
	s1 =	sadd.s32 s20, s1;
	[tilespmem:s19+$0x9150] =	vst v3  }
0x5c0: {  	v3 =	vld [tilespmem:s1+$0x0]  }
0x5c1: {  	v47 =	vmul.f32 v46, v0;
	_ =	sdelay $0x1  }
0x5c2: {  	v4 =	vadd.f32 v45, v47;
	_ =	sdelay $0x1  }
0x5c3: {  	s31 =	rddreg [dreg:$0x1b];
	v3 =	vadd.f32 v3, v4  }
0x5c4: {  	v48 =	vld [tilespmem:s19+$0x9170];
	s0 =	sadd.s32 s0, s31  }
0x5c5: {  	s0 =	sadd.s32 s20, s0;
	[tilespmem:s19+$0x9160] =	vst v3  }
0x5c6: {  	s3 =	smulhi.u32 $0x51EB851F, s8;
	v3 =	vld [tilespmem:s0+$0x0]  }
0x5c7: {  	v5 =	vmul.f32 v46, v1  }
0x5c8: {  	s4 =	sshrl.u32 s3, $0x6  }
0x5c9: {  	v4 =	vadd.f32 v48, v5;
	s0 =	smul.u32 $0xFFFF9C00, s4;
	_ =	sdelay $0x1  }
0x5ca: {  	s8 =	rddreg [dreg:$0x16];
	s0 =	sshra.s32 s0, $0x2;
	v3 =	vadd.f32 v3, v4  }
0x5cb: {  	v49 =	vld [tilespmem:s19+$0x9180];
	s1 =	sadd.s32 s0, s8  }
0x5cc: {  	v50 =	vbroadcast v2, $0xC;
	s1 =	sadd.s32 s20, s1;
	[tilespmem:s19+$0x9170] =	vst v3  }
0x5cd: {  	v3 =	vld [tilespmem:s1+$0x0]  }
0x5ce: {  	v51 =	vmul.f32 v50, v0;
	_ =	sdelay $0x1  }
0x5cf: {  	v4 =	vadd.f32 v49, v51;
	_ =	sdelay $0x1  }
0x5d0: {  	s9 =	rddreg [dreg:$0x17];
	v3 =	vadd.f32 v3, v4  }
0x5d1: {  	v52 =	vld [tilespmem:s19+$0x9190];
	s0 =	sadd.s32 s0, s9  }
0x5d2: {  	s0 =	sadd.s32 s20, s0;
	[tilespmem:s19+$0x9180] =	vst v3  }
0x5d3: {  	s10 =	smulhi.u32 $0x51EB851F, s11;
	v3 =	vld [tilespmem:s0+$0x0]  }
0x5d4: {  	v5 =	vmul.f32 v50, v1  }
0x5d5: {  	s11 =	sshrl.u32 s10, $0x6  }
0x5d6: {  	v4 =	vadd.f32 v52, v5;
	s0 =	smul.u32 $0xFFFF9C00, s11;
	_ =	sdelay $0x1  }
0x5d7: {  	s12 =	rddreg [dreg:$0x12];
	s0 =	sshra.s32 s0, $0x2;
	v3 =	vadd.f32 v3, v4  }
0x5d8: {  	v53 =	vld [tilespmem:s19+$0x91A0];
	s1 =	sadd.s32 s0, s12  }
0x5d9: {  	v54 =	vbroadcast v2, $0xD;
	s1 =	sadd.s32 s20, s1;
	[tilespmem:s19+$0x9190] =	vst v3  }
0x5da: {  	v3 =	vld [tilespmem:s1+$0x0]  }
0x5db: {  	v55 =	vmul.f32 v54, v0;
	_ =	sdelay $0x1  }
0x5dc: {  	v4 =	vadd.f32 v53, v55;
	_ =	sdelay $0x1  }
0x5dd: {  	s13 =	rddreg [dreg:$0x13];
	v3 =	vadd.f32 v3, v4  }
0x5de: {  	v56 =	vld [tilespmem:s19+$0x91B0];
	s0 =	sadd.s32 s0, s13  }
0x5df: {  	s0 =	sadd.s32 s20, s0;
	[tilespmem:s19+$0x91A0] =	vst v3  }
0x5e0: {  	s14 =	smulhi.u32 $0x51EB851F, s5;
	v3 =	vld [tilespmem:s0+$0x0]  }
0x5e1: {  	v5 =	vmul.f32 v54, v1  }
0x5e2: {  	s15 =	sshrl.u32 s14, $0x6  }
0x5e3: {  	v4 =	vadd.f32 v56, v5;
	s0 =	smul.u32 $0xFFFF9C00, s15;
	_ =	sdelay $0x1  }
0x5e4: {  	s16 =	rddreg [dreg:$0xe];
	s0 =	sshra.s32 s0, $0x2;
	v3 =	vadd.f32 v3, v4  }
0x5e5: {  	v57 =	vld [tilespmem:s19+$0x91C0];
	s1 =	sadd.s32 s0, s16  }
0x5e6: {  	v58 =	vbroadcast v2, $0xE;
	s1 =	sadd.s32 s20, s1;
	[tilespmem:s19+$0x91B0] =	vst v3  }
0x5e7: {  	v3 =	vld [tilespmem:s1+$0x0]  }
0x5e8: {  	v59 =	vmul.f32 v58, v0;
	_ =	sdelay $0x1  }
0x5e9: {  	v4 =	vadd.f32 v57, v59;
	_ =	sdelay $0x1  }
0x5ea: {  	s17 =	rddreg [dreg:$0xf];
	v3 =	vadd.f32 v3, v4  }
0x5eb: {  	v60 =	vld [tilespmem:s19+$0x91D0];
	s0 =	sadd.s32 s0, s17  }
0x5ec: {  	s0 =	sadd.s32 s20, s0;
	[tilespmem:s19+$0x91C0] =	vst v3  }
0x5ed: {  	s18 =	smulhi.u32 $0x51EB851F, s2;
	v3 =	vld [tilespmem:s0+$0x0]  }
0x5ee: {  	v5 =	vmul.f32 v58, v1  }
0x5ef: {  	s21 =	sshrl.u32 s18, $0x6  }
0x5f0: {  	v4 =	vadd.f32 v60, v5;
	s0 =	smul.u32 $0xFFFF9C00, s21;
	_ =	sdelay $0x1  }
0x5f1: {  	s22 =	rddreg [dreg:$0xa];
	s0 =	sshra.s32 s0, $0x2;
	v3 =	vadd.f32 v3, v4  }
0x5f2: {  	v61 =	vld [tilespmem:s19+$0x91E0];
	s1 =	sadd.s32 s0, s22  }
0x5f3: {  	v2 =	vbroadcast v2, $0xF;
	s1 =	sadd.s32 s20, s1;
	[tilespmem:s19+$0x91D0] =	vst v3  }
0x5f4: {  	v3 =	vld [tilespmem:s1+$0x0]  }
0x5f5: {  	v62 =	vmul.f32 v2, v0;
	_ =	sdelay $0x1  }
0x5f6: {  	v4 =	vadd.f32 v61, v62;
	_ =	sdelay $0x1  }
0x5f7: {  	s23 =	rddreg [dreg:$0xb];
	v3 =	vadd.f32 v3, v4  }
0x5f8: {  	v63 =	vld [tilespmem:s19+$0x91F0];
	s0 =	sadd.s32 s0, s23  }
0x5f9: {  	s0 =	sadd.s32 s20, s0;
	[tilespmem:s19+$0x91E0] =	vst v3  }
0x5fa: {  	v3 =	vld [tilespmem:s0+$0x0]  }
0x5fb: {  	v2 =	vmul.f32 v2, v1;
	_ =	sdelay $0x1  }
0x5fc: {  	v2 =	vadd.f32 v63, v2;
	_ =	sdelay $0x1  }
0x5fd: {  	v2 =	vadd.f32 v3, v2;
	_ =	sdelay $0x1  }
0x5fe: {  	s24 =	simm.s32 $0x3;
	[tilespmem:s19+$0x91F0] =	vst v2  }
0x5ff: {  	_ =	swait.ge [sflag:s24], $0x8000  }
0x600: {  	s28 =	sld [smem:$0x7BF];
	_ =	sdelay $0x1  }
0x601: {  	[sflag:s24] =	ssyncset.done $0x0  }
0x602: {  	[sflag:s24] =	ssyncadd.s32 $0xFFFF8000;
	s0 =	sshll.u32 s28, $0x2  }
0x603: {  	s10 =	simm.s32 $0x9000;
	s1 =	rddreg [dreg:$0x2];
	s0 =	sand.u32 $0xFFF000, s0  }
0x604: {  	s29 =	simm.s32 $0x0;
	s8 =	simm.s32 $0x4;
	s0 =	sadd.s32 s1, s0  }
0x605: {  	[hbm4b:s0+s29] =	stream.linear.scatter [tilespmem:s10], [sflag:$0x4], $0x8000, $0x38;
	[tilespmem:$0x12920] =	vst v63  }
0x606: {  	_ =	swait.ge [sflag:s8], $0x8000  }
0x607: {  	s30 =	sld [smem:$0x7BE];
	_ =	sdelay $0x2  }
0x608: {  	s0 =	sadd.s32 $0x1, s30  }
0x609: {  	p0 =	sne.s32 s0, $0xD  }
.Ltmp2:
0x60a: {  	_ = 	snop;
	(pc) =	sbr.rel @p0 .LBB2_2-.Ltmp2, $3  }
0x60b: {  	s31 =	sld [smem:$0x7C0];
	_ =	sdelay $0x1  }
0x60c: {  	[sflag:s8] =	ssyncset.done $0x0  }
0x60d: {  	[sflag:s8] =	ssyncadd.s32 $0xFFFF8000;
	s11 =	sadd.s32 $0x2, s31  }
0x60e: {  	s1 =	sld [smem:$0x7D1]  }
0x60f: {  	s0 =	sld [smem:$0x7D7];
	_ =	sdelay $0x1  }
0x610: {  	s1 =	sadd.s32 $0x1, s1  }
0x611: {  	p0 =	sne.s32 s1, s0  }
.Ltmp3:
0x612: {  	_ = 	snop;
	(pc) =	sbr.rel @p0 .LBB2_1-.Ltmp3, $1  }
0x613: {  	_ =	sdelay $0x3  }
0x614: {  	_ =	sfence.sel $0x180000  }
0x615: {  	[bflag:$0x0] =	sbarrier.arrive $0xFFFF  }
0x616: {  	_ =	strace $0x90000047  }
0x617: {  	s0 =	stileid.u32;
	[bflag:$0x2] =	sbarrier.arrive $0xFFFF  }
0x618: {  	p0 =	sne.s32 s0, $0x0;
	s0 =	rddreg [dreg:$0x3]  }
0x619: {  	s0 =	sadd.s32 @!p0 $0x100000, s0  }
0x61a: {  	[sflag:s0] =	ssyncadd.tile.s32 @!p0 $0x1;
	_ =	shalt  }
.Lfunc_end2:
_tile_overlayer_lowered:
.L_overlay_start_2:
0x61b: {  	(tag) =	ssettag $0x2  }
0x61c: {  	s0 =	rddreg [dreg:$0x0];
	s2 =	stileid.u32  }
0x61d: {  	s1 =	rddreg [dreg:$0x1];
	p0 =	sne.s32 s2, $0x0  }
0x61e: {  	s3 =	rddreg [dreg:$0x2];
	[bflag:$0x3] =	sbarrier.arrive $0xFFFF;
	s2 =	simm.s32 @!p0 $0x1C04  }
0x61f: {  	[timem:s3], [sflag:s2] =	dma.local @!p0 [hbm:s0], s1  }
0x620: {  	s0 =	simm.s32 @!p0 $0x4  }
0x621: {  	_ =	swait.ge @!p0 [sflag:s0], s1  }
0x622: {  	s1 =	ssub.s32 @!p0 $0x0, s1;
	[sflag:s0] =	ssyncset.done @!p0 $0x0  }
0x623: {  	[sflag:s0] =	ssyncadd.s32 @!p0 s1  }
0x624: {  	[bflag:$0x3] =	sbarrier.arrive $0xFFFF  }
0x625: {  	_ =	shalt  }

// kernel: sparse-core-data-format-call.cloned.1.call-start
scs
called_computation_lowered:
.L_overlay_start_0:
0x0: {  	s2 =	sld [smem:$0x3FD9]  }
0x1: {  	s3 =	sld [smem:$0x3FFE];
	_ =	sdelay $0x1  }
0x2: {  	s1 =	srdreg.scid  }
0x3: {  	s0 =	sand.u32 $0x1, s1  }
0x4: {  	s18 =	sshll.u32 s0, $0xA;
	s2 =	sadd.s32 s3, s2  }
0x5: {  	s2 =	sadd.s32 s2, s18  }
0x6: {  	[smem:$0x3FC3] =	sst s2  }
0x7: {  	_ = 	snop  }
0x8: {  	s2 =	sld [smem:$0x3FD0];
	(tm) =	ssettm $0x1  }
0x9: {  	s19 =	sld [smem:$0x3FFB];
	_ =	sdelay $0x3  }
0xa: {  	_ =	strace s19  }
0xb: {  	s3 =	sld [smem:$0x3FFC];
	_ =	sdelay $0x3  }
0xc: {  	_ =	strace s3  }
0xd: {  	s3 =	sld [smem:$0x3FFD];
	_ =	sdelay $0x3  }
0xe: {  	_ =	strace s3  }
0xf: {  	_ =	strace $0x8FFFFFFF  }
0x10: {  	s20 =	sld [smem:$0x3FDB];
	_ =	sdelay $0x1  }
0x11: {  	s4 =	simm.s32 $_scs_section_size  }
0x12: {  	s5 =	simm.s32 $_size__tile_overlayer_lowered;
	s6 =	simm.s32 $_tile_overlayer_lowered  }
0x13: {  	s23 =	simm.s32 $0x1BFF;
	s22 =	sshll.u32 s6, $0x1;
	s3 =	sadd.s32 s4, s20  }
0x14: {  	s7 =	simm.s32 $0x0;
	s21 =	sshll.u32 s5, $0x1;
	s5 =	sadd.s32 s22, s3  }
0x15: {  	[timem:s7], [sflag:s23] =	dma.local [hbm:s5], s21  }
0x16: {  	_ =	swait.ge [sflag:s23], s21  }
0x17: {  	s4 =	ssub.s32 $0x0, s21;
	[sflag:s23] =	ssyncset.done $0x0  }
0x18: {  	[sflag:s23] =	ssyncadd.s32 s4;
	_ =	sdelay $0x1  }
0x19: {  	s24 =	simm.s32 $0x1B8B  }
0x1a: {  	_ =	swait.ge [sflag:s24], $0x1  }
0x1b: {  	[sflag:s24] =	ssyncset.done $0x0  }
0x1c: {  	s26 =	simm.s32 $0x1B8E;
	s25 =	sld [smem:$0x3FFE];
	[sflag:s24] =	ssyncadd.s32 $0xFFFFFFFF  }
0x1d: {  	s27 =	simm.s32 $execute0_lowered;
	[smem:$0x3FD2] =	sst s26  }
0x1e: {  	s5 =	sshll.u32 s27, $0x1;
	_ =	strace $0x80000049;
	[dreg:$0x1] =	wrdreg $0xFFFFFFFF  }
0x1f: {  	s28 =	simm.s32 $_size_execute0_lowered;
	s3 =	sadd.s32 s3, s5;
	[dreg:$0x0] =	wrdreg $0x0  }
0x20: {  	s5 =	sshll.u32 s28, $0x1;
	[dreg:$0x2] =	wrdreg s3  }
0x21: {  	[dreg:$0x3] =	wrdreg s5  }
0x22: {  	[dreg:$0x4] =	wrdreg $0xC0  }
0x23: {  	_ =	task [dreg:s7], $0x5FFFF  }
0x24: {  	[dreg:$0x1] =	wrdreg $0xFFFFFFFF  }
0x25: {  	[dreg:$0x0] =	wrdreg $0x60  }
0x26: {  	[dreg:$0x2] =	wrdreg s25  }
0x27: {  	[dreg:$0x3] =	wrdreg s2  }
0x28: {  	[dreg:$0x4] =	wrdreg $0x9  }
0x29: {  	_ =	task.clear_ibuf [dreg:s7], $0x5FFFF;
	_ =	strace $0x90000049  }
0x2a: {  	s29 =	simm.s32 $0x9;
	_ =	strace $0x8000004B  }
0x2b: {  	_ =	swait.ge [sflag:s29], $0x1  }
0x2c: {  	[sflag:s29] =	ssyncadd.s32 $0xFFFFFFFF  }
0x2d: {  	_ =	strace $0x9000004B  }
0x2e: {  	_ =	sfence  }
0x2f: {  	s30 =	sld [smem:$0x0];
	_ =	sdelay $0x2  }
0x30: {  	s31 =	sshll.u32 s1, $0xD;
	s1 =	sshrl.u32 s1, $0x2  }
0x31: {  	s3 =	sand.u32 $0x4000, s31;
	s1 =	sadd.s32 s1, s30  }
0x32: {  	s0 =	sor.u32 s3, s0;
	s1 =	sshll.u32 s1, $0x11  }
0x33: {  	s0 =	sor.u32 s1, s0  }
0x34: {  	s0 =	sadd.s32 $0x8F2B, s0  }
0x35: {  	[sflag:s0] =	ssyncadd.remote.s32 $0x1  }
0x36: {  	_ =	sfence.sel $0xFFFF  }
0x37: {  	[dreg:$0x0] =	wrdreg $0xFFFFFFFF;
	(pc) =	sbr.abs _section_cstart, $3  }
0x38: {  	[dreg:$0x1] =	wrdreg $0xFFFFFFFF  }
0x39: {  	_ =	task.clear_ibuf [dreg:s7], $0x2FFFF;
	_ =	strace $0x9FFFFFFF  }
0x3a: {  	(tm) =	ssettm $0x7FFFFFFF  }
0x3b: {  	_ =	shalt  }
tec
execute0_lowered:
.L_overlay_start_1:
0x0: {  	(tag) =	ssettag $0x1  }
0x1: {  	s0 =	srdreg.scid  }
0x2: {  	s1 =	sshll.u32 s0, $0x4  }
0x3: {  	s0 =	stileid.u32;
	s1 =	sand.u32 $0x10, s1  }
0x4: {  	s1 =	sor.u32 s0, s1  }
0x5: {  	s6 =	rddreg [dreg:$0x0];
	s4 =	simm.s32 $0x1;
	s2 =	sshll.u32 s1, $0x7  }
0x6: {  	s7 =	simm.s32 $0x2;
	s12 =	simm.s32 $0x0;
	s1 =	ssub.s32 $0x1000, s2  }
0x7: {  	s8 =	simm.s32 $0x8000;
	s13 =	simm.s32 $0x0;
	s3 =	sand.u32 $0xF80, s1  }
0x8: {  	s9 =	simm.s32 $0x0;
	s5 =	sshrl.u32 s1, $0xC;
	p0 =	sne.s32 s3, $0x0  }
.Ltmp0:
0x9: {  	s1 =	rddreg [dreg:$0x2];
	s4 =	simm.s32 @!p0 $0x0;
	(pc) =	sbr.rel .LBB1_1-.Ltmp0, $4  }
0xa: {  	s11 =	simm.s32 $0x0;
	s3 =	rddreg [dreg:$0x1];
	s5 =	sadd.s32 s4, s5  }
0xb: {  	_ =	strace $0x8000004A;
	s4 =	simm.s32 $0x1;
	s5 =	smul.u32 $0xC8, s5  }
0xc: {  	s6 =	sadd.s32 $0xE00, s6;
	s10 =	smov.u32 s2;
	[sflag:s4] =	ssyncpa.u1 $0x0  }
0xd: {  	p0 =	por $0x0, $0x0;
	[sflag:s7] =	ssyncpa.u1 $0x0;
	s7 =	sor.u32 $0x1, s5  }
.LBB1_4:
0xe: {  	s16 =	sshll.u32 s13, $0x3;
	s17 =	sand.u32 $0x78, s13  }
0xf: {  	s30 =	sand.u32 $0x3E00, s13;
	s12 =	sshll.u32 s12, $0xE;
	s16 =	sand.u32 $0xC00, s16  }
0x10: {  	s31 =	sand.u32 $0x7, s13;
	s16 =	sor.u32 s17, s16;
	s17 =	sadd.s32 s3, s30  }
0x11: {  	s13 =	sshll.u32 s31, $0x12;
	s16 =	sshrl.u32 s16, $0x3;
	s12 =	sadd.s32 s12, s17  }
0x12: {  	[tilespmem:s15+$0x0 ss:$0x81] =	vst.msk $0xffff, v0;
	s13 =	sor.u32 $0x400, s13;
	s12 =	sadd.s32 s16, s12  }
0x13: {  	[hbm4b:s12+s13] =	stream.strided.scatter [tilespmem:s14], [sflag:$0x2], $0x1000, s8, s13, $0x20;
	[tilespmem:$0x4040] =	vst v63  }
.LBB1_5:
0x14: {  	s14 =	sadd.s32 $0x1, s9  }
0x15: {  	s12 =	sadd.s32 $0x1000, s10;
	s16 =	smov.u32 s10;
	p2 =	sgt.s32 s14, $0xC7  }
0x16: {  	s16 =	smov.u32 @p2 s12  }
0x17: {  	s14 =	simm.s32 @p2 $0x0;
	p2 =	sgt.s32 s16, $0xFFF  }
0x18: {  	s16 =	smov.u32 @p2 s2;
	p2 =	sne.s32 s11, s7  }
.Ltmp1:
0x19: {  	p1 =	slt.u32 s11, $0x2;
	(pc) =	sbr.rel @!p2 .LBB1_6-.Ltmp1, $4  }
0x1a: {  	s15 =	simm.s32 @!p1 $0x2  }
0x1b: {  	s13 =	smov.u32 s10;
	p0 =	por !p0, !p0;
	_ =	swait.ge @!p1 [sflag:s15], $0x1000  }
0x1c: {  	s12 =	smov.u32 s9;
	[sflag:s15] =	ssyncset.done @!p1 $0x0;
	s9 =	smov.u32 s14  }
0x1d: {  	s11 =	sadd.s32 $0x1, s11;
	[sflag:s15] =	ssyncadd.s32 @!p1 $0xFFFFF000;
	s10 =	smov.u32 s16  }
.LBB1_1:
0x1e: {  	p1 =	sge.u32 s11, s5  }
0x1f: {  	s14 =	sand.u32 @!p1 $0x1FFFFFF, s9  }
0x20: {  	s15 =	smulhi.u32 @!p1 $0x147AE15, s14;
	_ =	sdelay $0x1  }
0x21: {  	s15 =	smul.u32 @!p1 $0xC8, s15  }
0x22: {  	s16 =	sxor.u32 @!p1 $0xFFFFFFFF, s11;
	s17 =	smul.u32 @!p1 $0xC80, s10  }
0x23: {  	s31 =	sadd.s32 $0xFFFFFFFF, s11;
	s16 =	sshll.u32 @!p1 s16, $0xC;
	s14 =	ssub.s32 @!p1 s14, s15  }
0x24: {  	s15 =	sand.u32 @!p1 $0x1000, s16;
	s16 =	sadd.s32 @!p1 s6, s17;
	s14 =	sshll.u32 @!p1 s14, $0x4  }
0x25: {  	s17 =	simm.s32 @!p1 $0x6400;
	s14 =	sadd.s32 @!p1 s14, s16;
	s16 =	simm.s32 @!p1 $0x20  }
0x26: {  	[tilespmem:s15], [sflag:$0x1] =	stream.strided.gather @!p1 [hbm4b:s14+s16], $0x1000, s17, s16, $0x38;
	[tilespmem:$0x4040] =	vst v63  }
0x27: {  	p1 =	sge.u32 s31, s5  }
.Ltmp2:
0x28: {  	_ = 	snop;
	(pc) =	sbr.rel @p1 .LBB1_5-.Ltmp2, $1  }
0x29: {  	_ =	sdelay $0x3  }
0x2a: {  	s14 =	simm.s32 $0x1  }
0x2b: {  	_ =	swait.ge [sflag:s4], $0x1000;
	s14 =	simm.s32 @!p0 $0x0  }
0x2c: {  	[sflag:s4] =	ssyncset.done $0x0;
	s15 =	sshll.u32 s14, $0xC  }
0x2d: {  	[sflag:s4] =	ssyncadd.s32 $0xFFFFF000;
	s18 =	sor.u32 $0x10, s15  }
0x2e: {  	s14 =	smul.u32 $0x4080, s14;
	v1 =	vld [tilespmem:s18+$0x0]  }
0x2f: {  	s30 =	sand.u32 $0x1, s11;
	v0 =	vld [tilespmem:s18+$0xFFFFFFF0]  }
0x30: {  	s15 =	smul.u32 $0x4080, s30;
	s14 =	sshrl.u32 s14, $0x2  }
0x31: {  	s16 =	sor.u32 $0x2000, s14  }
0x32: {  	s31 =	sshrl.u32 s15, $0x2;
	s15 =	sadd.s32 $0x0, s16  }
0x33: {  	s17 =	simm.s32 $0x4;
	s18 =	sadd.s32 $0x20, s18;
	s14 =	sor.u32 $0x2000, s31;
	[tilespmem:s15+$0x810 ss:$0x81] =	vst.msk $0xffff, v1  }
.LBB1_3:
0x34: {  	v1 =	vld [tilespmem:s18+$0x0];
	p1 =	sne.s32 s17, $0x1FC;
	[tilespmem:s15+$0x0 ss:$0x81] =	vst.msk $0xffff, v0;
	s15 =	smov.u32 s17;
	s17 =	sadd.s32 $0x4, s17  }
.Ltmp3:
0x35: {  	v0 =	vld [tilespmem:s18+$0xFFFFFFF0];
	(pc) =	sbr.rel @p1 .LBB1_3-.Ltmp3, $4  }
0x36: {  	_ = 	snop  }
0x37: {  	s15 =	sshra.s32 s15, $0x2  }
0x38: {  	s15 =	sadd.s32 s15, s16  }
0x39: {  	s18 =	sadd.s32 $0x20, s18;
	[tilespmem:s15+$0x810 ss:$0x81] =	vst.msk $0xffff, v1  }
.Ltmp4:
0x3a: {  	_ = 	snop;
	(pc) =	sbr.rel .LBB1_4-.Ltmp4, $1  }
0x3b: {  	_ =	sdelay $0x3  }
.LBB1_6:
0x3c: {  	_ =	sfence.sel $0x180000  }
0x3d: {  	s2 =	simm.s32 $0x1;
	[bflag:$0x0] =	sbarrier.arrive $0xFFFF  }
0x3e: {  	s31 =	simm.s32 $0x2;
	[sflag:s2] =	ssyncpa.u1 $0x1  }
0x3f: {  	[sflag:s31] =	ssyncpa.u1 $0x1  }
0x40: {  	p0 =	sne.s32 s0, $0x0;
	_ =	strace $0x9000004A  }
0x41: {  	s0 =	sadd.s32 @!p0 $0x100000, s1;
	[bflag:$0x2] =	sbarrier.arrive $0xFFFF  }
0x42: {  	[sflag:s0] =	ssyncadd.tile.s32 @!p0 $0x1;
	_ =	shalt  }
.Lfunc_end1:
_tile_overlayer_lowered:
.L_overlay_start_2:
0x43: {  	(tag) =	ssettag $0x2  }
0x44: {  	s0 =	rddreg [dreg:$0x0];
	s2 =	stileid.u32  }
0x45: {  	s1 =	rddreg [dreg:$0x1];
	p0 =	sne.s32 s2, $0x0  }
0x46: {  	s3 =	rddreg [dreg:$0x2];
	[bflag:$0x3] =	sbarrier.arrive $0xFFFF;
	s2 =	simm.s32 @!p0 $0x1C01  }
0x47: {  	[timem:s3], [sflag:s2] =	dma.local @!p0 [hbm:s0], s1  }
0x48: {  	s0 =	simm.s32 @!p0 $0x1  }
0x49: {  	_ =	swait.ge @!p0 [sflag:s0], s1  }
0x4a: {  	s1 =	ssub.s32 @!p0 $0x0, s1;
	[sflag:s0] =	ssyncset.done @!p0 $0x0  }
0x4b: {  	[sflag:s0] =	ssyncadd.s32 @!p0 s1  }
0x4c: {  	[bflag:$0x3] =	sbarrier.arrive $0xFFFF  }
0x4d: {  	_ =	shalt  }

</sc_bundles>
